<compile_context>
chip_gen: v7x
topology: tpu7x:2x2x1
jax: 0.10.2.dev20260603
libtpu: 0.0.44.dev20260713+nightly
codegen_flags: <defaults>
</compile_context>

<pallas_src>
import functools

import jax
import jax.numpy as jnp
from jax import lax
from jax.experimental import pallas as pl
from jax.experimental.pallas import tpu as pltpu
from jax.experimental.pallas import tpu_sc as plsc

N, C, H, W = 4, 96, 224, 224
HW = H * W
B = N * HW
NW = 32
BPW = B // NW
CHUNK = 112
NCHUNK = BPW // CHUNK
LANES = 16
GRPS = CHUNK // LANES
CV = C // LANES
WPB = HW // BPW
TROWS = 2 * N * H // NW


def _floor_i32(v):
    t = v.astype(jnp.int32)
    return t - jnp.where(t.astype(jnp.float32) > v, 1, 0)


def _sc_grid_sample(inp, gx, gy):
    mesh = plsc.VectorSubcoreMesh(core_axis_name="c", subcore_axis_name="s")

    buf = lambda shape, dt: [pltpu.VMEM(shape, dt) for _ in range(2)]

    @functools.partial(
        pl.kernel,
        mesh=mesh,
        out_type=(
            jax.ShapeDtypeStruct((N, C, H, W), jnp.float32),
            jax.ShapeDtypeStruct((B, C), jnp.float32),
        ),
        compiler_params=pltpu.CompilerParams(
            needs_layout_passes=False, use_tc_tiling_on_sc=False),
        scratch_types=[
            buf((CHUNK,), jnp.float32),
            buf((CHUNK,), jnp.float32),
            buf((CHUNK,), jnp.int32),
            buf((CHUNK,), jnp.int32),
            buf((CHUNK,), jnp.int32),
            buf((CHUNK,), jnp.int32),
            buf((CHUNK,), jnp.float32),
            buf((CHUNK,), jnp.float32),
            buf((CHUNK,), jnp.float32),
            buf((CHUNK,), jnp.float32),
            buf((CHUNK, C), jnp.float32),
            buf((CHUNK, C), jnp.float32),
            buf((CHUNK, C), jnp.float32),
            buf((CHUNK, C), jnp.float32),
            buf((C, CHUNK + 1), jnp.float32),
            [pltpu.SemaphoreType.DMA for _ in range(4)],
        ],
    )
    def k(inp_hbm, gx_hbm, gy_hbm, out_hbm, table_hbm,
          gxv, gyv, i00, i01, i10, i11, w00, w01, w10, w11,
          r00, r01, r10, r11, outv, sems):
        wid = lax.axis_index("c") * 16 + lax.axis_index("s")
        lanes = lax.iota(jnp.int32, LANES)

        inbuf = outv
        tbuf = r00
        semi = [sems[0], sems[1]]
        semo = [sems[2], sems[3]]
        rowbase = wid * TROWS

        def t_issue_in(j, s):
            r2 = rowbase + j
            n = r2 // (2 * H)
            rem = r2 % (2 * H)
            h = rem // 2
            woff = (rem % 2) * CHUNK
            pltpu.async_copy(inp_hbm.at[n, :, h, pl.ds(woff, CHUNK)],
                             inbuf[s].at[:, pl.ds(0, CHUNK)], semi[s])

        def t_drain_in(s):
            pltpu.make_async_copy(inp_hbm.at[0, :, 0, pl.ds(0, CHUNK)],
                                  inbuf[s].at[:, pl.ds(0, CHUNK)],
                                  semi[s]).wait()

        def t_transpose(s):
            @plsc.parallel_loop(0, CHUNK, unroll=4)
            def _(pix):
                widx = lax.broadcast(pix, (LANES,))
                for c0 in range(CV):
                    v = plsc.load_gather(
                        inbuf[s], [lanes + c0 * LANES, widx])
                    tbuf[s][pix, pl.ds(c0 * LANES, LANES)] = v

        def t_issue_out(j, s):
            r2 = rowbase + j
            pltpu.async_copy(
                tbuf[s], table_hbm.at[pl.ds(r2 * CHUNK, CHUNK)], semo[s])

        def t_drain_out(s):
            pltpu.make_async_copy(
                tbuf[s], table_hbm.at[pl.ds(0, CHUNK)], semo[s]).wait()

        t_issue_in(0, 0)

        @pl.loop(0, TROWS, step=2)
        def _(g):
            for b in (0, 1):
                cur = g + b

                @pl.when(cur + 1 < TROWS)
                def _():
                    t_issue_in(cur + 1, 1 - b)

                t_drain_in(b)

                @pl.when(cur >= 2)
                def _():
                    t_drain_out(b)

                t_transpose(b)
                t_issue_out(cur, b)

        t_drain_out(0)
        t_drain_out(1)

        plsc.subcore_barrier()

        sem = [sems[0], sems[1]]
        base = wid * BPW
        nidx = wid // WPB
        nbase = nidx * HW
        qbase = (wid % WPB) * BPW

        def stage(cur, s):
            off = base + cur * CHUNK
            pltpu.sync_copy(gx_hbm.at[pl.ds(off, CHUNK)], gxv[s])
            pltpu.sync_copy(gy_hbm.at[pl.ds(off, CHUNK)], gyv[s])

            @plsc.parallel_loop(0, GRPS, unroll=1)
            def grp_body(j):
                sl = pl.ds(j * LANES, LANES)
                x = gxv[s][sl]
                y = gyv[s][sl]
                ix = (x + 1.0) * (W * 0.5) - 0.5
                iy = (y + 1.0) * (H * 0.5) - 0.5
                x0 = _floor_i32(ix)
                y0 = _floor_i32(iy)
                fx = ix - x0.astype(jnp.float32)
                fy = iy - y0.astype(jnp.float32)
                vx0 = (x0 >= 0) & (x0 <= W - 1)
                vx1 = (x0 >= -1) & (x0 <= W - 2)
                vy0 = (y0 >= 0) & (y0 <= H - 1)
                vy1 = (y0 >= -1) & (y0 <= H - 2)
                zero = jnp.zeros((LANES,), jnp.float32)
                wx0 = jnp.where(vx0, 1.0 - fx, zero)
                wx1 = jnp.where(vx1, fx, zero)
                wy0 = jnp.where(vy0, 1.0 - fy, zero)
                wy1 = jnp.where(vy1, fy, zero)
                xc0 = jnp.clip(x0, 0, W - 1)
                xc1 = jnp.clip(x0 + 1, 0, W - 1)
                yr0 = nbase + jnp.clip(y0, 0, H - 1) * W
                yr1 = nbase + jnp.clip(y0 + 1, 0, H - 1) * W
                i00[s][sl] = yr0 + xc0
                i01[s][sl] = yr0 + xc1
                i10[s][sl] = yr1 + xc0
                i11[s][sl] = yr1 + xc1
                w00[s][sl] = wy0 * wx0
                w01[s][sl] = wy0 * wx1
                w10[s][sl] = wy1 * wx0
                w11[s][sl] = wy1 * wx1

            pltpu.async_copy(table_hbm.at[i00[s]], r00[s], sem[s])
            pltpu.async_copy(table_hbm.at[i01[s]], r01[s], sem[s])
            pltpu.async_copy(table_hbm.at[i10[s]], r10[s], sem[s])
            pltpu.async_copy(table_hbm.at[i11[s]], r11[s], sem[s])

        def drain(s):
            pltpu.make_async_copy(table_hbm.at[i00[s]], r00[s], sem[s]).wait()
            pltpu.make_async_copy(table_hbm.at[i01[s]], r01[s], sem[s]).wait()
            pltpu.make_async_copy(table_hbm.at[i10[s]], r10[s], sem[s]).wait()
            pltpu.make_async_copy(table_hbm.at[i11[s]], r11[s], sem[s]).wait()

        def interp(cur, s):
            q = qbase + cur * CHUNK
            hrow = q // W
            wcol = q % W
            lcs = [lanes + r * LANES for r in range(CV)]

            @plsc.parallel_loop(0, GRPS, unroll=1)
            def grp_body2(g):
                gs = pl.ds(g * LANES, LANES)
                wv00 = w00[s][gs]
                wv01 = w01[s][gs]
                wv10 = w10[s][gs]
                wv11 = w11[s][gs]
                gbase = g * LANES

                @plsc.parallel_loop(0, LANES, unroll=4)
                def pix_body(p):
                    pidx = lax.broadcast(p, (LANES,))
                    s00 = jnp.take_along_axis(
                        wv00, pidx, axis=0, mode="promise_in_bounds")
                    s01 = jnp.take_along_axis(
                        wv01, pidx, axis=0, mode="promise_in_bounds")
                    s10 = jnp.take_along_axis(
                        wv10, pidx, axis=0, mode="promise_in_bounds")
                    s11 = jnp.take_along_axis(
                        wv11, pidx, axis=0, mode="promise_in_bounds")
                    i = gbase + p
                    widx = pidx + gbase
                    for r in range(CV):
                        cs = r * LANES
                        a0 = r00[s][i, pl.ds(cs, LANES)] * s00
                        a1 = r01[s][i, pl.ds(cs, LANES)] * s01
                        a2 = r10[s][i, pl.ds(cs, LANES)] * s10
                        a3 = r11[s][i, pl.ds(cs, LANES)] * s11
                        plsc.store_scatter(
                            outv[s], [lcs[r], widx], (a0 + a1) + (a2 + a3))

            pltpu.sync_copy(outv[s].at[:, pl.ds(0, CHUNK)],
                            out_hbm.at[nidx, :, hrow, pl.ds(wcol, CHUNK)])

        stage(0, 0)

        @pl.loop(0, NCHUNK, step=2)
        def _(g):
            for b in (0, 1):
                cur = g + b

                @pl.when(cur + 1 < NCHUNK)
                def _():
                    stage(cur + 1, 1 - b)

                drain(b)
                interp(cur, b)

    return k(inp, gx, gy)


def kernel(input, grid):
    gx = grid[..., 0].reshape(B)
    gy = grid[..., 1].reshape(B)
    out, _ = _sc_grid_sample(input, gx, gy)
    return out

# --- scband reference (transcript-rebuilt; emitter-appended) ---
"""Pipeline reference for scband-my-model-61933428409408 (READ-ONLY COPY).

The authoritative reference and input builder live on the scoring server;
editing this copy changes nothing except your own understanding.
"""

import jax, jax.numpy as jnp
import numpy as np


def _grid_sample_bilinear(inp, grid):
    # inp: [N, C, H, W], grid: [N, Ho, Wo, 2] with (x, y) in [-1, 1]
    # align_corners=False, padding_mode='zeros', mode='bilinear'
    N, C, H, W = inp.shape
    x = grid[..., 0]
    y = grid[..., 1]
    # unnormalize (align_corners=False): ix = ((x + 1) * W - 1) / 2
    ix = ((x + 1.0) * W - 1.0) / 2.0
    iy = ((y + 1.0) * H - 1.0) / 2.0
    ix0 = jnp.floor(ix)
    iy0 = jnp.floor(iy)
    ix1 = ix0 + 1.0
    iy1 = iy0 + 1.0
    wx1 = ix - ix0
    wx0 = 1.0 - wx1
    wy1 = iy - iy0
    wy0 = 1.0 - wy1

    b = jnp.arange(N)[:, None, None]

    def gather(iy_, ix_):
        valid = (ix_ >= 0) & (ix_ <= W - 1) & (iy_ >= 0) & (iy_ <= H - 1)
        ixc = jnp.clip(ix_, 0, W - 1).astype(jnp.int32)
        iyc = jnp.clip(iy_, 0, H - 1).astype(jnp.int32)
        # advanced indexing: result [N, Ho, Wo, C]
        v = inp[b, :, iyc, ixc]
        return jnp.where(valid[..., None], v, 0.0)

    v00 = gather(iy0, ix0)
    v01 = gather(iy0, ix1)
    v10 = gather(iy1, ix0)
    v11 = gather(iy1, ix1)

    out = (v00 * (wy0 * wx0)[..., None]
           + v01 * (wy0 * wx1)[..., None]
           + v10 * (wy1 * wx0)[..., None]
           + v11 * (wy1 * wx1)[..., None])
    # [N, Ho, Wo, C] -> [N, C, Ho, Wo]
    return jnp.transpose(out, (0, 3, 1, 2))


def setup_inputs(seed: int = 0) -> dict:
    key = jax.random.key(seed)
    k1, k2 = jax.random.split(key)
    inp = jax.random.normal(k1, (4, 96, 224, 224), dtype=jnp.float32)
    # normalized sampling coordinates in [-1, 1]
    grid = jax.random.uniform(k2, (4, 224, 224, 2), dtype=jnp.float32, minval=-1.0, maxval=1.0)
    return {"input": inp, "grid": grid}


def reference(input, grid):
    return _grid_sample_bilinear(input, grid)

if __name__ == "__main__":
    import jax
    _d = setup_inputs()
    print(jax.jit(kernel)(*tuple(_d.values())))

</pallas_src>

<mosaic_0001>
#map = affine_map<(d0, d1) -> (0, 0, 0, 0)>
#map1 = affine_map<(d0, d1) -> (0)>
#map2 = affine_map<(d0, d1) -> (0, 0)>
module attributes {stable_mosaic.version = 14 : i64} {
  func.func @k(%arg0: i32, %arg1: i32, %arg2: memref<4x96x224x224xf32, #tpu.memory_space<hbm>>, %arg3: memref<200704xf32, #tpu.memory_space<hbm>>, %arg4: memref<200704xf32, #tpu.memory_space<hbm>>, %arg5: memref<4x96x224x224xf32, #tpu.memory_space<hbm>>, %arg6: memref<200704x96xf32, #tpu.memory_space<hbm>>, %arg7: memref<112xf32, #tpu.memory_space<vmem>>, %arg8: memref<112xf32, #tpu.memory_space<vmem>>, %arg9: memref<112xf32, #tpu.memory_space<vmem>>, %arg10: memref<112xf32, #tpu.memory_space<vmem>>, %arg11: memref<112xi32, #tpu.memory_space<vmem>>, %arg12: memref<112xi32, #tpu.memory_space<vmem>>, %arg13: memref<112xi32, #tpu.memory_space<vmem>>, %arg14: memref<112xi32, #tpu.memory_space<vmem>>, %arg15: memref<112xi32, #tpu.memory_space<vmem>>, %arg16: memref<112xi32, #tpu.memory_space<vmem>>, %arg17: memref<112xi32, #tpu.memory_space<vmem>>, %arg18: memref<112xi32, #tpu.memory_space<vmem>>, %arg19: memref<112xf32, #tpu.memory_space<vmem>>, %arg20: memref<112xf32, #tpu.memory_space<vmem>>, %arg21: memref<112xf32, #tpu.memory_space<vmem>>, %arg22: memref<112xf32, #tpu.memory_space<vmem>>, %arg23: memref<112xf32, #tpu.memory_space<vmem>>, %arg24: memref<112xf32, #tpu.memory_space<vmem>>, %arg25: memref<112xf32, #tpu.memory_space<vmem>>, %arg26: memref<112xf32, #tpu.memory_space<vmem>>, %arg27: memref<112x96xf32, #tpu.memory_space<vmem>>, %arg28: memref<112x96xf32, #tpu.memory_space<vmem>>, %arg29: memref<112x96xf32, #tpu.memory_space<vmem>>, %arg30: memref<112x96xf32, #tpu.memory_space<vmem>>, %arg31: memref<112x96xf32, #tpu.memory_space<vmem>>, %arg32: memref<112x96xf32, #tpu.memory_space<vmem>>, %arg33: memref<112x96xf32, #tpu.memory_space<vmem>>, %arg34: memref<112x96xf32, #tpu.memory_space<vmem>>, %arg35: memref<96x113xf32, #tpu.memory_space<vmem>>, %arg36: memref<96x113xf32, #tpu.memory_space<vmem>>, %arg37: memref<!tpu.dma_semaphore, #tpu.memory_space<semaphore_mem>>, %arg38: memref<!tpu.dma_semaphore, #tpu.memory_space<semaphore_mem>>, %arg39: memref<!tpu.dma_semaphore, #tpu.memory_space<semaphore_mem>>, %arg40: memref<!tpu.dma_semaphore, #tpu.memory_space<semaphore_mem>>) attributes {dimension_semantics = [#tpu.dimension_semantics<core_parallel>, #tpu.dimension_semantics<subcore_parallel>], iteration_bounds = array<i64: 2, 16>, scalar_prefetch = 0 : i64, scratch_operands = 34 : i64, tpu.core_type = #tpu.core_type<sc_vector_subcore>, window_params = [{transform_indices = #map}, {transform_indices = #map1}, {transform_indices = #map1}, {transform_indices = #map}, {transform_indices = #map2}]} {
    %mul3A = arith.constant 16 : i32
    %mul3A_0 = arith.muli %arg0, %mul3A : i32
    %add3A = arith.addi %mul3A_0, %arg1 : i32
    %iota3A = tpu.iota {dimensions = array<i32: 0>} : vector<16xi32>
    %mul3A_1 = arith.constant 56 : i32
    %mul3A_2 = arith.muli %add3A, %mul3A_1 : i32
    %add3A_3 = arith.constant 0 : i32
    %add3A_4 = arith.addi %mul3A_2, %add3A_3 : i32
    %jit3A = arith.constant 448 : i32
    %div3A = arith.divsi %add3A_4, %jit3A : i32
    %sign3A = arith.constant 0 : i32
    %sign3A_5 = arith.cmpi sgt, %add3A_4, %sign3A : i32
    %sign3A_6 = arith.extui %sign3A_5 : i1 to i32
    %sign3A_7 = arith.constant 0 : i32
    %sign3A_8 = arith.cmpi slt, %add3A_4, %sign3A_7 : i32
    %sign3A_9 = arith.extui %sign3A_8 : i1 to i32
    %sign3A_10 = arith.subi %sign3A_6, %sign3A_9 : i32
    %sign3A_11 = arith.constant 0 : i32
    %sign3A_12 = arith.cmpi sgt, %jit3A, %sign3A_11 : i32
    %sign3A_13 = arith.extui %sign3A_12 : i1 to i32
    %sign3A_14 = arith.constant 0 : i32
    %sign3A_15 = arith.cmpi slt, %jit3A, %sign3A_14 : i32
    %sign3A_16 = arith.extui %sign3A_15 : i1 to i32
    %sign3A_17 = arith.subi %sign3A_13, %sign3A_16 : i32
    %ne3A = arith.cmpi ne, %sign3A_10, %sign3A_17 : i32
    %rem3A = arith.remsi %add3A_4, %jit3A : i32
    %ne3A_18 = arith.constant 0 : i32
    %ne3A_19 = arith.cmpi ne, %rem3A, %ne3A_18 : i32
    %and3A = arith.andi %ne3A, %ne3A_19 : i1
    %sub3A = arith.constant 1 : i32
    %sub3A_20 = arith.subi %div3A, %sub3A : i32
    %select_n3A = arith.select %and3A, %sub3A_20, %div3A : i32
    %jit3A_21 = arith.constant 448 : i32
    %eq3A = arith.constant 0 : i32
    %eq3A_22 = arith.cmpi eq, %jit3A_21, %eq3A : i32
    %jit3A_23 = arith.constant 1 : i32
    %select_n3A_24 = arith.select %eq3A_22, %jit3A_23, %jit3A_21 : i32
    %rem3A_25 = arith.remsi %add3A_4, %select_n3A_24 : i32
    %ne3A_26 = arith.constant 0 : i32
    %ne3A_27 = arith.cmpi ne, %rem3A_25, %ne3A_26 : i32
    %lt3A = arith.constant 0 : i32
    %lt3A_28 = arith.cmpi slt, %rem3A_25, %lt3A : i32
    %lt3A_29 = arith.constant 0 : i32
    %lt3A_30 = arith.cmpi slt, %select_n3A_24, %lt3A_29 : i32
    %ne3A_31 = arith.xori %lt3A_28, %lt3A_30 : i1
    %and3A_32 = arith.andi %ne3A_31, %ne3A_27 : i1
    %add3A_33 = arith.addi %rem3A_25, %select_n3A_24 : i32
    %select_n3A_34 = arith.select %and3A_32, %add3A_33, %rem3A_25 : i32
    %jit3A_35 = arith.constant 2 : i32
    %div3A_36 = arith.divsi %select_n3A_34, %jit3A_35 : i32
    %sign3A_37 = arith.constant 0 : i32
    %sign3A_38 = arith.cmpi sgt, %select_n3A_34, %sign3A_37 : i32
    %sign3A_39 = arith.extui %sign3A_38 : i1 to i32
    %sign3A_40 = arith.constant 0 : i32
    %sign3A_41 = arith.cmpi slt, %select_n3A_34, %sign3A_40 : i32
    %sign3A_42 = arith.extui %sign3A_41 : i1 to i32
    %sign3A_43 = arith.subi %sign3A_39, %sign3A_42 : i32
    %sign3A_44 = arith.constant 0 : i32
    %sign3A_45 = arith.cmpi sgt, %jit3A_35, %sign3A_44 : i32
    %sign3A_46 = arith.extui %sign3A_45 : i1 to i32
    %sign3A_47 = arith.constant 0 : i32
    %sign3A_48 = arith.cmpi slt, %jit3A_35, %sign3A_47 : i32
    %sign3A_49 = arith.extui %sign3A_48 : i1 to i32
    %sign3A_50 = arith.subi %sign3A_46, %sign3A_49 : i32
    %ne3A_51 = arith.cmpi ne, %sign3A_43, %sign3A_50 : i32
    %rem3A_52 = arith.remsi %select_n3A_34, %jit3A_35 : i32
    %ne3A_53 = arith.constant 0 : i32
    %ne3A_54 = arith.cmpi ne, %rem3A_52, %ne3A_53 : i32
    %and3A_55 = arith.andi %ne3A_51, %ne3A_54 : i1
    %sub3A_56 = arith.constant 1 : i32
    %sub3A_57 = arith.subi %div3A_36, %sub3A_56 : i32
    %select_n3A_58 = arith.select %and3A_55, %sub3A_57, %div3A_36 : i32
    %jit3A_59 = arith.constant 2 : i32
    %eq3A_60 = arith.constant 0 : i32
    %eq3A_61 = arith.cmpi eq, %jit3A_59, %eq3A_60 : i32
    %jit3A_62 = arith.constant 1 : i32
    %select_n3A_63 = arith.select %eq3A_61, %jit3A_62, %jit3A_59 : i32
    %rem3A_64 = arith.remsi %select_n3A_34, %select_n3A_63 : i32
    %ne3A_65 = arith.constant 0 : i32
    %ne3A_66 = arith.cmpi ne, %rem3A_64, %ne3A_65 : i32
    %lt3A_67 = arith.constant 0 : i32
    %lt3A_68 = arith.cmpi slt, %rem3A_64, %lt3A_67 : i32
    %lt3A_69 = arith.constant 0 : i32
    %lt3A_70 = arith.cmpi slt, %select_n3A_63, %lt3A_69 : i32
    %ne3A_71 = arith.xori %lt3A_68, %lt3A_70 : i1
    %and3A_72 = arith.andi %ne3A_71, %ne3A_66 : i1
    %add3A_73 = arith.addi %rem3A_64, %select_n3A_63 : i32
    %select_n3A_74 = arith.select %and3A_72, %add3A_73, %rem3A_64 : i32
    %mul3A_75 = arith.constant 112 : i32
    %mul3A_76 = arith.muli %select_n3A_74, %mul3A_75 : i32
    %dma_start3A = arith.constant 0 : i32
    %dma_start3A_77 = arith.constant 0 : i32
    %dma_start3A_78 = tpu.memref_slice %arg35[%dma_start3A, %dma_start3A_77] : memref<96x113xf32, #tpu.memory_space<vmem>> -> memref<96x112xf32, #tpu.memory_space<vmem>>
    %dma_start3A_79 = arith.constant 0 : i32
    %dma_start3A_80 = tpu.memref_slice %arg2[%select_n3A, %dma_start3A_79, %select_n3A_58, %mul3A_76] : memref<4x96x224x224xf32, #tpu.memory_space<hbm>> -> memref<1x96x1x112xf32, #tpu.memory_space<hbm>>
    %dma_start3A_81 = tpu.memref_squeeze %dma_start3A_80 : memref<1x96x1x112xf32, #tpu.memory_space<hbm>> -> memref<96x112xf32, #tpu.memory_space<hbm>>
    %dma_start3A_82 = arith.constant 0 : i32
    %dma_start3A_83 = arith.constant 0 : i32
    %dma_start3A_84 = tpu.memref_slice %arg35[%dma_start3A_82, %dma_start3A_83] : memref<96x113xf32, #tpu.memory_space<vmem>> -> memref<96x112xf32, #tpu.memory_space<vmem>>
    %dma_start3A_85 = arith.constant 0 : i32
    %dma_start3A_86 = tpu.memref_slice %arg2[%select_n3A, %dma_start3A_85, %select_n3A_58, %mul3A_76] : memref<4x96x224x224xf32, #tpu.memory_space<hbm>> -> memref<1x96x1x112xf32, #tpu.memory_space<hbm>>
    %dma_start3A_87 = tpu.memref_squeeze %dma_start3A_86 : memref<1x96x1x112xf32, #tpu.memory_space<hbm>> -> memref<96x112xf32, #tpu.memory_space<hbm>>
    tpu.enqueue_dma source(%dma_start3A_87 : memref<96x112xf32, #tpu.memory_space<hbm>>) target(%dma_start3A_84 : memref<96x112xf32, #tpu.memory_space<vmem>>) target_semaphore(%arg37 : memref<!tpu.dma_semaphore, #tpu.memory_space<semaphore_mem>>)
    %scan3A = arith.constant 0 : i32
    %scan3A_88 = arith.constant 28 : i32
    %scan3A_89 = arith.addi %scan3A, %scan3A_88 : i32
    %scan3A_90 = arith.constant 1 : i32
    scf.for %scan3A_170 = %scan3A to %scan3A_89 step %scan3A_90  : i32 {
      %mul3A_171 = arith.constant 2 : i32
      %mul3A_172 = arith.muli %scan3A_170, %mul3A_171 : i32
      %add3A_173 = arith.constant 0 : i32
      %add3A_174 = arith.addi %add3A_173, %mul3A_172 : i32
      %add3A_175 = arith.constant 0 : i32
      %add3A_176 = arith.addi %add3A_174, %add3A_175 : i32
      %add3A_177 = arith.constant 1 : i32
      %add3A_178 = arith.addi %add3A_176, %add3A_177 : i32
      %lt3A_179 = arith.constant 56 : i32
      %lt3A_180 = arith.cmpi slt, %add3A_178, %lt3A_179 : i32
      %convert_element_type3A = arith.extui %lt3A_180 : i1 to i32
      %cond3A = arith.constant 0 : i32
      %cond3A_181 = arith.cmpi ne, %convert_element_type3A, %cond3A : i32
      scf.if %cond3A_181 {
        %add3A_252 = arith.constant 1 : i32
        %add3A_253 = arith.addi %add3A_176, %add3A_252 : i32
        %add3A_254 = arith.addi %mul3A_2, %add3A_253 : i32
        %jit3A_255 = arith.constant 448 : i32
        %div3A_256 = arith.divsi %add3A_254, %jit3A_255 : i32
        %sign3A_257 = arith.constant 0 : i32
        %sign3A_258 = arith.cmpi sgt, %add3A_254, %sign3A_257 : i32
        %sign3A_259 = arith.extui %sign3A_258 : i1 to i32
        %sign3A_260 = arith.constant 0 : i32
        %sign3A_261 = arith.cmpi slt, %add3A_254, %sign3A_260 : i32
        %sign3A_262 = arith.extui %sign3A_261 : i1 to i32
        %sign3A_263 = arith.subi %sign3A_259, %sign3A_262 : i32
        %sign3A_264 = arith.constant 0 : i32
        %sign3A_265 = arith.cmpi sgt, %jit3A_255, %sign3A_264 : i32
        %sign3A_266 = arith.extui %sign3A_265 : i1 to i32
        %sign3A_267 = arith.constant 0 : i32
        %sign3A_268 = arith.cmpi slt, %jit3A_255, %sign3A_267 : i32
        %sign3A_269 = arith.extui %sign3A_268 : i1 to i32
        %sign3A_270 = arith.subi %sign3A_266, %sign3A_269 : i32
        %ne3A_271 = arith.cmpi ne, %sign3A_263, %sign3A_270 : i32
        %rem3A_272 = arith.remsi %add3A_254, %jit3A_255 : i32
        %ne3A_273 = arith.constant 0 : i32
        %ne3A_274 = arith.cmpi ne, %rem3A_272, %ne3A_273 : i32
        %and3A_275 = arith.andi %ne3A_271, %ne3A_274 : i1
        %sub3A_276 = arith.constant 1 : i32
        %sub3A_277 = arith.subi %div3A_256, %sub3A_276 : i32
        %select_n3A_278 = arith.select %and3A_275, %sub3A_277, %div3A_256 : i32
        %jit3A_279 = arith.constant 448 : i32
        %eq3A_280 = arith.constant 0 : i32
        %eq3A_281 = arith.cmpi eq, %jit3A_279, %eq3A_280 : i32
        %jit3A_282 = arith.constant 1 : i32
        %select_n3A_283 = arith.select %eq3A_281, %jit3A_282, %jit3A_279 : i32
        %rem3A_284 = arith.remsi %add3A_254, %select_n3A_283 : i32
        %ne3A_285 = arith.constant 0 : i32
        %ne3A_286 = arith.cmpi ne, %rem3A_284, %ne3A_285 : i32
        %lt3A_287 = arith.constant 0 : i32
        %lt3A_288 = arith.cmpi slt, %rem3A_284, %lt3A_287 : i32
        %lt3A_289 = arith.constant 0 : i32
        %lt3A_290 = arith.cmpi slt, %select_n3A_283, %lt3A_289 : i32
        %ne3A_291 = arith.xori %lt3A_288, %lt3A_290 : i1
        %and3A_292 = arith.andi %ne3A_291, %ne3A_286 : i1
        %add3A_293 = arith.addi %rem3A_284, %select_n3A_283 : i32
        %select_n3A_294 = arith.select %and3A_292, %add3A_293, %rem3A_284 : i32
        %jit3A_295 = arith.constant 2 : i32
        %div3A_296 = arith.divsi %select_n3A_294, %jit3A_295 : i32
        %sign3A_297 = arith.constant 0 : i32
        %sign3A_298 = arith.cmpi sgt, %select_n3A_294, %sign3A_297 : i32
        %sign3A_299 = arith.extui %sign3A_298 : i1 to i32
        %sign3A_300 = arith.constant 0 : i32
        %sign3A_301 = arith.cmpi slt, %select_n3A_294, %sign3A_300 : i32
        %sign3A_302 = arith.extui %sign3A_301 : i1 to i32
        %sign3A_303 = arith.subi %sign3A_299, %sign3A_302 : i32
        %sign3A_304 = arith.constant 0 : i32
        %sign3A_305 = arith.cmpi sgt, %jit3A_295, %sign3A_304 : i32
        %sign3A_306 = arith.extui %sign3A_305 : i1 to i32
        %sign3A_307 = arith.constant 0 : i32
        %sign3A_308 = arith.cmpi slt, %jit3A_295, %sign3A_307 : i32
        %sign3A_309 = arith.extui %sign3A_308 : i1 to i32
        %sign3A_310 = arith.subi %sign3A_306, %sign3A_309 : i32
        %ne3A_311 = arith.cmpi ne, %sign3A_303, %sign3A_310 : i32
        %rem3A_312 = arith.remsi %select_n3A_294, %jit3A_295 : i32
        %ne3A_313 = arith.constant 0 : i32
        %ne3A_314 = arith.cmpi ne, %rem3A_312, %ne3A_313 : i32
        %and3A_315 = arith.andi %ne3A_311, %ne3A_314 : i1
        %sub3A_316 = arith.constant 1 : i32
        %sub3A_317 = arith.subi %div3A_296, %sub3A_316 : i32
        %select_n3A_318 = arith.select %and3A_315, %sub3A_317, %div3A_296 : i32
        %jit3A_319 = arith.constant 2 : i32
        %eq3A_320 = arith.constant 0 : i32
        %eq3A_321 = arith.cmpi eq, %jit3A_319, %eq3A_320 : i32
        %jit3A_322 = arith.constant 1 : i32
        %select_n3A_323 = arith.select %eq3A_321, %jit3A_322, %jit3A_319 : i32
        %rem3A_324 = arith.remsi %select_n3A_294, %select_n3A_323 : i32
        %ne3A_325 = arith.constant 0 : i32
        %ne3A_326 = arith.cmpi ne, %rem3A_324, %ne3A_325 : i32
        %lt3A_327 = arith.constant 0 : i32
        %lt3A_328 = arith.cmpi slt, %rem3A_324, %lt3A_327 : i32
        %lt3A_329 = arith.constant 0 : i32
        %lt3A_330 = arith.cmpi slt, %select_n3A_323, %lt3A_329 : i32
        %ne3A_331 = arith.xori %lt3A_328, %lt3A_330 : i1
        %and3A_332 = arith.andi %ne3A_331, %ne3A_326 : i1
        %add3A_333 = arith.addi %rem3A_324, %select_n3A_323 : i32
        %select_n3A_334 = arith.select %and3A_332, %add3A_333, %rem3A_324 : i32
        %mul3A_335 = arith.constant 112 : i32
        %mul3A_336 = arith.muli %select_n3A_334, %mul3A_335 : i32
        %dma_start3A_337 = arith.constant 0 : i32
        %dma_start3A_338 = arith.constant 0 : i32
        %dma_start3A_339 = tpu.memref_slice %arg36[%dma_start3A_337, %dma_start3A_338] : memref<96x113xf32, #tpu.memory_space<vmem>> -> memref<96x112xf32, #tpu.memory_space<vmem>>
        %dma_start3A_340 = arith.constant 0 : i32
        %dma_start3A_341 = tpu.memref_slice %arg2[%select_n3A_278, %dma_start3A_340, %select_n3A_318, %mul3A_336] : memref<4x96x224x224xf32, #tpu.memory_space<hbm>> -> memref<1x96x1x112xf32, #tpu.memory_space<hbm>>
        %dma_start3A_342 = tpu.memref_squeeze %dma_start3A_341 : memref<1x96x1x112xf32, #tpu.memory_space<hbm>> -> memref<96x112xf32, #tpu.memory_space<hbm>>
        %dma_start3A_343 = arith.constant 0 : i32
        %dma_start3A_344 = arith.constant 0 : i32
        %dma_start3A_345 = tpu.memref_slice %arg36[%dma_start3A_343, %dma_start3A_344] : memref<96x113xf32, #tpu.memory_space<vmem>> -> memref<96x112xf32, #tpu.memory_space<vmem>>
        %dma_start3A_346 = arith.constant 0 : i32
        %dma_start3A_347 = tpu.memref_slice %arg2[%select_n3A_278, %dma_start3A_346, %select_n3A_318, %mul3A_336] : memref<4x96x224x224xf32, #tpu.memory_space<hbm>> -> memref<1x96x1x112xf32, #tpu.memory_space<hbm>>
        %dma_start3A_348 = tpu.memref_squeeze %dma_start3A_347 : memref<1x96x1x112xf32, #tpu.memory_space<hbm>> -> memref<96x112xf32, #tpu.memory_space<hbm>>
        tpu.enqueue_dma source(%dma_start3A_348 : memref<96x112xf32, #tpu.memory_space<hbm>>) target(%dma_start3A_345 : memref<96x112xf32, #tpu.memory_space<vmem>>) target_semaphore(%arg38 : memref<!tpu.dma_semaphore, #tpu.memory_space<semaphore_mem>>)
      } else {
      }
      %dma_wait3A_182 = arith.constant 0 : i32
      %dma_wait3A_183 = arith.constant 0 : i32
      %dma_wait3A_184 = arith.constant 0 : i32
      %dma_wait3A_185 = arith.constant 0 : i32
      %dma_wait3A_186 = tpu.memref_slice %arg35[%dma_wait3A_184, %dma_wait3A_185] : memref<96x113xf32, #tpu.memory_space<vmem>> -> memref<96x112xf32, #tpu.memory_space<vmem>>
      %dma_wait3A_187 = arith.constant 0 : i32
      %dma_wait3A_188 = arith.constant 0 : i32
      %dma_wait3A_189 = tpu.memref_slice %arg2[%dma_wait3A_182, %dma_wait3A_187, %dma_wait3A_183, %dma_wait3A_188] : memref<4x96x224x224xf32, #tpu.memory_space<hbm>> -> memref<1x96x1x112xf32, #tpu.memory_space<hbm>>
      %dma_wait3A_190 = tpu.memref_squeeze %dma_wait3A_189 : memref<1x96x1x112xf32, #tpu.memory_space<hbm>> -> memref<96x112xf32, #tpu.memory_space<hbm>>
      %dma_wait3A_191 = arith.constant 0 : i32
      %dma_wait3A_192 = arith.constant 0 : i32
      %dma_wait3A_193 = tpu.memref_slice %arg35[%dma_wait3A_191, %dma_wait3A_192] : memref<96x113xf32, #tpu.memory_space<vmem>> -> memref<96x112xf32, #tpu.memory_space<vmem>>
      %dma_wait3A_194 = arith.constant 0 : i32
      %dma_wait3A_195 = arith.constant 0 : i32
      %dma_wait3A_196 = tpu.memref_slice %arg2[%dma_wait3A_182, %dma_wait3A_194, %dma_wait3A_183, %dma_wait3A_195] : memref<4x96x224x224xf32, #tpu.memory_space<hbm>> -> memref<1x96x1x112xf32, #tpu.memory_space<hbm>>
      %dma_wait3A_197 = tpu.memref_squeeze %dma_wait3A_196 : memref<1x96x1x112xf32, #tpu.memory_space<hbm>> -> memref<96x112xf32, #tpu.memory_space<hbm>>
      tpu.wait_dma2 semaphore(%arg37 : memref<!tpu.dma_semaphore, #tpu.memory_space<semaphore_mem>>) src(%dma_wait3A_197 : memref<96x112xf32, #tpu.memory_space<hbm>>) dst(%dma_wait3A_193 : memref<96x112xf32, #tpu.memory_space<vmem>>)
      %ge3A = arith.constant 2 : i32
      %ge3A_198 = arith.cmpi sge, %add3A_176, %ge3A : i32
      %convert_element_type3A_199 = arith.extui %ge3A_198 : i1 to i32
      %cond3A_200 = arith.constant 0 : i32
      %cond3A_201 = arith.cmpi ne, %convert_element_type3A_199, %cond3A_200 : i32
      scf.if %cond3A_201 {
        %dma_wait3A_252 = arith.constant 0 : i32
        %dma_wait3A_253 = arith.constant 0 : i32
        %dma_wait3A_254 = tpu.memref_slice %arg6[%dma_wait3A_252, %dma_wait3A_253] : memref<200704x96xf32, #tpu.memory_space<hbm>> -> memref<112x96xf32, #tpu.memory_space<hbm>>
        %dma_wait3A_255 = arith.constant 0 : i32
        %dma_wait3A_256 = arith.constant 0 : i32
        %dma_wait3A_257 = tpu.memref_slice %arg6[%dma_wait3A_255, %dma_wait3A_256] : memref<200704x96xf32, #tpu.memory_space<hbm>> -> memref<112x96xf32, #tpu.memory_space<hbm>>
        tpu.wait_dma2 semaphore(%arg39 : memref<!tpu.dma_semaphore, #tpu.memory_space<semaphore_mem>>) src(%arg27 : memref<112x96xf32, #tpu.memory_space<vmem>>) dst(%dma_wait3A_257 : memref<112x96xf32, #tpu.memory_space<hbm>>)
      } else {
      }
      %parallel_loop3A_202 = arith.constant 0 : i32
      %parallel_loop3A_203 = arith.constant 112 : i32
      %parallel_loop3A_204 = arith.constant 1 : i32
      scf.for %parallel_loop3A_252 = %parallel_loop3A_202 to %parallel_loop3A_203 step %parallel_loop3A_204  : i32 {
        %parallel_loop3A_253 = vector.broadcast %parallel_loop3A_252 : i32 to vector<16xi32>
        %parallel_loop3A_254 = arith.constant 0 : i32
        %parallel_loop3A_255 = vector.broadcast %parallel_loop3A_254 : i32 to vector<16xi32>
        %parallel_loop3A_256 = arith.addi %iota3A, %parallel_loop3A_255 : vector<16xi32>
        %parallel_loop3A_257 = tpu.vector_load_idx %arg35[%parallel_loop3A_256, %parallel_loop3A_253] : memref<96x113xf32, #tpu.memory_space<vmem>>[vector<16xi32>, vector<16xi32>], vector<16xf32>,
        %parallel_loop3A_258 = arith.index_cast %parallel_loop3A_252 : i32 to index
        %parallel_loop3A_259 = arith.constant 0 : index
        %parallel_loop3A_260 = tpu.vector_load %arg27[%parallel_loop3A_258, %parallel_loop3A_259] {strides = array<i32>} : memref<112x96xf32, #tpu.memory_space<vmem>>, vector<16xf32>,
        tpu.vector_store %arg27[%parallel_loop3A_258, %parallel_loop3A_259], %parallel_loop3A_257 {strides = array<i32>} : memref<112x96xf32, #tpu.memory_space<vmem>>, vector<16xf32>,
        %parallel_loop3A_261 = arith.constant 16 : i32
        %parallel_loop3A_262 = vector.broadcast %parallel_loop3A_261 : i32 to vector<16xi32>
        %parallel_loop3A_263 = arith.addi %iota3A, %parallel_loop3A_262 : vector<16xi32>
        %parallel_loop3A_264 = tpu.vector_load_idx %arg35[%parallel_loop3A_263, %parallel_loop3A_253] : memref<96x113xf32, #tpu.memory_space<vmem>>[vector<16xi32>, vector<16xi32>], vector<16xf32>,
        %parallel_loop3A_265 = arith.index_cast %parallel_loop3A_252 : i32 to index
        %parallel_loop3A_266 = arith.constant 16 : index
        %parallel_loop3A_267 = tpu.vector_load %arg27[%parallel_loop3A_265, %parallel_loop3A_266] {strides = array<i32>} : memref<112x96xf32, #tpu.memory_space<vmem>>, vector<16xf32>,
        tpu.vector_store %arg27[%parallel_loop3A_265, %parallel_loop3A_266], %parallel_loop3A_264 {strides = array<i32>} : memref<112x96xf32, #tpu.memory_space<vmem>>, vector<16xf32>,
        %parallel_loop3A_268 = arith.constant 32 : i32
        %parallel_loop3A_269 = vector.broadcast %parallel_loop3A_268 : i32 to vector<16xi32>
        %parallel_loop3A_270 = arith.addi %iota3A, %parallel_loop3A_269 : vector<16xi32>
        %parallel_loop3A_271 = tpu.vector_load_idx %arg35[%parallel_loop3A_270, %parallel_loop3A_253] : memref<96x113xf32, #tpu.memory_space<vmem>>[vector<16xi32>, vector<16xi32>], vector<16xf32>,
        %parallel_loop3A_272 = arith.index_cast %parallel_loop3A_252 : i32 to index
        %parallel_loop3A_273 = arith.constant 32 : index
        %parallel_loop3A_274 = tpu.vector_load %arg27[%parallel_loop3A_272, %parallel_loop3A_273] {strides = array<i32>} : memref<112x96xf32, #tpu.memory_space<vmem>>, vector<16xf32>,
        tpu.vector_store %arg27[%parallel_loop3A_272, %parallel_loop3A_273], %parallel_loop3A_271 {strides = array<i32>} : memref<112x96xf32, #tpu.memory_space<vmem>>, vector<16xf32>,
        %parallel_loop3A_275 = arith.constant 48 : i32
        %parallel_loop3A_276 = vector.broadcast %parallel_loop3A_275 : i32 to vector<16xi32>
        %parallel_loop3A_277 = arith.addi %iota3A, %parallel_loop3A_276 : vector<16xi32>
        %parallel_loop3A_278 = tpu.vector_load_idx %arg35[%parallel_loop3A_277, %parallel_loop3A_253] : memref<96x113xf32, #tpu.memory_space<vmem>>[vector<16xi32>, vector<16xi32>], vector<16xf32>,
        %parallel_loop3A_279 = arith.index_cast %parallel_loop3A_252 : i32 to index
        %parallel_loop3A_280 = arith.constant 48 : index
        %parallel_loop3A_281 = tpu.vector_load %arg27[%parallel_loop3A_279, %parallel_loop3A_280] {strides = array<i32>} : memref<112x96xf32, #tpu.memory_space<vmem>>, vector<16xf32>,
        tpu.vector_store %arg27[%parallel_loop3A_279, %parallel_loop3A_280], %parallel_loop3A_278 {strides = array<i32>} : memref<112x96xf32, #tpu.memory_space<vmem>>, vector<16xf32>,
        %parallel_loop3A_282 = arith.constant 64 : i32
        %parallel_loop3A_283 = vector.broadcast %parallel_loop3A_282 : i32 to vector<16xi32>
        %parallel_loop3A_284 = arith.addi %iota3A, %parallel_loop3A_283 : vector<16xi32>
        %parallel_loop3A_285 = tpu.vector_load_idx %arg35[%parallel_loop3A_284, %parallel_loop3A_253] : memref<96x113xf32, #tpu.memory_space<vmem>>[vector<16xi32>, vector<16xi32>], vector<16xf32>,
        %parallel_loop3A_286 = arith.index_cast %parallel_loop3A_252 : i32 to index
        %parallel_loop3A_287 = arith.constant 64 : index
        %parallel_loop3A_288 = tpu.vector_load %arg27[%parallel_loop3A_286, %parallel_loop3A_287] {strides = array<i32>} : memref<112x96xf32, #tpu.memory_space<vmem>>, vector<16xf32>,
        tpu.vector_store %arg27[%parallel_loop3A_286, %parallel_loop3A_287], %parallel_loop3A_285 {strides = array<i32>} : memref<112x96xf32, #tpu.memory_space<vmem>>, vector<16xf32>,
        %parallel_loop3A_289 = arith.constant 80 : i32
        %parallel_loop3A_290 = vector.broadcast %parallel_loop3A_289 : i32 to vector<16xi32>
        %parallel_loop3A_291 = arith.addi %iota3A, %parallel_loop3A_290 : vector<16xi32>
        %parallel_loop3A_292 = tpu.vector_load_idx %arg35[%parallel_loop3A_291, %parallel_loop3A_253] : memref<96x113xf32, #tpu.memory_space<vmem>>[vector<16xi32>, vector<16xi32>], vector<16xf32>,
        %parallel_loop3A_293 = arith.index_cast %parallel_loop3A_252 : i32 to index
        %parallel_loop3A_294 = arith.constant 80 : index
        %parallel_loop3A_295 = tpu.vector_load %arg27[%parallel_loop3A_293, %parallel_loop3A_294] {strides = array<i32>} : memref<112x96xf32, #tpu.memory_space<vmem>>, vector<16xf32>,
        tpu.vector_store %arg27[%parallel_loop3A_293, %parallel_loop3A_294], %parallel_loop3A_292 {strides = array<i32>} : memref<112x96xf32, #tpu.memory_space<vmem>>, vector<16xf32>,
      } {sc.loop_unroll_factor = 4 : i64, sc.parallel_access}
      %add3A_205 = arith.addi %mul3A_2, %add3A_176 : i32
      %mul3A_206 = arith.constant 112 : i32
      %mul3A_207 = arith.muli %add3A_205, %mul3A_206 : i32
      %dma_start3A_208 = arith.constant 0 : i32
      %dma_start3A_209 = tpu.memref_slice %arg6[%mul3A_207, %dma_start3A_208] : memref<200704x96xf32, #tpu.memory_space<hbm>> -> memref<112x96xf32, #tpu.memory_space<hbm>>
      %dma_start3A_210 = arith.constant 0 : i32
      %dma_start3A_211 = tpu.memref_slice %arg6[%mul3A_207, %dma_start3A_210] : memref<200704x96xf32, #tpu.memory_space<hbm>> -> memref<112x96xf32, #tpu.memory_space<hbm>>
      tpu.enqueue_dma source(%arg27 : memref<112x96xf32, #tpu.memory_space<vmem>>) target(%dma_start3A_211 : memref<112x96xf32, #tpu.memory_space<hbm>>) target_semaphore(%arg39 : memref<!tpu.dma_semaphore, #tpu.memory_space<semaphore_mem>>)
      %add3A_212 = arith.constant 1 : i32
      %add3A_213 = arith.addi %add3A_174, %add3A_212 : i32
      %add3A_214 = arith.constant 1 : i32
      %add3A_215 = arith.addi %add3A_213, %add3A_214 : i32
      %lt3A_216 = arith.constant 56 : i32
      %lt3A_217 = arith.cmpi slt, %add3A_215, %lt3A_216 : i32
      %convert_element_type3A_218 = arith.extui %lt3A_217 : i1 to i32
      %cond3A_219 = arith.constant 0 : i32
      %cond3A_220 = arith.cmpi ne, %convert_element_type3A_218, %cond3A_219 : i32
      scf.if %cond3A_220 {
        %add3A_252 = arith.constant 1 : i32
        %add3A_253 = arith.addi %add3A_213, %add3A_252 : i32
        %add3A_254 = arith.addi %mul3A_2, %add3A_253 : i32
        %jit3A_255 = arith.constant 448 : i32
        %div3A_256 = arith.divsi %add3A_254, %jit3A_255 : i32
        %sign3A_257 = arith.constant 0 : i32
        %sign3A_258 = arith.cmpi sgt, %add3A_254, %sign3A_257 : i32
        %sign3A_259 = arith.extui %sign3A_258 : i1 to i32
        %sign3A_260 = arith.constant 0 : i32
        %sign3A_261 = arith.cmpi slt, %add3A_254, %sign3A_260 : i32
        %sign3A_262 = arith.extui %sign3A_261 : i1 to i32
        %sign3A_263 = arith.subi %sign3A_259, %sign3A_262 : i32
        %sign3A_264 = arith.constant 0 : i32
        %sign3A_265 = arith.cmpi sgt, %jit3A_255, %sign3A_264 : i32
        %sign3A_266 = arith.extui %sign3A_265 : i1 to i32
        %sign3A_267 = arith.constant 0 : i32
        %sign3A_268 = arith.cmpi slt, %jit3A_255, %sign3A_267 : i32
        %sign3A_269 = arith.extui %sign3A_268 : i1 to i32
        %sign3A_270 = arith.subi %sign3A_266, %sign3A_269 : i32
        %ne3A_271 = arith.cmpi ne, %sign3A_263, %sign3A_270 : i32
        %rem3A_272 = arith.remsi %add3A_254, %jit3A_255 : i32
        %ne3A_273 = arith.constant 0 : i32
        %ne3A_274 = arith.cmpi ne, %rem3A_272, %ne3A_273 : i32
        %and3A_275 = arith.andi %ne3A_271, %ne3A_274 : i1
        %sub3A_276 = arith.constant 1 : i32
        %sub3A_277 = arith.subi %div3A_256, %sub3A_276 : i32
        %select_n3A_278 = arith.select %and3A_275, %sub3A_277, %div3A_256 : i32
        %jit3A_279 = arith.constant 448 : i32
        %eq3A_280 = arith.constant 0 : i32
        %eq3A_281 = arith.cmpi eq, %jit3A_279, %eq3A_280 : i32
        %jit3A_282 = arith.constant 1 : i32
        %select_n3A_283 = arith.select %eq3A_281, %jit3A_282, %jit3A_279 : i32
        %rem3A_284 = arith.remsi %add3A_254, %select_n3A_283 : i32
        %ne3A_285 = arith.constant 0 : i32
        %ne3A_286 = arith.cmpi ne, %rem3A_284, %ne3A_285 : i32
        %lt3A_287 = arith.constant 0 : i32
        %lt3A_288 = arith.cmpi slt, %rem3A_284, %lt3A_287 : i32
        %lt3A_289 = arith.constant 0 : i32
        %lt3A_290 = arith.cmpi slt, %select_n3A_283, %lt3A_289 : i32
        %ne3A_291 = arith.xori %lt3A_288, %lt3A_290 : i1
        %and3A_292 = arith.andi %ne3A_291, %ne3A_286 : i1
        %add3A_293 = arith.addi %rem3A_284, %select_n3A_283 : i32
        %select_n3A_294 = arith.select %and3A_292, %add3A_293, %rem3A_284 : i32
        %jit3A_295 = arith.constant 2 : i32
        %div3A_296 = arith.divsi %select_n3A_294, %jit3A_295 : i32
        %sign3A_297 = arith.constant 0 : i32
        %sign3A_298 = arith.cmpi sgt, %select_n3A_294, %sign3A_297 : i32
        %sign3A_299 = arith.extui %sign3A_298 : i1 to i32
        %sign3A_300 = arith.constant 0 : i32
        %sign3A_301 = arith.cmpi slt, %select_n3A_294, %sign3A_300 : i32
        %sign3A_302 = arith.extui %sign3A_301 : i1 to i32
        %sign3A_303 = arith.subi %sign3A_299, %sign3A_302 : i32
        %sign3A_304 = arith.constant 0 : i32
        %sign3A_305 = arith.cmpi sgt, %jit3A_295, %sign3A_304 : i32
        %sign3A_306 = arith.extui %sign3A_305 : i1 to i32
        %sign3A_307 = arith.constant 0 : i32
        %sign3A_308 = arith.cmpi slt, %jit3A_295, %sign3A_307 : i32
        %sign3A_309 = arith.extui %sign3A_308 : i1 to i32
        %sign3A_310 = arith.subi %sign3A_306, %sign3A_309 : i32
        %ne3A_311 = arith.cmpi ne, %sign3A_303, %sign3A_310 : i32
        %rem3A_312 = arith.remsi %select_n3A_294, %jit3A_295 : i32
        %ne3A_313 = arith.constant 0 : i32
        %ne3A_314 = arith.cmpi ne, %rem3A_312, %ne3A_313 : i32
        %and3A_315 = arith.andi %ne3A_311, %ne3A_314 : i1
        %sub3A_316 = arith.constant 1 : i32
        %sub3A_317 = arith.subi %div3A_296, %sub3A_316 : i32
        %select_n3A_318 = arith.select %and3A_315, %sub3A_317, %div3A_296 : i32
        %jit3A_319 = arith.constant 2 : i32
        %eq3A_320 = arith.constant 0 : i32
        %eq3A_321 = arith.cmpi eq, %jit3A_319, %eq3A_320 : i32
        %jit3A_322 = arith.constant 1 : i32
        %select_n3A_323 = arith.select %eq3A_321, %jit3A_322, %jit3A_319 : i32
        %rem3A_324 = arith.remsi %select_n3A_294, %select_n3A_323 : i32
        %ne3A_325 = arith.constant 0 : i32
        %ne3A_326 = arith.cmpi ne, %rem3A_324, %ne3A_325 : i32
        %lt3A_327 = arith.constant 0 : i32
        %lt3A_328 = arith.cmpi slt, %rem3A_324, %lt3A_327 : i32
        %lt3A_329 = arith.constant 0 : i32
        %lt3A_330 = arith.cmpi slt, %select_n3A_323, %lt3A_329 : i32
        %ne3A_331 = arith.xori %lt3A_328, %lt3A_330 : i1
        %and3A_332 = arith.andi %ne3A_331, %ne3A_326 : i1
        %add3A_333 = arith.addi %rem3A_324, %select_n3A_323 : i32
        %select_n3A_334 = arith.select %and3A_332, %add3A_333, %rem3A_324 : i32
        %mul3A_335 = arith.constant 112 : i32
        %mul3A_336 = arith.muli %select_n3A_334, %mul3A_335 : i32
        %dma_start3A_337 = arith.constant 0 : i32
        %dma_start3A_338 = arith.constant 0 : i32
        %dma_start3A_339 = tpu.memref_slice %arg35[%dma_start3A_337, %dma_start3A_338] : memref<96x113xf32, #tpu.memory_space<vmem>> -> memref<96x112xf32, #tpu.memory_space<vmem>>
        %dma_start3A_340 = arith.constant 0 : i32
        %dma_start3A_341 = tpu.memref_slice %arg2[%select_n3A_278, %dma_start3A_340, %select_n3A_318, %mul3A_336] : memref<4x96x224x224xf32, #tpu.memory_space<hbm>> -> memref<1x96x1x112xf32, #tpu.memory_space<hbm>>
        %dma_start3A_342 = tpu.memref_squeeze %dma_start3A_341 : memref<1x96x1x112xf32, #tpu.memory_space<hbm>> -> memref<96x112xf32, #tpu.memory_space<hbm>>
        %dma_start3A_343 = arith.constant 0 : i32
        %dma_start3A_344 = arith.constant 0 : i32
        %dma_start3A_345 = tpu.memref_slice %arg35[%dma_start3A_343, %dma_start3A_344] : memref<96x113xf32, #tpu.memory_space<vmem>> -> memref<96x112xf32, #tpu.memory_space<vmem>>
        %dma_start3A_346 = arith.constant 0 : i32
        %dma_start3A_347 = tpu.memref_slice %arg2[%select_n3A_278, %dma_start3A_346, %select_n3A_318, %mul3A_336] : memref<4x96x224x224xf32, #tpu.memory_space<hbm>> -> memref<1x96x1x112xf32, #tpu.memory_space<hbm>>
        %dma_start3A_348 = tpu.memref_squeeze %dma_start3A_347 : memref<1x96x1x112xf32, #tpu.memory_space<hbm>> -> memref<96x112xf32, #tpu.memory_space<hbm>>
        tpu.enqueue_dma source(%dma_start3A_348 : memref<96x112xf32, #tpu.memory_space<hbm>>) target(%dma_start3A_345 : memref<96x112xf32, #tpu.memory_space<vmem>>) target_semaphore(%arg37 : memref<!tpu.dma_semaphore, #tpu.memory_space<semaphore_mem>>)
      } else {
      }
      %dma_wait3A_221 = arith.constant 0 : i32
      %dma_wait3A_222 = arith.constant 0 : i32
      %dma_wait3A_223 = arith.constant 0 : i32
      %dma_wait3A_224 = arith.constant 0 : i32
      %dma_wait3A_225 = tpu.memref_slice %arg36[%dma_wait3A_223, %dma_wait3A_224] : memref<96x113xf32, #tpu.memory_space<vmem>> -> memref<96x112xf32, #tpu.memory_space<vmem>>
      %dma_wait3A_226 = arith.constant 0 : i32
      %dma_wait3A_227 = arith.constant 0 : i32
      %dma_wait3A_228 = tpu.memref_slice %arg2[%dma_wait3A_221, %dma_wait3A_226, %dma_wait3A_222, %dma_wait3A_227] : memref<4x96x224x224xf32, #tpu.memory_space<hbm>> -> memref<1x96x1x112xf32, #tpu.memory_space<hbm>>
      %dma_wait3A_229 = tpu.memref_squeeze %dma_wait3A_228 : memref<1x96x1x112xf32, #tpu.memory_space<hbm>> -> memref<96x112xf32, #tpu.memory_space<hbm>>
      %dma_wait3A_230 = arith.constant 0 : i32
      %dma_wait3A_231 = arith.constant 0 : i32
      %dma_wait3A_232 = tpu.memref_slice %arg36[%dma_wait3A_230, %dma_wait3A_231] : memref<96x113xf32, #tpu.memory_space<vmem>> -> memref<96x112xf32, #tpu.memory_space<vmem>>
      %dma_wait3A_233 = arith.constant 0 : i32
      %dma_wait3A_234 = arith.constant 0 : i32
      %dma_wait3A_235 = tpu.memref_slice %arg2[%dma_wait3A_221, %dma_wait3A_233, %dma_wait3A_222, %dma_wait3A_234] : memref<4x96x224x224xf32, #tpu.memory_space<hbm>> -> memref<1x96x1x112xf32, #tpu.memory_space<hbm>>
      %dma_wait3A_236 = tpu.memref_squeeze %dma_wait3A_235 : memref<1x96x1x112xf32, #tpu.memory_space<hbm>> -> memref<96x112xf32, #tpu.memory_space<hbm>>
      tpu.wait_dma2 semaphore(%arg38 : memref<!tpu.dma_semaphore, #tpu.memory_space<semaphore_mem>>) src(%dma_wait3A_236 : memref<96x112xf32, #tpu.memory_space<hbm>>) dst(%dma_wait3A_232 : memref<96x112xf32, #tpu.memory_space<vmem>>)
      %ge3A_237 = arith.constant 2 : i32
      %ge3A_238 = arith.cmpi sge, %add3A_213, %ge3A_237 : i32
      %convert_element_type3A_239 = arith.extui %ge3A_238 : i1 to i32
      %cond3A_240 = arith.constant 0 : i32
      %cond3A_241 = arith.cmpi ne, %convert_element_type3A_239, %cond3A_240 : i32
      scf.if %cond3A_241 {
        %dma_wait3A_252 = arith.constant 0 : i32
        %dma_wait3A_253 = arith.constant 0 : i32
        %dma_wait3A_254 = tpu.memref_slice %arg6[%dma_wait3A_252, %dma_wait3A_253] : memref<200704x96xf32, #tpu.memory_space<hbm>> -> memref<112x96xf32, #tpu.memory_space<hbm>>
        %dma_wait3A_255 = arith.constant 0 : i32
        %dma_wait3A_256 = arith.constant 0 : i32
        %dma_wait3A_257 = tpu.memref_slice %arg6[%dma_wait3A_255, %dma_wait3A_256] : memref<200704x96xf32, #tpu.memory_space<hbm>> -> memref<112x96xf32, #tpu.memory_space<hbm>>
        tpu.wait_dma2 semaphore(%arg40 : memref<!tpu.dma_semaphore, #tpu.memory_space<semaphore_mem>>) src(%arg28 : memref<112x96xf32, #tpu.memory_space<vmem>>) dst(%dma_wait3A_257 : memref<112x96xf32, #tpu.memory_space<hbm>>)
      } else {
      }
      %parallel_loop3A_242 = arith.constant 0 : i32
      %parallel_loop3A_243 = arith.constant 112 : i32
      %parallel_loop3A_244 = arith.constant 1 : i32
      scf.for %parallel_loop3A_252 = %parallel_loop3A_242 to %parallel_loop3A_243 step %parallel_loop3A_244  : i32 {
        %parallel_loop3A_253 = vector.broadcast %parallel_loop3A_252 : i32 to vector<16xi32>
        %parallel_loop3A_254 = arith.constant 0 : i32
        %parallel_loop3A_255 = vector.broadcast %parallel_loop3A_254 : i32 to vector<16xi32>
        %parallel_loop3A_256 = arith.addi %iota3A, %parallel_loop3A_255 : vector<16xi32>
        %parallel_loop3A_257 = tpu.vector_load_idx %arg36[%parallel_loop3A_256, %parallel_loop3A_253] : memref<96x113xf32, #tpu.memory_space<vmem>>[vector<16xi32>, vector<16xi32>], vector<16xf32>,
        %parallel_loop3A_258 = arith.index_cast %parallel_loop3A_252 : i32 to index
        %parallel_loop3A_259 = arith.constant 0 : index
        %parallel_loop3A_260 = tpu.vector_load %arg28[%parallel_loop3A_258, %parallel_loop3A_259] {strides = array<i32>} : memref<112x96xf32, #tpu.memory_space<vmem>>, vector<16xf32>,
        tpu.vector_store %arg28[%parallel_loop3A_258, %parallel_loop3A_259], %parallel_loop3A_257 {strides = array<i32>} : memref<112x96xf32, #tpu.memory_space<vmem>>, vector<16xf32>,
        %parallel_loop3A_261 = arith.constant 16 : i32
        %parallel_loop3A_262 = vector.broadcast %parallel_loop3A_261 : i32 to vector<16xi32>
        %parallel_loop3A_263 = arith.addi %iota3A, %parallel_loop3A_262 : vector<16xi32>
        %parallel_loop3A_264 = tpu.vector_load_idx %arg36[%parallel_loop3A_263, %parallel_loop3A_253] : memref<96x113xf32, #tpu.memory_space<vmem>>[vector<16xi32>, vector<16xi32>], vector<16xf32>,
        %parallel_loop3A_265 = arith.index_cast %parallel_loop3A_252 : i32 to index
        %parallel_loop3A_266 = arith.constant 16 : index
        %parallel_loop3A_267 = tpu.vector_load %arg28[%parallel_loop3A_265, %parallel_loop3A_266] {strides = array<i32>} : memref<112x96xf32, #tpu.memory_space<vmem>>, vector<16xf32>,
        tpu.vector_store %arg28[%parallel_loop3A_265, %parallel_loop3A_266], %parallel_loop3A_264 {strides = array<i32>} : memref<112x96xf32, #tpu.memory_space<vmem>>, vector<16xf32>,
        %parallel_loop3A_268 = arith.constant 32 : i32
        %parallel_loop3A_269 = vector.broadcast %parallel_loop3A_268 : i32 to vector<16xi32>
        %parallel_loop3A_270 = arith.addi %iota3A, %parallel_loop3A_269 : vector<16xi32>
        %parallel_loop3A_271 = tpu.vector_load_idx %arg36[%parallel_loop3A_270, %parallel_loop3A_253] : memref<96x113xf32, #tpu.memory_space<vmem>>[vector<16xi32>, vector<16xi32>], vector<16xf32>,
        %parallel_loop3A_272 = arith.index_cast %parallel_loop3A_252 : i32 to index
        %parallel_loop3A_273 = arith.constant 32 : index
        %parallel_loop3A_274 = tpu.vector_load %arg28[%parallel_loop3A_272, %parallel_loop3A_273] {strides = array<i32>} : memref<112x96xf32, #tpu.memory_space<vmem>>, vector<16xf32>,
        tpu.vector_store %arg28[%parallel_loop3A_272, %parallel_loop3A_273], %parallel_loop3A_271 {strides = array<i32>} : memref<112x96xf32, #tpu.memory_space<vmem>>, vector<16xf32>,
        %parallel_loop3A_275 = arith.constant 48 : i32
        %parallel_loop3A_276 = vector.broadcast %parallel_loop3A_275 : i32 to vector<16xi32>
        %parallel_loop3A_277 = arith.addi %iota3A, %parallel_loop3A_276 : vector<16xi32>
        %parallel_loop3A_278 = tpu.vector_load_idx %arg36[%parallel_loop3A_277, %parallel_loop3A_253] : memref<96x113xf32, #tpu.memory_space<vmem>>[vector<16xi32>, vector<16xi32>], vector<16xf32>,
        %parallel_loop3A_279 = arith.index_cast %parallel_loop3A_252 : i32 to index
        %parallel_loop3A_280 = arith.constant 48 : index
        %parallel_loop3A_281 = tpu.vector_load %arg28[%parallel_loop3A_279, %parallel_loop3A_280] {strides = array<i32>} : memref<112x96xf32, #tpu.memory_space<vmem>>, vector<16xf32>,
        tpu.vector_store %arg28[%parallel_loop3A_279, %parallel_loop3A_280], %parallel_loop3A_278 {strides = array<i32>} : memref<112x96xf32, #tpu.memory_space<vmem>>, vector<16xf32>,
        %parallel_loop3A_282 = arith.constant 64 : i32
        %parallel_loop3A_283 = vector.broadcast %parallel_loop3A_282 : i32 to vector<16xi32>
        %parallel_loop3A_284 = arith.addi %iota3A, %parallel_loop3A_283 : vector<16xi32>
        %parallel_loop3A_285 = tpu.vector_load_idx %arg36[%parallel_loop3A_284, %parallel_loop3A_253] : memref<96x113xf32, #tpu.memory_space<vmem>>[vector<16xi32>, vector<16xi32>], vector<16xf32>,
        %parallel_loop3A_286 = arith.index_cast %parallel_loop3A_252 : i32 to index
        %parallel_loop3A_287 = arith.constant 64 : index
        %parallel_loop3A_288 = tpu.vector_load %arg28[%parallel_loop3A_286, %parallel_loop3A_287] {strides = array<i32>} : memref<112x96xf32, #tpu.memory_space<vmem>>, vector<16xf32>,
        tpu.vector_store %arg28[%parallel_loop3A_286, %parallel_loop3A_287], %parallel_loop3A_285 {strides = array<i32>} : memref<112x96xf32, #tpu.memory_space<vmem>>, vector<16xf32>,
        %parallel_loop3A_289 = arith.constant 80 : i32
        %parallel_loop3A_290 = vector.broadcast %parallel_loop3A_289 : i32 to vector<16xi32>
        %parallel_loop3A_291 = arith.addi %iota3A, %parallel_loop3A_290 : vector<16xi32>
        %parallel_loop3A_292 = tpu.vector_load_idx %arg36[%parallel_loop3A_291, %parallel_loop3A_253] : memref<96x113xf32, #tpu.memory_space<vmem>>[vector<16xi32>, vector<16xi32>], vector<16xf32>,
        %parallel_loop3A_293 = arith.index_cast %parallel_loop3A_252 : i32 to index
        %parallel_loop3A_294 = arith.constant 80 : index
        %parallel_loop3A_295 = tpu.vector_load %arg28[%parallel_loop3A_293, %parallel_loop3A_294] {strides = array<i32>} : memref<112x96xf32, #tpu.memory_space<vmem>>, vector<16xf32>,
        tpu.vector_store %arg28[%parallel_loop3A_293, %parallel_loop3A_294], %parallel_loop3A_292 {strides = array<i32>} : memref<112x96xf32, #tpu.memory_space<vmem>>, vector<16xf32>,
      } {sc.loop_unroll_factor = 4 : i64, sc.parallel_access}
      %add3A_245 = arith.addi %mul3A_2, %add3A_213 : i32
      %mul3A_246 = arith.constant 112 : i32
      %mul3A_247 = arith.muli %add3A_245, %mul3A_246 : i32
      %dma_start3A_248 = arith.constant 0 : i32
      %dma_start3A_249 = tpu.memref_slice %arg6[%mul3A_247, %dma_start3A_248] : memref<200704x96xf32, #tpu.memory_space<hbm>> -> memref<112x96xf32, #tpu.memory_space<hbm>>
      %dma_start3A_250 = arith.constant 0 : i32
      %dma_start3A_251 = tpu.memref_slice %arg6[%mul3A_247, %dma_start3A_250] : memref<200704x96xf32, #tpu.memory_space<hbm>> -> memref<112x96xf32, #tpu.memory_space<hbm>>
      tpu.enqueue_dma source(%arg28 : memref<112x96xf32, #tpu.memory_space<vmem>>) target(%dma_start3A_251 : memref<112x96xf32, #tpu.memory_space<hbm>>) target_semaphore(%arg40 : memref<!tpu.dma_semaphore, #tpu.memory_space<semaphore_mem>>)
    }
    %scan3A_91 = arith.constant 28 : i32
    %dma_wait3A = arith.constant 0 : i32
    %dma_wait3A_92 = arith.constant 0 : i32
    %dma_wait3A_93 = tpu.memref_slice %arg6[%dma_wait3A, %dma_wait3A_92] : memref<200704x96xf32, #tpu.memory_space<hbm>> -> memref<112x96xf32, #tpu.memory_space<hbm>>
    %dma_wait3A_94 = arith.constant 0 : i32
    %dma_wait3A_95 = arith.constant 0 : i32
    %dma_wait3A_96 = tpu.memref_slice %arg6[%dma_wait3A_94, %dma_wait3A_95] : memref<200704x96xf32, #tpu.memory_space<hbm>> -> memref<112x96xf32, #tpu.memory_space<hbm>>
    tpu.wait_dma2 semaphore(%arg39 : memref<!tpu.dma_semaphore, #tpu.memory_space<semaphore_mem>>) src(%arg27 : memref<112x96xf32, #tpu.memory_space<vmem>>) dst(%dma_wait3A_96 : memref<112x96xf32, #tpu.memory_space<hbm>>)
    %dma_wait3A_97 = arith.constant 0 : i32
    %dma_wait3A_98 = arith.constant 0 : i32
    %dma_wait3A_99 = tpu.memref_slice %arg6[%dma_wait3A_97, %dma_wait3A_98] : memref<200704x96xf32, #tpu.memory_space<hbm>> -> memref<112x96xf32, #tpu.memory_space<hbm>>
    %dma_wait3A_100 = arith.constant 0 : i32
    %dma_wait3A_101 = arith.constant 0 : i32
    %dma_wait3A_102 = tpu.memref_slice %arg6[%dma_wait3A_100, %dma_wait3A_101] : memref<200704x96xf32, #tpu.memory_space<hbm>> -> memref<112x96xf32, #tpu.memory_space<hbm>>
    tpu.wait_dma2 semaphore(%arg40 : memref<!tpu.dma_semaphore, #tpu.memory_space<semaphore_mem>>) src(%arg28 : memref<112x96xf32, #tpu.memory_space<vmem>>) dst(%dma_wait3A_102 : memref<112x96xf32, #tpu.memory_space<hbm>>)
    %barrier3A = arith.constant 0 : index
    tpu.barrier barrier_id(%barrier3A)
    %mul3A_103 = arith.constant 6272 : i32
    %mul3A_104 = arith.muli %add3A, %mul3A_103 : i32
    %jit3A_105 = arith.constant 8 : i32
    %div3A_106 = arith.divsi %add3A, %jit3A_105 : i32
    %sign3A_107 = arith.constant 0 : i32
    %sign3A_108 = arith.cmpi sgt, %add3A, %sign3A_107 : i32
    %sign3A_109 = arith.extui %sign3A_108 : i1 to i32
    %sign3A_110 = arith.constant 0 : i32
    %sign3A_111 = arith.cmpi slt, %add3A, %sign3A_110 : i32
    %sign3A_112 = arith.extui %sign3A_111 : i1 to i32
    %sign3A_113 = arith.subi %sign3A_109, %sign3A_112 : i32
    %sign3A_114 = arith.constant 0 : i32
    %sign3A_115 = arith.cmpi sgt, %jit3A_105, %sign3A_114 : i32
    %sign3A_116 = arith.extui %sign3A_115 : i1 to i32
    %sign3A_117 = arith.constant 0 : i32
    %sign3A_118 = arith.cmpi slt, %jit3A_105, %sign3A_117 : i32
    %sign3A_119 = arith.extui %sign3A_118 : i1 to i32
    %sign3A_120 = arith.subi %sign3A_116, %sign3A_119 : i32
    %ne3A_121 = arith.cmpi ne, %sign3A_113, %sign3A_120 : i32
    %rem3A_122 = arith.remsi %add3A, %jit3A_105 : i32
    %ne3A_123 = arith.constant 0 : i32
    %ne3A_124 = arith.cmpi ne, %rem3A_122, %ne3A_123 : i32
    %and3A_125 = arith.andi %ne3A_121, %ne3A_124 : i1
    %sub3A_126 = arith.constant 1 : i32
    %sub3A_127 = arith.subi %div3A_106, %sub3A_126 : i32
    %select_n3A_128 = arith.select %and3A_125, %sub3A_127, %div3A_106 : i32
    %mul3A_129 = arith.constant 50176 : i32
    %mul3A_130 = arith.muli %select_n3A_128, %mul3A_129 : i32
    %jit3A_131 = arith.constant 8 : i32
    %eq3A_132 = arith.constant 0 : i32
    %eq3A_133 = arith.cmpi eq, %jit3A_131, %eq3A_132 : i32
    %jit3A_134 = arith.constant 1 : i32
    %select_n3A_135 = arith.select %eq3A_133, %jit3A_134, %jit3A_131 : i32
    %rem3A_136 = arith.remsi %add3A, %select_n3A_135 : i32
    %ne3A_137 = arith.constant 0 : i32
    %ne3A_138 = arith.cmpi ne, %rem3A_136, %ne3A_137 : i32
    %lt3A_139 = arith.constant 0 : i32
    %lt3A_140 = arith.cmpi slt, %rem3A_136, %lt3A_139 : i32
    %lt3A_141 = arith.constant 0 : i32
    %lt3A_142 = arith.cmpi slt, %select_n3A_135, %lt3A_141 : i32
    %ne3A_143 = arith.xori %lt3A_140, %lt3A_142 : i1
    %and3A_144 = arith.andi %ne3A_143, %ne3A_138 : i1
    %add3A_145 = arith.addi %rem3A_136, %select_n3A_135 : i32
    %select_n3A_146 = arith.select %and3A_144, %add3A_145, %rem3A_136 : i32
    %mul3A_147 = arith.constant 6272 : i32
    %mul3A_148 = arith.muli %select_n3A_146, %mul3A_147 : i32
    %add3A_149 = arith.constant 0 : i32
    %add3A_150 = arith.addi %mul3A_104, %add3A_149 : i32
    "tpu.region"() ({
      %run_scoped3A = tpu.sem_alloc : memref<!tpu.dma_semaphore, #tpu.memory_space<semaphore_mem>>
      %dma_start3A_170 = tpu.memref_slice %arg3[%add3A_150] : memref<200704xf32, #tpu.memory_space<hbm>> -> memref<112xf32, #tpu.memory_space<hbm>>
      %dma_start3A_171 = tpu.memref_slice %arg3[%add3A_150] : memref<200704xf32, #tpu.memory_space<hbm>> -> memref<112xf32, #tpu.memory_space<hbm>>
      tpu.enqueue_dma source(%dma_start3A_171 : memref<112xf32, #tpu.memory_space<hbm>>) target(%arg7 : memref<112xf32, #tpu.memory_space<vmem>>) target_semaphore(%run_scoped3A : memref<!tpu.dma_semaphore, #tpu.memory_space<semaphore_mem>>)
      %dma_wait3A_172 = tpu.memref_slice %arg3[%add3A_150] : memref<200704xf32, #tpu.memory_space<hbm>> -> memref<112xf32, #tpu.memory_space<hbm>>
      %dma_wait3A_173 = tpu.memref_slice %arg3[%add3A_150] : memref<200704xf32, #tpu.memory_space<hbm>> -> memref<112xf32, #tpu.memory_space<hbm>>
      tpu.wait_dma2 semaphore(%run_scoped3A : memref<!tpu.dma_semaphore, #tpu.memory_space<semaphore_mem>>) src(%dma_wait3A_173 : memref<112xf32, #tpu.memory_space<hbm>>) dst(%arg7 : memref<112xf32, #tpu.memory_space<vmem>>)
      tpu.yield
    }) : () -> ()
    "tpu.region"() ({
      %run_scoped3A = tpu.sem_alloc : memref<!tpu.dma_semaphore, #tpu.memory_space<semaphore_mem>>
      %dma_start3A_170 = tpu.memref_slice %arg4[%add3A_150] : memref<200704xf32, #tpu.memory_space<hbm>> -> memref<112xf32, #tpu.memory_space<hbm>>
      %dma_start3A_171 = tpu.memref_slice %arg4[%add3A_150] : memref<200704xf32, #tpu.memory_space<hbm>> -> memref<112xf32, #tpu.memory_space<hbm>>
      tpu.enqueue_dma source(%dma_start3A_171 : memref<112xf32, #tpu.memory_space<hbm>>) target(%arg9 : memref<112xf32, #tpu.memory_space<vmem>>) target_semaphore(%run_scoped3A : memref<!tpu.dma_semaphore, #tpu.memory_space<semaphore_mem>>)
      %dma_wait3A_172 = tpu.memref_slice %arg4[%add3A_150] : memref<200704xf32, #tpu.memory_space<hbm>> -> memref<112xf32, #tpu.memory_space<hbm>>
      %dma_wait3A_173 = tpu.memref_slice %arg4[%add3A_150] : memref<200704xf32, #tpu.memory_space<hbm>> -> memref<112xf32, #tpu.memory_space<hbm>>
      tpu.wait_dma2 semaphore(%run_scoped3A : memref<!tpu.dma_semaphore, #tpu.memory_space<semaphore_mem>>) src(%dma_wait3A_173 : memref<112xf32, #tpu.memory_space<hbm>>) dst(%arg9 : memref<112xf32, #tpu.memory_space<vmem>>)
      tpu.yield
    }) : () -> ()
    %parallel_loop3A = arith.constant 0 : i32
    %parallel_loop3A_151 = arith.constant 7 : i32
    %parallel_loop3A_152 = arith.constant 1 : i32
    scf.for %parallel_loop3A_170 = %parallel_loop3A to %parallel_loop3A_151 step %parallel_loop3A_152  : i32 {
      %parallel_loop3A_171 = arith.constant 16 : i32
      %parallel_loop3A_172 = arith.muli %parallel_loop3A_170, %parallel_loop3A_171 : i32
      %parallel_loop3A_173 = arith.index_cast %parallel_loop3A_172 : i32 to index
      %parallel_loop3A_174 = tpu.vector_load %arg7[%parallel_loop3A_173] {strides = array<i32>} : memref<112xf32, #tpu.memory_space<vmem>>, vector<16xf32>,
      %parallel_loop3A_175 = arith.index_cast %parallel_loop3A_172 : i32 to index
      %parallel_loop3A_176 = tpu.vector_load %arg9[%parallel_loop3A_175] {strides = array<i32>} : memref<112xf32, #tpu.memory_space<vmem>>, vector<16xf32>,
      %parallel_loop3A_177 = arith.constant 1.000000e+00 : f32
      %parallel_loop3A_178 = vector.broadcast %parallel_loop3A_177 : f32 to vector<16xf32>
      %parallel_loop3A_179 = arith.addf %parallel_loop3A_174, %parallel_loop3A_178 : vector<16xf32>
      %parallel_loop3A_180 = arith.constant 1.120000e+02 : f32
      %parallel_loop3A_181 = vector.broadcast %parallel_loop3A_180 : f32 to vector<16xf32>
      %parallel_loop3A_182 = arith.mulf %parallel_loop3A_179, %parallel_loop3A_181 : vector<16xf32>
      %parallel_loop3A_183 = arith.constant 5.000000e-01 : f32
      %parallel_loop3A_184 = vector.broadcast %parallel_loop3A_183 : f32 to vector<16xf32>
      %parallel_loop3A_185 = arith.subf %parallel_loop3A_182, %parallel_loop3A_184 : vector<16xf32>
      %parallel_loop3A_186 = arith.constant 1.000000e+00 : f32
      %parallel_loop3A_187 = vector.broadcast %parallel_loop3A_186 : f32 to vector<16xf32>
      %parallel_loop3A_188 = arith.addf %parallel_loop3A_176, %parallel_loop3A_187 : vector<16xf32>
      %parallel_loop3A_189 = arith.constant 1.120000e+02 : f32
      %parallel_loop3A_190 = vector.broadcast %parallel_loop3A_189 : f32 to vector<16xf32>
      %parallel_loop3A_191 = arith.mulf %parallel_loop3A_188, %parallel_loop3A_190 : vector<16xf32>
      %parallel_loop3A_192 = arith.constant 5.000000e-01 : f32
      %parallel_loop3A_193 = vector.broadcast %parallel_loop3A_192 : f32 to vector<16xf32>
      %parallel_loop3A_194 = arith.subf %parallel_loop3A_191, %parallel_loop3A_193 : vector<16xf32>
      %parallel_loop3A_195 = arith.fptosi %parallel_loop3A_185 : vector<16xf32> to vector<16xi32>
      %parallel_loop3A_196 = arith.sitofp %parallel_loop3A_195 : vector<16xi32> to vector<16xf32>
      %parallel_loop3A_197 = arith.cmpf ogt, %parallel_loop3A_196, %parallel_loop3A_185 : vector<16xf32>
      %parallel_loop3A_198 = arith.constant 1 : i32
      %parallel_loop3A_199 = arith.constant 0 : i32
      %parallel_loop3A_200 = vector.broadcast %parallel_loop3A_198 : i32 to vector<16xi32>
      %parallel_loop3A_201 = vector.broadcast %parallel_loop3A_199 : i32 to vector<16xi32>
      %parallel_loop3A_202 = arith.select %parallel_loop3A_197, %parallel_loop3A_200, %parallel_loop3A_201 : vector<16xi1>, vector<16xi32>
      %parallel_loop3A_203 = arith.subi %parallel_loop3A_195, %parallel_loop3A_202 : vector<16xi32>
      %parallel_loop3A_204 = arith.fptosi %parallel_loop3A_194 : vector<16xf32> to vector<16xi32>
      %parallel_loop3A_205 = arith.sitofp %parallel_loop3A_204 : vector<16xi32> to vector<16xf32>
      %parallel_loop3A_206 = arith.cmpf ogt, %parallel_loop3A_205, %parallel_loop3A_194 : vector<16xf32>
      %parallel_loop3A_207 = arith.constant 1 : i32
      %parallel_loop3A_208 = arith.constant 0 : i32
      %parallel_loop3A_209 = vector.broadcast %parallel_loop3A_207 : i32 to vector<16xi32>
      %parallel_loop3A_210 = vector.broadcast %parallel_loop3A_208 : i32 to vector<16xi32>
      %parallel_loop3A_211 = arith.select %parallel_loop3A_206, %parallel_loop3A_209, %parallel_loop3A_210 : vector<16xi1>, vector<16xi32>
      %parallel_loop3A_212 = arith.subi %parallel_loop3A_204, %parallel_loop3A_211 : vector<16xi32>
      %parallel_loop3A_213 = arith.sitofp %parallel_loop3A_203 : vector<16xi32> to vector<16xf32>
      %parallel_loop3A_214 = arith.subf %parallel_loop3A_185, %parallel_loop3A_213 : vector<16xf32>
      %parallel_loop3A_215 = arith.sitofp %parallel_loop3A_212 : vector<16xi32> to vector<16xf32>
      %parallel_loop3A_216 = arith.subf %parallel_loop3A_194, %parallel_loop3A_215 : vector<16xf32>
      %parallel_loop3A_217 = arith.constant 0 : i32
      %parallel_loop3A_218 = vector.broadcast %parallel_loop3A_217 : i32 to vector<16xi32>
      %parallel_loop3A_219 = arith.cmpi sge, %parallel_loop3A_203, %parallel_loop3A_218 : vector<16xi32>
      %parallel_loop3A_220 = arith.constant 223 : i32
      %parallel_loop3A_221 = vector.broadcast %parallel_loop3A_220 : i32 to vector<16xi32>
      %parallel_loop3A_222 = arith.cmpi sle, %parallel_loop3A_203, %parallel_loop3A_221 : vector<16xi32>
      %parallel_loop3A_223 = arith.andi %parallel_loop3A_219, %parallel_loop3A_222 : vector<16xi1>
      %parallel_loop3A_224 = arith.constant -1 : i32
      %parallel_loop3A_225 = vector.broadcast %parallel_loop3A_224 : i32 to vector<16xi32>
      %parallel_loop3A_226 = arith.cmpi sge, %parallel_loop3A_203, %parallel_loop3A_225 : vector<16xi32>
      %parallel_loop3A_227 = arith.constant 222 : i32
      %parallel_loop3A_228 = vector.broadcast %parallel_loop3A_227 : i32 to vector<16xi32>
      %parallel_loop3A_229 = arith.cmpi sle, %parallel_loop3A_203, %parallel_loop3A_228 : vector<16xi32>
      %parallel_loop3A_230 = arith.andi %parallel_loop3A_226, %parallel_loop3A_229 : vector<16xi1>
      %parallel_loop3A_231 = arith.constant 0 : i32
      %parallel_loop3A_232 = vector.broadcast %parallel_loop3A_231 : i32 to vector<16xi32>
      %parallel_loop3A_233 = arith.cmpi sge, %parallel_loop3A_212, %parallel_loop3A_232 : vector<16xi32>
      %parallel_loop3A_234 = arith.constant 223 : i32
      %parallel_loop3A_235 = vector.broadcast %parallel_loop3A_234 : i32 to vector<16xi32>
      %parallel_loop3A_236 = arith.cmpi sle, %parallel_loop3A_212, %parallel_loop3A_235 : vector<16xi32>
      %parallel_loop3A_237 = arith.andi %parallel_loop3A_233, %parallel_loop3A_236 : vector<16xi1>
      %parallel_loop3A_238 = arith.constant -1 : i32
      %parallel_loop3A_239 = vector.broadcast %parallel_loop3A_238 : i32 to vector<16xi32>
      %parallel_loop3A_240 = arith.cmpi sge, %parallel_loop3A_212, %parallel_loop3A_239 : vector<16xi32>
      %parallel_loop3A_241 = arith.constant 222 : i32
      %parallel_loop3A_242 = vector.broadcast %parallel_loop3A_241 : i32 to vector<16xi32>
      %parallel_loop3A_243 = arith.cmpi sle, %parallel_loop3A_212, %parallel_loop3A_242 : vector<16xi32>
      %parallel_loop3A_244 = arith.andi %parallel_loop3A_240, %parallel_loop3A_243 : vector<16xi1>
      %parallel_loop3A_245 = arith.constant 0.000000e+00 : f32
      %parallel_loop3A_246 = vector.broadcast %parallel_loop3A_245 : f32 to vector<16xf32>
      %parallel_loop3A_247 = arith.constant 1.000000e+00 : f32
      %parallel_loop3A_248 = vector.broadcast %parallel_loop3A_247 : f32 to vector<16xf32>
      %parallel_loop3A_249 = arith.subf %parallel_loop3A_248, %parallel_loop3A_214 : vector<16xf32>
      %parallel_loop3A_250 = arith.select %parallel_loop3A_223, %parallel_loop3A_249, %parallel_loop3A_246 : vector<16xi1>, vector<16xf32>
      %parallel_loop3A_251 = arith.select %parallel_loop3A_230, %parallel_loop3A_214, %parallel_loop3A_246 : vector<16xi1>, vector<16xf32>
      %parallel_loop3A_252 = arith.constant 1.000000e+00 : f32
      %parallel_loop3A_253 = vector.broadcast %parallel_loop3A_252 : f32 to vector<16xf32>
      %parallel_loop3A_254 = arith.subf %parallel_loop3A_253, %parallel_loop3A_216 : vector<16xf32>
      %parallel_loop3A_255 = arith.select %parallel_loop3A_237, %parallel_loop3A_254, %parallel_loop3A_246 : vector<16xi1>, vector<16xf32>
      %parallel_loop3A_256 = arith.select %parallel_loop3A_244, %parallel_loop3A_216, %parallel_loop3A_246 : vector<16xi1>, vector<16xf32>
      %parallel_loop3A_257 = arith.constant 0 : i32
      %parallel_loop3A_258 = arith.constant 223 : i32
      %parallel_loop3A_259 = vector.broadcast %parallel_loop3A_257 : i32 to vector<16xi32>
      %parallel_loop3A_260 = arith.maxsi %parallel_loop3A_259, %parallel_loop3A_203 : vector<16xi32>
      %parallel_loop3A_261 = vector.broadcast %parallel_loop3A_258 : i32 to vector<16xi32>
      %parallel_loop3A_262 = arith.minsi %parallel_loop3A_261, %parallel_loop3A_260 : vector<16xi32>
      %parallel_loop3A_263 = arith.constant 1 : i32
      %parallel_loop3A_264 = vector.broadcast %parallel_loop3A_263 : i32 to vector<16xi32>
      %parallel_loop3A_265 = arith.addi %parallel_loop3A_203, %parallel_loop3A_264 : vector<16xi32>
      %parallel_loop3A_266 = arith.constant 0 : i32
      %parallel_loop3A_267 = arith.constant 223 : i32
      %parallel_loop3A_268 = vector.broadcast %parallel_loop3A_266 : i32 to vector<16xi32>
      %parallel_loop3A_269 = arith.maxsi %parallel_loop3A_268, %parallel_loop3A_265 : vector<16xi32>
      %parallel_loop3A_270 = vector.broadcast %parallel_loop3A_267 : i32 to vector<16xi32>
      %parallel_loop3A_271 = arith.minsi %parallel_loop3A_270, %parallel_loop3A_269 : vector<16xi32>
      %parallel_loop3A_272 = arith.constant 0 : i32
      %parallel_loop3A_273 = arith.constant 223 : i32
      %parallel_loop3A_274 = vector.broadcast %parallel_loop3A_272 : i32 to vector<16xi32>
      %parallel_loop3A_275 = arith.maxsi %parallel_loop3A_274, %parallel_loop3A_212 : vector<16xi32>
      %parallel_loop3A_276 = vector.broadcast %parallel_loop3A_273 : i32 to vector<16xi32>
      %parallel_loop3A_277 = arith.minsi %parallel_loop3A_276, %parallel_loop3A_275 : vector<16xi32>
      %parallel_loop3A_278 = arith.constant 224 : i32
      %parallel_loop3A_279 = vector.broadcast %parallel_loop3A_278 : i32 to vector<16xi32>
      %parallel_loop3A_280 = arith.muli %parallel_loop3A_277, %parallel_loop3A_279 : vector<16xi32>
      %parallel_loop3A_281 = vector.broadcast %mul3A_130 : i32 to vector<16xi32>
      %parallel_loop3A_282 = arith.addi %parallel_loop3A_281, %parallel_loop3A_280 : vector<16xi32>
      %parallel_loop3A_283 = arith.constant 1 : i32
      %parallel_loop3A_284 = vector.broadcast %parallel_loop3A_283 : i32 to vector<16xi32>
      %parallel_loop3A_285 = arith.addi %parallel_loop3A_212, %parallel_loop3A_284 : vector<16xi32>
      %parallel_loop3A_286 = arith.constant 0 : i32
      %parallel_loop3A_287 = arith.constant 223 : i32
      %parallel_loop3A_288 = vector.broadcast %parallel_loop3A_286 : i32 to vector<16xi32>
      %parallel_loop3A_289 = arith.maxsi %parallel_loop3A_288, %parallel_loop3A_285 : vector<16xi32>
      %parallel_loop3A_290 = vector.broadcast %parallel_loop3A_287 : i32 to vector<16xi32>
      %parallel_loop3A_291 = arith.minsi %parallel_loop3A_290, %parallel_loop3A_289 : vector<16xi32>
      %parallel_loop3A_292 = arith.constant 224 : i32
      %parallel_loop3A_293 = vector.broadcast %parallel_loop3A_292 : i32 to vector<16xi32>
      %parallel_loop3A_294 = arith.muli %parallel_loop3A_291, %parallel_loop3A_293 : vector<16xi32>
      %parallel_loop3A_295 = vector.broadcast %mul3A_130 : i32 to vector<16xi32>
      %parallel_loop3A_296 = arith.addi %parallel_loop3A_295, %parallel_loop3A_294 : vector<16xi32>
      %parallel_loop3A_297 = arith.addi %parallel_loop3A_282, %parallel_loop3A_262 : vector<16xi32>
      %parallel_loop3A_298 = arith.index_cast %parallel_loop3A_172 : i32 to index
      %parallel_loop3A_299 = tpu.vector_load %arg11[%parallel_loop3A_298] {strides = array<i32>} : memref<112xi32, #tpu.memory_space<vmem>>, vector<16xi32>,
      tpu.vector_store %arg11[%parallel_loop3A_298], %parallel_loop3A_297 {strides = array<i32>} : memref<112xi32, #tpu.memory_space<vmem>>, vector<16xi32>,
      %parallel_loop3A_300 = arith.addi %parallel_loop3A_282, %parallel_loop3A_271 : vector<16xi32>
      %parallel_loop3A_301 = arith.index_cast %parallel_loop3A_172 : i32 to index
      %parallel_loop3A_302 = tpu.vector_load %arg13[%parallel_loop3A_301] {strides = array<i32>} : memref<112xi32, #tpu.memory_space<vmem>>, vector<16xi32>,
      tpu.vector_store %arg13[%parallel_loop3A_301], %parallel_loop3A_300 {strides = array<i32>} : memref<112xi32, #tpu.memory_space<vmem>>, vector<16xi32>,
      %parallel_loop3A_303 = arith.addi %parallel_loop3A_296, %parallel_loop3A_262 : vector<16xi32>
      %parallel_loop3A_304 = arith.index_cast %parallel_loop3A_172 : i32 to index
      %parallel_loop3A_305 = tpu.vector_load %arg15[%parallel_loop3A_304] {strides = array<i32>} : memref<112xi32, #tpu.memory_space<vmem>>, vector<16xi32>,
      tpu.vector_store %arg15[%parallel_loop3A_304], %parallel_loop3A_303 {strides = array<i32>} : memref<112xi32, #tpu.memory_space<vmem>>, vector<16xi32>,
      %parallel_loop3A_306 = arith.addi %parallel_loop3A_296, %parallel_loop3A_271 : vector<16xi32>
      %parallel_loop3A_307 = arith.index_cast %parallel_loop3A_172 : i32 to index
      %parallel_loop3A_308 = tpu.vector_load %arg17[%parallel_loop3A_307] {strides = array<i32>} : memref<112xi32, #tpu.memory_space<vmem>>, vector<16xi32>,
      tpu.vector_store %arg17[%parallel_loop3A_307], %parallel_loop3A_306 {strides = array<i32>} : memref<112xi32, #tpu.memory_space<vmem>>, vector<16xi32>,
      %parallel_loop3A_309 = arith.mulf %parallel_loop3A_255, %parallel_loop3A_250 : vector<16xf32>
      %parallel_loop3A_310 = arith.index_cast %parallel_loop3A_172 : i32 to index
      %parallel_loop3A_311 = tpu.vector_load %arg19[%parallel_loop3A_310] {strides = array<i32>} : memref<112xf32, #tpu.memory_space<vmem>>, vector<16xf32>,
      tpu.vector_store %arg19[%parallel_loop3A_310], %parallel_loop3A_309 {strides = array<i32>} : memref<112xf32, #tpu.memory_space<vmem>>, vector<16xf32>,
      %parallel_loop3A_312 = arith.mulf %parallel_loop3A_255, %parallel_loop3A_251 : vector<16xf32>
      %parallel_loop3A_313 = arith.index_cast %parallel_loop3A_172 : i32 to index
      %parallel_loop3A_314 = tpu.vector_load %arg21[%parallel_loop3A_313] {strides = array<i32>} : memref<112xf32, #tpu.memory_space<vmem>>, vector<16xf32>,
      tpu.vector_store %arg21[%parallel_loop3A_313], %parallel_loop3A_312 {strides = array<i32>} : memref<112xf32, #tpu.memory_space<vmem>>, vector<16xf32>,
      %parallel_loop3A_315 = arith.mulf %parallel_loop3A_256, %parallel_loop3A_250 : vector<16xf32>
      %parallel_loop3A_316 = arith.index_cast %parallel_loop3A_172 : i32 to index
      %parallel_loop3A_317 = tpu.vector_load %arg23[%parallel_loop3A_316] {strides = array<i32>} : memref<112xf32, #tpu.memory_space<vmem>>, vector<16xf32>,
      tpu.vector_store %arg23[%parallel_loop3A_316], %parallel_loop3A_315 {strides = array<i32>} : memref<112xf32, #tpu.memory_space<vmem>>, vector<16xf32>,
      %parallel_loop3A_318 = arith.mulf %parallel_loop3A_256, %parallel_loop3A_251 : vector<16xf32>
      %parallel_loop3A_319 = arith.index_cast %parallel_loop3A_172 : i32 to index
      %parallel_loop3A_320 = tpu.vector_load %arg25[%parallel_loop3A_319] {strides = array<i32>} : memref<112xf32, #tpu.memory_space<vmem>>, vector<16xf32>,
      tpu.vector_store %arg25[%parallel_loop3A_319], %parallel_loop3A_318 {strides = array<i32>} : memref<112xf32, #tpu.memory_space<vmem>>, vector<16xf32>,
    } {sc.loop_unroll_factor = 1 : i64, sc.parallel_access}
    %dma_start3A_153 = arith.constant 0 : i32
    %dma_start3A_154 = arith.constant 0 : i32
    %dma_start3A_155 = tpu.memref_slice %arg6[%dma_start3A_153, %dma_start3A_154] : memref<200704x96xf32, #tpu.memory_space<hbm>> -> memref<200704x96xf32, #tpu.memory_space<hbm>>
    tpu.enqueue_indirect_dma source(%dma_start3A_155 : memref<200704x96xf32, #tpu.memory_space<hbm>>) target(%arg27 : memref<112x96xf32, #tpu.memory_space<vmem>>) offsets(%arg11 : memref<112xi32, #tpu.memory_space<vmem>>) semaphore(%arg37 : memref<!tpu.dma_semaphore, #tpu.memory_space<semaphore_mem>>)
    %dma_start3A_156 = arith.constant 0 : i32
    %dma_start3A_157 = arith.constant 0 : i32
    %dma_start3A_158 = tpu.memref_slice %arg6[%dma_start3A_156, %dma_start3A_157] : memref<200704x96xf32, #tpu.memory_space<hbm>> -> memref<200704x96xf32, #tpu.memory_space<hbm>>
    tpu.enqueue_indirect_dma source(%dma_start3A_158 : memref<200704x96xf32, #tpu.memory_space<hbm>>) target(%arg29 : memref<112x96xf32, #tpu.memory_space<vmem>>) offsets(%arg13 : memref<112xi32, #tpu.memory_space<vmem>>) semaphore(%arg37 : memref<!tpu.dma_semaphore, #tpu.memory_space<semaphore_mem>>)
    %dma_start3A_159 = arith.constant 0 : i32
    %dma_start3A_160 = arith.constant 0 : i32
    %dma_start3A_161 = tpu.memref_slice %arg6[%dma_start3A_159, %dma_start3A_160] : memref<200704x96xf32, #tpu.memory_space<hbm>> -> memref<200704x96xf32, #tpu.memory_space<hbm>>
    tpu.enqueue_indirect_dma source(%dma_start3A_161 : memref<200704x96xf32, #tpu.memory_space<hbm>>) target(%arg31 : memref<112x96xf32, #tpu.memory_space<vmem>>) offsets(%arg15 : memref<112xi32, #tpu.memory_space<vmem>>) semaphore(%arg37 : memref<!tpu.dma_semaphore, #tpu.memory_space<semaphore_mem>>)
    %dma_start3A_162 = arith.constant 0 : i32
    %dma_start3A_163 = arith.constant 0 : i32
    %dma_start3A_164 = tpu.memref_slice %arg6[%dma_start3A_162, %dma_start3A_163] : memref<200704x96xf32, #tpu.memory_space<hbm>> -> memref<200704x96xf32, #tpu.memory_space<hbm>>
    tpu.enqueue_indirect_dma source(%dma_start3A_164 : memref<200704x96xf32, #tpu.memory_space<hbm>>) target(%arg33 : memref<112x96xf32, #tpu.memory_space<vmem>>) offsets(%arg17 : memref<112xi32, #tpu.memory_space<vmem>>) semaphore(%arg37 : memref<!tpu.dma_semaphore, #tpu.memory_space<semaphore_mem>>)
    %scan3A_165 = arith.constant 0 : i32
    %scan3A_166 = arith.constant 28 : i32
    %scan3A_167 = arith.addi %scan3A_165, %scan3A_166 : i32
    %scan3A_168 = arith.constant 1 : i32
    scf.for %scan3A_170 = %scan3A_165 to %scan3A_167 step %scan3A_168  : i32 {
      %mul3A_171 = arith.constant 2 : i32
      %mul3A_172 = arith.muli %scan3A_170, %mul3A_171 : i32
      %add3A_173 = arith.constant 0 : i32
      %add3A_174 = arith.addi %add3A_173, %mul3A_172 : i32
      %add3A_175 = arith.constant 0 : i32
      %add3A_176 = arith.addi %add3A_174, %add3A_175 : i32
      %add3A_177 = arith.constant 1 : i32
      %add3A_178 = arith.addi %add3A_176, %add3A_177 : i32
      %lt3A_179 = arith.constant 56 : i32
      %lt3A_180 = arith.cmpi slt, %add3A_178, %lt3A_179 : i32
      %convert_element_type3A = arith.extui %lt3A_180 : i1 to i32
      %cond3A = arith.constant 0 : i32
      %cond3A_181 = arith.cmpi ne, %convert_element_type3A, %cond3A : i32
      scf.if %cond3A_181 {
        %add3A_343 = arith.constant 1 : i32
        %add3A_344 = arith.addi %add3A_176, %add3A_343 : i32
        %mul3A_345 = arith.constant 112 : i32
        %mul3A_346 = arith.muli %add3A_344, %mul3A_345 : i32
        %add3A_347 = arith.addi %mul3A_104, %mul3A_346 : i32
        "tpu.region"() ({
          %run_scoped3A = tpu.sem_alloc : memref<!tpu.dma_semaphore, #tpu.memory_space<semaphore_mem>>
          %dma_start3A_363 = tpu.memref_slice %arg3[%add3A_347] : memref<200704xf32, #tpu.memory_space<hbm>> -> memref<112xf32, #tpu.memory_space<hbm>>
          %dma_start3A_364 = tpu.memref_slice %arg3[%add3A_347] : memref<200704xf32, #tpu.memory_space<hbm>> -> memref<112xf32, #tpu.memory_space<hbm>>
          tpu.enqueue_dma source(%dma_start3A_364 : memref<112xf32, #tpu.memory_space<hbm>>) target(%arg8 : memref<112xf32, #tpu.memory_space<vmem>>) target_semaphore(%run_scoped3A : memref<!tpu.dma_semaphore, #tpu.memory_space<semaphore_mem>>)
          %dma_wait3A_365 = tpu.memref_slice %arg3[%add3A_347] : memref<200704xf32, #tpu.memory_space<hbm>> -> memref<112xf32, #tpu.memory_space<hbm>>
          %dma_wait3A_366 = tpu.memref_slice %arg3[%add3A_347] : memref<200704xf32, #tpu.memory_space<hbm>> -> memref<112xf32, #tpu.memory_space<hbm>>
          tpu.wait_dma2 semaphore(%run_scoped3A : memref<!tpu.dma_semaphore, #tpu.memory_space<semaphore_mem>>) src(%dma_wait3A_366 : memref<112xf32, #tpu.memory_space<hbm>>) dst(%arg8 : memref<112xf32, #tpu.memory_space<vmem>>)
          tpu.yield
        }) : () -> ()
        "tpu.region"() ({
          %run_scoped3A = tpu.sem_alloc : memref<!tpu.dma_semaphore, #tpu.memory_space<semaphore_mem>>
          %dma_start3A_363 = tpu.memref_slice %arg4[%add3A_347] : memref<200704xf32, #tpu.memory_space<hbm>> -> memref<112xf32, #tpu.memory_space<hbm>>
          %dma_start3A_364 = tpu.memref_slice %arg4[%add3A_347] : memref<200704xf32, #tpu.memory_space<hbm>> -> memref<112xf32, #tpu.memory_space<hbm>>
          tpu.enqueue_dma source(%dma_start3A_364 : memref<112xf32, #tpu.memory_space<hbm>>) target(%arg10 : memref<112xf32, #tpu.memory_space<vmem>>) target_semaphore(%run_scoped3A : memref<!tpu.dma_semaphore, #tpu.memory_space<semaphore_mem>>)
          %dma_wait3A_365 = tpu.memref_slice %arg4[%add3A_347] : memref<200704xf32, #tpu.memory_space<hbm>> -> memref<112xf32, #tpu.memory_space<hbm>>
          %dma_wait3A_366 = tpu.memref_slice %arg4[%add3A_347] : memref<200704xf32, #tpu.memory_space<hbm>> -> memref<112xf32, #tpu.memory_space<hbm>>
          tpu.wait_dma2 semaphore(%run_scoped3A : memref<!tpu.dma_semaphore, #tpu.memory_space<semaphore_mem>>) src(%dma_wait3A_366 : memref<112xf32, #tpu.memory_space<hbm>>) dst(%arg10 : memref<112xf32, #tpu.memory_space<vmem>>)
          tpu.yield
        }) : () -> ()
        %parallel_loop3A_348 = arith.constant 0 : i32
        %parallel_loop3A_349 = arith.constant 7 : i32
        %parallel_loop3A_350 = arith.constant 1 : i32
        scf.for %parallel_loop3A_363 = %parallel_loop3A_348 to %parallel_loop3A_349 step %parallel_loop3A_350  : i32 {
          %parallel_loop3A_364 = arith.constant 16 : i32
          %parallel_loop3A_365 = arith.muli %parallel_loop3A_363, %parallel_loop3A_364 : i32
          %parallel_loop3A_366 = arith.index_cast %parallel_loop3A_365 : i32 to index
          %parallel_loop3A_367 = tpu.vector_load %arg8[%parallel_loop3A_366] {strides = array<i32>} : memref<112xf32, #tpu.memory_space<vmem>>, vector<16xf32>,
          %parallel_loop3A_368 = arith.index_cast %parallel_loop3A_365 : i32 to index
          %parallel_loop3A_369 = tpu.vector_load %arg10[%parallel_loop3A_368] {strides = array<i32>} : memref<112xf32, #tpu.memory_space<vmem>>, vector<16xf32>,
          %parallel_loop3A_370 = arith.constant 1.000000e+00 : f32
          %parallel_loop3A_371 = vector.broadcast %parallel_loop3A_370 : f32 to vector<16xf32>
          %parallel_loop3A_372 = arith.addf %parallel_loop3A_367, %parallel_loop3A_371 : vector<16xf32>
          %parallel_loop3A_373 = arith.constant 1.120000e+02 : f32
          %parallel_loop3A_374 = vector.broadcast %parallel_loop3A_373 : f32 to vector<16xf32>
          %parallel_loop3A_375 = arith.mulf %parallel_loop3A_372, %parallel_loop3A_374 : vector<16xf32>
          %parallel_loop3A_376 = arith.constant 5.000000e-01 : f32
          %parallel_loop3A_377 = vector.broadcast %parallel_loop3A_376 : f32 to vector<16xf32>
          %parallel_loop3A_378 = arith.subf %parallel_loop3A_375, %parallel_loop3A_377 : vector<16xf32>
          %parallel_loop3A_379 = arith.constant 1.000000e+00 : f32
          %parallel_loop3A_380 = vector.broadcast %parallel_loop3A_379 : f32 to vector<16xf32>
          %parallel_loop3A_381 = arith.addf %parallel_loop3A_369, %parallel_loop3A_380 : vector<16xf32>
          %parallel_loop3A_382 = arith.constant 1.120000e+02 : f32
          %parallel_loop3A_383 = vector.broadcast %parallel_loop3A_382 : f32 to vector<16xf32>
          %parallel_loop3A_384 = arith.mulf %parallel_loop3A_381, %parallel_loop3A_383 : vector<16xf32>
          %parallel_loop3A_385 = arith.constant 5.000000e-01 : f32
          %parallel_loop3A_386 = vector.broadcast %parallel_loop3A_385 : f32 to vector<16xf32>
          %parallel_loop3A_387 = arith.subf %parallel_loop3A_384, %parallel_loop3A_386 : vector<16xf32>
          %parallel_loop3A_388 = arith.fptosi %parallel_loop3A_378 : vector<16xf32> to vector<16xi32>
          %parallel_loop3A_389 = arith.sitofp %parallel_loop3A_388 : vector<16xi32> to vector<16xf32>
          %parallel_loop3A_390 = arith.cmpf ogt, %parallel_loop3A_389, %parallel_loop3A_378 : vector<16xf32>
          %parallel_loop3A_391 = arith.constant 1 : i32
          %parallel_loop3A_392 = arith.constant 0 : i32
          %parallel_loop3A_393 = vector.broadcast %parallel_loop3A_391 : i32 to vector<16xi32>
          %parallel_loop3A_394 = vector.broadcast %parallel_loop3A_392 : i32 to vector<16xi32>
          %parallel_loop3A_395 = arith.select %parallel_loop3A_390, %parallel_loop3A_393, %parallel_loop3A_394 : vector<16xi1>, vector<16xi32>
          %parallel_loop3A_396 = arith.subi %parallel_loop3A_388, %parallel_loop3A_395 : vector<16xi32>
          %parallel_loop3A_397 = arith.fptosi %parallel_loop3A_387 : vector<16xf32> to vector<16xi32>
          %parallel_loop3A_398 = arith.sitofp %parallel_loop3A_397 : vector<16xi32> to vector<16xf32>
          %parallel_loop3A_399 = arith.cmpf ogt, %parallel_loop3A_398, %parallel_loop3A_387 : vector<16xf32>
          %parallel_loop3A_400 = arith.constant 1 : i32
          %parallel_loop3A_401 = arith.constant 0 : i32
          %parallel_loop3A_402 = vector.broadcast %parallel_loop3A_400 : i32 to vector<16xi32>
          %parallel_loop3A_403 = vector.broadcast %parallel_loop3A_401 : i32 to vector<16xi32>
          %parallel_loop3A_404 = arith.select %parallel_loop3A_399, %parallel_loop3A_402, %parallel_loop3A_403 : vector<16xi1>, vector<16xi32>
          %parallel_loop3A_405 = arith.subi %parallel_loop3A_397, %parallel_loop3A_404 : vector<16xi32>
          %parallel_loop3A_406 = arith.sitofp %parallel_loop3A_396 : vector<16xi32> to vector<16xf32>
          %parallel_loop3A_407 = arith.subf %parallel_loop3A_378, %parallel_loop3A_406 : vector<16xf32>
          %parallel_loop3A_408 = arith.sitofp %parallel_loop3A_405 : vector<16xi32> to vector<16xf32>
          %parallel_loop3A_409 = arith.subf %parallel_loop3A_387, %parallel_loop3A_408 : vector<16xf32>
          %parallel_loop3A_410 = arith.constant 0 : i32
          %parallel_loop3A_411 = vector.broadcast %parallel_loop3A_410 : i32 to vector<16xi32>
          %parallel_loop3A_412 = arith.cmpi sge, %parallel_loop3A_396, %parallel_loop3A_411 : vector<16xi32>
          %parallel_loop3A_413 = arith.constant 223 : i32
          %parallel_loop3A_414 = vector.broadcast %parallel_loop3A_413 : i32 to vector<16xi32>
          %parallel_loop3A_415 = arith.cmpi sle, %parallel_loop3A_396, %parallel_loop3A_414 : vector<16xi32>
          %parallel_loop3A_416 = arith.andi %parallel_loop3A_412, %parallel_loop3A_415 : vector<16xi1>
          %parallel_loop3A_417 = arith.constant -1 : i32
          %parallel_loop3A_418 = vector.broadcast %parallel_loop3A_417 : i32 to vector<16xi32>
          %parallel_loop3A_419 = arith.cmpi sge, %parallel_loop3A_396, %parallel_loop3A_418 : vector<16xi32>
          %parallel_loop3A_420 = arith.constant 222 : i32
          %parallel_loop3A_421 = vector.broadcast %parallel_loop3A_420 : i32 to vector<16xi32>
          %parallel_loop3A_422 = arith.cmpi sle, %parallel_loop3A_396, %parallel_loop3A_421 : vector<16xi32>
          %parallel_loop3A_423 = arith.andi %parallel_loop3A_419, %parallel_loop3A_422 : vector<16xi1>
          %parallel_loop3A_424 = arith.constant 0 : i32
          %parallel_loop3A_425 = vector.broadcast %parallel_loop3A_424 : i32 to vector<16xi32>
          %parallel_loop3A_426 = arith.cmpi sge, %parallel_loop3A_405, %parallel_loop3A_425 : vector<16xi32>
          %parallel_loop3A_427 = arith.constant 223 : i32
          %parallel_loop3A_428 = vector.broadcast %parallel_loop3A_427 : i32 to vector<16xi32>
          %parallel_loop3A_429 = arith.cmpi sle, %parallel_loop3A_405, %parallel_loop3A_428 : vector<16xi32>
          %parallel_loop3A_430 = arith.andi %parallel_loop3A_426, %parallel_loop3A_429 : vector<16xi1>
          %parallel_loop3A_431 = arith.constant -1 : i32
          %parallel_loop3A_432 = vector.broadcast %parallel_loop3A_431 : i32 to vector<16xi32>
          %parallel_loop3A_433 = arith.cmpi sge, %parallel_loop3A_405, %parallel_loop3A_432 : vector<16xi32>
          %parallel_loop3A_434 = arith.constant 222 : i32
          %parallel_loop3A_435 = vector.broadcast %parallel_loop3A_434 : i32 to vector<16xi32>
          %parallel_loop3A_436 = arith.cmpi sle, %parallel_loop3A_405, %parallel_loop3A_435 : vector<16xi32>
          %parallel_loop3A_437 = arith.andi %parallel_loop3A_433, %parallel_loop3A_436 : vector<16xi1>
          %parallel_loop3A_438 = arith.constant 0.000000e+00 : f32
          %parallel_loop3A_439 = vector.broadcast %parallel_loop3A_438 : f32 to vector<16xf32>
          %parallel_loop3A_440 = arith.constant 1.000000e+00 : f32
          %parallel_loop3A_441 = vector.broadcast %parallel_loop3A_440 : f32 to vector<16xf32>
          %parallel_loop3A_442 = arith.subf %parallel_loop3A_441, %parallel_loop3A_407 : vector<16xf32>
          %parallel_loop3A_443 = arith.select %parallel_loop3A_416, %parallel_loop3A_442, %parallel_loop3A_439 : vector<16xi1>, vector<16xf32>
          %parallel_loop3A_444 = arith.select %parallel_loop3A_423, %parallel_loop3A_407, %parallel_loop3A_439 : vector<16xi1>, vector<16xf32>
          %parallel_loop3A_445 = arith.constant 1.000000e+00 : f32
          %parallel_loop3A_446 = vector.broadcast %parallel_loop3A_445 : f32 to vector<16xf32>
          %parallel_loop3A_447 = arith.subf %parallel_loop3A_446, %parallel_loop3A_409 : vector<16xf32>
          %parallel_loop3A_448 = arith.select %parallel_loop3A_430, %parallel_loop3A_447, %parallel_loop3A_439 : vector<16xi1>, vector<16xf32>
          %parallel_loop3A_449 = arith.select %parallel_loop3A_437, %parallel_loop3A_409, %parallel_loop3A_439 : vector<16xi1>, vector<16xf32>
          %parallel_loop3A_450 = arith.constant 0 : i32
          %parallel_loop3A_451 = arith.constant 223 : i32
          %parallel_loop3A_452 = vector.broadcast %parallel_loop3A_450 : i32 to vector<16xi32>
          %parallel_loop3A_453 = arith.maxsi %parallel_loop3A_452, %parallel_loop3A_396 : vector<16xi32>
          %parallel_loop3A_454 = vector.broadcast %parallel_loop3A_451 : i32 to vector<16xi32>
          %parallel_loop3A_455 = arith.minsi %parallel_loop3A_454, %parallel_loop3A_453 : vector<16xi32>
          %parallel_loop3A_456 = arith.constant 1 : i32
          %parallel_loop3A_457 = vector.broadcast %parallel_loop3A_456 : i32 to vector<16xi32>
          %parallel_loop3A_458 = arith.addi %parallel_loop3A_396, %parallel_loop3A_457 : vector<16xi32>
          %parallel_loop3A_459 = arith.constant 0 : i32
          %parallel_loop3A_460 = arith.constant 223 : i32
          %parallel_loop3A_461 = vector.broadcast %parallel_loop3A_459 : i32 to vector<16xi32>
          %parallel_loop3A_462 = arith.maxsi %parallel_loop3A_461, %parallel_loop3A_458 : vector<16xi32>
          %parallel_loop3A_463 = vector.broadcast %parallel_loop3A_460 : i32 to vector<16xi32>
          %parallel_loop3A_464 = arith.minsi %parallel_loop3A_463, %parallel_loop3A_462 : vector<16xi32>
          %parallel_loop3A_465 = arith.constant 0 : i32
          %parallel_loop3A_466 = arith.constant 223 : i32
          %parallel_loop3A_467 = vector.broadcast %parallel_loop3A_465 : i32 to vector<16xi32>
          %parallel_loop3A_468 = arith.maxsi %parallel_loop3A_467, %parallel_loop3A_405 : vector<16xi32>
          %parallel_loop3A_469 = vector.broadcast %parallel_loop3A_466 : i32 to vector<16xi32>
          %parallel_loop3A_470 = arith.minsi %parallel_loop3A_469, %parallel_loop3A_468 : vector<16xi32>
          %parallel_loop3A_471 = arith.constant 224 : i32
          %parallel_loop3A_472 = vector.broadcast %parallel_loop3A_471 : i32 to vector<16xi32>
          %parallel_loop3A_473 = arith.muli %parallel_loop3A_470, %parallel_loop3A_472 : vector<16xi32>
          %parallel_loop3A_474 = vector.broadcast %mul3A_130 : i32 to vector<16xi32>
          %parallel_loop3A_475 = arith.addi %parallel_loop3A_474, %parallel_loop3A_473 : vector<16xi32>
          %parallel_loop3A_476 = arith.constant 1 : i32
          %parallel_loop3A_477 = vector.broadcast %parallel_loop3A_476 : i32 to vector<16xi32>
          %parallel_loop3A_478 = arith.addi %parallel_loop3A_405, %parallel_loop3A_477 : vector<16xi32>
          %parallel_loop3A_479 = arith.constant 0 : i32
          %parallel_loop3A_480 = arith.constant 223 : i32
          %parallel_loop3A_481 = vector.broadcast %parallel_loop3A_479 : i32 to vector<16xi32>
          %parallel_loop3A_482 = arith.maxsi %parallel_loop3A_481, %parallel_loop3A_478 : vector<16xi32>
          %parallel_loop3A_483 = vector.broadcast %parallel_loop3A_480 : i32 to vector<16xi32>
          %parallel_loop3A_484 = arith.minsi %parallel_loop3A_483, %parallel_loop3A_482 : vector<16xi32>
          %parallel_loop3A_485 = arith.constant 224 : i32
          %parallel_loop3A_486 = vector.broadcast %parallel_loop3A_485 : i32 to vector<16xi32>
          %parallel_loop3A_487 = arith.muli %parallel_loop3A_484, %parallel_loop3A_486 : vector<16xi32>
          %parallel_loop3A_488 = vector.broadcast %mul3A_130 : i32 to vector<16xi32>
          %parallel_loop3A_489 = arith.addi %parallel_loop3A_488, %parallel_loop3A_487 : vector<16xi32>
          %parallel_loop3A_490 = arith.addi %parallel_loop3A_475, %parallel_loop3A_455 : vector<16xi32>
          %parallel_loop3A_491 = arith.index_cast %parallel_loop3A_365 : i32 to index
          %parallel_loop3A_492 = tpu.vector_load %arg12[%parallel_loop3A_491] {strides = array<i32>} : memref<112xi32, #tpu.memory_space<vmem>>, vector<16xi32>,
          tpu.vector_store %arg12[%parallel_loop3A_491], %parallel_loop3A_490 {strides = array<i32>} : memref<112xi32, #tpu.memory_space<vmem>>, vector<16xi32>,
          %parallel_loop3A_493 = arith.addi %parallel_loop3A_475, %parallel_loop3A_464 : vector<16xi32>
          %parallel_loop3A_494 = arith.index_cast %parallel_loop3A_365 : i32 to index
          %parallel_loop3A_495 = tpu.vector_load %arg14[%parallel_loop3A_494] {strides = array<i32>} : memref<112xi32, #tpu.memory_space<vmem>>, vector<16xi32>,
          tpu.vector_store %arg14[%parallel_loop3A_494], %parallel_loop3A_493 {strides = array<i32>} : memref<112xi32, #tpu.memory_space<vmem>>, vector<16xi32>,
          %parallel_loop3A_496 = arith.addi %parallel_loop3A_489, %parallel_loop3A_455 : vector<16xi32>
          %parallel_loop3A_497 = arith.index_cast %parallel_loop3A_365 : i32 to index
          %parallel_loop3A_498 = tpu.vector_load %arg16[%parallel_loop3A_497] {strides = array<i32>} : memref<112xi32, #tpu.memory_space<vmem>>, vector<16xi32>,
          tpu.vector_store %arg16[%parallel_loop3A_497], %parallel_loop3A_496 {strides = array<i32>} : memref<112xi32, #tpu.memory_space<vmem>>, vector<16xi32>,
          %parallel_loop3A_499 = arith.addi %parallel_loop3A_489, %parallel_loop3A_464 : vector<16xi32>
          %parallel_loop3A_500 = arith.index_cast %parallel_loop3A_365 : i32 to index
          %parallel_loop3A_501 = tpu.vector_load %arg18[%parallel_loop3A_500] {strides = array<i32>} : memref<112xi32, #tpu.memory_space<vmem>>, vector<16xi32>,
          tpu.vector_store %arg18[%parallel_loop3A_500], %parallel_loop3A_499 {strides = array<i32>} : memref<112xi32, #tpu.memory_space<vmem>>, vector<16xi32>,
          %parallel_loop3A_502 = arith.mulf %parallel_loop3A_448, %parallel_loop3A_443 : vector<16xf32>
          %parallel_loop3A_503 = arith.index_cast %parallel_loop3A_365 : i32 to index
          %parallel_loop3A_504 = tpu.vector_load %arg20[%parallel_loop3A_503] {strides = array<i32>} : memref<112xf32, #tpu.memory_space<vmem>>, vector<16xf32>,
          tpu.vector_store %arg20[%parallel_loop3A_503], %parallel_loop3A_502 {strides = array<i32>} : memref<112xf32, #tpu.memory_space<vmem>>, vector<16xf32>,
          %parallel_loop3A_505 = arith.mulf %parallel_loop3A_448, %parallel_loop3A_444 : vector<16xf32>
          %parallel_loop3A_506 = arith.index_cast %parallel_loop3A_365 : i32 to index
          %parallel_loop3A_507 = tpu.vector_load %arg22[%parallel_loop3A_506] {strides = array<i32>} : memref<112xf32, #tpu.memory_space<vmem>>, vector<16xf32>,
          tpu.vector_store %arg22[%parallel_loop3A_506], %parallel_loop3A_505 {strides = array<i32>} : memref<112xf32, #tpu.memory_space<vmem>>, vector<16xf32>,
          %parallel_loop3A_508 = arith.mulf %parallel_loop3A_449, %parallel_loop3A_443 : vector<16xf32>
          %parallel_loop3A_509 = arith.index_cast %parallel_loop3A_365 : i32 to index
          %parallel_loop3A_510 = tpu.vector_load %arg24[%parallel_loop3A_509] {strides = array<i32>} : memref<112xf32, #tpu.memory_space<vmem>>, vector<16xf32>,
          tpu.vector_store %arg24[%parallel_loop3A_509], %parallel_loop3A_508 {strides = array<i32>} : memref<112xf32, #tpu.memory_space<vmem>>, vector<16xf32>,
          %parallel_loop3A_511 = arith.mulf %parallel_loop3A_449, %parallel_loop3A_444 : vector<16xf32>
          %parallel_loop3A_512 = arith.index_cast %parallel_loop3A_365 : i32 to index
          %parallel_loop3A_513 = tpu.vector_load %arg26[%parallel_loop3A_512] {strides = array<i32>} : memref<112xf32, #tpu.memory_space<vmem>>, vector<16xf32>,
          tpu.vector_store %arg26[%parallel_loop3A_512], %parallel_loop3A_511 {strides = array<i32>} : memref<112xf32, #tpu.memory_space<vmem>>, vector<16xf32>,
        } {sc.loop_unroll_factor = 1 : i64, sc.parallel_access}
        %dma_start3A_351 = arith.constant 0 : i32
        %dma_start3A_352 = arith.constant 0 : i32
        %dma_start3A_353 = tpu.memref_slice %arg6[%dma_start3A_351, %dma_start3A_352] : memref<200704x96xf32, #tpu.memory_space<hbm>> -> memref<200704x96xf32, #tpu.memory_space<hbm>>
        tpu.enqueue_indirect_dma source(%dma_start3A_353 : memref<200704x96xf32, #tpu.memory_space<hbm>>) target(%arg28 : memref<112x96xf32, #tpu.memory_space<vmem>>) offsets(%arg12 : memref<112xi32, #tpu.memory_space<vmem>>) semaphore(%arg38 : memref<!tpu.dma_semaphore, #tpu.memory_space<semaphore_mem>>)
        %dma_start3A_354 = arith.constant 0 : i32
        %dma_start3A_355 = arith.constant 0 : i32
        %dma_start3A_356 = tpu.memref_slice %arg6[%dma_start3A_354, %dma_start3A_355] : memref<200704x96xf32, #tpu.memory_space<hbm>> -> memref<200704x96xf32, #tpu.memory_space<hbm>>
        tpu.enqueue_indirect_dma source(%dma_start3A_356 : memref<200704x96xf32, #tpu.memory_space<hbm>>) target(%arg30 : memref<112x96xf32, #tpu.memory_space<vmem>>) offsets(%arg14 : memref<112xi32, #tpu.memory_space<vmem>>) semaphore(%arg38 : memref<!tpu.dma_semaphore, #tpu.memory_space<semaphore_mem>>)
        %dma_start3A_357 = arith.constant 0 : i32
        %dma_start3A_358 = arith.constant 0 : i32
        %dma_start3A_359 = tpu.memref_slice %arg6[%dma_start3A_357, %dma_start3A_358] : memref<200704x96xf32, #tpu.memory_space<hbm>> -> memref<200704x96xf32, #tpu.memory_space<hbm>>
        tpu.enqueue_indirect_dma source(%dma_start3A_359 : memref<200704x96xf32, #tpu.memory_space<hbm>>) target(%arg32 : memref<112x96xf32, #tpu.memory_space<vmem>>) offsets(%arg16 : memref<112xi32, #tpu.memory_space<vmem>>) semaphore(%arg38 : memref<!tpu.dma_semaphore, #tpu.memory_space<semaphore_mem>>)
        %dma_start3A_360 = arith.constant 0 : i32
        %dma_start3A_361 = arith.constant 0 : i32
        %dma_start3A_362 = tpu.memref_slice %arg6[%dma_start3A_360, %dma_start3A_361] : memref<200704x96xf32, #tpu.memory_space<hbm>> -> memref<200704x96xf32, #tpu.memory_space<hbm>>
        tpu.enqueue_indirect_dma source(%dma_start3A_362 : memref<200704x96xf32, #tpu.memory_space<hbm>>) target(%arg34 : memref<112x96xf32, #tpu.memory_space<vmem>>) offsets(%arg18 : memref<112xi32, #tpu.memory_space<vmem>>) semaphore(%arg38 : memref<!tpu.dma_semaphore, #tpu.memory_space<semaphore_mem>>)
      } else {
      }
      %dma_wait3A_182 = arith.constant 0 : i32
      %dma_wait3A_183 = arith.constant 0 : i32
      %dma_wait3A_184 = tpu.memref_slice %arg6[%dma_wait3A_182, %dma_wait3A_183] : memref<200704x96xf32, #tpu.memory_space<hbm>> -> memref<200704x96xf32, #tpu.memory_space<hbm>>
      tpu.wait_indirect_dma semaphore(%arg37 : memref<!tpu.dma_semaphore, #tpu.memory_space<semaphore_mem>>) src(%dma_wait3A_184 : memref<200704x96xf32, #tpu.memory_space<hbm>>) dst(%arg27 : memref<112x96xf32, #tpu.memory_space<vmem>>)
      %dma_wait3A_185 = arith.constant 0 : i32
      %dma_wait3A_186 = arith.constant 0 : i32
      %dma_wait3A_187 = tpu.memref_slice %arg6[%dma_wait3A_185, %dma_wait3A_186] : memref<200704x96xf32, #tpu.memory_space<hbm>> -> memref<200704x96xf32, #tpu.memory_space<hbm>>
      tpu.wait_indirect_dma semaphore(%arg37 : memref<!tpu.dma_semaphore, #tpu.memory_space<semaphore_mem>>) src(%dma_wait3A_187 : memref<200704x96xf32, #tpu.memory_space<hbm>>) dst(%arg29 : memref<112x96xf32, #tpu.memory_space<vmem>>)
      %dma_wait3A_188 = arith.constant 0 : i32
      %dma_wait3A_189 = arith.constant 0 : i32
      %dma_wait3A_190 = tpu.memref_slice %arg6[%dma_wait3A_188, %dma_wait3A_189] : memref<200704x96xf32, #tpu.memory_space<hbm>> -> memref<200704x96xf32, #tpu.memory_space<hbm>>
      tpu.wait_indirect_dma semaphore(%arg37 : memref<!tpu.dma_semaphore, #tpu.memory_space<semaphore_mem>>) src(%dma_wait3A_190 : memref<200704x96xf32, #tpu.memory_space<hbm>>) dst(%arg31 : memref<112x96xf32, #tpu.memory_space<vmem>>)
      %dma_wait3A_191 = arith.constant 0 : i32
      %dma_wait3A_192 = arith.constant 0 : i32
      %dma_wait3A_193 = tpu.memref_slice %arg6[%dma_wait3A_191, %dma_wait3A_192] : memref<200704x96xf32, #tpu.memory_space<hbm>> -> memref<200704x96xf32, #tpu.memory_space<hbm>>
      tpu.wait_indirect_dma semaphore(%arg37 : memref<!tpu.dma_semaphore, #tpu.memory_space<semaphore_mem>>) src(%dma_wait3A_193 : memref<200704x96xf32, #tpu.memory_space<hbm>>) dst(%arg33 : memref<112x96xf32, #tpu.memory_space<vmem>>)
      %mul3A_194 = arith.constant 112 : i32
      %mul3A_195 = arith.muli %add3A_176, %mul3A_194 : i32
      %add3A_196 = arith.addi %mul3A_148, %mul3A_195 : i32
      %jit3A_197 = arith.constant 224 : i32
      %div3A_198 = arith.divsi %add3A_196, %jit3A_197 : i32
      %sign3A_199 = arith.constant 0 : i32
      %sign3A_200 = arith.cmpi sgt, %add3A_196, %sign3A_199 : i32
      %sign3A_201 = arith.extui %sign3A_200 : i1 to i32
      %sign3A_202 = arith.constant 0 : i32
      %sign3A_203 = arith.cmpi slt, %add3A_196, %sign3A_202 : i32
      %sign3A_204 = arith.extui %sign3A_203 : i1 to i32
      %sign3A_205 = arith.subi %sign3A_201, %sign3A_204 : i32
      %sign3A_206 = arith.constant 0 : i32
      %sign3A_207 = arith.cmpi sgt, %jit3A_197, %sign3A_206 : i32
      %sign3A_208 = arith.extui %sign3A_207 : i1 to i32
      %sign3A_209 = arith.constant 0 : i32
      %sign3A_210 = arith.cmpi slt, %jit3A_197, %sign3A_209 : i32
      %sign3A_211 = arith.extui %sign3A_210 : i1 to i32
      %sign3A_212 = arith.subi %sign3A_208, %sign3A_211 : i32
      %ne3A_213 = arith.cmpi ne, %sign3A_205, %sign3A_212 : i32
      %rem3A_214 = arith.remsi %add3A_196, %jit3A_197 : i32
      %ne3A_215 = arith.constant 0 : i32
      %ne3A_216 = arith.cmpi ne, %rem3A_214, %ne3A_215 : i32
      %and3A_217 = arith.andi %ne3A_213, %ne3A_216 : i1
      %sub3A_218 = arith.constant 1 : i32
      %sub3A_219 = arith.subi %div3A_198, %sub3A_218 : i32
      %select_n3A_220 = arith.select %and3A_217, %sub3A_219, %div3A_198 : i32
      %jit3A_221 = arith.constant 224 : i32
      %eq3A_222 = arith.constant 0 : i32
      %eq3A_223 = arith.cmpi eq, %jit3A_221, %eq3A_222 : i32
      %jit3A_224 = arith.constant 1 : i32
      %select_n3A_225 = arith.select %eq3A_223, %jit3A_224, %jit3A_221 : i32
      %rem3A_226 = arith.remsi %add3A_196, %select_n3A_225 : i32
      %ne3A_227 = arith.constant 0 : i32
      %ne3A_228 = arith.cmpi ne, %rem3A_226, %ne3A_227 : i32
      %lt3A_229 = arith.constant 0 : i32
      %lt3A_230 = arith.cmpi slt, %rem3A_226, %lt3A_229 : i32
      %lt3A_231 = arith.constant 0 : i32
      %lt3A_232 = arith.cmpi slt, %select_n3A_225, %lt3A_231 : i32
      %ne3A_233 = arith.xori %lt3A_230, %lt3A_232 : i1
      %and3A_234 = arith.andi %ne3A_233, %ne3A_228 : i1
      %add3A_235 = arith.addi %rem3A_226, %select_n3A_225 : i32
      %select_n3A_236 = arith.select %and3A_234, %add3A_235, %rem3A_226 : i32
      %add3A_237 = arith.constant 0 : i32
      %add3A_238 = vector.broadcast %add3A_237 : i32 to vector<16xi32>
      %add3A_239 = arith.addi %iota3A, %add3A_238 : vector<16xi32>
      %add3A_240 = arith.constant 16 : i32
      %add3A_241 = vector.broadcast %add3A_240 : i32 to vector<16xi32>
      %add3A_242 = arith.addi %iota3A, %add3A_241 : vector<16xi32>
      %add3A_243 = arith.constant 32 : i32
      %add3A_244 = vector.broadcast %add3A_243 : i32 to vector<16xi32>
      %add3A_245 = arith.addi %iota3A, %add3A_244 : vector<16xi32>
      %add3A_246 = arith.constant 48 : i32
      %add3A_247 = vector.broadcast %add3A_246 : i32 to vector<16xi32>
      %add3A_248 = arith.addi %iota3A, %add3A_247 : vector<16xi32>
      %add3A_249 = arith.constant 64 : i32
      %add3A_250 = vector.broadcast %add3A_249 : i32 to vector<16xi32>
      %add3A_251 = arith.addi %iota3A, %add3A_250 : vector<16xi32>
      %add3A_252 = arith.constant 80 : i32
      %add3A_253 = vector.broadcast %add3A_252 : i32 to vector<16xi32>
      %add3A_254 = arith.addi %iota3A, %add3A_253 : vector<16xi32>
      %parallel_loop3A_255 = arith.constant 0 : i32
      %parallel_loop3A_256 = arith.constant 7 : i32
      %parallel_loop3A_257 = arith.constant 1 : i32
      scf.for %parallel_loop3A_343 = %parallel_loop3A_255 to %parallel_loop3A_256 step %parallel_loop3A_257  : i32 {
        %parallel_loop3A_344 = arith.constant 16 : i32
        %parallel_loop3A_345 = arith.muli %parallel_loop3A_343, %parallel_loop3A_344 : i32
        %parallel_loop3A_346 = arith.index_cast %parallel_loop3A_345 : i32 to index
        %parallel_loop3A_347 = tpu.vector_load %arg19[%parallel_loop3A_346] {strides = array<i32>} : memref<112xf32, #tpu.memory_space<vmem>>, vector<16xf32>,
        %parallel_loop3A_348 = arith.index_cast %parallel_loop3A_345 : i32 to index
        %parallel_loop3A_349 = tpu.vector_load %arg21[%parallel_loop3A_348] {strides = array<i32>} : memref<112xf32, #tpu.memory_space<vmem>>, vector<16xf32>,
        %parallel_loop3A_350 = arith.index_cast %parallel_loop3A_345 : i32 to index
        %parallel_loop3A_351 = tpu.vector_load %arg23[%parallel_loop3A_350] {strides = array<i32>} : memref<112xf32, #tpu.memory_space<vmem>>, vector<16xf32>,
        %parallel_loop3A_352 = arith.index_cast %parallel_loop3A_345 : i32 to index
        %parallel_loop3A_353 = tpu.vector_load %arg25[%parallel_loop3A_352] {strides = array<i32>} : memref<112xf32, #tpu.memory_space<vmem>>, vector<16xf32>,
        %parallel_loop3A_354 = arith.constant 16 : i32
        %parallel_loop3A_355 = arith.muli %parallel_loop3A_343, %parallel_loop3A_354 : i32
        %parallel_loop3A_356 = arith.constant 0 : i32
        %parallel_loop3A_357 = arith.constant 16 : i32
        %parallel_loop3A_358 = arith.constant 1 : i32
        scf.for %parallel_loop3A_359 = %parallel_loop3A_356 to %parallel_loop3A_357 step %parallel_loop3A_358  : i32 {
          %parallel_loop3A_360 = vector.broadcast %parallel_loop3A_359 : i32 to vector<16xi32>
          %parallel_loop3A_361 = vector.shape_cast %parallel_loop3A_360 : vector<16xi32> to vector<16x1xi32>
          %parallel_loop3A_362 = vector.shape_cast %parallel_loop3A_361 : vector<16x1xi32> to vector<16xi32>
          %parallel_loop3A_363 = tpu.dynamic_gather %parallel_loop3A_347[%parallel_loop3A_362] in [0] : vector<16xf32>, vector<16xi32> -> vector<16xf32>
          %parallel_loop3A_364 = vector.shape_cast %parallel_loop3A_360 : vector<16xi32> to vector<16x1xi32>
          %parallel_loop3A_365 = vector.shape_cast %parallel_loop3A_364 : vector<16x1xi32> to vector<16xi32>
          %parallel_loop3A_366 = tpu.dynamic_gather %parallel_loop3A_349[%parallel_loop3A_365] in [0] : vector<16xf32>, vector<16xi32> -> vector<16xf32>
          %parallel_loop3A_367 = vector.shape_cast %parallel_loop3A_360 : vector<16xi32> to vector<16x1xi32>
          %parallel_loop3A_368 = vector.shape_cast %parallel_loop3A_367 : vector<16x1xi32> to vector<16xi32>
          %parallel_loop3A_369 = tpu.dynamic_gather %parallel_loop3A_351[%parallel_loop3A_368] in [0] : vector<16xf32>, vector<16xi32> -> vector<16xf32>
          %parallel_loop3A_370 = vector.shape_cast %parallel_loop3A_360 : vector<16xi32> to vector<16x1xi32>
          %parallel_loop3A_371 = vector.shape_cast %parallel_loop3A_370 : vector<16x1xi32> to vector<16xi32>
          %parallel_loop3A_372 = tpu.dynamic_gather %parallel_loop3A_353[%parallel_loop3A_371] in [0] : vector<16xf32>, vector<16xi32> -> vector<16xf32>
          %parallel_loop3A_373 = arith.addi %parallel_loop3A_355, %parallel_loop3A_359 : i32
          %parallel_loop3A_374 = vector.broadcast %parallel_loop3A_355 : i32 to vector<16xi32>
          %parallel_loop3A_375 = arith.addi %parallel_loop3A_360, %parallel_loop3A_374 : vector<16xi32>
          %parallel_loop3A_376 = arith.index_cast %parallel_loop3A_373 : i32 to index
          %parallel_loop3A_377 = arith.constant 0 : index
          %parallel_loop3A_378 = tpu.vector_load %arg27[%parallel_loop3A_376, %parallel_loop3A_377] {strides = array<i32>} : memref<112x96xf32, #tpu.memory_space<vmem>>, vector<16xf32>,
          %parallel_loop3A_379 = arith.mulf %parallel_loop3A_378, %parallel_loop3A_363 : vector<16xf32>
          %parallel_loop3A_380 = arith.index_cast %parallel_loop3A_373 : i32 to index
          %parallel_loop3A_381 = arith.constant 0 : index
          %parallel_loop3A_382 = tpu.vector_load %arg29[%parallel_loop3A_380, %parallel_loop3A_381] {strides = array<i32>} : memref<112x96xf32, #tpu.memory_space<vmem>>, vector<16xf32>,
          %parallel_loop3A_383 = arith.mulf %parallel_loop3A_382, %parallel_loop3A_366 : vector<16xf32>
          %parallel_loop3A_384 = arith.index_cast %parallel_loop3A_373 : i32 to index
          %parallel_loop3A_385 = arith.constant 0 : index
          %parallel_loop3A_386 = tpu.vector_load %arg31[%parallel_loop3A_384, %parallel_loop3A_385] {strides = array<i32>} : memref<112x96xf32, #tpu.memory_space<vmem>>, vector<16xf32>,
          %parallel_loop3A_387 = arith.mulf %parallel_loop3A_386, %parallel_loop3A_369 : vector<16xf32>
          %parallel_loop3A_388 = arith.index_cast %parallel_loop3A_373 : i32 to index
          %parallel_loop3A_389 = arith.constant 0 : index
          %parallel_loop3A_390 = tpu.vector_load %arg33[%parallel_loop3A_388, %parallel_loop3A_389] {strides = array<i32>} : memref<112x96xf32, #tpu.memory_space<vmem>>, vector<16xf32>,
          %parallel_loop3A_391 = arith.mulf %parallel_loop3A_390, %parallel_loop3A_372 : vector<16xf32>
          %parallel_loop3A_392 = arith.addf %parallel_loop3A_379, %parallel_loop3A_383 : vector<16xf32>
          %parallel_loop3A_393 = arith.addf %parallel_loop3A_387, %parallel_loop3A_391 : vector<16xf32>
          %parallel_loop3A_394 = arith.addf %parallel_loop3A_392, %parallel_loop3A_393 : vector<16xf32>
          tpu.vector_store_idx %arg35[%add3A_239, %parallel_loop3A_375], %parallel_loop3A_394 : memref<96x113xf32, #tpu.memory_space<vmem>>[vector<16xi32>, vector<16xi32>], vector<16xf32>,
          %parallel_loop3A_395 = arith.index_cast %parallel_loop3A_373 : i32 to index
          %parallel_loop3A_396 = arith.constant 16 : index
          %parallel_loop3A_397 = tpu.vector_load %arg27[%parallel_loop3A_395, %parallel_loop3A_396] {strides = array<i32>} : memref<112x96xf32, #tpu.memory_space<vmem>>, vector<16xf32>,
          %parallel_loop3A_398 = arith.mulf %parallel_loop3A_397, %parallel_loop3A_363 : vector<16xf32>
          %parallel_loop3A_399 = arith.index_cast %parallel_loop3A_373 : i32 to index
          %parallel_loop3A_400 = arith.constant 16 : index
          %parallel_loop3A_401 = tpu.vector_load %arg29[%parallel_loop3A_399, %parallel_loop3A_400] {strides = array<i32>} : memref<112x96xf32, #tpu.memory_space<vmem>>, vector<16xf32>,
          %parallel_loop3A_402 = arith.mulf %parallel_loop3A_401, %parallel_loop3A_366 : vector<16xf32>
          %parallel_loop3A_403 = arith.index_cast %parallel_loop3A_373 : i32 to index
          %parallel_loop3A_404 = arith.constant 16 : index
          %parallel_loop3A_405 = tpu.vector_load %arg31[%parallel_loop3A_403, %parallel_loop3A_404] {strides = array<i32>} : memref<112x96xf32, #tpu.memory_space<vmem>>, vector<16xf32>,
          %parallel_loop3A_406 = arith.mulf %parallel_loop3A_405, %parallel_loop3A_369 : vector<16xf32>
          %parallel_loop3A_407 = arith.index_cast %parallel_loop3A_373 : i32 to index
          %parallel_loop3A_408 = arith.constant 16 : index
          %parallel_loop3A_409 = tpu.vector_load %arg33[%parallel_loop3A_407, %parallel_loop3A_408] {strides = array<i32>} : memref<112x96xf32, #tpu.memory_space<vmem>>, vector<16xf32>,
          %parallel_loop3A_410 = arith.mulf %parallel_loop3A_409, %parallel_loop3A_372 : vector<16xf32>
          %parallel_loop3A_411 = arith.addf %parallel_loop3A_398, %parallel_loop3A_402 : vector<16xf32>
          %parallel_loop3A_412 = arith.addf %parallel_loop3A_406, %parallel_loop3A_410 : vector<16xf32>
          %parallel_loop3A_413 = arith.addf %parallel_loop3A_411, %parallel_loop3A_412 : vector<16xf32>
          tpu.vector_store_idx %arg35[%add3A_242, %parallel_loop3A_375], %parallel_loop3A_413 : memref<96x113xf32, #tpu.memory_space<vmem>>[vector<16xi32>, vector<16xi32>], vector<16xf32>,
          %parallel_loop3A_414 = arith.index_cast %parallel_loop3A_373 : i32 to index
          %parallel_loop3A_415 = arith.constant 32 : index
          %parallel_loop3A_416 = tpu.vector_load %arg27[%parallel_loop3A_414, %parallel_loop3A_415] {strides = array<i32>} : memref<112x96xf32, #tpu.memory_space<vmem>>, vector<16xf32>,
          %parallel_loop3A_417 = arith.mulf %parallel_loop3A_416, %parallel_loop3A_363 : vector<16xf32>
          %parallel_loop3A_418 = arith.index_cast %parallel_loop3A_373 : i32 to index
          %parallel_loop3A_419 = arith.constant 32 : index
          %parallel_loop3A_420 = tpu.vector_load %arg29[%parallel_loop3A_418, %parallel_loop3A_419] {strides = array<i32>} : memref<112x96xf32, #tpu.memory_space<vmem>>, vector<16xf32>,
          %parallel_loop3A_421 = arith.mulf %parallel_loop3A_420, %parallel_loop3A_366 : vector<16xf32>
          %parallel_loop3A_422 = arith.index_cast %parallel_loop3A_373 : i32 to index
          %parallel_loop3A_423 = arith.constant 32 : index
          %parallel_loop3A_424 = tpu.vector_load %arg31[%parallel_loop3A_422, %parallel_loop3A_423] {strides = array<i32>} : memref<112x96xf32, #tpu.memory_space<vmem>>, vector<16xf32>,
          %parallel_loop3A_425 = arith.mulf %parallel_loop3A_424, %parallel_loop3A_369 : vector<16xf32>
          %parallel_loop3A_426 = arith.index_cast %parallel_loop3A_373 : i32 to index
          %parallel_loop3A_427 = arith.constant 32 : index
          %parallel_loop3A_428 = tpu.vector_load %arg33[%parallel_loop3A_426, %parallel_loop3A_427] {strides = array<i32>} : memref<112x96xf32, #tpu.memory_space<vmem>>, vector<16xf32>,
          %parallel_loop3A_429 = arith.mulf %parallel_loop3A_428, %parallel_loop3A_372 : vector<16xf32>
          %parallel_loop3A_430 = arith.addf %parallel_loop3A_417, %parallel_loop3A_421 : vector<16xf32>
          %parallel_loop3A_431 = arith.addf %parallel_loop3A_425, %parallel_loop3A_429 : vector<16xf32>
          %parallel_loop3A_432 = arith.addf %parallel_loop3A_430, %parallel_loop3A_431 : vector<16xf32>
          tpu.vector_store_idx %arg35[%add3A_245, %parallel_loop3A_375], %parallel_loop3A_432 : memref<96x113xf32, #tpu.memory_space<vmem>>[vector<16xi32>, vector<16xi32>], vector<16xf32>,
          %parallel_loop3A_433 = arith.index_cast %parallel_loop3A_373 : i32 to index
          %parallel_loop3A_434 = arith.constant 48 : index
          %parallel_loop3A_435 = tpu.vector_load %arg27[%parallel_loop3A_433, %parallel_loop3A_434] {strides = array<i32>} : memref<112x96xf32, #tpu.memory_space<vmem>>, vector<16xf32>,
          %parallel_loop3A_436 = arith.mulf %parallel_loop3A_435, %parallel_loop3A_363 : vector<16xf32>
          %parallel_loop3A_437 = arith.index_cast %parallel_loop3A_373 : i32 to index
          %parallel_loop3A_438 = arith.constant 48 : index
          %parallel_loop3A_439 = tpu.vector_load %arg29[%parallel_loop3A_437, %parallel_loop3A_438] {strides = array<i32>} : memref<112x96xf32, #tpu.memory_space<vmem>>, vector<16xf32>,
          %parallel_loop3A_440 = arith.mulf %parallel_loop3A_439, %parallel_loop3A_366 : vector<16xf32>
          %parallel_loop3A_441 = arith.index_cast %parallel_loop3A_373 : i32 to index
          %parallel_loop3A_442 = arith.constant 48 : index
          %parallel_loop3A_443 = tpu.vector_load %arg31[%parallel_loop3A_441, %parallel_loop3A_442] {strides = array<i32>} : memref<112x96xf32, #tpu.memory_space<vmem>>, vector<16xf32>,
          %parallel_loop3A_444 = arith.mulf %parallel_loop3A_443, %parallel_loop3A_369 : vector<16xf32>
          %parallel_loop3A_445 = arith.index_cast %parallel_loop3A_373 : i32 to index
          %parallel_loop3A_446 = arith.constant 48 : index
          %parallel_loop3A_447 = tpu.vector_load %arg33[%parallel_loop3A_445, %parallel_loop3A_446] {strides = array<i32>} : memref<112x96xf32, #tpu.memory_space<vmem>>, vector<16xf32>,
          %parallel_loop3A_448 = arith.mulf %parallel_loop3A_447, %parallel_loop3A_372 : vector<16xf32>
          %parallel_loop3A_449 = arith.addf %parallel_loop3A_436, %parallel_loop3A_440 : vector<16xf32>
          %parallel_loop3A_450 = arith.addf %parallel_loop3A_444, %parallel_loop3A_448 : vector<16xf32>
          %parallel_loop3A_451 = arith.addf %parallel_loop3A_449, %parallel_loop3A_450 : vector<16xf32>
          tpu.vector_store_idx %arg35[%add3A_248, %parallel_loop3A_375], %parallel_loop3A_451 : memref<96x113xf32, #tpu.memory_space<vmem>>[vector<16xi32>, vector<16xi32>], vector<16xf32>,
          %parallel_loop3A_452 = arith.index_cast %parallel_loop3A_373 : i32 to index
          %parallel_loop3A_453 = arith.constant 64 : index
          %parallel_loop3A_454 = tpu.vector_load %arg27[%parallel_loop3A_452, %parallel_loop3A_453] {strides = array<i32>} : memref<112x96xf32, #tpu.memory_space<vmem>>, vector<16xf32>,
          %parallel_loop3A_455 = arith.mulf %parallel_loop3A_454, %parallel_loop3A_363 : vector<16xf32>
          %parallel_loop3A_456 = arith.index_cast %parallel_loop3A_373 : i32 to index
          %parallel_loop3A_457 = arith.constant 64 : index
          %parallel_loop3A_458 = tpu.vector_load %arg29[%parallel_loop3A_456, %parallel_loop3A_457] {strides = array<i32>} : memref<112x96xf32, #tpu.memory_space<vmem>>, vector<16xf32>,
          %parallel_loop3A_459 = arith.mulf %parallel_loop3A_458, %parallel_loop3A_366 : vector<16xf32>
          %parallel_loop3A_460 = arith.index_cast %parallel_loop3A_373 : i32 to index
          %parallel_loop3A_461 = arith.constant 64 : index
          %parallel_loop3A_462 = tpu.vector_load %arg31[%parallel_loop3A_460, %parallel_loop3A_461] {strides = array<i32>} : memref<112x96xf32, #tpu.memory_space<vmem>>, vector<16xf32>,
          %parallel_loop3A_463 = arith.mulf %parallel_loop3A_462, %parallel_loop3A_369 : vector<16xf32>
          %parallel_loop3A_464 = arith.index_cast %parallel_loop3A_373 : i32 to index
          %parallel_loop3A_465 = arith.constant 64 : index
          %parallel_loop3A_466 = tpu.vector_load %arg33[%parallel_loop3A_464, %parallel_loop3A_465] {strides = array<i32>} : memref<112x96xf32, #tpu.memory_space<vmem>>, vector<16xf32>,
          %parallel_loop3A_467 = arith.mulf %parallel_loop3A_466, %parallel_loop3A_372 : vector<16xf32>
          %parallel_loop3A_468 = arith.addf %parallel_loop3A_455, %parallel_loop3A_459 : vector<16xf32>
          %parallel_loop3A_469 = arith.addf %parallel_loop3A_463, %parallel_loop3A_467 : vector<16xf32>
          %parallel_loop3A_470 = arith.addf %parallel_loop3A_468, %parallel_loop3A_469 : vector<16xf32>
          tpu.vector_store_idx %arg35[%add3A_251, %parallel_loop3A_375], %parallel_loop3A_470 : memref<96x113xf32, #tpu.memory_space<vmem>>[vector<16xi32>, vector<16xi32>], vector<16xf32>,
          %parallel_loop3A_471 = arith.index_cast %parallel_loop3A_373 : i32 to index
          %parallel_loop3A_472 = arith.constant 80 : index
          %parallel_loop3A_473 = tpu.vector_load %arg27[%parallel_loop3A_471, %parallel_loop3A_472] {strides = array<i32>} : memref<112x96xf32, #tpu.memory_space<vmem>>, vector<16xf32>,
          %parallel_loop3A_474 = arith.mulf %parallel_loop3A_473, %parallel_loop3A_363 : vector<16xf32>
          %parallel_loop3A_475 = arith.index_cast %parallel_loop3A_373 : i32 to index
          %parallel_loop3A_476 = arith.constant 80 : index
          %parallel_loop3A_477 = tpu.vector_load %arg29[%parallel_loop3A_475, %parallel_loop3A_476] {strides = array<i32>} : memref<112x96xf32, #tpu.memory_space<vmem>>, vector<16xf32>,
          %parallel_loop3A_478 = arith.mulf %parallel_loop3A_477, %parallel_loop3A_366 : vector<16xf32>
          %parallel_loop3A_479 = arith.index_cast %parallel_loop3A_373 : i32 to index
          %parallel_loop3A_480 = arith.constant 80 : index
          %parallel_loop3A_481 = tpu.vector_load %arg31[%parallel_loop3A_479, %parallel_loop3A_480] {strides = array<i32>} : memref<112x96xf32, #tpu.memory_space<vmem>>, vector<16xf32>,
          %parallel_loop3A_482 = arith.mulf %parallel_loop3A_481, %parallel_loop3A_369 : vector<16xf32>
          %parallel_loop3A_483 = arith.index_cast %parallel_loop3A_373 : i32 to index
          %parallel_loop3A_484 = arith.constant 80 : index
          %parallel_loop3A_485 = tpu.vector_load %arg33[%parallel_loop3A_483, %parallel_loop3A_484] {strides = array<i32>} : memref<112x96xf32, #tpu.memory_space<vmem>>, vector<16xf32>,
          %parallel_loop3A_486 = arith.mulf %parallel_loop3A_485, %parallel_loop3A_372 : vector<16xf32>
          %parallel_loop3A_487 = arith.addf %parallel_loop3A_474, %parallel_loop3A_478 : vector<16xf32>
          %parallel_loop3A_488 = arith.addf %parallel_loop3A_482, %parallel_loop3A_486 : vector<16xf32>
          %parallel_loop3A_489 = arith.addf %parallel_loop3A_487, %parallel_loop3A_488 : vector<16xf32>
          tpu.vector_store_idx %arg35[%add3A_254, %parallel_loop3A_375], %parallel_loop3A_489 : memref<96x113xf32, #tpu.memory_space<vmem>>[vector<16xi32>, vector<16xi32>], vector<16xf32>,
        } {sc.loop_unroll_factor = 4 : i64, sc.parallel_access}
      } {sc.loop_unroll_factor = 1 : i64, sc.parallel_access}
      "tpu.region"() ({
        %run_scoped3A = tpu.sem_alloc : memref<!tpu.dma_semaphore, #tpu.memory_space<semaphore_mem>>
        %dma_start3A_343 = arith.constant 0 : i32
        %dma_start3A_344 = arith.constant 0 : i32
        %dma_start3A_345 = tpu.memref_slice %arg35[%dma_start3A_343, %dma_start3A_344] : memref<96x113xf32, #tpu.memory_space<vmem>> -> memref<96x112xf32, #tpu.memory_space<vmem>>
        %dma_start3A_346 = arith.constant 0 : i32
        %dma_start3A_347 = tpu.memref_slice %arg5[%select_n3A_128, %dma_start3A_346, %select_n3A_220, %select_n3A_236] : memref<4x96x224x224xf32, #tpu.memory_space<hbm>> -> memref<1x96x1x112xf32, #tpu.memory_space<hbm>>
        %dma_start3A_348 = tpu.memref_squeeze %dma_start3A_347 : memref<1x96x1x112xf32, #tpu.memory_space<hbm>> -> memref<96x112xf32, #tpu.memory_space<hbm>>
        %dma_start3A_349 = arith.constant 0 : i32
        %dma_start3A_350 = tpu.memref_slice %arg5[%select_n3A_128, %dma_start3A_349, %select_n3A_220, %select_n3A_236] : memref<4x96x224x224xf32, #tpu.memory_space<hbm>> -> memref<1x96x1x112xf32, #tpu.memory_space<hbm>>
        %dma_start3A_351 = tpu.memref_squeeze %dma_start3A_350 : memref<1x96x1x112xf32, #tpu.memory_space<hbm>> -> memref<96x112xf32, #tpu.memory_space<hbm>>
        %dma_start3A_352 = arith.constant 0 : i32
        %dma_start3A_353 = arith.constant 0 : i32
        %dma_start3A_354 = tpu.memref_slice %arg35[%dma_start3A_352, %dma_start3A_353] : memref<96x113xf32, #tpu.memory_space<vmem>> -> memref<96x112xf32, #tpu.memory_space<vmem>>
        tpu.enqueue_dma source(%dma_start3A_354 : memref<96x112xf32, #tpu.memory_space<vmem>>) target(%dma_start3A_351 : memref<96x112xf32, #tpu.memory_space<hbm>>) target_semaphore(%run_scoped3A : memref<!tpu.dma_semaphore, #tpu.memory_space<semaphore_mem>>)
        %dma_wait3A_355 = arith.constant 0 : i32
        %dma_wait3A_356 = arith.constant 0 : i32
        %dma_wait3A_357 = tpu.memref_slice %arg35[%dma_wait3A_355, %dma_wait3A_356] : memref<96x113xf32, #tpu.memory_space<vmem>> -> memref<96x112xf32, #tpu.memory_space<vmem>>
        %dma_wait3A_358 = arith.constant 0 : i32
        %dma_wait3A_359 = tpu.memref_slice %arg5[%select_n3A_128, %dma_wait3A_358, %select_n3A_220, %select_n3A_236] : memref<4x96x224x224xf32, #tpu.memory_space<hbm>> -> memref<1x96x1x112xf32, #tpu.memory_space<hbm>>
        %dma_wait3A_360 = tpu.memref_squeeze %dma_wait3A_359 : memref<1x96x1x112xf32, #tpu.memory_space<hbm>> -> memref<96x112xf32, #tpu.memory_space<hbm>>
        %dma_wait3A_361 = arith.constant 0 : i32
        %dma_wait3A_362 = tpu.memref_slice %arg5[%select_n3A_128, %dma_wait3A_361, %select_n3A_220, %select_n3A_236] : memref<4x96x224x224xf32, #tpu.memory_space<hbm>> -> memref<1x96x1x112xf32, #tpu.memory_space<hbm>>
        %dma_wait3A_363 = tpu.memref_squeeze %dma_wait3A_362 : memref<1x96x1x112xf32, #tpu.memory_space<hbm>> -> memref<96x112xf32, #tpu.memory_space<hbm>>
        %dma_wait3A_364 = arith.constant 0 : i32
        %dma_wait3A_365 = arith.constant 0 : i32
        %dma_wait3A_366 = tpu.memref_slice %arg35[%dma_wait3A_364, %dma_wait3A_365] : memref<96x113xf32, #tpu.memory_space<vmem>> -> memref<96x112xf32, #tpu.memory_space<vmem>>
        tpu.wait_dma2 semaphore(%run_scoped3A : memref<!tpu.dma_semaphore, #tpu.memory_space<semaphore_mem>>) src(%dma_wait3A_366 : memref<96x112xf32, #tpu.memory_space<vmem>>) dst(%dma_wait3A_363 : memref<96x112xf32, #tpu.memory_space<hbm>>)
        tpu.yield
      }) : () -> ()
      %add3A_258 = arith.constant 1 : i32
      %add3A_259 = arith.addi %add3A_174, %add3A_258 : i32
      %add3A_260 = arith.constant 1 : i32
      %add3A_261 = arith.addi %add3A_259, %add3A_260 : i32
      %lt3A_262 = arith.constant 56 : i32
      %lt3A_263 = arith.cmpi slt, %add3A_261, %lt3A_262 : i32
      %convert_element_type3A_264 = arith.extui %lt3A_263 : i1 to i32
      %cond3A_265 = arith.constant 0 : i32
      %cond3A_266 = arith.cmpi ne, %convert_element_type3A_264, %cond3A_265 : i32
      scf.if %cond3A_266 {
        %add3A_343 = arith.constant 1 : i32
        %add3A_344 = arith.addi %add3A_259, %add3A_343 : i32
        %mul3A_345 = arith.constant 112 : i32
        %mul3A_346 = arith.muli %add3A_344, %mul3A_345 : i32
        %add3A_347 = arith.addi %mul3A_104, %mul3A_346 : i32
        "tpu.region"() ({
          %run_scoped3A = tpu.sem_alloc : memref<!tpu.dma_semaphore, #tpu.memory_space<semaphore_mem>>
          %dma_start3A_363 = tpu.memref_slice %arg3[%add3A_347] : memref<200704xf32, #tpu.memory_space<hbm>> -> memref<112xf32, #tpu.memory_space<hbm>>
          %dma_start3A_364 = tpu.memref_slice %arg3[%add3A_347] : memref<200704xf32, #tpu.memory_space<hbm>> -> memref<112xf32, #tpu.memory_space<hbm>>
          tpu.enqueue_dma source(%dma_start3A_364 : memref<112xf32, #tpu.memory_space<hbm>>) target(%arg7 : memref<112xf32, #tpu.memory_space<vmem>>) target_semaphore(%run_scoped3A : memref<!tpu.dma_semaphore, #tpu.memory_space<semaphore_mem>>)
          %dma_wait3A_365 = tpu.memref_slice %arg3[%add3A_347] : memref<200704xf32, #tpu.memory_space<hbm>> -> memref<112xf32, #tpu.memory_space<hbm>>
          %dma_wait3A_366 = tpu.memref_slice %arg3[%add3A_347] : memref<200704xf32, #tpu.memory_space<hbm>> -> memref<112xf32, #tpu.memory_space<hbm>>
          tpu.wait_dma2 semaphore(%run_scoped3A : memref<!tpu.dma_semaphore, #tpu.memory_space<semaphore_mem>>) src(%dma_wait3A_366 : memref<112xf32, #tpu.memory_space<hbm>>) dst(%arg7 : memref<112xf32, #tpu.memory_space<vmem>>)
          tpu.yield
        }) : () -> ()
        "tpu.region"() ({
          %run_scoped3A = tpu.sem_alloc : memref<!tpu.dma_semaphore, #tpu.memory_space<semaphore_mem>>
          %dma_start3A_363 = tpu.memref_slice %arg4[%add3A_347] : memref<200704xf32, #tpu.memory_space<hbm>> -> memref<112xf32, #tpu.memory_space<hbm>>
          %dma_start3A_364 = tpu.memref_slice %arg4[%add3A_347] : memref<200704xf32, #tpu.memory_space<hbm>> -> memref<112xf32, #tpu.memory_space<hbm>>
          tpu.enqueue_dma source(%dma_start3A_364 : memref<112xf32, #tpu.memory_space<hbm>>) target(%arg9 : memref<112xf32, #tpu.memory_space<vmem>>) target_semaphore(%run_scoped3A : memref<!tpu.dma_semaphore, #tpu.memory_space<semaphore_mem>>)
          %dma_wait3A_365 = tpu.memref_slice %arg4[%add3A_347] : memref<200704xf32, #tpu.memory_space<hbm>> -> memref<112xf32, #tpu.memory_space<hbm>>
          %dma_wait3A_366 = tpu.memref_slice %arg4[%add3A_347] : memref<200704xf32, #tpu.memory_space<hbm>> -> memref<112xf32, #tpu.memory_space<hbm>>
          tpu.wait_dma2 semaphore(%run_scoped3A : memref<!tpu.dma_semaphore, #tpu.memory_space<semaphore_mem>>) src(%dma_wait3A_366 : memref<112xf32, #tpu.memory_space<hbm>>) dst(%arg9 : memref<112xf32, #tpu.memory_space<vmem>>)
          tpu.yield
        }) : () -> ()
        %parallel_loop3A_348 = arith.constant 0 : i32
        %parallel_loop3A_349 = arith.constant 7 : i32
        %parallel_loop3A_350 = arith.constant 1 : i32
        scf.for %parallel_loop3A_363 = %parallel_loop3A_348 to %parallel_loop3A_349 step %parallel_loop3A_350  : i32 {
          %parallel_loop3A_364 = arith.constant 16 : i32
          %parallel_loop3A_365 = arith.muli %parallel_loop3A_363, %parallel_loop3A_364 : i32
          %parallel_loop3A_366 = arith.index_cast %parallel_loop3A_365 : i32 to index
          %parallel_loop3A_367 = tpu.vector_load %arg7[%parallel_loop3A_366] {strides = array<i32>} : memref<112xf32, #tpu.memory_space<vmem>>, vector<16xf32>,
          %parallel_loop3A_368 = arith.index_cast %parallel_loop3A_365 : i32 to index
          %parallel_loop3A_369 = tpu.vector_load %arg9[%parallel_loop3A_368] {strides = array<i32>} : memref<112xf32, #tpu.memory_space<vmem>>, vector<16xf32>,
          %parallel_loop3A_370 = arith.constant 1.000000e+00 : f32
          %parallel_loop3A_371 = vector.broadcast %parallel_loop3A_370 : f32 to vector<16xf32>
          %parallel_loop3A_372 = arith.addf %parallel_loop3A_367, %parallel_loop3A_371 : vector<16xf32>
          %parallel_loop3A_373 = arith.constant 1.120000e+02 : f32
          %parallel_loop3A_374 = vector.broadcast %parallel_loop3A_373 : f32 to vector<16xf32>
          %parallel_loop3A_375 = arith.mulf %parallel_loop3A_372, %parallel_loop3A_374 : vector<16xf32>
          %parallel_loop3A_376 = arith.constant 5.000000e-01 : f32
          %parallel_loop3A_377 = vector.broadcast %parallel_loop3A_376 : f32 to vector<16xf32>
          %parallel_loop3A_378 = arith.subf %parallel_loop3A_375, %parallel_loop3A_377 : vector<16xf32>
          %parallel_loop3A_379 = arith.constant 1.000000e+00 : f32
          %parallel_loop3A_380 = vector.broadcast %parallel_loop3A_379 : f32 to vector<16xf32>
          %parallel_loop3A_381 = arith.addf %parallel_loop3A_369, %parallel_loop3A_380 : vector<16xf32>
          %parallel_loop3A_382 = arith.constant 1.120000e+02 : f32
          %parallel_loop3A_383 = vector.broadcast %parallel_loop3A_382 : f32 to vector<16xf32>
          %parallel_loop3A_384 = arith.mulf %parallel_loop3A_381, %parallel_loop3A_383 : vector<16xf32>
          %parallel_loop3A_385 = arith.constant 5.000000e-01 : f32
          %parallel_loop3A_386 = vector.broadcast %parallel_loop3A_385 : f32 to vector<16xf32>
          %parallel_loop3A_387 = arith.subf %parallel_loop3A_384, %parallel_loop3A_386 : vector<16xf32>
          %parallel_loop3A_388 = arith.fptosi %parallel_loop3A_378 : vector<16xf32> to vector<16xi32>
          %parallel_loop3A_389 = arith.sitofp %parallel_loop3A_388 : vector<16xi32> to vector<16xf32>
          %parallel_loop3A_390 = arith.cmpf ogt, %parallel_loop3A_389, %parallel_loop3A_378 : vector<16xf32>
          %parallel_loop3A_391 = arith.constant 1 : i32
          %parallel_loop3A_392 = arith.constant 0 : i32
          %parallel_loop3A_393 = vector.broadcast %parallel_loop3A_391 : i32 to vector<16xi32>
          %parallel_loop3A_394 = vector.broadcast %parallel_loop3A_392 : i32 to vector<16xi32>
          %parallel_loop3A_395 = arith.select %parallel_loop3A_390, %parallel_loop3A_393, %parallel_loop3A_394 : vector<16xi1>, vector<16xi32>
          %parallel_loop3A_396 = arith.subi %parallel_loop3A_388, %parallel_loop3A_395 : vector<16xi32>
          %parallel_loop3A_397 = arith.fptosi %parallel_loop3A_387 : vector<16xf32> to vector<16xi32>
          %parallel_loop3A_398 = arith.sitofp %parallel_loop3A_397 : vector<16xi32> to vector<16xf32>
          %parallel_loop3A_399 = arith.cmpf ogt, %parallel_loop3A_398, %parallel_loop3A_387 : vector<16xf32>
          %parallel_loop3A_400 = arith.constant 1 : i32
          %parallel_loop3A_401 = arith.constant 0 : i32
          %parallel_loop3A_402 = vector.broadcast %parallel_loop3A_400 : i32 to vector<16xi32>
          %parallel_loop3A_403 = vector.broadcast %parallel_loop3A_401 : i32 to vector<16xi32>
          %parallel_loop3A_404 = arith.select %parallel_loop3A_399, %parallel_loop3A_402, %parallel_loop3A_403 : vector<16xi1>, vector<16xi32>
          %parallel_loop3A_405 = arith.subi %parallel_loop3A_397, %parallel_loop3A_404 : vector<16xi32>
          %parallel_loop3A_406 = arith.sitofp %parallel_loop3A_396 : vector<16xi32> to vector<16xf32>
          %parallel_loop3A_407 = arith.subf %parallel_loop3A_378, %parallel_loop3A_406 : vector<16xf32>
          %parallel_loop3A_408 = arith.sitofp %parallel_loop3A_405 : vector<16xi32> to vector<16xf32>
          %parallel_loop3A_409 = arith.subf %parallel_loop3A_387, %parallel_loop3A_408 : vector<16xf32>
          %parallel_loop3A_410 = arith.constant 0 : i32
          %parallel_loop3A_411 = vector.broadcast %parallel_loop3A_410 : i32 to vector<16xi32>
          %parallel_loop3A_412 = arith.cmpi sge, %parallel_loop3A_396, %parallel_loop3A_411 : vector<16xi32>
          %parallel_loop3A_413 = arith.constant 223 : i32
          %parallel_loop3A_414 = vector.broadcast %parallel_loop3A_413 : i32 to vector<16xi32>
          %parallel_loop3A_415 = arith.cmpi sle, %parallel_loop3A_396, %parallel_loop3A_414 : vector<16xi32>
          %parallel_loop3A_416 = arith.andi %parallel_loop3A_412, %parallel_loop3A_415 : vector<16xi1>
          %parallel_loop3A_417 = arith.constant -1 : i32
          %parallel_loop3A_418 = vector.broadcast %parallel_loop3A_417 : i32 to vector<16xi32>
          %parallel_loop3A_419 = arith.cmpi sge, %parallel_loop3A_396, %parallel_loop3A_418 : vector<16xi32>
          %parallel_loop3A_420 = arith.constant 222 : i32
          %parallel_loop3A_421 = vector.broadcast %parallel_loop3A_420 : i32 to vector<16xi32>
          %parallel_loop3A_422 = arith.cmpi sle, %parallel_loop3A_396, %parallel_loop3A_421 : vector<16xi32>
          %parallel_loop3A_423 = arith.andi %parallel_loop3A_419, %parallel_loop3A_422 : vector<16xi1>
          %parallel_loop3A_424 = arith.constant 0 : i32
          %parallel_loop3A_425 = vector.broadcast %parallel_loop3A_424 : i32 to vector<16xi32>
          %parallel_loop3A_426 = arith.cmpi sge, %parallel_loop3A_405, %parallel_loop3A_425 : vector<16xi32>
          %parallel_loop3A_427 = arith.constant 223 : i32
          %parallel_loop3A_428 = vector.broadcast %parallel_loop3A_427 : i32 to vector<16xi32>
          %parallel_loop3A_429 = arith.cmpi sle, %parallel_loop3A_405, %parallel_loop3A_428 : vector<16xi32>
          %parallel_loop3A_430 = arith.andi %parallel_loop3A_426, %parallel_loop3A_429 : vector<16xi1>
          %parallel_loop3A_431 = arith.constant -1 : i32
          %parallel_loop3A_432 = vector.broadcast %parallel_loop3A_431 : i32 to vector<16xi32>
          %parallel_loop3A_433 = arith.cmpi sge, %parallel_loop3A_405, %parallel_loop3A_432 : vector<16xi32>
          %parallel_loop3A_434 = arith.constant 222 : i32
          %parallel_loop3A_435 = vector.broadcast %parallel_loop3A_434 : i32 to vector<16xi32>
          %parallel_loop3A_436 = arith.cmpi sle, %parallel_loop3A_405, %parallel_loop3A_435 : vector<16xi32>
          %parallel_loop3A_437 = arith.andi %parallel_loop3A_433, %parallel_loop3A_436 : vector<16xi1>
          %parallel_loop3A_438 = arith.constant 0.000000e+00 : f32
          %parallel_loop3A_439 = vector.broadcast %parallel_loop3A_438 : f32 to vector<16xf32>
          %parallel_loop3A_440 = arith.constant 1.000000e+00 : f32
          %parallel_loop3A_441 = vector.broadcast %parallel_loop3A_440 : f32 to vector<16xf32>
          %parallel_loop3A_442 = arith.subf %parallel_loop3A_441, %parallel_loop3A_407 : vector<16xf32>
          %parallel_loop3A_443 = arith.select %parallel_loop3A_416, %parallel_loop3A_442, %parallel_loop3A_439 : vector<16xi1>, vector<16xf32>
          %parallel_loop3A_444 = arith.select %parallel_loop3A_423, %parallel_loop3A_407, %parallel_loop3A_439 : vector<16xi1>, vector<16xf32>
          %parallel_loop3A_445 = arith.constant 1.000000e+00 : f32
          %parallel_loop3A_446 = vector.broadcast %parallel_loop3A_445 : f32 to vector<16xf32>
          %parallel_loop3A_447 = arith.subf %parallel_loop3A_446, %parallel_loop3A_409 : vector<16xf32>
          %parallel_loop3A_448 = arith.select %parallel_loop3A_430, %parallel_loop3A_447, %parallel_loop3A_439 : vector<16xi1>, vector<16xf32>
          %parallel_loop3A_449 = arith.select %parallel_loop3A_437, %parallel_loop3A_409, %parallel_loop3A_439 : vector<16xi1>, vector<16xf32>
          %parallel_loop3A_450 = arith.constant 0 : i32
          %parallel_loop3A_451 = arith.constant 223 : i32
          %parallel_loop3A_452 = vector.broadcast %parallel_loop3A_450 : i32 to vector<16xi32>
          %parallel_loop3A_453 = arith.maxsi %parallel_loop3A_452, %parallel_loop3A_396 : vector<16xi32>
          %parallel_loop3A_454 = vector.broadcast %parallel_loop3A_451 : i32 to vector<16xi32>
          %parallel_loop3A_455 = arith.minsi %parallel_loop3A_454, %parallel_loop3A_453 : vector<16xi32>
          %parallel_loop3A_456 = arith.constant 1 : i32
          %parallel_loop3A_457 = vector.broadcast %parallel_loop3A_456 : i32 to vector<16xi32>
          %parallel_loop3A_458 = arith.addi %parallel_loop3A_396, %parallel_loop3A_457 : vector<16xi32>
          %parallel_loop3A_459 = arith.constant 0 : i32
          %parallel_loop3A_460 = arith.constant 223 : i32
          %parallel_loop3A_461 = vector.broadcast %parallel_loop3A_459 : i32 to vector<16xi32>
          %parallel_loop3A_462 = arith.maxsi %parallel_loop3A_461, %parallel_loop3A_458 : vector<16xi32>
          %parallel_loop3A_463 = vector.broadcast %parallel_loop3A_460 : i32 to vector<16xi32>
          %parallel_loop3A_464 = arith.minsi %parallel_loop3A_463, %parallel_loop3A_462 : vector<16xi32>
          %parallel_loop3A_465 = arith.constant 0 : i32
          %parallel_loop3A_466 = arith.constant 223 : i32
          %parallel_loop3A_467 = vector.broadcast %parallel_loop3A_465 : i32 to vector<16xi32>
          %parallel_loop3A_468 = arith.maxsi %parallel_loop3A_467, %parallel_loop3A_405 : vector<16xi32>
          %parallel_loop3A_469 = vector.broadcast %parallel_loop3A_466 : i32 to vector<16xi32>
          %parallel_loop3A_470 = arith.minsi %parallel_loop3A_469, %parallel_loop3A_468 : vector<16xi32>
          %parallel_loop3A_471 = arith.constant 224 : i32
          %parallel_loop3A_472 = vector.broadcast %parallel_loop3A_471 : i32 to vector<16xi32>
          %parallel_loop3A_473 = arith.muli %parallel_loop3A_470, %parallel_loop3A_472 : vector<16xi32>
          %parallel_loop3A_474 = vector.broadcast %mul3A_130 : i32 to vector<16xi32>
          %parallel_loop3A_475 = arith.addi %parallel_loop3A_474, %parallel_loop3A_473 : vector<16xi32>
          %parallel_loop3A_476 = arith.constant 1 : i32
          %parallel_loop3A_477 = vector.broadcast %parallel_loop3A_476 : i32 to vector<16xi32>
          %parallel_loop3A_478 = arith.addi %parallel_loop3A_405, %parallel_loop3A_477 : vector<16xi32>
          %parallel_loop3A_479 = arith.constant 0 : i32
          %parallel_loop3A_480 = arith.constant 223 : i32
          %parallel_loop3A_481 = vector.broadcast %parallel_loop3A_479 : i32 to vector<16xi32>
          %parallel_loop3A_482 = arith.maxsi %parallel_loop3A_481, %parallel_loop3A_478 : vector<16xi32>
          %parallel_loop3A_483 = vector.broadcast %parallel_loop3A_480 : i32 to vector<16xi32>
          %parallel_loop3A_484 = arith.minsi %parallel_loop3A_483, %parallel_loop3A_482 : vector<16xi32>
          %parallel_loop3A_485 = arith.constant 224 : i32
          %parallel_loop3A_486 = vector.broadcast %parallel_loop3A_485 : i32 to vector<16xi32>
          %parallel_loop3A_487 = arith.muli %parallel_loop3A_484, %parallel_loop3A_486 : vector<16xi32>
          %parallel_loop3A_488 = vector.broadcast %mul3A_130 : i32 to vector<16xi32>
          %parallel_loop3A_489 = arith.addi %parallel_loop3A_488, %parallel_loop3A_487 : vector<16xi32>
          %parallel_loop3A_490 = arith.addi %parallel_loop3A_475, %parallel_loop3A_455 : vector<16xi32>
          %parallel_loop3A_491 = arith.index_cast %parallel_loop3A_365 : i32 to index
          %parallel_loop3A_492 = tpu.vector_load %arg11[%parallel_loop3A_491] {strides = array<i32>} : memref<112xi32, #tpu.memory_space<vmem>>, vector<16xi32>,
          tpu.vector_store %arg11[%parallel_loop3A_491], %parallel_loop3A_490 {strides = array<i32>} : memref<112xi32, #tpu.memory_space<vmem>>, vector<16xi32>,
          %parallel_loop3A_493 = arith.addi %parallel_loop3A_475, %parallel_loop3A_464 : vector<16xi32>
          %parallel_loop3A_494 = arith.index_cast %parallel_loop3A_365 : i32 to index
          %parallel_loop3A_495 = tpu.vector_load %arg13[%parallel_loop3A_494] {strides = array<i32>} : memref<112xi32, #tpu.memory_space<vmem>>, vector<16xi32>,
          tpu.vector_store %arg13[%parallel_loop3A_494], %parallel_loop3A_493 {strides = array<i32>} : memref<112xi32, #tpu.memory_space<vmem>>, vector<16xi32>,
          %parallel_loop3A_496 = arith.addi %parallel_loop3A_489, %parallel_loop3A_455 : vector<16xi32>
          %parallel_loop3A_497 = arith.index_cast %parallel_loop3A_365 : i32 to index
          %parallel_loop3A_498 = tpu.vector_load %arg15[%parallel_loop3A_497] {strides = array<i32>} : memref<112xi32, #tpu.memory_space<vmem>>, vector<16xi32>,
          tpu.vector_store %arg15[%parallel_loop3A_497], %parallel_loop3A_496 {strides = array<i32>} : memref<112xi32, #tpu.memory_space<vmem>>, vector<16xi32>,
          %parallel_loop3A_499 = arith.addi %parallel_loop3A_489, %parallel_loop3A_464 : vector<16xi32>
          %parallel_loop3A_500 = arith.index_cast %parallel_loop3A_365 : i32 to index
          %parallel_loop3A_501 = tpu.vector_load %arg17[%parallel_loop3A_500] {strides = array<i32>} : memref<112xi32, #tpu.memory_space<vmem>>, vector<16xi32>,
          tpu.vector_store %arg17[%parallel_loop3A_500], %parallel_loop3A_499 {strides = array<i32>} : memref<112xi32, #tpu.memory_space<vmem>>, vector<16xi32>,
          %parallel_loop3A_502 = arith.mulf %parallel_loop3A_448, %parallel_loop3A_443 : vector<16xf32>
          %parallel_loop3A_503 = arith.index_cast %parallel_loop3A_365 : i32 to index
          %parallel_loop3A_504 = tpu.vector_load %arg19[%parallel_loop3A_503] {strides = array<i32>} : memref<112xf32, #tpu.memory_space<vmem>>, vector<16xf32>,
          tpu.vector_store %arg19[%parallel_loop3A_503], %parallel_loop3A_502 {strides = array<i32>} : memref<112xf32, #tpu.memory_space<vmem>>, vector<16xf32>,
          %parallel_loop3A_505 = arith.mulf %parallel_loop3A_448, %parallel_loop3A_444 : vector<16xf32>
          %parallel_loop3A_506 = arith.index_cast %parallel_loop3A_365 : i32 to index
          %parallel_loop3A_507 = tpu.vector_load %arg21[%parallel_loop3A_506] {strides = array<i32>} : memref<112xf32, #tpu.memory_space<vmem>>, vector<16xf32>,
          tpu.vector_store %arg21[%parallel_loop3A_506], %parallel_loop3A_505 {strides = array<i32>} : memref<112xf32, #tpu.memory_space<vmem>>, vector<16xf32>,
          %parallel_loop3A_508 = arith.mulf %parallel_loop3A_449, %parallel_loop3A_443 : vector<16xf32>
          %parallel_loop3A_509 = arith.index_cast %parallel_loop3A_365 : i32 to index
          %parallel_loop3A_510 = tpu.vector_load %arg23[%parallel_loop3A_509] {strides = array<i32>} : memref<112xf32, #tpu.memory_space<vmem>>, vector<16xf32>,
          tpu.vector_store %arg23[%parallel_loop3A_509], %parallel_loop3A_508 {strides = array<i32>} : memref<112xf32, #tpu.memory_space<vmem>>, vector<16xf32>,
          %parallel_loop3A_511 = arith.mulf %parallel_loop3A_449, %parallel_loop3A_444 : vector<16xf32>
          %parallel_loop3A_512 = arith.index_cast %parallel_loop3A_365 : i32 to index
          %parallel_loop3A_513 = tpu.vector_load %arg25[%parallel_loop3A_512] {strides = array<i32>} : memref<112xf32, #tpu.memory_space<vmem>>, vector<16xf32>,
          tpu.vector_store %arg25[%parallel_loop3A_512], %parallel_loop3A_511 {strides = array<i32>} : memref<112xf32, #tpu.memory_space<vmem>>, vector<16xf32>,
        } {sc.loop_unroll_factor = 1 : i64, sc.parallel_access}
        %dma_start3A_351 = arith.constant 0 : i32
        %dma_start3A_352 = arith.constant 0 : i32
        %dma_start3A_353 = tpu.memref_slice %arg6[%dma_start3A_351, %dma_start3A_352] : memref<200704x96xf32, #tpu.memory_space<hbm>> -> memref<200704x96xf32, #tpu.memory_space<hbm>>
        tpu.enqueue_indirect_dma source(%dma_start3A_353 : memref<200704x96xf32, #tpu.memory_space<hbm>>) target(%arg27 : memref<112x96xf32, #tpu.memory_space<vmem>>) offsets(%arg11 : memref<112xi32, #tpu.memory_space<vmem>>) semaphore(%arg37 : memref<!tpu.dma_semaphore, #tpu.memory_space<semaphore_mem>>)
        %dma_start3A_354 = arith.constant 0 : i32
        %dma_start3A_355 = arith.constant 0 : i32
        %dma_start3A_356 = tpu.memref_slice %arg6[%dma_start3A_354, %dma_start3A_355] : memref<200704x96xf32, #tpu.memory_space<hbm>> -> memref<200704x96xf32, #tpu.memory_space<hbm>>
        tpu.enqueue_indirect_dma source(%dma_start3A_356 : memref<200704x96xf32, #tpu.memory_space<hbm>>) target(%arg29 : memref<112x96xf32, #tpu.memory_space<vmem>>) offsets(%arg13 : memref<112xi32, #tpu.memory_space<vmem>>) semaphore(%arg37 : memref<!tpu.dma_semaphore, #tpu.memory_space<semaphore_mem>>)
        %dma_start3A_357 = arith.constant 0 : i32
        %dma_start3A_358 = arith.constant 0 : i32
        %dma_start3A_359 = tpu.memref_slice %arg6[%dma_start3A_357, %dma_start3A_358] : memref<200704x96xf32, #tpu.memory_space<hbm>> -> memref<200704x96xf32, #tpu.memory_space<hbm>>
        tpu.enqueue_indirect_dma source(%dma_start3A_359 : memref<200704x96xf32, #tpu.memory_space<hbm>>) target(%arg31 : memref<112x96xf32, #tpu.memory_space<vmem>>) offsets(%arg15 : memref<112xi32, #tpu.memory_space<vmem>>) semaphore(%arg37 : memref<!tpu.dma_semaphore, #tpu.memory_space<semaphore_mem>>)
        %dma_start3A_360 = arith.constant 0 : i32
        %dma_start3A_361 = arith.constant 0 : i32
        %dma_start3A_362 = tpu.memref_slice %arg6[%dma_start3A_360, %dma_start3A_361] : memref<200704x96xf32, #tpu.memory_space<hbm>> -> memref<200704x96xf32, #tpu.memory_space<hbm>>
        tpu.enqueue_indirect_dma source(%dma_start3A_362 : memref<200704x96xf32, #tpu.memory_space<hbm>>) target(%arg33 : memref<112x96xf32, #tpu.memory_space<vmem>>) offsets(%arg17 : memref<112xi32, #tpu.memory_space<vmem>>) semaphore(%arg37 : memref<!tpu.dma_semaphore, #tpu.memory_space<semaphore_mem>>)
      } else {
      }
      %dma_wait3A_267 = arith.constant 0 : i32
      %dma_wait3A_268 = arith.constant 0 : i32
      %dma_wait3A_269 = tpu.memref_slice %arg6[%dma_wait3A_267, %dma_wait3A_268] : memref<200704x96xf32, #tpu.memory_space<hbm>> -> memref<200704x96xf32, #tpu.memory_space<hbm>>
      tpu.wait_indirect_dma semaphore(%arg38 : memref<!tpu.dma_semaphore, #tpu.memory_space<semaphore_mem>>) src(%dma_wait3A_269 : memref<200704x96xf32, #tpu.memory_space<hbm>>) dst(%arg28 : memref<112x96xf32, #tpu.memory_space<vmem>>)
      %dma_wait3A_270 = arith.constant 0 : i32
      %dma_wait3A_271 = arith.constant 0 : i32
      %dma_wait3A_272 = tpu.memref_slice %arg6[%dma_wait3A_270, %dma_wait3A_271] : memref<200704x96xf32, #tpu.memory_space<hbm>> -> memref<200704x96xf32, #tpu.memory_space<hbm>>
      tpu.wait_indirect_dma semaphore(%arg38 : memref<!tpu.dma_semaphore, #tpu.memory_space<semaphore_mem>>) src(%dma_wait3A_272 : memref<200704x96xf32, #tpu.memory_space<hbm>>) dst(%arg30 : memref<112x96xf32, #tpu.memory_space<vmem>>)
      %dma_wait3A_273 = arith.constant 0 : i32
      %dma_wait3A_274 = arith.constant 0 : i32
      %dma_wait3A_275 = tpu.memref_slice %arg6[%dma_wait3A_273, %dma_wait3A_274] : memref<200704x96xf32, #tpu.memory_space<hbm>> -> memref<200704x96xf32, #tpu.memory_space<hbm>>
      tpu.wait_indirect_dma semaphore(%arg38 : memref<!tpu.dma_semaphore, #tpu.memory_space<semaphore_mem>>) src(%dma_wait3A_275 : memref<200704x96xf32, #tpu.memory_space<hbm>>) dst(%arg32 : memref<112x96xf32, #tpu.memory_space<vmem>>)
      %dma_wait3A_276 = arith.constant 0 : i32
      %dma_wait3A_277 = arith.constant 0 : i32
      %dma_wait3A_278 = tpu.memref_slice %arg6[%dma_wait3A_276, %dma_wait3A_277] : memref<200704x96xf32, #tpu.memory_space<hbm>> -> memref<200704x96xf32, #tpu.memory_space<hbm>>
      tpu.wait_indirect_dma semaphore(%arg38 : memref<!tpu.dma_semaphore, #tpu.memory_space<semaphore_mem>>) src(%dma_wait3A_278 : memref<200704x96xf32, #tpu.memory_space<hbm>>) dst(%arg34 : memref<112x96xf32, #tpu.memory_space<vmem>>)
      %mul3A_279 = arith.constant 112 : i32
      %mul3A_280 = arith.muli %add3A_259, %mul3A_279 : i32
      %add3A_281 = arith.addi %mul3A_148, %mul3A_280 : i32
      %jit3A_282 = arith.constant 224 : i32
      %div3A_283 = arith.divsi %add3A_281, %jit3A_282 : i32
      %sign3A_284 = arith.constant 0 : i32
      %sign3A_285 = arith.cmpi sgt, %add3A_281, %sign3A_284 : i32
      %sign3A_286 = arith.extui %sign3A_285 : i1 to i32
      %sign3A_287 = arith.constant 0 : i32
      %sign3A_288 = arith.cmpi slt, %add3A_281, %sign3A_287 : i32
      %sign3A_289 = arith.extui %sign3A_288 : i1 to i32
      %sign3A_290 = arith.subi %sign3A_286, %sign3A_289 : i32
      %sign3A_291 = arith.constant 0 : i32
      %sign3A_292 = arith.cmpi sgt, %jit3A_282, %sign3A_291 : i32
      %sign3A_293 = arith.extui %sign3A_292 : i1 to i32
      %sign3A_294 = arith.constant 0 : i32
      %sign3A_295 = arith.cmpi slt, %jit3A_282, %sign3A_294 : i32
      %sign3A_296 = arith.extui %sign3A_295 : i1 to i32
      %sign3A_297 = arith.subi %sign3A_293, %sign3A_296 : i32
      %ne3A_298 = arith.cmpi ne, %sign3A_290, %sign3A_297 : i32
      %rem3A_299 = arith.remsi %add3A_281, %jit3A_282 : i32
      %ne3A_300 = arith.constant 0 : i32
      %ne3A_301 = arith.cmpi ne, %rem3A_299, %ne3A_300 : i32
      %and3A_302 = arith.andi %ne3A_298, %ne3A_301 : i1
      %sub3A_303 = arith.constant 1 : i32
      %sub3A_304 = arith.subi %div3A_283, %sub3A_303 : i32
      %select_n3A_305 = arith.select %and3A_302, %sub3A_304, %div3A_283 : i32
      %jit3A_306 = arith.constant 224 : i32
      %eq3A_307 = arith.constant 0 : i32
      %eq3A_308 = arith.cmpi eq, %jit3A_306, %eq3A_307 : i32
      %jit3A_309 = arith.constant 1 : i32
      %select_n3A_310 = arith.select %eq3A_308, %jit3A_309, %jit3A_306 : i32
      %rem3A_311 = arith.remsi %add3A_281, %select_n3A_310 : i32
      %ne3A_312 = arith.constant 0 : i32
      %ne3A_313 = arith.cmpi ne, %rem3A_311, %ne3A_312 : i32
      %lt3A_314 = arith.constant 0 : i32
      %lt3A_315 = arith.cmpi slt, %rem3A_311, %lt3A_314 : i32
      %lt3A_316 = arith.constant 0 : i32
      %lt3A_317 = arith.cmpi slt, %select_n3A_310, %lt3A_316 : i32
      %ne3A_318 = arith.xori %lt3A_315, %lt3A_317 : i1
      %and3A_319 = arith.andi %ne3A_318, %ne3A_313 : i1
      %add3A_320 = arith.addi %rem3A_311, %select_n3A_310 : i32
      %select_n3A_321 = arith.select %and3A_319, %add3A_320, %rem3A_311 : i32
      %add3A_322 = arith.constant 0 : i32
      %add3A_323 = vector.broadcast %add3A_322 : i32 to vector<16xi32>
      %add3A_324 = arith.addi %iota3A, %add3A_323 : vector<16xi32>
      %add3A_325 = arith.constant 16 : i32
      %add3A_326 = vector.broadcast %add3A_325 : i32 to vector<16xi32>
      %add3A_327 = arith.addi %iota3A, %add3A_326 : vector<16xi32>
      %add3A_328 = arith.constant 32 : i32
      %add3A_329 = vector.broadcast %add3A_328 : i32 to vector<16xi32>
      %add3A_330 = arith.addi %iota3A, %add3A_329 : vector<16xi32>
      %add3A_331 = arith.constant 48 : i32
      %add3A_332 = vector.broadcast %add3A_331 : i32 to vector<16xi32>
      %add3A_333 = arith.addi %iota3A, %add3A_332 : vector<16xi32>
      %add3A_334 = arith.constant 64 : i32
      %add3A_335 = vector.broadcast %add3A_334 : i32 to vector<16xi32>
      %add3A_336 = arith.addi %iota3A, %add3A_335 : vector<16xi32>
      %add3A_337 = arith.constant 80 : i32
      %add3A_338 = vector.broadcast %add3A_337 : i32 to vector<16xi32>
      %add3A_339 = arith.addi %iota3A, %add3A_338 : vector<16xi32>
      %parallel_loop3A_340 = arith.constant 0 : i32
      %parallel_loop3A_341 = arith.constant 7 : i32
      %parallel_loop3A_342 = arith.constant 1 : i32
      scf.for %parallel_loop3A_343 = %parallel_loop3A_340 to %parallel_loop3A_341 step %parallel_loop3A_342  : i32 {
        %parallel_loop3A_344 = arith.constant 16 : i32
        %parallel_loop3A_345 = arith.muli %parallel_loop3A_343, %parallel_loop3A_344 : i32
        %parallel_loop3A_346 = arith.index_cast %parallel_loop3A_345 : i32 to index
        %parallel_loop3A_347 = tpu.vector_load %arg20[%parallel_loop3A_346] {strides = array<i32>} : memref<112xf32, #tpu.memory_space<vmem>>, vector<16xf32>,
        %parallel_loop3A_348 = arith.index_cast %parallel_loop3A_345 : i32 to index
        %parallel_loop3A_349 = tpu.vector_load %arg22[%parallel_loop3A_348] {strides = array<i32>} : memref<112xf32, #tpu.memory_space<vmem>>, vector<16xf32>,
        %parallel_loop3A_350 = arith.index_cast %parallel_loop3A_345 : i32 to index
        %parallel_loop3A_351 = tpu.vector_load %arg24[%parallel_loop3A_350] {strides = array<i32>} : memref<112xf32, #tpu.memory_space<vmem>>, vector<16xf32>,
        %parallel_loop3A_352 = arith.index_cast %parallel_loop3A_345 : i32 to index
        %parallel_loop3A_353 = tpu.vector_load %arg26[%parallel_loop3A_352] {strides = array<i32>} : memref<112xf32, #tpu.memory_space<vmem>>, vector<16xf32>,
        %parallel_loop3A_354 = arith.constant 16 : i32
        %parallel_loop3A_355 = arith.muli %parallel_loop3A_343, %parallel_loop3A_354 : i32
        %parallel_loop3A_356 = arith.constant 0 : i32
        %parallel_loop3A_357 = arith.constant 16 : i32
        %parallel_loop3A_358 = arith.constant 1 : i32
        scf.for %parallel_loop3A_359 = %parallel_loop3A_356 to %parallel_loop3A_357 step %parallel_loop3A_358  : i32 {
          %parallel_loop3A_360 = vector.broadcast %parallel_loop3A_359 : i32 to vector<16xi32>
          %parallel_loop3A_361 = vector.shape_cast %parallel_loop3A_360 : vector<16xi32> to vector<16x1xi32>
          %parallel_loop3A_362 = vector.shape_cast %parallel_loop3A_361 : vector<16x1xi32> to vector<16xi32>
          %parallel_loop3A_363 = tpu.dynamic_gather %parallel_loop3A_347[%parallel_loop3A_362] in [0] : vector<16xf32>, vector<16xi32> -> vector<16xf32>
          %parallel_loop3A_364 = vector.shape_cast %parallel_loop3A_360 : vector<16xi32> to vector<16x1xi32>
          %parallel_loop3A_365 = vector.shape_cast %parallel_loop3A_364 : vector<16x1xi32> to vector<16xi32>
          %parallel_loop3A_366 = tpu.dynamic_gather %parallel_loop3A_349[%parallel_loop3A_365] in [0] : vector<16xf32>, vector<16xi32> -> vector<16xf32>
          %parallel_loop3A_367 = vector.shape_cast %parallel_loop3A_360 : vector<16xi32> to vector<16x1xi32>
          %parallel_loop3A_368 = vector.shape_cast %parallel_loop3A_367 : vector<16x1xi32> to vector<16xi32>
          %parallel_loop3A_369 = tpu.dynamic_gather %parallel_loop3A_351[%parallel_loop3A_368] in [0] : vector<16xf32>, vector<16xi32> -> vector<16xf32>
          %parallel_loop3A_370 = vector.shape_cast %parallel_loop3A_360 : vector<16xi32> to vector<16x1xi32>
          %parallel_loop3A_371 = vector.shape_cast %parallel_loop3A_370 : vector<16x1xi32> to vector<16xi32>
          %parallel_loop3A_372 = tpu.dynamic_gather %parallel_loop3A_353[%parallel_loop3A_371] in [0] : vector<16xf32>, vector<16xi32> -> vector<16xf32>
          %parallel_loop3A_373 = arith.addi %parallel_loop3A_355, %parallel_loop3A_359 : i32
          %parallel_loop3A_374 = vector.broadcast %parallel_loop3A_355 : i32 to vector<16xi32>
          %parallel_loop3A_375 = arith.addi %parallel_loop3A_360, %parallel_loop3A_374 : vector<16xi32>
          %parallel_loop3A_376 = arith.index_cast %parallel_loop3A_373 : i32 to index
          %parallel_loop3A_377 = arith.constant 0 : index
          %parallel_loop3A_378 = tpu.vector_load %arg28[%parallel_loop3A_376, %parallel_loop3A_377] {strides = array<i32>} : memref<112x96xf32, #tpu.memory_space<vmem>>, vector<16xf32>,
          %parallel_loop3A_379 = arith.mulf %parallel_loop3A_378, %parallel_loop3A_363 : vector<16xf32>
          %parallel_loop3A_380 = arith.index_cast %parallel_loop3A_373 : i32 to index
          %parallel_loop3A_381 = arith.constant 0 : index
          %parallel_loop3A_382 = tpu.vector_load %arg30[%parallel_loop3A_380, %parallel_loop3A_381] {strides = array<i32>} : memref<112x96xf32, #tpu.memory_space<vmem>>, vector<16xf32>,
          %parallel_loop3A_383 = arith.mulf %parallel_loop3A_382, %parallel_loop3A_366 : vector<16xf32>
          %parallel_loop3A_384 = arith.index_cast %parallel_loop3A_373 : i32 to index
          %parallel_loop3A_385 = arith.constant 0 : index
          %parallel_loop3A_386 = tpu.vector_load %arg32[%parallel_loop3A_384, %parallel_loop3A_385] {strides = array<i32>} : memref<112x96xf32, #tpu.memory_space<vmem>>, vector<16xf32>,
          %parallel_loop3A_387 = arith.mulf %parallel_loop3A_386, %parallel_loop3A_369 : vector<16xf32>
          %parallel_loop3A_388 = arith.index_cast %parallel_loop3A_373 : i32 to index
          %parallel_loop3A_389 = arith.constant 0 : index
          %parallel_loop3A_390 = tpu.vector_load %arg34[%parallel_loop3A_388, %parallel_loop3A_389] {strides = array<i32>} : memref<112x96xf32, #tpu.memory_space<vmem>>, vector<16xf32>,
          %parallel_loop3A_391 = arith.mulf %parallel_loop3A_390, %parallel_loop3A_372 : vector<16xf32>
          %parallel_loop3A_392 = arith.addf %parallel_loop3A_379, %parallel_loop3A_383 : vector<16xf32>
          %parallel_loop3A_393 = arith.addf %parallel_loop3A_387, %parallel_loop3A_391 : vector<16xf32>
          %parallel_loop3A_394 = arith.addf %parallel_loop3A_392, %parallel_loop3A_393 : vector<16xf32>
          tpu.vector_store_idx %arg36[%add3A_324, %parallel_loop3A_375], %parallel_loop3A_394 : memref<96x113xf32, #tpu.memory_space<vmem>>[vector<16xi32>, vector<16xi32>], vector<16xf32>,
          %parallel_loop3A_395 = arith.index_cast %parallel_loop3A_373 : i32 to index
          %parallel_loop3A_396 = arith.constant 16 : index
          %parallel_loop3A_397 = tpu.vector_load %arg28[%parallel_loop3A_395, %parallel_loop3A_396] {strides = array<i32>} : memref<112x96xf32, #tpu.memory_space<vmem>>, vector<16xf32>,
          %parallel_loop3A_398 = arith.mulf %parallel_loop3A_397, %parallel_loop3A_363 : vector<16xf32>
          %parallel_loop3A_399 = arith.index_cast %parallel_loop3A_373 : i32 to index
          %parallel_loop3A_400 = arith.constant 16 : index
          %parallel_loop3A_401 = tpu.vector_load %arg30[%parallel_loop3A_399, %parallel_loop3A_400] {strides = array<i32>} : memref<112x96xf32, #tpu.memory_space<vmem>>, vector<16xf32>,
          %parallel_loop3A_402 = arith.mulf %parallel_loop3A_401, %parallel_loop3A_366 : vector<16xf32>
          %parallel_loop3A_403 = arith.index_cast %parallel_loop3A_373 : i32 to index
          %parallel_loop3A_404 = arith.constant 16 : index
          %parallel_loop3A_405 = tpu.vector_load %arg32[%parallel_loop3A_403, %parallel_loop3A_404] {strides = array<i32>} : memref<112x96xf32, #tpu.memory_space<vmem>>, vector<16xf32>,
          %parallel_loop3A_406 = arith.mulf %parallel_loop3A_405, %parallel_loop3A_369 : vector<16xf32>
          %parallel_loop3A_407 = arith.index_cast %parallel_loop3A_373 : i32 to index
          %parallel_loop3A_408 = arith.constant 16 : index
          %parallel_loop3A_409 = tpu.vector_load %arg34[%parallel_loop3A_407, %parallel_loop3A_408] {strides = array<i32>} : memref<112x96xf32, #tpu.memory_space<vmem>>, vector<16xf32>,
          %parallel_loop3A_410 = arith.mulf %parallel_loop3A_409, %parallel_loop3A_372 : vector<16xf32>
          %parallel_loop3A_411 = arith.addf %parallel_loop3A_398, %parallel_loop3A_402 : vector<16xf32>
          %parallel_loop3A_412 = arith.addf %parallel_loop3A_406, %parallel_loop3A_410 : vector<16xf32>
          %parallel_loop3A_413 = arith.addf %parallel_loop3A_411, %parallel_loop3A_412 : vector<16xf32>
          tpu.vector_store_idx %arg36[%add3A_327, %parallel_loop3A_375], %parallel_loop3A_413 : memref<96x113xf32, #tpu.memory_space<vmem>>[vector<16xi32>, vector<16xi32>], vector<16xf32>,
          %parallel_loop3A_414 = arith.index_cast %parallel_loop3A_373 : i32 to index
          %parallel_loop3A_415 = arith.constant 32 : index
          %parallel_loop3A_416 = tpu.vector_load %arg28[%parallel_loop3A_414, %parallel_loop3A_415] {strides = array<i32>} : memref<112x96xf32, #tpu.memory_space<vmem>>, vector<16xf32>,
          %parallel_loop3A_417 = arith.mulf %parallel_loop3A_416, %parallel_loop3A_363 : vector<16xf32>
          %parallel_loop3A_418 = arith.index_cast %parallel_loop3A_373 : i32 to index
          %parallel_loop3A_419 = arith.constant 32 : index
          %parallel_loop3A_420 = tpu.vector_load %arg30[%parallel_loop3A_418, %parallel_loop3A_419] {strides = array<i32>} : memref<112x96xf32, #tpu.memory_space<vmem>>, vector<16xf32>,
          %parallel_loop3A_421 = arith.mulf %parallel_loop3A_420, %parallel_loop3A_366 : vector<16xf32>
          %parallel_loop3A_422 = arith.index_cast %parallel_loop3A_373 : i32 to index
          %parallel_loop3A_423 = arith.constant 32 : index
          %parallel_loop3A_424 = tpu.vector_load %arg32[%parallel_loop3A_422, %parallel_loop3A_423] {strides = array<i32>} : memref<112x96xf32, #tpu.memory_space<vmem>>, vector<16xf32>,
          %parallel_loop3A_425 = arith.mulf %parallel_loop3A_424, %parallel_loop3A_369 : vector<16xf32>
          %parallel_loop3A_426 = arith.index_cast %parallel_loop3A_373 : i32 to index
          %parallel_loop3A_427 = arith.constant 32 : index
          %parallel_loop3A_428 = tpu.vector_load %arg34[%parallel_loop3A_426, %parallel_loop3A_427] {strides = array<i32>} : memref<112x96xf32, #tpu.memory_space<vmem>>, vector<16xf32>,
          %parallel_loop3A_429 = arith.mulf %parallel_loop3A_428, %parallel_loop3A_372 : vector<16xf32>
          %parallel_loop3A_430 = arith.addf %parallel_loop3A_417, %parallel_loop3A_421 : vector<16xf32>
          %parallel_loop3A_431 = arith.addf %parallel_loop3A_425, %parallel_loop3A_429 : vector<16xf32>
          %parallel_loop3A_432 = arith.addf %parallel_loop3A_430, %parallel_loop3A_431 : vector<16xf32>
          tpu.vector_store_idx %arg36[%add3A_330, %parallel_loop3A_375], %parallel_loop3A_432 : memref<96x113xf32, #tpu.memory_space<vmem>>[vector<16xi32>, vector<16xi32>], vector<16xf32>,
          %parallel_loop3A_433 = arith.index_cast %parallel_loop3A_373 : i32 to index
          %parallel_loop3A_434 = arith.constant 48 : index
          %parallel_loop3A_435 = tpu.vector_load %arg28[%parallel_loop3A_433, %parallel_loop3A_434] {strides = array<i32>} : memref<112x96xf32, #tpu.memory_space<vmem>>, vector<16xf32>,
          %parallel_loop3A_436 = arith.mulf %parallel_loop3A_435, %parallel_loop3A_363 : vector<16xf32>
          %parallel_loop3A_437 = arith.index_cast %parallel_loop3A_373 : i32 to index
          %parallel_loop3A_438 = arith.constant 48 : index
          %parallel_loop3A_439 = tpu.vector_load %arg30[%parallel_loop3A_437, %parallel_loop3A_438] {strides = array<i32>} : memref<112x96xf32, #tpu.memory_space<vmem>>, vector<16xf32>,
          %parallel_loop3A_440 = arith.mulf %parallel_loop3A_439, %parallel_loop3A_366 : vector<16xf32>
          %parallel_loop3A_441 = arith.index_cast %parallel_loop3A_373 : i32 to index
          %parallel_loop3A_442 = arith.constant 48 : index
          %parallel_loop3A_443 = tpu.vector_load %arg32[%parallel_loop3A_441, %parallel_loop3A_442] {strides = array<i32>} : memref<112x96xf32, #tpu.memory_space<vmem>>, vector<16xf32>,
          %parallel_loop3A_444 = arith.mulf %parallel_loop3A_443, %parallel_loop3A_369 : vector<16xf32>
          %parallel_loop3A_445 = arith.index_cast %parallel_loop3A_373 : i32 to index
          %parallel_loop3A_446 = arith.constant 48 : index
          %parallel_loop3A_447 = tpu.vector_load %arg34[%parallel_loop3A_445, %parallel_loop3A_446] {strides = array<i32>} : memref<112x96xf32, #tpu.memory_space<vmem>>, vector<16xf32>,
          %parallel_loop3A_448 = arith.mulf %parallel_loop3A_447, %parallel_loop3A_372 : vector<16xf32>
          %parallel_loop3A_449 = arith.addf %parallel_loop3A_436, %parallel_loop3A_440 : vector<16xf32>
          %parallel_loop3A_450 = arith.addf %parallel_loop3A_444, %parallel_loop3A_448 : vector<16xf32>
          %parallel_loop3A_451 = arith.addf %parallel_loop3A_449, %parallel_loop3A_450 : vector<16xf32>
          tpu.vector_store_idx %arg36[%add3A_333, %parallel_loop3A_375], %parallel_loop3A_451 : memref<96x113xf32, #tpu.memory_space<vmem>>[vector<16xi32>, vector<16xi32>], vector<16xf32>,
          %parallel_loop3A_452 = arith.index_cast %parallel_loop3A_373 : i32 to index
          %parallel_loop3A_453 = arith.constant 64 : index
          %parallel_loop3A_454 = tpu.vector_load %arg28[%parallel_loop3A_452, %parallel_loop3A_453] {strides = array<i32>} : memref<112x96xf32, #tpu.memory_space<vmem>>, vector<16xf32>,
          %parallel_loop3A_455 = arith.mulf %parallel_loop3A_454, %parallel_loop3A_363 : vector<16xf32>
          %parallel_loop3A_456 = arith.index_cast %parallel_loop3A_373 : i32 to index
          %parallel_loop3A_457 = arith.constant 64 : index
          %parallel_loop3A_458 = tpu.vector_load %arg30[%parallel_loop3A_456, %parallel_loop3A_457] {strides = array<i32>} : memref<112x96xf32, #tpu.memory_space<vmem>>, vector<16xf32>,
          %parallel_loop3A_459 = arith.mulf %parallel_loop3A_458, %parallel_loop3A_366 : vector<16xf32>
          %parallel_loop3A_460 = arith.index_cast %parallel_loop3A_373 : i32 to index
          %parallel_loop3A_461 = arith.constant 64 : index
          %parallel_loop3A_462 = tpu.vector_load %arg32[%parallel_loop3A_460, %parallel_loop3A_461] {strides = array<i32>} : memref<112x96xf32, #tpu.memory_space<vmem>>, vector<16xf32>,
          %parallel_loop3A_463 = arith.mulf %parallel_loop3A_462, %parallel_loop3A_369 : vector<16xf32>
          %parallel_loop3A_464 = arith.index_cast %parallel_loop3A_373 : i32 to index
          %parallel_loop3A_465 = arith.constant 64 : index
          %parallel_loop3A_466 = tpu.vector_load %arg34[%parallel_loop3A_464, %parallel_loop3A_465] {strides = array<i32>} : memref<112x96xf32, #tpu.memory_space<vmem>>, vector<16xf32>,
          %parallel_loop3A_467 = arith.mulf %parallel_loop3A_466, %parallel_loop3A_372 : vector<16xf32>
          %parallel_loop3A_468 = arith.addf %parallel_loop3A_455, %parallel_loop3A_459 : vector<16xf32>
          %parallel_loop3A_469 = arith.addf %parallel_loop3A_463, %parallel_loop3A_467 : vector<16xf32>
          %parallel_loop3A_470 = arith.addf %parallel_loop3A_468, %parallel_loop3A_469 : vector<16xf32>
          tpu.vector_store_idx %arg36[%add3A_336, %parallel_loop3A_375], %parallel_loop3A_470 : memref<96x113xf32, #tpu.memory_space<vmem>>[vector<16xi32>, vector<16xi32>], vector<16xf32>,
          %parallel_loop3A_471 = arith.index_cast %parallel_loop3A_373 : i32 to index
          %parallel_loop3A_472 = arith.constant 80 : index
          %parallel_loop3A_473 = tpu.vector_load %arg28[%parallel_loop3A_471, %parallel_loop3A_472] {strides = array<i32>} : memref<112x96xf32, #tpu.memory_space<vmem>>, vector<16xf32>,
          %parallel_loop3A_474 = arith.mulf %parallel_loop3A_473, %parallel_loop3A_363 : vector<16xf32>
          %parallel_loop3A_475 = arith.index_cast %parallel_loop3A_373 : i32 to index
          %parallel_loop3A_476 = arith.constant 80 : index
          %parallel_loop3A_477 = tpu.vector_load %arg30[%parallel_loop3A_475, %parallel_loop3A_476] {strides = array<i32>} : memref<112x96xf32, #tpu.memory_space<vmem>>, vector<16xf32>,
          %parallel_loop3A_478 = arith.mulf %parallel_loop3A_477, %parallel_loop3A_366 : vector<16xf32>
          %parallel_loop3A_479 = arith.index_cast %parallel_loop3A_373 : i32 to index
          %parallel_loop3A_480 = arith.constant 80 : index
          %parallel_loop3A_481 = tpu.vector_load %arg32[%parallel_loop3A_479, %parallel_loop3A_480] {strides = array<i32>} : memref<112x96xf32, #tpu.memory_space<vmem>>, vector<16xf32>,
          %parallel_loop3A_482 = arith.mulf %parallel_loop3A_481, %parallel_loop3A_369 : vector<16xf32>
          %parallel_loop3A_483 = arith.index_cast %parallel_loop3A_373 : i32 to index
          %parallel_loop3A_484 = arith.constant 80 : index
          %parallel_loop3A_485 = tpu.vector_load %arg34[%parallel_loop3A_483, %parallel_loop3A_484] {strides = array<i32>} : memref<112x96xf32, #tpu.memory_space<vmem>>, vector<16xf32>,
          %parallel_loop3A_486 = arith.mulf %parallel_loop3A_485, %parallel_loop3A_372 : vector<16xf32>
          %parallel_loop3A_487 = arith.addf %parallel_loop3A_474, %parallel_loop3A_478 : vector<16xf32>
          %parallel_loop3A_488 = arith.addf %parallel_loop3A_482, %parallel_loop3A_486 : vector<16xf32>
          %parallel_loop3A_489 = arith.addf %parallel_loop3A_487, %parallel_loop3A_488 : vector<16xf32>
          tpu.vector_store_idx %arg36[%add3A_339, %parallel_loop3A_375], %parallel_loop3A_489 : memref<96x113xf32, #tpu.memory_space<vmem>>[vector<16xi32>, vector<16xi32>], vector<16xf32>,
        } {sc.loop_unroll_factor = 4 : i64, sc.parallel_access}
      } {sc.loop_unroll_factor = 1 : i64, sc.parallel_access}
      "tpu.region"() ({
        %run_scoped3A = tpu.sem_alloc : memref<!tpu.dma_semaphore, #tpu.memory_space<semaphore_mem>>
        %dma_start3A_343 = arith.constant 0 : i32
        %dma_start3A_344 = arith.constant 0 : i32
        %dma_start3A_345 = tpu.memref_slice %arg36[%dma_start3A_343, %dma_start3A_344] : memref<96x113xf32, #tpu.memory_space<vmem>> -> memref<96x112xf32, #tpu.memory_space<vmem>>
        %dma_start3A_346 = arith.constant 0 : i32
        %dma_start3A_347 = tpu.memref_slice %arg5[%select_n3A_128, %dma_start3A_346, %select_n3A_305, %select_n3A_321] : memref<4x96x224x224xf32, #tpu.memory_space<hbm>> -> memref<1x96x1x112xf32, #tpu.memory_space<hbm>>
        %dma_start3A_348 = tpu.memref_squeeze %dma_start3A_347 : memref<1x96x1x112xf32, #tpu.memory_space<hbm>> -> memref<96x112xf32, #tpu.memory_space<hbm>>
        %dma_start3A_349 = arith.constant 0 : i32
        %dma_start3A_350 = tpu.memref_slice %arg5[%select_n3A_128, %dma_start3A_349, %select_n3A_305, %select_n3A_321] : memref<4x96x224x224xf32, #tpu.memory_space<hbm>> -> memref<1x96x1x112xf32, #tpu.memory_space<hbm>>
        %dma_start3A_351 = tpu.memref_squeeze %dma_start3A_350 : memref<1x96x1x112xf32, #tpu.memory_space<hbm>> -> memref<96x112xf32, #tpu.memory_space<hbm>>
        %dma_start3A_352 = arith.constant 0 : i32
        %dma_start3A_353 = arith.constant 0 : i32
        %dma_start3A_354 = tpu.memref_slice %arg36[%dma_start3A_352, %dma_start3A_353] : memref<96x113xf32, #tpu.memory_space<vmem>> -> memref<96x112xf32, #tpu.memory_space<vmem>>
        tpu.enqueue_dma source(%dma_start3A_354 : memref<96x112xf32, #tpu.memory_space<vmem>>) target(%dma_start3A_351 : memref<96x112xf32, #tpu.memory_space<hbm>>) target_semaphore(%run_scoped3A : memref<!tpu.dma_semaphore, #tpu.memory_space<semaphore_mem>>)
        %dma_wait3A_355 = arith.constant 0 : i32
        %dma_wait3A_356 = arith.constant 0 : i32
        %dma_wait3A_357 = tpu.memref_slice %arg36[%dma_wait3A_355, %dma_wait3A_356] : memref<96x113xf32, #tpu.memory_space<vmem>> -> memref<96x112xf32, #tpu.memory_space<vmem>>
        %dma_wait3A_358 = arith.constant 0 : i32
        %dma_wait3A_359 = tpu.memref_slice %arg5[%select_n3A_128, %dma_wait3A_358, %select_n3A_305, %select_n3A_321] : memref<4x96x224x224xf32, #tpu.memory_space<hbm>> -> memref<1x96x1x112xf32, #tpu.memory_space<hbm>>
        %dma_wait3A_360 = tpu.memref_squeeze %dma_wait3A_359 : memref<1x96x1x112xf32, #tpu.memory_space<hbm>> -> memref<96x112xf32, #tpu.memory_space<hbm>>
        %dma_wait3A_361 = arith.constant 0 : i32
        %dma_wait3A_362 = tpu.memref_slice %arg5[%select_n3A_128, %dma_wait3A_361, %select_n3A_305, %select_n3A_321] : memref<4x96x224x224xf32, #tpu.memory_space<hbm>> -> memref<1x96x1x112xf32, #tpu.memory_space<hbm>>
        %dma_wait3A_363 = tpu.memref_squeeze %dma_wait3A_362 : memref<1x96x1x112xf32, #tpu.memory_space<hbm>> -> memref<96x112xf32, #tpu.memory_space<hbm>>
        %dma_wait3A_364 = arith.constant 0 : i32
        %dma_wait3A_365 = arith.constant 0 : i32
        %dma_wait3A_366 = tpu.memref_slice %arg36[%dma_wait3A_364, %dma_wait3A_365] : memref<96x113xf32, #tpu.memory_space<vmem>> -> memref<96x112xf32, #tpu.memory_space<vmem>>
        tpu.wait_dma2 semaphore(%run_scoped3A : memref<!tpu.dma_semaphore, #tpu.memory_space<semaphore_mem>>) src(%dma_wait3A_366 : memref<96x112xf32, #tpu.memory_space<vmem>>) dst(%dma_wait3A_363 : memref<96x112xf32, #tpu.memory_space<hbm>>)
        tpu.yield
      }) : () -> ()
    }
    %scan3A_169 = arith.constant 28 : i32
    return
  }
}

</mosaic_0001>

<sc_bundles>
// kernel: kernel.3.cloned.1.call-start
scs
__scs_entry_jumppad:
0x0: {  	(pc) =	sbr.rel $0x88, $3  }
0x1: {  	(tag) =	ssettag $0x0;
	lr =	simm.s32 $0x1  }
0x2: {  	[smem:$0x3F9F] =	sst lr;
	_ =	strace $0xD0000000  }
0x3: {  	_ = 	snop  }
0x4: {  	_ = 	snop  }
0x5: {  	_ = 	snop  }
0x6: {  	_ = 	snop  }
0x7: {  	_ = 	snop  }
__scs_overlays_trampoline_lowered:
0x8: {  	[smem:$0x3FAE] =	sst s0  }
0x9: {  	[smem:$0x3FAF] =	sst s1  }
0xa: {  	[smem:$0x3FB0] =	sst s2  }
0xb: {  	[smem:$0x3FB1] =	sst s3  }
0xc: {  	[smem:$0x3FB2] =	sst s4  }
0xd: {  	[smem:$0x3FB3] =	sst s5  }
0xe: {  	[smem:$0x3FB4] =	sst s6  }
0xf: {  	[smem:$0x3FB5] =	sst s7  }
0x10: {  	[smem:$0x3FB6] =	sst s8  }
0x11: {  	[smem:$0x3FB7] =	sst s9;
	s0 =	simm.s32 @!p0 $0x0  }
0x12: {  	s1 =	sld [smem:$0x3F9D];
	s0 =	simm.s32 @p0 $0x1  }
0x13: {  	[smem:$0x3FB8] =	sst s0;
	s0 =	simm.s32 @!p1 $0x0  }
0x14: {  	s2 =	sld [smem:$0x3F9C];
	s0 =	simm.s32 @p1 $0x1  }
0x15: {  	[smem:$0x3FB9] =	sst s0;
	s0 =	simm.s32 @!p2 $0x0  }
0x16: {  	s3 =	sld [smem:$0x3FDB];
	s0 =	simm.s32 @p2 $0x1  }
0x17: {  	s4 =	simm.s32 $0x1BF5;
	[smem:$0x3FBB] =	sst s0  }
0x18: {  	s0 =	sld [smem:$0x3F9E];
	_ =	swait.ge [sflag:s4], $0x0  }
0x19: {  	s7 =	sld [smem:$0x3F9F]  }
0x1a: {  	s8 =	sadd.s32 $0xFFFFE003, lr  }
0x1b: {  	s9 =	sadd.s32 $0xFFFFFEF7, lr;
	s5 =	simm.s32 $0xFFFFFFFF;
	p2 =	slt.u32 s8, $0xFFFFF086  }
0x1c: {  	p1 =	slt.u32 s9, $0xF7A;
	s5 =	simm.s32 @!p2 $0x0  }
0x1d: {  	s5 =	simm.s32 @p1 $0x1;
	p0 =	seq.s32 s7, s2  }
0x1e: {  	s7 =	smul.u32 @!p0 $0xF7A, s2;
	p2 =	seq.s32 @!p0 s5, $0x0  }
0x1f: {  	s9 =	smul.u32 $0xF7A, s1;
	s8 =	simm.s32 @!p0 $0x1BF5;
	p2 =	por !p2, p0  }
0x20: {  	[sflag:s8] =	ssyncset.s32 @!p0 $0xFFFFF086;
	s6 =	sadd.s32 @!p0 s3, s7;
	s7 =	simm.s32 @!p0 $0x108  }
0x21: {  	s3 =	sadd.s32 s3, s9;
	s6 =	sadd.s32 @!p0 $0x88, s6;
	s7 =	simm.s32 @p2 $0x1082  }
0x22: {  	[simem:s7], [sflag:s8] =	dma.local @!p0 [hbm:s6], $0xF7A  }
0x23: {  	s9 =	sor.u32 $0xD0000000, s2;
	s6 =	simm.s32 $0x108;
	_ =	swait.ge @!p0 [sflag:s8], $0x0  }
0x24: {  	s3 =	sadd.s32 $0x88, s3;
	s6 =	simm.s32 @!p1 $0x1082;
	[sflag:s4] =	ssyncset.s32 $0xFFFFF086  }
0x25: {  	[simem:s6], [sflag:s4] =	dma.local [hbm:s3], $0xF7A  }
0x26: {  	[smem:$0x3F9F] =	sst s1;
	(tag) =	ssettag s2;
	_ =	strace s9  }
0x27: {  	s1 =	sld [smem:$0x3FAF]  }
0x28: {  	s2 =	sld [smem:$0x3FB0]  }
0x29: {  	s4 =	sld [smem:$0x3FB2]  }
0x2a: {  	p0 =	seq.s32 s5, $0x0;
	s5 =	sld [smem:$0x3FB3]  }
0x2b: {  	s6 =	sld [smem:$0x3FB4]  }
0x2c: {  	s7 =	sld [smem:$0x3FB5]  }
0x2d: {  	s3 =	simm.s32 $0x108;
	s8 =	sld [smem:$0x3FB6]  }
0x2e: {  	s3 =	simm.s32 @!p0 $0x1082;
	s9 =	sld [smem:$0x3FB7]  }
0x2f: {  	lr =	sadd.s32 s0, s3;
	s0 =	sld [smem:$0x3FAE]  }
0x30: {  	s3 =	sld [smem:$0x3FB1]  }
0x31: {  	[smem:$0x3FBA] =	sst s10  }
0x32: {  	s10 =	sld [smem:$0x3FB8];
	_ =	sdelay $0x3  }
0x33: {  	p0 =	seq.s32 s10, $0x1;
	s10 =	sld [smem:$0x3FBA];
	_ =	sdelay $0x3  }
0x34: {  	[smem:$0x3FBA] =	sst s10  }
0x35: {  	s10 =	sld [smem:$0x3FB9];
	_ =	sdelay $0x3  }
0x36: {  	p1 =	seq.s32 s10, $0x1;
	s10 =	sld [smem:$0x3FBA];
	_ =	sdelay $0x3  }
0x37: {  	[smem:$0x3FBA] =	sst s10  }
0x38: {  	s10 =	sld [smem:$0x3FBB]  }
0x39: {  	_ = 	snop;
	(pc) =	sbr.ind lr, $3  }
0x3a: {  	_ = 	snop  }
0x3b: {  	_ = 	snop  }
0x3c: {  	p2 =	seq.s32 s10, $0x1;
	s10 =	sld [smem:$0x3FBA]  }
0x3d: {  	_ =	shalt  }
0x3e: {  	_ =	shalt  }
0x3f: {  	_ =	shalt  }
0x40: {  	_ =	shalt  }
0x41: {  	_ =	shalt  }
0x42: {  	_ =	shalt  }
0x43: {  	_ =	shalt  }
0x44: {  	_ =	shalt  }
0x45: {  	_ =	shalt  }
0x46: {  	_ =	shalt  }
0x47: {  	_ =	shalt  }
0x48: {  	_ =	shalt  }
0x49: {  	_ =	shalt  }
0x4a: {  	_ =	shalt  }
0x4b: {  	_ =	shalt  }
0x4c: {  	_ =	shalt  }
0x4d: {  	_ =	shalt  }
0x4e: {  	_ =	shalt  }
0x4f: {  	_ =	shalt  }
0x50: {  	_ =	shalt  }
0x51: {  	_ =	shalt  }
0x52: {  	_ =	shalt  }
0x53: {  	_ =	shalt  }
0x54: {  	_ =	shalt  }
0x55: {  	_ =	shalt  }
0x56: {  	_ =	shalt  }
0x57: {  	_ =	shalt  }
0x58: {  	_ =	shalt  }
0x59: {  	_ =	shalt  }
0x5a: {  	_ =	shalt  }
0x5b: {  	_ =	shalt  }
0x5c: {  	_ =	shalt  }
0x5d: {  	_ =	shalt  }
0x5e: {  	_ =	shalt  }
0x5f: {  	_ =	shalt  }
0x60: {  	_ =	shalt  }
0x61: {  	_ =	shalt  }
0x62: {  	_ =	shalt  }
0x63: {  	_ =	shalt  }
0x64: {  	_ =	shalt  }
0x65: {  	_ =	shalt  }
0x66: {  	_ =	shalt  }
0x67: {  	_ =	shalt  }
0x68: {  	_ =	shalt  }
0x69: {  	_ =	shalt  }
0x6a: {  	_ =	shalt  }
0x6b: {  	_ =	shalt  }
0x6c: {  	_ =	shalt  }
0x6d: {  	_ =	shalt  }
0x6e: {  	_ =	shalt  }
0x6f: {  	_ =	shalt  }
0x70: {  	_ =	shalt  }
0x71: {  	_ =	shalt  }
0x72: {  	_ =	shalt  }
0x73: {  	_ =	shalt  }
0x74: {  	_ =	shalt  }
0x75: {  	_ =	shalt  }
0x76: {  	_ =	shalt  }
0x77: {  	_ =	shalt  }
0x78: {  	_ =	shalt  }
0x79: {  	_ =	shalt  }
0x7a: {  	_ =	shalt  }
0x7b: {  	_ =	shalt  }
0x7c: {  	_ =	shalt  }
0x7d: {  	_ =	shalt  }
0x7e: {  	_ =	shalt  }
0x7f: {  	_ =	shalt  }
0x80: {  	_ =	shalt  }
0x81: {  	_ =	shalt  }
0x82: {  	_ =	shalt  }
0x83: {  	_ =	shalt  }
0x84: {  	_ =	shalt  }
0x85: {  	_ =	shalt  }
0x86: {  	_ =	shalt  }
0x87: {  	_ =	shalt  }
.Lfunc_end0:
.L_simem_size_0:
called_computation_lowered:
.L_overlay_start_0:
0x88: {  	s2 =	sld [smem:$0x3FD9]  }
0x89: {  	s3 =	sld [smem:$0x3FFE];
	_ =	sdelay $0x1  }
0x8a: {  	s1 =	srdreg.scid  }
0x8b: {  	s0 =	sand.u32 $0x1, s1  }
0x8c: {  	s17 =	sshll.u32 s0, $0xA;
	s2 =	sadd.s32 s3, s2  }
0x8d: {  	s2 =	sadd.s32 s2, s17  }
0x8e: {  	[smem:$0x3FC6] =	sst s2  }
0x8f: {  	_ = 	snop  }
0x90: {  	s2 =	sld [smem:$0x3FD0];
	(tm) =	ssettm $0x1  }
0x91: {  	s18 =	sld [smem:$0x3FFB];
	_ =	sdelay $0x3  }
0x92: {  	_ =	strace s18  }
0x93: {  	s3 =	sld [smem:$0x3FFC];
	_ =	sdelay $0x3  }
0x94: {  	_ =	strace s3  }
0x95: {  	s3 =	sld [smem:$0x3FFD];
	_ =	sdelay $0x3  }
0x96: {  	_ =	strace s3  }
0x97: {  	_ =	strace $0x8FFFFFFF  }
0x98: {  	s19 =	sld [smem:$0x3FDB];
	_ =	sdelay $0x1  }
0x99: {  	s4 =	simm.s32 $_scs_section_size  }
0x9a: {  	s5 =	simm.s32 $_size__tile_overlayer_lowered;
	s6 =	simm.s32 $_tile_overlayer_lowered  }
0x9b: {  	s22 =	simm.s32 $0x1BFF;
	s21 =	sshll.u32 s6, $0x1;
	s3 =	sadd.s32 s4, s19  }
0x9c: {  	s7 =	simm.s32 $0x0;
	s20 =	sshll.u32 s5, $0x1;
	s5 =	sadd.s32 s21, s3  }
0x9d: {  	[timem:s7], [sflag:s22] =	dma.local [hbm:s5], s20  }
0x9e: {  	_ =	swait.ge [sflag:s22], s20  }
0x9f: {  	s4 =	ssub.s32 $0x0, s20;
	[sflag:s22] =	ssyncset.done $0x0  }
0xa0: {  	[sflag:s22] =	ssyncadd.s32 s4;
	_ =	sdelay $0x1  }
0xa1: {  	s23 =	simm.s32 $0x1B8B  }
0xa2: {  	_ =	swait.ge [sflag:s23], $0x1  }
0xa3: {  	[sflag:s23] =	ssyncset.done $0x0  }
0xa4: {  	s25 =	simm.s32 $0x1B8E;
	s24 =	sld [smem:$0x3FFE];
	[sflag:s23] =	ssyncadd.s32 $0xFFFFFFFF  }
0xa5: {  	s26 =	simm.s32 $execute0_lowered;
	[smem:$0x3FD2] =	sst s25  }
0xa6: {  	s5 =	sshll.u32 s26, $0x1;
	_ =	strace $0x80000046;
	[dreg:$0x1] =	wrdreg $0xFFFFFFFF  }
0xa7: {  	s28 =	simm.s32 $_size_execute0_lowered;
	s3 =	sadd.s32 s3, s5;
	[dreg:$0x0] =	wrdreg $0x0  }
0xa8: {  	s5 =	sshll.u32 s28, $0x1;
	[dreg:$0x2] =	wrdreg s3  }
0xa9: {  	[dreg:$0x3] =	wrdreg s5  }
0xaa: {  	[dreg:$0x4] =	wrdreg $0xC0  }
0xab: {  	_ =	task [dreg:s7], $0x5FFFF  }
0xac: {  	[dreg:$0x1] =	wrdreg $0xFFFFFFFF  }
0xad: {  	[dreg:$0x0] =	wrdreg $0x60  }
0xae: {  	[dreg:$0x2] =	wrdreg s2  }
0xaf: {  	[dreg:$0x3] =	wrdreg s24  }
0xb0: {  	[dreg:$0x4] =	wrdreg $0x9  }
0xb1: {  	_ =	task.clear_ibuf [dreg:s7], $0x5FFFF;
	_ =	strace $0x90000046  }
0xb2: {  	s29 =	simm.s32 $0x9;
	_ =	strace $0x80000048  }
0xb3: {  	_ =	swait.ge [sflag:s29], $0x1  }
0xb4: {  	[sflag:s29] =	ssyncadd.s32 $0xFFFFFFFF  }
0xb5: {  	_ =	strace $0x90000048  }
0xb6: {  	_ =	sfence  }
0xb7: {  	s30 =	sld [smem:$0x0];
	_ =	sdelay $0x2  }
0xb8: {  	s31 =	sshll.u32 s1, $0xD;
	s1 =	sshrl.u32 s1, $0x2  }
0xb9: {  	s3 =	sand.u32 $0x4000, s31;
	s1 =	sadd.s32 s1, s30  }
0xba: {  	s0 =	sor.u32 s3, s0;
	s1 =	sshll.u32 s1, $0x11  }
0xbb: {  	s0 =	sor.u32 s1, s0  }
0xbc: {  	s0 =	sadd.s32 $0x8F2B, s0  }
0xbd: {  	[sflag:s0] =	ssyncadd.remote.s32 $0x1  }
0xbe: {  	_ =	sfence.sel $0xFFFF  }
0xbf: {  	[dreg:$0x0] =	wrdreg $0xFFFFFFFF;
	(pc) =	sbr.abs _section_cstart, $3  }
0xc0: {  	[dreg:$0x1] =	wrdreg $0xFFFFFFFF  }
0xc1: {  	_ =	task.clear_ibuf [dreg:s7], $0x2FFFF;
	_ =	strace $0x9FFFFFFF  }
0xc2: {  	(tm) =	ssettm $0x7FFFFFFF  }
0xc3: {  	_ =	shalt  }
tec
execute0_lowered:
.L_overlay_start_1:
0x0: {  	(tag) =	ssettag $0x1  }
0x1: {  	s0 =	srdreg.scid  }
0x2: {  	s6 =	stileid.u32;
	s15 =	rddreg [dreg:$0x0]  }
0x3: {  	s14 =	rddreg [dreg:$0x1];
	s5 =	simm.s32 $0x0;
	s12 =	simm.s32 $0x1  }
0x4: {  	s19 =	simm.s32 $0x158C0;
	s21 =	simm.s32 $0x2;
	s0 =	sand.u32 $0x1, s0  }
0x5: {  	s18 =	simm.s32 $0x4;
	s20 =	simm.s32 $0x32C0;
	s1 =	sshll.u32 s0, $0x4  }
0x6: {  	s26 =	simm.s32 $0x5;
	s29 =	simm.s32 $0x70;
	s1 =	sor.u32 s6, s1  }
0x7: {  	[smem:$0x7FF] =	sst s5;
	s16 =	sadd.s32 $0x6200, s14;
	s2 =	smul.u32 $0x20018, s1  }
0x8: {  	s7 =	sadd.s32 $0x258400, s14;
	s8 =	sadd.s32 $0xC400, s14;
	s9 =	sand.u32 $0x7, s6  }
0x9: {  	_ =	strace $0x80000047;
	s4 =	smul.u32 $0x38, s1;
	s2 =	sshrl.u32 s2, $0x14  }
0xa: {  	s0 =	ssub.s32 $0x2, s0;
	p1 =	sne.s32 s9, $0x0;
	s2 =	smul.u32 $0x1C0, s2  }
0xb: {  	s13 =	smul.u32 $0x1880, s9;
	[dreg:$0x3] =	wrdreg s16;
	s11 =	sshrl.u32 s0, $0x1  }
0xc: {  	s6 =	simm.s32 $0x8C0;
	s3 =	sshrl.u32 s1, $0x3;
	s2 =	ssub.s32 s4, s2  }
0xd: {  	p0 =	seq.s32 s1, $0x0;
	s22 =	smul.u32 $0x1880, s1;
	s2 =	sand.u32 $0xFFF8, s2  }
0xe: {  	s0 =	ssub.s32 s0, s11;
	s10 =	smul.u32 $0x498000, s3;
	s2 =	sshrl.u32 s2, $0x1  }
0xf: {  	p0 =	por !p1, !p0;
	s0 =	smax.u32 s0, $0x1;
	s2 =	smul.u32 $0xE0, s2  }
0x10: {  	p0 =	por !p0, !p0;
	s17 =	sor.u32 $0x2, s4;
	s28 =	sshrl.u32 s22, $0x3  }
0x11: {  	[dreg:$0x4] =	wrdreg s22;
	s31 =	sadd.s32 $0xE0, s22;
	s2 =	sand.u32 $0xFF80, s2  }
0x12: {  	[dreg:$0xa] =	wrdreg s0;
	s2 =	sadd.s32 s2, s10;
	s10 =	simm.s32 $0x1  }
0x13: {  	v0 =	vlaneseq.u32;
	s30 =	sadd.s32 s16, s28;
	[dreg:$0x9] =	wrdreg s31;
	s10 =	simm.s32 @!p0 $0x0  }
0x14: {  	v0 =	vmul.u32 $0x78, v0;
	[dreg:$0x6] =	wrdreg s17;
	s2 =	sshrl.u32 s2, $0x3;
	s24 =	ssub.s32 s3, s10  }
0x15: {  	v7 =	vimm.s32 $0x0;
	[dreg:$0x7] =	wrdreg s30;
	s23 =	sadd.s32 s15, s2;
	s25 =	smul.u32 $0xC400, s24  }
0x16: {  	v2 =	vadd.s32 $0x780, v0;
	v3 =	vadd.s32 $0xF00, v0;
	v4 =	vadd.s32 $0x1680, v0;
	s1 =	simm.s32 $0x0;
	s3 =	sadd.s32 s14, s28;
	[dreg:$0x5] =	wrdreg s23  }
0x17: {  	v5 =	vadd.s32 $0x1E00, v0;
	v6 =	vadd.s32 $0x2580, v0;
	[dreg:$0x8] =	wrdreg s3;
	s16 =	smul.u32 $0x498000, s24;
	s23 =	simm.s32 $0x185C0;
	v1 =	vmov s25  }
.LBB2_1:
0x18: {  	s0 =	simm.s32 $0x158C0;
	s2 =	rddreg [dreg:$0x5]  }
0x19: {  	[tilespmem:s0], [sflag:$0x1] =	stream.linear.gather [hbm4b:s2+s5], $0x70, $0x38;
	[tilespmem:$0x1B2C0] =	vst v63  }
0x1a: {  	[dreg:$0xb] =	wrdreg s1;
	s0 =	simm.s32 $0x1E0  }
.LBB2_2:
0x1b: {  	p0 =	sne.s32 s0, $0xB220  }
.Ltmp0:
0x1c: {  	_ = 	snop;
	(pc) =	sbr.rel @p0 .LBB2_2-.Ltmp0, $4  }
0x1d: {  	_ = 	snop  }
0x1e: {  	s1 =	sshra.s32 s0, $0x2;
	s0 =	sadd.s32 $0x1E0, s0  }
0x1f: {  	s2 =	sadd.s32 $0x1880, s2;
	s3 =	sadd.s32 $0x158C0, s1;
	s1 =	simm.s32 $0x0  }
0x20: {  	[tilespmem:s3], [sflag:$0x1] =	stream.linear.gather [hbm4b:s2+s1], $0x70, $0x38;
	[tilespmem:$0x1B2C0] =	vst v63  }
.LBB2_3:
0x21: {  	s0 =	sshll.u32 s1, $0x1  }
0x22: {  	s2 =	sadd.s32 s0, s4  }
0x23: {  	s10 =	sadd.s32 $0x1, s2  }
0x24: {  	s2 =	smulhi.u32 $0x92492493, s10;
	_ =	sdelay $0x1  }
0x25: {  	s2 =	sshrl.u32 s2, $0x8  }
0x26: {  	s3 =	smul.u32 $0x1C0, s2;
	_ =	sdelay $0x1  }
0x27: {  	s3 =	ssub.s32 s10, s3  }
0x28: {  	s2 =	smul.u32 $0x498000, s2;
	s3 =	sshrl.u32 s3, $0x1  }
0x29: {  	s3 =	smul.u32 $0xE0, s3;
	_ =	sdelay $0x1  }
0x2a: {  	s2 =	sadd.s32 s2, s3  }
0x2b: {  	s2 =	sadd.s32 $0x70, s2  }
0x2c: {  	s2 =	sshrl.u32 s2, $0x3  }
0x2d: {  	s31 =	simm.s32 $0x185C0;
	s3 =	simm.s32 $0x1E0;
	s2 =	sadd.s32 s15, s2  }
0x2e: {  	[tilespmem:s31], [sflag:$0x2] =	stream.linear.gather [hbm4b:s2+s5], $0x70, $0x38;
	[tilespmem:$0x1B2C0] =	vst v63  }
.LBB2_4:
0x2f: {  	p0 =	sne.s32 s3, $0xB220  }
.Ltmp1:
0x30: {  	_ = 	snop;
	(pc) =	sbr.rel @p0 .LBB2_4-.Ltmp1, $4  }
0x31: {  	_ = 	snop  }
0x32: {  	s9 =	sshra.s32 s3, $0x2;
	s3 =	sadd.s32 $0x1E0, s3  }
0x33: {  	s2 =	sadd.s32 $0x1880, s2;
	s9 =	sadd.s32 $0x185C0, s9  }
0x34: {  	[tilespmem:s9], [sflag:$0x2] =	stream.linear.gather [hbm4b:s2+s5], $0x70, $0x38;
	[tilespmem:$0x1B2C0] =	vst v63  }
0x35: {  	s2 =	simm.s32 $0x3  }
0x36: {  	s3 =	simm.s32 $0x1;
	v8 =	vmov s2  }
0x37: {  	_ =	swait.ge [sflag:s12], $0x2A00;
	s22 =	simm.s32 $0x2;
	v9 =	vmov s3;
	v12 =	vand.u32 $0x7F, v8  }
0x38: {  	p0 =	seq.s32 s1, $0x0;
	[sflag:s12] =	ssyncset.done $0x0;
	v14 =	vand.u32 $0x7D, v9;
	v8 =	vmov s22;
	v9 =	vadd.s32 v0, v12  }
0x39: {  	s24 =	simm.s32 $0x0;
	s2 =	simm.s32 @!p0 $0x3;
	[sflag:s12] =	ssyncadd.s32 $0xFFFFD600;
	v10 =	vadd.s32 v0, v14;
	v17 =	vand.u32 $0x7E, v8  }
0x3a: {  	_ =	swait.ge @!p0 [sflag:s2], $0x2A00;
	v8 =	vmov s24;
	v11 =	vadd.s32 v0, v17  }
0x3b: {  	[sflag:s2] =	ssyncset.done @!p0 $0x0;
	v19 =	vand.u32 $0x7C, v8  }
0x3c: {  	[sflag:s2] =	ssyncadd.s32 @!p0 $0xFFFFD600;
	v8 =	vadd.s32 v0, v19  }
0x3d: {  	v9 =	vld.idx.msk [tilespmem:v9+s19+$0x0], $0xffff  }
0x3e: {  	v13 =	vadd.s32 v2, v12;
	v10 =	vld.idx.msk [tilespmem:v10+s19+$0x0], $0xffff  }
0x3f: {  	v15 =	vadd.s32 v2, v14;
	v11 =	vld.idx.msk [tilespmem:v11+s19+$0x0], $0xffff  }
0x40: {  	v16 =	vadd.s32 v2, v17  }
0x41: {  	s3 =	simm.s32 $0x980;
	v8 =	vld.idx.msk [tilespmem:v8+s19+$0x0], $0xffff  }
0x42: {  	v18 =	vadd.s32 v2, v19;
	[tilespmem:s3+$0x60] =	vst v9  }
0x43: {  	[tilespmem:s3+$0xFFFFFFA0] =	vst v10;
	v9 =	vld.idx.msk [tilespmem:v13+s19+$0x0], $0xffff  }
0x44: {  	v10 =	vld.idx.msk [tilespmem:v15+s19+$0x0], $0xffff;
	[tilespmem:s3+$0x0] =	vst v11;
	v11 =	vadd.s32 v3, v12  }
0x45: {  	v15 =	vadd.s32 v3, v14;
	v13 =	vld.idx.msk [tilespmem:v16+s19+$0x0], $0xffff  }
0x46: {  	s25 =	simm.s32 $0x5;
	[tilespmem:s3+$0xFFFFFF40] =	vst v8;
	v16 =	vadd.s32 v3, v17  }
0x47: {  	v8 =	vmov s25;
	v18 =	vld.idx.msk [tilespmem:v18+s19+$0x0], $0xffff  }
0x48: {  	v20 =	vadd.s32 v3, v19;
	v8 =	vand.u32 $0x7D, v8;
	[tilespmem:s3+$0x70] =	vst v9  }
0x49: {  	v9 =	vadd.s32 v0, v8;
	[tilespmem:s3+$0xFFFFFFB0] =	vst v10;
	v10 =	vld.idx.msk [tilespmem:v11+s19+$0x0], $0xffff  }
0x4a: {  	s28 =	simm.s32 $0x7;
	v15 =	vld.idx.msk [tilespmem:v15+s19+$0x0], $0xffff;
	[tilespmem:s3+$0x10] =	vst v13;
	v13 =	vadd.s32 v4, v12  }
0x4b: {  	v21 =	vadd.s32 v4, v14;
	v11 =	vmov s28;
	v16 =	vld.idx.msk [tilespmem:v16+s19+$0x0], $0xffff  }
0x4c: {  	s30 =	simm.s32 $0x6;
	[tilespmem:s3+$0xFFFFFF50] =	vst v18;
	v11 =	vand.u32 $0x7F, v11;
	v18 =	vadd.s32 v4, v17  }
0x4d: {  	s9 =	simm.s32 $0x4;
	v22 =	vmov s30;
	v20 =	vld.idx.msk [tilespmem:v20+s19+$0x0], $0xffff;
	v23 =	vadd.s32 v0, v11  }
0x4e: {  	v25 =	vmov s9;
	v24 =	vld.idx.msk [tilespmem:v9+s19+$0x0], $0xffff;
	v9 =	vand.u32 $0x7E, v22;
	v22 =	vadd.s32 v4, v19;
	[tilespmem:s3+$0x80] =	vst v10  }
0x4f: {  	v10 =	vand.u32 $0x7C, v25;
	v25 =	vadd.s32 v0, v9;
	[tilespmem:s3+$0xFFFFFFC0] =	vst v15;
	v13 =	vld.idx.msk [tilespmem:v13+s19+$0x0], $0xffff  }
0x50: {  	v15 =	vadd.s32 v0, v10;
	v21 =	vld.idx.msk [tilespmem:v21+s19+$0x0], $0xffff;
	[tilespmem:s3+$0x20] =	vst v16  }
0x51: {  	v16 =	vld.idx.msk [tilespmem:v18+s19+$0x0], $0xffff;
	v18 =	vadd.s32 v5, v12  }
0x52: {  	[tilespmem:s3+$0xFFFFFF60] =	vst v20;
	v20 =	vld.idx.msk [tilespmem:v23+s19+$0x0], $0xffff;
	v23 =	vadd.s32 v5, v14  }
0x53: {  	v26 =	vadd.s32 v5, v17;
	v22 =	vld.idx.msk [tilespmem:v22+s19+$0x0], $0xffff  }
0x54: {  	v27 =	vadd.s32 v2, v11;
	v25 =	vld.idx.msk [tilespmem:v25+s19+$0x0], $0xffff  }
0x55: {  	v28 =	vadd.s32 v2, v8;
	v15 =	vld.idx.msk [tilespmem:v15+s19+$0x0], $0xffff;
	[tilespmem:s3+$0x90] =	vst v13  }
0x56: {  	v29 =	vadd.s32 v2, v9;
	[tilespmem:s3+$0xFFFFFFD0] =	vst v21;
	v18 =	vld.idx.msk [tilespmem:v18+s19+$0x0], $0xffff  }
0x57: {  	s2 =	simm.s32 $0xB00;
	v21 =	vadd.s32 v2, v10;
	v23 =	vld.idx.msk [tilespmem:v23+s19+$0x0], $0xffff;
	[tilespmem:s3+$0x30] =	vst v16  }
0x58: {  	v12 =	vadd.s32 v6, v12;
	[tilespmem:s2+$0x60] =	vst v20;
	v13 =	vld.idx.msk [tilespmem:v26+s19+$0x0], $0xffff  }
0x59: {  	[tilespmem:s2+$0xFFFFFFA0] =	vst v24;
	v24 =	vadd.s32 v5, v19;
	v16 =	vld.idx.msk [tilespmem:v27+s19+$0x0], $0xffff  }
0x5a: {  	v14 =	vadd.s32 v6, v14;
	v26 =	vld.idx.msk [tilespmem:v28+s19+$0x0], $0xffff;
	[tilespmem:s2+$0x0] =	vst v25  }
0x5b: {  	v27 =	vadd.s32 v3, v11;
	[tilespmem:s2+$0xFFFFFF40] =	vst v15;
	v25 =	vld.idx.msk [tilespmem:v29+s19+$0x0], $0xffff  }
0x5c: {  	s31 =	simm.s32 $0x9;
	v62 =	vld.idx.msk [tilespmem:v21+s19+$0x0], $0xffff;
	v21 =	vadd.s32 v3, v8;
	[tilespmem:s3+$0xA0] =	vst v18  }
0x5d: {  	v63 =	vadd.s32 v3, v9;
	[tilespmem:s3+$0xFFFFFF70] =	vst v22;
	v20 =	vld.idx.msk [tilespmem:v12+s19+$0x0], $0xffff;
	v12 =	vmov s31  }
0x5e: {  	v15 =	vld.idx.msk [tilespmem:v24+s19+$0x0], $0xffff;
	v24 =	vadd.s32 v3, v10;
	[tilespmem:s3+$0xFFFFFFE0] =	vst v23;
	v12 =	vand.u32 $0x7D, v12  }
0x5f: {  	[tilespmem:s2+$0x70] =	vst v16;
	v14 =	vld.idx.msk [tilespmem:v14+s19+$0x0], $0xffff;
	v16 =	vadd.s32 v0, v12  }
0x60: {  	v22 =	vadd.s32 v6, v17;
	[tilespmem:s2+$0xFFFFFFB0] =	vst v26;
	v18 =	vld.idx.msk [tilespmem:v27+s19+$0x0], $0xffff  }
0x61: {  	[tilespmem:s2+$0x10] =	vst v25;
	v17 =	vld.idx.msk [tilespmem:v21+s19+$0x0], $0xffff;
	v21 =	vadd.s32 v6, v19  }
0x62: {  	s14 =	simm.s32 $0xB;
	s11 =	simm.s32 $0xC;
	s9 =	simm.s32 $0x8;
	v23 =	vadd.s32 v4, v11;
	[tilespmem:s2+$0xFFFFFF50] =	vst v62;
	v19 =	vld.idx.msk [tilespmem:v63+s19+$0x0], $0xffff  }
.LBB2_6:
0x63: {  	p1 =	slt.u32 s11, $0x6C;
	v25 =	vmov s14;
	v24 =	vld.idx.msk [tilespmem:v24+s19+$0x0], $0xffff;
	v26 =	vadd.s32 v4, v8;
	[tilespmem:s3+$0xB0] =	vst v20  }
0x64: {  	s14 =	sadd.s32 $0x2, s9;
	v16 =	vld.idx.msk [tilespmem:v16+s19+$0x0], $0xffff;
	v20 =	vand.u32 $0x7F, v25;
	v25 =	vadd.s32 v4, v9;
	[tilespmem:s3+$0x40] =	vst v13  }
0x65: {  	v13 =	vmov s14;
	v27 =	vadd.s32 v0, v20;
	[tilespmem:s3+$0xFFFFFF80] =	vst v15;
	v15 =	vld.idx.msk [tilespmem:v22+s19+$0x0], $0xffff  }
0x66: {  	v22 =	vmov s9;
	v28 =	vand.u32 $0x7E, v13;
	v13 =	vadd.s32 v4, v10;
	s9 =	smov.u32 s11;
	[tilespmem:s2+$0x80] =	vst v18;
	v18 =	vld.idx.msk [tilespmem:v21+s19+$0x0], $0xffff  }
0x67: {  	v29 =	vand.u32 $0x7C, v22;
	v21 =	vadd.s32 v0, v28;
	[tilespmem:s2+$0xFFFFFFC0] =	vst v17;
	v17 =	vld.idx.msk [tilespmem:v23+s19+$0x0], $0xffff  }
0x68: {  	v22 =	vadd.s32 v0, v29;
	v23 =	vld.idx.msk [tilespmem:v26+s19+$0x0], $0xffff;
	[tilespmem:s2+$0x20] =	vst v19  }
0x69: {  	[tilespmem:s2+$0xFFFFFF60] =	vst v24;
	v19 =	vld.idx.msk [tilespmem:v25+s19+$0x0], $0xffff;
	v24 =	vadd.s32 v5, v11  }
0x6a: {  	v26 =	vadd.s32 v5, v8;
	v25 =	vld.idx.msk [tilespmem:v27+s19+$0x0], $0xffff;
	[tilespmem:s3+$0xFFFFFFF0] =	vst v14  }
0x6b: {  	v14 =	vld.idx.msk [tilespmem:v13+s19+$0x0], $0xffff;
	v13 =	vadd.s32 v5, v9;
	[tilespmem:s3+$0x50] =	vst v15  }
0x6c: {  	v15 =	vld.idx.msk [tilespmem:v21+s19+$0x0], $0xffff;
	v21 =	vadd.s32 v2, v20;
	[tilespmem:s3+$0xFFFFFF90] =	vst v18;
	s3 =	smov.u32 s2  }
0x6d: {  	v18 =	vld.idx.msk [tilespmem:v22+s19+$0x0], $0xffff;
	v22 =	vadd.s32 v2, v12;
	[tilespmem:s2+$0x90] =	vst v17  }
0x6e: {  	v17 =	vadd.s32 v2, v28;
	[tilespmem:s2+$0xFFFFFFD0] =	vst v23;
	v23 =	vld.idx.msk [tilespmem:v24+s19+$0x0], $0xffff  }
0x6f: {  	v24 =	vadd.s32 v2, v29;
	s2 =	sadd.s32 $0x180, s2;
	v26 =	vld.idx.msk [tilespmem:v26+s19+$0x0], $0xffff;
	[tilespmem:s3+$0x30] =	vst v19  }
0x70: {  	v19 =	vadd.s32 v6, v11;
	v11 =	vmov v20;
	[tilespmem:s2+$0x60] =	vst v25;
	v13 =	vld.idx.msk [tilespmem:v13+s19+$0x0], $0xffff  }
0x71: {  	[tilespmem:s2+$0xFFFFFFA0] =	vst v16;
	v21 =	vld.idx.msk [tilespmem:v21+s19+$0x0], $0xffff;
	v16 =	vadd.s32 v5, v10  }
0x72: {  	v25 =	vadd.s32 v6, v8;
	v8 =	vmov v12;
	v22 =	vld.idx.msk [tilespmem:v22+s19+$0x0], $0xffff;
	[tilespmem:s2+$0x0] =	vst v15  }
0x73: {  	[tilespmem:s2+$0xFFFFFF40] =	vst v18;
	v27 =	vld.idx.msk [tilespmem:v17+s19+$0x0], $0xffff;
	v17 =	vadd.s32 v3, v11  }
0x74: {  	s14 =	sadd.s32 $0x1, s11;
	v31 =	vadd.s32 v3, v8;
	v30 =	vld.idx.msk [tilespmem:v24+s19+$0x0], $0xffff;
	[tilespmem:s3+$0xA0] =	vst v23  }
0x75: {  	v12 =	vmov s14;
	v23 =	vadd.s32 v3, v28;
	[tilespmem:s3+$0xFFFFFF70] =	vst v14;
	v20 =	vld.idx.msk [tilespmem:v19+s19+$0x0], $0xffff  }
.Ltmp2:
0x76: {  	v12 =	vand.u32 $0x7D, v12;
	v24 =	vadd.s32 v3, v29;
	v15 =	vld.idx.msk [tilespmem:v16+s19+$0x0], $0xffff;
	[tilespmem:s3+$0xFFFFFFE0] =	vst v26;
	(pc) =	sbr.rel @p1 .LBB2_6-.Ltmp2, $4  }
0x77: {  	v16 =	vadd.s32 v0, v12;
	[tilespmem:s2+$0x70] =	vst v21;
	v14 =	vld.idx.msk [tilespmem:v25+s19+$0x0], $0xffff  }
0x78: {  	[tilespmem:s2+$0xFFFFFFB0] =	vst v22;
	v18 =	vld.idx.msk [tilespmem:v17+s19+$0x0], $0xffff;
	v22 =	vadd.s32 v6, v9;
	v9 =	vmov v28  }
0x79: {  	v21 =	vadd.s32 v6, v10;
	v10 =	vmov v29;
	v17 =	vld.idx.msk [tilespmem:v31+s19+$0x0], $0xffff;
	[tilespmem:s2+$0x10] =	vst v27  }
0x7a: {  	s11 =	sadd.s32 $0x4, s11;
	s14 =	sadd.s32 $0x3, s9;
	[tilespmem:s2+$0xFFFFFF50] =	vst v30;
	v19 =	vld.idx.msk [tilespmem:v23+s19+$0x0], $0xffff;
	v23 =	vadd.s32 v4, v11  }
0x7b: {  	_ =	sdelay $0x2  }
0x7c: {  	[tilespmem:s3+$0xB0] =	vst v20  }
0x7d: {  	v25 =	vmov s14;
	v49 =	vld.idx.msk [tilespmem:v24+s19+$0x0], $0xffff;
	[tilespmem:s3+$0x40] =	vst v13  }
0x7e: {  	v50 =	vadd.s32 v4, v8;
	s11 =	sadd.s32 $0x2, s9;
	[tilespmem:s3+$0xFFFFFF80] =	vst v15;
	v53 =	vmov s9;
	v60 =	vld.idx.msk [tilespmem:v16+s19+$0x0], $0xffff;
	v25 =	vand.u32 $0x7F, v25  }
0x7f: {  	v51 =	vmov s11;
	v54 =	vld.idx.msk [tilespmem:v21+s19+$0x0], $0xffff;
	v21 =	vand.u32 $0x7C, v53;
	[tilespmem:s3+$0xFFFFFFF0] =	vst v14;
	v26 =	vadd.s32 v0, v25  }
0x80: {  	v52 =	vld.idx.msk [tilespmem:v22+s19+$0x0], $0xffff;
	v13 =	vand.u32 $0x7E, v51;
	[tilespmem:s2+$0x80] =	vst v18;
	v57 =	vadd.s32 v0, v21  }
0x81: {  	v55 =	vadd.s32 v0, v13;
	[tilespmem:s2+$0xFFFFFFC0] =	vst v17  }
0x82: {  	v58 =	vadd.s32 v4, v9;
	v56 =	vld.idx.msk [tilespmem:v23+s19+$0x0], $0xffff;
	[tilespmem:s2+$0x20] =	vst v19  }
0x83: {  	v63 =	vadd.s32 v2, v12;
	s30 =	sadd.s32 $0x180, s2;
	v24 =	vld.idx.msk [tilespmem:v50+s19+$0x0], $0xffff;
	[tilespmem:s2+$0xFFFFFF60] =	vst v49  }
0x84: {  	v59 =	vadd.s32 v5, v11;
	[tilespmem:s30+$0xFFFFFFA0] =	vst v60;
	v26 =	vld.idx.msk [tilespmem:v26+s19+$0x0], $0xffff  }
0x85: {  	v61 =	vadd.s32 v2, v25;
	[tilespmem:s3+$0x50] =	vst v52;
	v28 =	vld.idx.msk [tilespmem:v57+s19+$0x0], $0xffff  }
0x86: {  	v30 =	vadd.s32 v2, v21;
	[tilespmem:s3+$0xFFFFFF90] =	vst v54;
	v62 =	vld.idx.msk [tilespmem:v55+s19+$0x0], $0xffff  }
0x87: {  	v29 =	vadd.s32 v2, v13;
	v19 =	vld.idx.msk [tilespmem:v58+s19+$0x0], $0xffff;
	[tilespmem:s2+$0x90] =	vst v56  }
0x88: {  	v31 =	vadd.s32 v4, v10;
	v34 =	vld.idx.msk [tilespmem:v63+s19+$0x0], $0xffff;
	[tilespmem:s2+$0xFFFFFFD0] =	vst v24  }
0x89: {  	v32 =	vadd.s32 v5, v8;
	v20 =	vld.idx.msk [tilespmem:v59+s19+$0x0], $0xffff;
	[tilespmem:s30+$0x60] =	vst v26  }
0x8a: {  	v36 =	vadd.s32 v3, v12;
	[tilespmem:s30+$0xFFFFFF40] =	vst v28;
	v33 =	vld.idx.msk [tilespmem:v61+s19+$0x0], $0xffff  }
0x8b: {  	v35 =	vadd.s32 v3, v25;
	[tilespmem:s30+$0x0] =	vst v62;
	v37 =	vld.idx.msk [tilespmem:v30+s19+$0x0], $0xffff  }
0x8c: {  	v40 =	vadd.s32 v3, v21;
	[tilespmem:s2+$0x30] =	vst v19;
	v17 =	vld.idx.msk [tilespmem:v29+s19+$0x0], $0xffff  }
0x8d: {  	v38 =	vadd.s32 v3, v13;
	v39 =	vld.idx.msk [tilespmem:v31+s19+$0x0], $0xffff;
	[tilespmem:s30+$0xFFFFFFB0] =	vst v34  }
0x8e: {  	v43 =	vadd.s32 v5, v9;
	v41 =	vld.idx.msk [tilespmem:v32+s19+$0x0], $0xffff;
	[tilespmem:s2+$0xA0] =	vst v20  }
0x8f: {  	v42 =	vadd.s32 v6, v11;
	v45 =	vld.idx.msk [tilespmem:v36+s19+$0x0], $0xffff;
	[tilespmem:s30+$0x70] =	vst v33  }
0x90: {  	v48 =	vadd.s32 v4, v12;
	[tilespmem:s30+$0xFFFFFF50] =	vst v37;
	v44 =	vld.idx.msk [tilespmem:v35+s19+$0x0], $0xffff  }
0x91: {  	v46 =	vadd.s32 v4, v25;
	[tilespmem:s30+$0x10] =	vst v17;
	v20 =	vld.idx.msk [tilespmem:v40+s19+$0x0], $0xffff  }
0x92: {  	v50 =	vadd.s32 v4, v21;
	[tilespmem:s2+$0xFFFFFF70] =	vst v39;
	v47 =	vld.idx.msk [tilespmem:v38+s19+$0x0], $0xffff  }
0x93: {  	v49 =	vadd.s32 v4, v13;
	v14 =	vld.idx.msk [tilespmem:v43+s19+$0x0], $0xffff;
	[tilespmem:s2+$0xFFFFFFE0] =	vst v41  }
0x94: {  	v8 =	vadd.s32 v6, v8;
	v11 =	vld.idx.msk [tilespmem:v42+s19+$0x0], $0xffff;
	[tilespmem:s30+$0xFFFFFFC0] =	vst v45  }
0x95: {  	v51 =	vadd.s32 v5, v10;
	v16 =	vld.idx.msk [tilespmem:v48+s19+$0x0], $0xffff;
	[tilespmem:s30+$0x80] =	vst v44  }
0x96: {  	v53 =	vadd.s32 v5, v12;
	[tilespmem:s30+$0xFFFFFF60] =	vst v20;
	v15 =	vld.idx.msk [tilespmem:v46+s19+$0x0], $0xffff  }
0x97: {  	v52 =	vadd.s32 v5, v25;
	[tilespmem:s30+$0x20] =	vst v47;
	v54 =	vld.idx.msk [tilespmem:v50+s19+$0x0], $0xffff  }
0x98: {  	v57 =	vadd.s32 v5, v21;
	[tilespmem:s2+$0x40] =	vst v14;
	v18 =	vld.idx.msk [tilespmem:v49+s19+$0x0], $0xffff  }
0x99: {  	v55 =	vadd.s32 v5, v13;
	v8 =	vld.idx.msk [tilespmem:v8+s19+$0x0], $0xffff;
	[tilespmem:s2+$0xB0] =	vst v11  }
0x9a: {  	v58 =	vadd.s32 v6, v9;
	v56 =	vld.idx.msk [tilespmem:v51+s19+$0x0], $0xffff;
	[tilespmem:s30+$0xFFFFFFD0] =	vst v16  }
0x9b: {  	v59 =	vadd.s32 v6, v10;
	v16 =	vld.idx.msk [tilespmem:v53+s19+$0x0], $0xffff;
	[tilespmem:s30+$0x90] =	vst v15  }
0x9c: {  	v61 =	vadd.s32 v6, v12;
	[tilespmem:s30+$0xFFFFFF70] =	vst v54;
	v15 =	vld.idx.msk [tilespmem:v52+s19+$0x0], $0xffff  }
0x9d: {  	v60 =	vadd.s32 v6, v25;
	[tilespmem:s30+$0x30] =	vst v18;
	v11 =	vld.idx.msk [tilespmem:v57+s19+$0x0], $0xffff  }
0x9e: {  	[tilespmem:s2+$0xFFFFFFF0] =	vst v8;
	v8 =	vadd.s32 v6, v21;
	v18 =	vld.idx.msk [tilespmem:v55+s19+$0x0], $0xffff  }
0x9f: {  	v13 =	vadd.s32 v6, v13;
	[tilespmem:s2+$0xFFFFFF80] =	vst v56;
	v9 =	vld.idx.msk [tilespmem:v58+s19+$0x0], $0xffff  }
0xa0: {  	v10 =	vld.idx.msk [tilespmem:v59+s19+$0x0], $0xffff;
	[tilespmem:s30+$0xFFFFFFE0] =	vst v16  }
0xa1: {  	v12 =	vld.idx.msk [tilespmem:v61+s19+$0x0], $0xffff;
	[tilespmem:s30+$0xA0] =	vst v15  }
0xa2: {  	[tilespmem:s30+$0xFFFFFF80] =	vst v11;
	v62 =	vld.idx.msk [tilespmem:v60+s19+$0x0], $0xffff  }
0xa3: {  	[tilespmem:s30+$0x40] =	vst v18;
	v8 =	vld.idx.msk [tilespmem:v8+s19+$0x0], $0xffff  }
0xa4: {  	[tilespmem:s2+$0x50] =	vst v9;
	v63 =	vld.idx.msk [tilespmem:v13+s19+$0x0], $0xffff  }
0xa5: {  	p1 =	sne.s32 s1, $0x1B;
	[tilespmem:s2+$0xFFFFFF90] =	vst v10  }
.Ltmp3:
0xa6: {  	s31 =	sadd.s32 s4, s0;
	[tilespmem:s30+$0xFFFFFFF0] =	vst v12;
	(pc) =	sbr.rel @p1 .LBB2_9-.Ltmp3, $4  }
0xa7: {  	s2 =	smul.u32 $0x540, s31;
	[tilespmem:s30+$0xB0] =	vst v62  }
0xa8: {  	[tilespmem:s30+$0xFFFFFF90] =	vst v8  }
0xa9: {  	s2 =	sadd.s32 s8, s2;
	[tilespmem:s30+$0x50] =	vst v63  }
0xaa: {  	[hbm4b:s2+s5] =	stream.linear.scatter [tilespmem:s6], [sflag:$0x3], $0x2A00, $0x38;
	[tilespmem:$0x1B2C0] =	vst v63  }
.Ltmp4:
0xab: {  	(pc) =	sbr.rel .LBB2_12-.Ltmp4, $4  }
0xac: {  	_ = 	snop  }
0xad: {  	_ =	swait.ge [sflag:s21], $0x2A00  }
0xae: {  	[sflag:s21] =	ssyncset.done $0x0  }
0xaf: {  	[sflag:s21] =	ssyncadd.s32 $0xFFFFD600  }
.LBB2_9:
0xb0: {  	s0 =	sadd.s32 s0, s17  }
0xb1: {  	s2 =	smulhi.u32 $0x92492493, s0;
	_ =	sdelay $0x1  }
0xb2: {  	s2 =	sshrl.u32 s2, $0x8  }
0xb3: {  	s3 =	smul.u32 $0x1C0, s2;
	_ =	sdelay $0x1  }
0xb4: {  	s0 =	ssub.s32 s0, s3  }
0xb5: {  	s2 =	smul.u32 $0x498000, s2;
	s0 =	sshrl.u32 s0, $0x1  }
0xb6: {  	s0 =	smul.u32 $0xE0, s0;
	_ =	sdelay $0x1  }
0xb7: {  	s0 =	sadd.s32 s2, s0  }
0xb8: {  	s0 =	sshrl.u32 s0, $0x3  }
0xb9: {  	s31 =	simm.s32 $0x158C0;
	s2 =	simm.s32 $0x1E0;
	s0 =	sadd.s32 s15, s0  }
0xba: {  	[tilespmem:s31], [sflag:$0x1] =	stream.linear.gather [hbm4b:s0+s5], $0x70, $0x38;
	[tilespmem:$0x1B2C0] =	vst v63  }
.LBB2_10:
0xbb: {  	p1 =	sne.s32 s2, $0xB220  }
.Ltmp5:
0xbc: {  	_ = 	snop;
	(pc) =	sbr.rel @p1 .LBB2_10-.Ltmp5, $4  }
0xbd: {  	_ = 	snop  }
0xbe: {  	s3 =	sshra.s32 s2, $0x2;
	s2 =	sadd.s32 $0x1E0, s2  }
0xbf: {  	s0 =	sadd.s32 $0x1880, s0;
	s3 =	sadd.s32 $0x158C0, s3  }
0xc0: {  	[tilespmem:s3], [sflag:$0x1] =	stream.linear.gather [hbm4b:s0+s5], $0x70, $0x38;
	[tilespmem:$0x1B2C0] =	vst v63  }
.Ltmp6:
0xc1: {  	(pc) =	sbr.rel @p0 .LBB2_13-.Ltmp6, $4  }
0xc2: {  	_ = 	snop  }
0xc3: {  	_ =	swait.ge [sflag:s21], $0x2A00  }
0xc4: {  	[sflag:s21] =	ssyncset.done $0x0  }
0xc5: {  	[sflag:s21] =	ssyncadd.s32 $0xFFFFD600  }
.LBB2_12:
0xc6: {  	_ =	swait.ge [sflag:s18], $0x2A00  }
0xc7: {  	[sflag:s18] =	ssyncset.done $0x0  }
0xc8: {  	[sflag:s18] =	ssyncadd.s32 $0xFFFFD600  }
.LBB2_13:
0xc9: {  	s0 =	simm.s32 $0x3  }
0xca: {  	s2 =	simm.s32 $0x1;
	v8 =	vmov s0  }
0xcb: {  	s22 =	simm.s32 $0x2;
	v9 =	vmov s2;
	v12 =	vand.u32 $0x7F, v8  }
0xcc: {  	v14 =	vand.u32 $0x7D, v9;
	v8 =	vmov s22;
	v9 =	vadd.s32 v0, v12  }
0xcd: {  	s24 =	simm.s32 $0x0;
	v10 =	vadd.s32 v0, v14;
	v17 =	vand.u32 $0x7E, v8  }
0xce: {  	v8 =	vmov s24;
	v11 =	vadd.s32 v0, v17  }
0xcf: {  	v19 =	vand.u32 $0x7C, v8  }
0xd0: {  	v8 =	vadd.s32 v0, v19  }
0xd1: {  	v9 =	vld.idx.msk [tilespmem:v9+s23+$0x0], $0xffff  }
0xd2: {  	v13 =	vadd.s32 v2, v12;
	v10 =	vld.idx.msk [tilespmem:v10+s23+$0x0], $0xffff  }
0xd3: {  	v15 =	vadd.s32 v2, v14;
	v11 =	vld.idx.msk [tilespmem:v11+s23+$0x0], $0xffff  }
0xd4: {  	v16 =	vadd.s32 v2, v17  }
0xd5: {  	s2 =	simm.s32 $0x3380;
	v8 =	vld.idx.msk [tilespmem:v8+s23+$0x0], $0xffff  }
0xd6: {  	v18 =	vadd.s32 v2, v19;
	[tilespmem:s2+$0x60] =	vst v9  }
0xd7: {  	[tilespmem:s2+$0xFFFFFFA0] =	vst v10;
	v9 =	vld.idx.msk [tilespmem:v13+s23+$0x0], $0xffff  }
0xd8: {  	v10 =	vld.idx.msk [tilespmem:v15+s23+$0x0], $0xffff;
	[tilespmem:s2+$0x0] =	vst v11;
	v11 =	vadd.s32 v3, v12  }
0xd9: {  	v15 =	vadd.s32 v3, v14;
	v13 =	vld.idx.msk [tilespmem:v16+s23+$0x0], $0xffff  }
0xda: {  	s25 =	simm.s32 $0x5;
	[tilespmem:s2+$0xFFFFFF40] =	vst v8;
	v16 =	vadd.s32 v3, v17  }
0xdb: {  	v8 =	vmov s25;
	v18 =	vld.idx.msk [tilespmem:v18+s23+$0x0], $0xffff  }
0xdc: {  	v20 =	vadd.s32 v3, v19;
	v8 =	vand.u32 $0x7D, v8;
	[tilespmem:s2+$0x70] =	vst v9  }
0xdd: {  	v9 =	vadd.s32 v0, v8;
	[tilespmem:s2+$0xFFFFFFB0] =	vst v10;
	v10 =	vld.idx.msk [tilespmem:v11+s23+$0x0], $0xffff  }
0xde: {  	s28 =	simm.s32 $0x7;
	v15 =	vld.idx.msk [tilespmem:v15+s23+$0x0], $0xffff;
	[tilespmem:s2+$0x10] =	vst v13;
	v13 =	vadd.s32 v4, v12  }
0xdf: {  	v21 =	vadd.s32 v4, v14;
	v11 =	vmov s28;
	v16 =	vld.idx.msk [tilespmem:v16+s23+$0x0], $0xffff  }
0xe0: {  	s30 =	simm.s32 $0x6;
	[tilespmem:s2+$0xFFFFFF50] =	vst v18;
	v11 =	vand.u32 $0x7F, v11;
	v18 =	vadd.s32 v4, v17  }
0xe1: {  	s3 =	simm.s32 $0x4;
	v22 =	vmov s30;
	v20 =	vld.idx.msk [tilespmem:v20+s23+$0x0], $0xffff;
	v23 =	vadd.s32 v0, v11  }
0xe2: {  	v25 =	vmov s3;
	v24 =	vld.idx.msk [tilespmem:v9+s23+$0x0], $0xffff;
	v9 =	vand.u32 $0x7E, v22;
	v22 =	vadd.s32 v4, v19;
	[tilespmem:s2+$0x80] =	vst v10  }
0xe3: {  	v10 =	vand.u32 $0x7C, v25;
	v25 =	vadd.s32 v0, v9;
	[tilespmem:s2+$0xFFFFFFC0] =	vst v15;
	v13 =	vld.idx.msk [tilespmem:v13+s23+$0x0], $0xffff  }
0xe4: {  	v15 =	vadd.s32 v0, v10;
	v21 =	vld.idx.msk [tilespmem:v21+s23+$0x0], $0xffff;
	[tilespmem:s2+$0x20] =	vst v16  }
0xe5: {  	v16 =	vld.idx.msk [tilespmem:v18+s23+$0x0], $0xffff;
	v18 =	vadd.s32 v5, v12  }
0xe6: {  	[tilespmem:s2+$0xFFFFFF60] =	vst v20;
	v20 =	vld.idx.msk [tilespmem:v23+s23+$0x0], $0xffff;
	v23 =	vadd.s32 v5, v14  }
0xe7: {  	v26 =	vadd.s32 v5, v17;
	v22 =	vld.idx.msk [tilespmem:v22+s23+$0x0], $0xffff  }
0xe8: {  	v27 =	vadd.s32 v2, v11;
	v25 =	vld.idx.msk [tilespmem:v25+s23+$0x0], $0xffff  }
0xe9: {  	v28 =	vadd.s32 v2, v8;
	v15 =	vld.idx.msk [tilespmem:v15+s23+$0x0], $0xffff;
	[tilespmem:s2+$0x90] =	vst v13  }
0xea: {  	v29 =	vadd.s32 v2, v9;
	[tilespmem:s2+$0xFFFFFFD0] =	vst v21;
	v18 =	vld.idx.msk [tilespmem:v18+s23+$0x0], $0xffff  }
0xeb: {  	s0 =	simm.s32 $0x3500;
	v21 =	vadd.s32 v2, v10;
	v23 =	vld.idx.msk [tilespmem:v23+s23+$0x0], $0xffff;
	[tilespmem:s2+$0x30] =	vst v16  }
0xec: {  	v12 =	vadd.s32 v6, v12;
	[tilespmem:s0+$0x60] =	vst v20;
	v13 =	vld.idx.msk [tilespmem:v26+s23+$0x0], $0xffff  }
0xed: {  	[tilespmem:s0+$0xFFFFFFA0] =	vst v24;
	v24 =	vadd.s32 v5, v19;
	v16 =	vld.idx.msk [tilespmem:v27+s23+$0x0], $0xffff  }
0xee: {  	v14 =	vadd.s32 v6, v14;
	v26 =	vld.idx.msk [tilespmem:v28+s23+$0x0], $0xffff;
	[tilespmem:s0+$0x0] =	vst v25  }
0xef: {  	v27 =	vadd.s32 v3, v11;
	[tilespmem:s0+$0xFFFFFF40] =	vst v15;
	v25 =	vld.idx.msk [tilespmem:v29+s23+$0x0], $0xffff  }
0xf0: {  	s31 =	simm.s32 $0x9;
	v62 =	vld.idx.msk [tilespmem:v21+s23+$0x0], $0xffff;
	v21 =	vadd.s32 v3, v8;
	[tilespmem:s2+$0xA0] =	vst v18  }
0xf1: {  	v63 =	vadd.s32 v3, v9;
	[tilespmem:s2+$0xFFFFFF70] =	vst v22;
	v20 =	vld.idx.msk [tilespmem:v12+s23+$0x0], $0xffff;
	v12 =	vmov s31  }
0xf2: {  	v15 =	vld.idx.msk [tilespmem:v24+s23+$0x0], $0xffff;
	v24 =	vadd.s32 v3, v10;
	[tilespmem:s2+$0xFFFFFFE0] =	vst v23;
	v12 =	vand.u32 $0x7D, v12  }
0xf3: {  	[tilespmem:s0+$0x70] =	vst v16;
	v14 =	vld.idx.msk [tilespmem:v14+s23+$0x0], $0xffff;
	v16 =	vadd.s32 v0, v12  }
0xf4: {  	v22 =	vadd.s32 v6, v17;
	[tilespmem:s0+$0xFFFFFFB0] =	vst v26;
	v18 =	vld.idx.msk [tilespmem:v27+s23+$0x0], $0xffff  }
0xf5: {  	[tilespmem:s0+$0x10] =	vst v25;
	v17 =	vld.idx.msk [tilespmem:v21+s23+$0x0], $0xffff;
	v21 =	vadd.s32 v6, v19  }
0xf6: {  	s11 =	simm.s32 $0xB;
	s9 =	simm.s32 $0xC;
	s3 =	simm.s32 $0x8;
	v23 =	vadd.s32 v4, v11;
	[tilespmem:s0+$0xFFFFFF50] =	vst v62;
	v19 =	vld.idx.msk [tilespmem:v63+s23+$0x0], $0xffff  }
.LBB2_14:
0xf7: {  	p0 =	slt.u32 s9, $0x6C;
	v25 =	vmov s11;
	v24 =	vld.idx.msk [tilespmem:v24+s23+$0x0], $0xffff;
	v26 =	vadd.s32 v4, v8;
	[tilespmem:s2+$0xB0] =	vst v20  }
0xf8: {  	s11 =	sadd.s32 $0x2, s3;
	v16 =	vld.idx.msk [tilespmem:v16+s23+$0x0], $0xffff;
	v20 =	vand.u32 $0x7F, v25;
	v25 =	vadd.s32 v4, v9;
	[tilespmem:s2+$0x40] =	vst v13  }
0xf9: {  	v13 =	vmov s11;
	v27 =	vadd.s32 v0, v20;
	[tilespmem:s2+$0xFFFFFF80] =	vst v15;
	v15 =	vld.idx.msk [tilespmem:v22+s23+$0x0], $0xffff  }
0xfa: {  	v22 =	vmov s3;
	v28 =	vand.u32 $0x7E, v13;
	v13 =	vadd.s32 v4, v10;
	s3 =	smov.u32 s9;
	[tilespmem:s0+$0x80] =	vst v18;
	v18 =	vld.idx.msk [tilespmem:v21+s23+$0x0], $0xffff  }
0xfb: {  	v29 =	vand.u32 $0x7C, v22;
	v21 =	vadd.s32 v0, v28;
	[tilespmem:s0+$0xFFFFFFC0] =	vst v17;
	v17 =	vld.idx.msk [tilespmem:v23+s23+$0x0], $0xffff  }
0xfc: {  	v22 =	vadd.s32 v0, v29;
	v23 =	vld.idx.msk [tilespmem:v26+s23+$0x0], $0xffff;
	[tilespmem:s0+$0x20] =	vst v19  }
0xfd: {  	[tilespmem:s0+$0xFFFFFF60] =	vst v24;
	v19 =	vld.idx.msk [tilespmem:v25+s23+$0x0], $0xffff;
	v24 =	vadd.s32 v5, v11  }
0xfe: {  	v26 =	vadd.s32 v5, v8;
	v25 =	vld.idx.msk [tilespmem:v27+s23+$0x0], $0xffff;
	[tilespmem:s2+$0xFFFFFFF0] =	vst v14  }
0xff: {  	v14 =	vld.idx.msk [tilespmem:v13+s23+$0x0], $0xffff;
	v13 =	vadd.s32 v5, v9;
	[tilespmem:s2+$0x50] =	vst v15  }
0x100: {  	v15 =	vld.idx.msk [tilespmem:v21+s23+$0x0], $0xffff;
	v21 =	vadd.s32 v2, v20;
	[tilespmem:s2+$0xFFFFFF90] =	vst v18;
	s2 =	smov.u32 s0  }
0x101: {  	v18 =	vld.idx.msk [tilespmem:v22+s23+$0x0], $0xffff;
	v22 =	vadd.s32 v2, v12;
	[tilespmem:s0+$0x90] =	vst v17  }
0x102: {  	v17 =	vadd.s32 v2, v28;
	[tilespmem:s0+$0xFFFFFFD0] =	vst v23;
	v23 =	vld.idx.msk [tilespmem:v24+s23+$0x0], $0xffff  }
0x103: {  	v24 =	vadd.s32 v2, v29;
	s0 =	sadd.s32 $0x180, s0;
	v26 =	vld.idx.msk [tilespmem:v26+s23+$0x0], $0xffff;
	[tilespmem:s2+$0x30] =	vst v19  }
0x104: {  	v19 =	vadd.s32 v6, v11;
	v11 =	vmov v20;
	[tilespmem:s0+$0x60] =	vst v25;
	v13 =	vld.idx.msk [tilespmem:v13+s23+$0x0], $0xffff  }
0x105: {  	[tilespmem:s0+$0xFFFFFFA0] =	vst v16;
	v21 =	vld.idx.msk [tilespmem:v21+s23+$0x0], $0xffff;
	v16 =	vadd.s32 v5, v10  }
0x106: {  	v25 =	vadd.s32 v6, v8;
	v8 =	vmov v12;
	v22 =	vld.idx.msk [tilespmem:v22+s23+$0x0], $0xffff;
	[tilespmem:s0+$0x0] =	vst v15  }
0x107: {  	[tilespmem:s0+$0xFFFFFF40] =	vst v18;
	v27 =	vld.idx.msk [tilespmem:v17+s23+$0x0], $0xffff;
	v17 =	vadd.s32 v3, v11  }
0x108: {  	s11 =	sadd.s32 $0x1, s9;
	v31 =	vadd.s32 v3, v8;
	v30 =	vld.idx.msk [tilespmem:v24+s23+$0x0], $0xffff;
	[tilespmem:s2+$0xA0] =	vst v23  }
0x109: {  	v12 =	vmov s11;
	v23 =	vadd.s32 v3, v28;
	[tilespmem:s2+$0xFFFFFF70] =	vst v14;
	v20 =	vld.idx.msk [tilespmem:v19+s23+$0x0], $0xffff  }
.Ltmp7:
0x10a: {  	v12 =	vand.u32 $0x7D, v12;
	v24 =	vadd.s32 v3, v29;
	v15 =	vld.idx.msk [tilespmem:v16+s23+$0x0], $0xffff;
	[tilespmem:s2+$0xFFFFFFE0] =	vst v26;
	(pc) =	sbr.rel @p0 .LBB2_14-.Ltmp7, $4  }
0x10b: {  	v16 =	vadd.s32 v0, v12;
	[tilespmem:s0+$0x70] =	vst v21;
	v14 =	vld.idx.msk [tilespmem:v25+s23+$0x0], $0xffff  }
0x10c: {  	[tilespmem:s0+$0xFFFFFFB0] =	vst v22;
	v18 =	vld.idx.msk [tilespmem:v17+s23+$0x0], $0xffff;
	v22 =	vadd.s32 v6, v9;
	v9 =	vmov v28  }
0x10d: {  	v21 =	vadd.s32 v6, v10;
	v10 =	vmov v29;
	v17 =	vld.idx.msk [tilespmem:v31+s23+$0x0], $0xffff;
	[tilespmem:s0+$0x10] =	vst v27  }
0x10e: {  	s9 =	sadd.s32 $0x4, s9;
	s11 =	sadd.s32 $0x3, s3;
	[tilespmem:s0+$0xFFFFFF50] =	vst v30;
	v19 =	vld.idx.msk [tilespmem:v23+s23+$0x0], $0xffff;
	v23 =	vadd.s32 v4, v11  }
0x10f: {  	_ =	sdelay $0x2  }
0x110: {  	[tilespmem:s2+$0xB0] =	vst v20  }
0x111: {  	v25 =	vmov s11;
	v49 =	vld.idx.msk [tilespmem:v24+s23+$0x0], $0xffff;
	[tilespmem:s2+$0x40] =	vst v13  }
0x112: {  	v50 =	vadd.s32 v4, v8;
	s9 =	sadd.s32 $0x2, s3;
	[tilespmem:s2+$0xFFFFFF80] =	vst v15;
	v53 =	vmov s3;
	v60 =	vld.idx.msk [tilespmem:v16+s23+$0x0], $0xffff;
	v25 =	vand.u32 $0x7F, v25  }
0x113: {  	v51 =	vmov s9;
	v54 =	vld.idx.msk [tilespmem:v21+s23+$0x0], $0xffff;
	v21 =	vand.u32 $0x7C, v53;
	[tilespmem:s2+$0xFFFFFFF0] =	vst v14;
	v26 =	vadd.s32 v0, v25  }
0x114: {  	v52 =	vld.idx.msk [tilespmem:v22+s23+$0x0], $0xffff;
	v13 =	vand.u32 $0x7E, v51;
	[tilespmem:s0+$0x80] =	vst v18;
	v57 =	vadd.s32 v0, v21  }
0x115: {  	v55 =	vadd.s32 v0, v13;
	[tilespmem:s0+$0xFFFFFFC0] =	vst v17  }
0x116: {  	v58 =	vadd.s32 v4, v9;
	v56 =	vld.idx.msk [tilespmem:v23+s23+$0x0], $0xffff;
	[tilespmem:s0+$0x20] =	vst v19  }
0x117: {  	v63 =	vadd.s32 v2, v12;
	s30 =	sadd.s32 $0x180, s0;
	v24 =	vld.idx.msk [tilespmem:v50+s23+$0x0], $0xffff;
	[tilespmem:s0+$0xFFFFFF60] =	vst v49  }
0x118: {  	v59 =	vadd.s32 v5, v11;
	[tilespmem:s30+$0xFFFFFFA0] =	vst v60;
	v26 =	vld.idx.msk [tilespmem:v26+s23+$0x0], $0xffff  }
0x119: {  	v61 =	vadd.s32 v2, v25;
	[tilespmem:s2+$0x50] =	vst v52;
	v28 =	vld.idx.msk [tilespmem:v57+s23+$0x0], $0xffff  }
0x11a: {  	v30 =	vadd.s32 v2, v21;
	[tilespmem:s2+$0xFFFFFF90] =	vst v54;
	v62 =	vld.idx.msk [tilespmem:v55+s23+$0x0], $0xffff  }
0x11b: {  	v29 =	vadd.s32 v2, v13;
	v19 =	vld.idx.msk [tilespmem:v58+s23+$0x0], $0xffff;
	[tilespmem:s0+$0x90] =	vst v56  }
0x11c: {  	v31 =	vadd.s32 v4, v10;
	v34 =	vld.idx.msk [tilespmem:v63+s23+$0x0], $0xffff;
	[tilespmem:s0+$0xFFFFFFD0] =	vst v24  }
0x11d: {  	v32 =	vadd.s32 v5, v8;
	v20 =	vld.idx.msk [tilespmem:v59+s23+$0x0], $0xffff;
	[tilespmem:s30+$0x60] =	vst v26  }
0x11e: {  	v36 =	vadd.s32 v3, v12;
	[tilespmem:s30+$0xFFFFFF40] =	vst v28;
	v33 =	vld.idx.msk [tilespmem:v61+s23+$0x0], $0xffff  }
0x11f: {  	v35 =	vadd.s32 v3, v25;
	[tilespmem:s30+$0x0] =	vst v62;
	v37 =	vld.idx.msk [tilespmem:v30+s23+$0x0], $0xffff  }
0x120: {  	v40 =	vadd.s32 v3, v21;
	[tilespmem:s0+$0x30] =	vst v19;
	v17 =	vld.idx.msk [tilespmem:v29+s23+$0x0], $0xffff  }
0x121: {  	v38 =	vadd.s32 v3, v13;
	v39 =	vld.idx.msk [tilespmem:v31+s23+$0x0], $0xffff;
	[tilespmem:s30+$0xFFFFFFB0] =	vst v34  }
0x122: {  	v43 =	vadd.s32 v5, v9;
	v41 =	vld.idx.msk [tilespmem:v32+s23+$0x0], $0xffff;
	[tilespmem:s0+$0xA0] =	vst v20  }
0x123: {  	v42 =	vadd.s32 v6, v11;
	v45 =	vld.idx.msk [tilespmem:v36+s23+$0x0], $0xffff;
	[tilespmem:s30+$0x70] =	vst v33  }
0x124: {  	v48 =	vadd.s32 v4, v12;
	[tilespmem:s30+$0xFFFFFF50] =	vst v37;
	v44 =	vld.idx.msk [tilespmem:v35+s23+$0x0], $0xffff  }
0x125: {  	v46 =	vadd.s32 v4, v25;
	[tilespmem:s30+$0x10] =	vst v17;
	v20 =	vld.idx.msk [tilespmem:v40+s23+$0x0], $0xffff  }
0x126: {  	v50 =	vadd.s32 v4, v21;
	[tilespmem:s0+$0xFFFFFF70] =	vst v39;
	v47 =	vld.idx.msk [tilespmem:v38+s23+$0x0], $0xffff  }
0x127: {  	v49 =	vadd.s32 v4, v13;
	v14 =	vld.idx.msk [tilespmem:v43+s23+$0x0], $0xffff;
	[tilespmem:s0+$0xFFFFFFE0] =	vst v41  }
0x128: {  	v8 =	vadd.s32 v6, v8;
	v11 =	vld.idx.msk [tilespmem:v42+s23+$0x0], $0xffff;
	[tilespmem:s30+$0xFFFFFFC0] =	vst v45  }
0x129: {  	v51 =	vadd.s32 v5, v10;
	v16 =	vld.idx.msk [tilespmem:v48+s23+$0x0], $0xffff;
	[tilespmem:s30+$0x80] =	vst v44  }
0x12a: {  	v53 =	vadd.s32 v5, v12;
	[tilespmem:s30+$0xFFFFFF60] =	vst v20;
	v15 =	vld.idx.msk [tilespmem:v46+s23+$0x0], $0xffff  }
0x12b: {  	v52 =	vadd.s32 v5, v25;
	[tilespmem:s30+$0x20] =	vst v47;
	v54 =	vld.idx.msk [tilespmem:v50+s23+$0x0], $0xffff  }
0x12c: {  	v57 =	vadd.s32 v5, v21;
	[tilespmem:s0+$0x40] =	vst v14;
	v18 =	vld.idx.msk [tilespmem:v49+s23+$0x0], $0xffff  }
0x12d: {  	v55 =	vadd.s32 v5, v13;
	v8 =	vld.idx.msk [tilespmem:v8+s23+$0x0], $0xffff;
	[tilespmem:s0+$0xB0] =	vst v11  }
0x12e: {  	v58 =	vadd.s32 v6, v9;
	v56 =	vld.idx.msk [tilespmem:v51+s23+$0x0], $0xffff;
	[tilespmem:s30+$0xFFFFFFD0] =	vst v16  }
0x12f: {  	v59 =	vadd.s32 v6, v10;
	v16 =	vld.idx.msk [tilespmem:v53+s23+$0x0], $0xffff;
	[tilespmem:s30+$0x90] =	vst v15  }
0x130: {  	v61 =	vadd.s32 v6, v12;
	[tilespmem:s30+$0xFFFFFF70] =	vst v54;
	v15 =	vld.idx.msk [tilespmem:v52+s23+$0x0], $0xffff  }
0x131: {  	v60 =	vadd.s32 v6, v25;
	[tilespmem:s30+$0x30] =	vst v18;
	v11 =	vld.idx.msk [tilespmem:v57+s23+$0x0], $0xffff  }
0x132: {  	[tilespmem:s0+$0xFFFFFFF0] =	vst v8;
	v8 =	vadd.s32 v6, v21;
	v18 =	vld.idx.msk [tilespmem:v55+s23+$0x0], $0xffff  }
0x133: {  	v13 =	vadd.s32 v6, v13;
	[tilespmem:s0+$0xFFFFFF80] =	vst v56;
	v9 =	vld.idx.msk [tilespmem:v58+s23+$0x0], $0xffff  }
0x134: {  	v10 =	vld.idx.msk [tilespmem:v59+s23+$0x0], $0xffff;
	[tilespmem:s30+$0xFFFFFFE0] =	vst v16  }
0x135: {  	v12 =	vld.idx.msk [tilespmem:v61+s23+$0x0], $0xffff;
	[tilespmem:s30+$0xA0] =	vst v15  }
0x136: {  	[tilespmem:s30+$0xFFFFFF80] =	vst v11;
	v62 =	vld.idx.msk [tilespmem:v60+s23+$0x0], $0xffff  }
0x137: {  	[tilespmem:s30+$0x40] =	vst v18;
	v8 =	vld.idx.msk [tilespmem:v8+s23+$0x0], $0xffff  }
0x138: {  	s1 =	sadd.s32 $0x1, s1;
	[tilespmem:s0+$0x50] =	vst v9;
	v63 =	vld.idx.msk [tilespmem:v13+s23+$0x0], $0xffff  }
0x139: {  	p0 =	sne.s32 s1, $0x1C;
	[tilespmem:s0+$0xFFFFFF90] =	vst v10  }
.Ltmp8:
0x13a: {  	[tilespmem:s30+$0xFFFFFFF0] =	vst v12;
	(pc) =	sbr.rel @p0 .LBB2_3-.Ltmp8, $4  }
0x13b: {  	s31 =	smul.u32 $0x540, s10;
	[tilespmem:s30+$0xB0] =	vst v62  }
0x13c: {  	[tilespmem:s30+$0xFFFFFF90] =	vst v8  }
0x13d: {  	s0 =	sadd.s32 s8, s31;
	[tilespmem:s30+$0x50] =	vst v63  }
0x13e: {  	[hbm4b:s0+s5] =	stream.linear.scatter [tilespmem:s20], [sflag:$0x4], $0x2A00, $0x38;
	[tilespmem:$0x1B2C0] =	vst v63  }
0x13f: {  	s0 =	simm.s32 $0x3  }
0x140: {  	_ =	swait.ge [sflag:s0], $0x2A00  }
0x141: {  	[sflag:s0] =	ssyncset.done $0x0  }
0x142: {  	[sflag:s0] =	ssyncadd.s32 $0xFFFFD600  }
0x143: {  	_ =	swait.ge [sflag:s18], $0x2A00  }
0x144: {  	[sflag:s18] =	ssyncset.done $0x0  }
0x145: {  	[sflag:s18] =	ssyncadd.s32 $0xFFFFD600  }
0x146: {  	[bflag:$0x0] =	sbarrier.arrive $0xFFFF  }
0x147: {  	s30 =	simm.s32 $0x0;
	s1 =	rddreg [dreg:$0x7]  }
0x148: {  	[tilespmem:s30], [sflag:$0x5] =	stream.linear.gather [hbm4b:s1+s30], $0x70, $0x38;
	[tilespmem:$0x1B2C0] =	vst v63  }
0x149: {  	_ =	swait.ge [sflag:s26], $0x70  }
0x14a: {  	[sflag:s26] =	ssyncset.done $0x0  }
0x14b: {  	s2 =	simm.s32 $0xE0;
	s31 =	rddreg [dreg:$0x8];
	[sflag:s26] =	ssyncadd.s32 $0xFFFFFF90  }
0x14c: {  	[tilespmem:s2], [sflag:$0x5] =	stream.linear.gather [hbm4b:s31+s30], $0x70, $0x38;
	[tilespmem:$0x1B2C0] =	vst v63  }
0x14d: {  	_ =	swait.ge [sflag:s26], $0x70  }
0x14e: {  	[sflag:s26] =	ssyncset.done $0x0  }
0x14f: {  	s0 =	simm.s32 $0x0;
	[sflag:s26] =	ssyncadd.s32 $0xFFFFFF90  }
0x150: {  	v8 =	vld [tilespmem:s0+$0x0];
	_ =	sdelay $0x1  }
0x151: {  	v9 =	vld [tilespmem:s0+$0xE0];
	_ =	sdelay $0x2  }
0x152: {  	v8 =	vadd.f32 $1.000000000e+00, v8;
	_ =	sdelay $0x1  }
0x153: {  	v9 =	vadd.f32 $1.000000000e+00, v9;
	v8 =	vmul.f32 $1.120000000e+02, v8;
	_ =	sdelay $0x1  }
0x154: {  	v11 =	vadd.f32 $-5.000000000e-01, v8;
	v8 =	vmul.f32 $1.120000000e+02, v9;
	_ =	sdelay $0x1  }
0x155: {  	v10 =	vadd.f32 $-5.000000000e-01, v8;
	v8 =	vtrunc.f32 v11  }
0x156: {  	v9 =	vcvt.f32.s32 v8;
	vm0 =	vlt.f32 v11, v8  }
0x157: {  	v8 =	vsel vm0, $0xFFFFFFFF, v7;
	v12 =	vtrunc.f32 v10  }
0x158: {  	v8 =	vadd.s32 v9, v8;
	v13 =	vcvt.f32.s32 v12;
	vm0 =	vlt.f32 v10, v12  }
0x159: {  	v12 =	vsel vm0, $0xFFFFFFFF, v7;
	v14 =	vcvt.s32.f32 v8;
	v9 =	vadd.s32 $0x1, v8  }
0x15a: {  	vm2 =	vgt.s32 v8, $0x0;
	v13 =	vadd.s32 v13, v12;
	vm1 =	vlt.u32 v9, $0xE0  }
0x15b: {  	v11 =	vsub.f32 v11, v14;
	v14 =	vcvt.s32.f32 v13;
	vm4 =	vgt.s32 v13, $0x0  }
0x15c: {  	s1 =	simm.s32 $0x10;
	s2 =	simm.s32 $0x80;
	vm0 =	vgt.s32 v9, $0x0;
	vm3 =	vlt.u32 v13, $0xE0;
	v12 =	vnsel vm4, $0x0, v13  }
.LBB2_17:
0x15d: {  	p0 =	sne.s32 s2, $0x180;
	v15 =	vld [tilespmem:s1+$0x0];
	v10 =	vsub.f32 v10, v14;
	v13 =	vadd.s32 $0x1, v13;
	v14 =	vsub.f32 $1.000000000e+00, v11  }
0x15e: {  	vm4 =	vlt.u32 v8, $0xE0;
	vm5 =	vlt.u32 v13, $0xE0;
	vm6 =	vgt.s32 v13, $0x0  }
0x15f: {  	v16 =	vld [tilespmem:s1+$0xE0];
	v14 =	vnsel vm4, $0x0, v14;
	v17 =	vnsel vm5, $0x0, v10;
	v13 =	vnsel vm6, $0x0, v13  }
0x160: {  	v10 =	vsub.f32 $1.000000000e+00, v10;
	v13 =	vmin.u32 v13, $0xDF;
	v18 =	vmul.f32 v14, v17  }
0x161: {  	v11 =	vnsel vm1, $0x0, v11;
	v12 =	vmin.u32 v12, $0xDF;
	v13 =	vmul.u32 $0xE0, v13  }
0x162: {  	v12 =	vmul.u32 $0xE0, v12;
	v10 =	vnsel vm3, $0x0, v10;
	v15 =	vadd.f32 $1.000000000e+00, v15;
	[tilespmem:s0+$0x700] =	vst v18  }
0x163: {  	v8 =	vnsel vm2, $0x0, v8;
	v9 =	vnsel vm0, $0x0, v9;
	v14 =	vmul.f32 v10, v14  }
0x164: {  	v10 =	vmul.f32 v10, v11;
	v15 =	vmul.f32 $1.120000000e+02, v15;
	v16 =	vadd.f32 $1.000000000e+00, v16  }
0x165: {  	v12 =	vadd.s32 v1, v12;
	v11 =	vmul.f32 v17, v11;
	v13 =	vadd.s32 v1, v13;
	[tilespmem:s0+$0x540] =	vst v14  }
0x166: {  	v9 =	vmin.u32 v9, $0xDF;
	v14 =	vadd.f32 $-5.000000000e-01, v15;
	v15 =	vmul.f32 $1.120000000e+02, v16;
	[tilespmem:s0+$0x620] =	vst v10  }
0x167: {  	v8 =	vmin.u32 v8, $0xDF;
	v16 =	vadd.s32 v9, v12;
	v9 =	vadd.s32 v9, v13;
	[tilespmem:s0+$0x7E0] =	vst v11  }
0x168: {  	v13 =	vadd.s32 v8, v13;
	v10 =	vadd.f32 $-5.000000000e-01, v15;
	v11 =	vtrunc.f32 v14;
	[tilespmem:s0+$0x460] =	vst v9  }
0x169: {  	v8 =	vadd.s32 v8, v12;
	v9 =	vcvt.f32.s32 v11;
	vm0 =	vlt.f32 v14, v11;
	[tilespmem:s0+$0x380] =	vst v13  }
0x16a: {  	v11 =	vsel vm0, $0xFFFFFFFF, v7;
	v12 =	vtrunc.f32 v10;
	[tilespmem:s0+$0x1C0] =	vst v8  }
.Ltmp9:
0x16b: {  	v8 =	vadd.s32 v9, v11;
	v11 =	vcvt.f32.s32 v12;
	vm0 =	vlt.f32 v10, v12;
	[tilespmem:s0+$0x2A0] =	vst v16;
	s0 =	smov.u32 s1;
	(pc) =	sbr.rel @p0 .LBB2_17-.Ltmp9, $4  }
0x16c: {  	v12 =	vsel vm0, $0xFFFFFFFF, v7;
	v15 =	vcvt.s32.f32 v8;
	v9 =	vadd.s32 $0x1, v8  }
0x16d: {  	v13 =	vadd.s32 v11, v12;
	vm1 =	vlt.u32 v9, $0xE0;
	vm0 =	vgt.s32 v9, $0x0  }
0x16e: {  	v11 =	vsub.f32 v14, v15;
	v14 =	vcvt.s32.f32 v13;
	vm4 =	vgt.s32 v13, $0x0  }
0x16f: {  	s1 =	sshra.s32 s2, $0x2;
	s2 =	sadd.s32 $0x40, s2;
	vm2 =	vgt.s32 v8, $0x0;
	vm3 =	vlt.u32 v13, $0xE0;
	v12 =	vnsel vm4, $0x0, v13  }
0x170: {  	v15 =	vld [tilespmem:s1+$0x0];
	v13 =	vadd.s32 $0x1, v13;
	v16 =	vsub.f32 $1.000000000e+00, v11  }
0x171: {  	v10 =	vsub.f32 v10, v14;
	vm4 =	vlt.u32 v8, $0xE0;
	v45 =	vld [tilespmem:s1+$0xE0];
	v46 =	vnsel vm1, $0x0, v11  }
0x172: {  	v12 =	vmin.u32 v12, $0xDF;
	v8 =	vnsel vm2, $0x0, v8;
	v9 =	vnsel vm0, $0x0, v9  }
0x173: {  	vm5 =	vgt.s32 v13, $0x0;
	vm6 =	vlt.u32 v13, $0xE0;
	v12 =	vmul.u32 $0xE0, v12  }
0x174: {  	v9 =	vmin.u32 v9, $0xDF;
	v8 =	vmin.u32 v8, $0xDF;
	v16 =	vnsel vm4, $0x0, v16  }
0x175: {  	v13 =	vnsel vm5, $0x0, v13;
	v17 =	vnsel vm6, $0x0, v10;
	v15 =	vadd.f32 $1.000000000e+00, v15  }
0x176: {  	v10 =	vsub.f32 $1.000000000e+00, v10;
	v13 =	vmin.u32 v13, $0xDF;
	v14 =	vadd.f32 $1.000000000e+00, v45  }
0x177: {  	v18 =	vmul.f32 v16, v17;
	v12 =	vadd.s32 v1, v12;
	v15 =	vmul.f32 $1.120000000e+02, v15  }
0x178: {  	v11 =	vmul.f32 v17, v46;
	v13 =	vmul.u32 $0xE0, v13;
	v14 =	vmul.f32 $1.120000000e+02, v14  }
0x179: {  	v10 =	vnsel vm3, $0x0, v10;
	v48 =	vadd.s32 v9, v12;
	v15 =	vadd.f32 $-5.000000000e-01, v15  }
0x17a: {  	v16 =	vmul.f32 v10, v16;
	v13 =	vadd.s32 v1, v13;
	v14 =	vadd.f32 $-5.000000000e-01, v14  }
0x17b: {  	v10 =	vmul.f32 v10, v46;
	v9 =	vadd.s32 v9, v13;
	v47 =	vtrunc.f32 v15  }
0x17c: {  	v21 =	vtrunc.f32 v14;
	v19 =	vcvt.f32.s32 v47;
	vm6 =	vlt.f32 v15, v47  }
0x17d: {  	v49 =	vcvt.f32.s32 v21;
	vm7 =	vlt.f32 v14, v21;
	v20 =	vsel vm6, $0xFFFFFFFF, v7  }
0x17e: {  	v13 =	vadd.s32 v8, v13;
	v21 =	vsel vm7, $0xFFFFFFFF, v7;
	v19 =	vadd.s32 v19, v20  }
0x17f: {  	v8 =	vadd.s32 v8, v12;
	v50 =	vadd.s32 v49, v21;
	v22 =	vcvt.s32.f32 v19  }
0x180: {  	v51 =	vadd.s32 $0x1, v19;
	v20 =	vcvt.s32.f32 v50;
	vm10 =	vgt.s32 v50, $0x0  }
0x181: {  	[tilespmem:s0+$0x700] =	vst v18;
	vm11 =	vlt.u32 v50, $0xE0;
	vm12 =	vgt.s32 v19, $0x0;
	v12 =	vadd.s32 $0x1, v50  }
0x182: {  	[tilespmem:s0+$0x7E0] =	vst v11;
	vm13 =	vlt.u32 v19, $0xE0;
	vm8 =	vlt.u32 v51, $0xE0;
	vm15 =	vgt.s32 v12, $0x0  }
0x183: {  	[tilespmem:s0+$0x1C0] =	vst v8;
	vm9 =	vgt.s32 v51, $0x0;
	v53 =	vnsel vm10, $0x0, v50;
	v8 =	vnsel vm15, $0x0, v12  }
0x184: {  	[tilespmem:s0+$0x2A0] =	vst v48;
	vm14 =	vlt.u32 v12, $0xE0;
	v15 =	vsub.f32 v15, v22;
	v8 =	vmin.u32 v8, $0xDF  }
0x185: {  	[tilespmem:s0+$0x540] =	vst v16;
	v60 =	vnsel vm12, $0x0, v19;
	v52 =	vsub.f32 v14, v20;
	v8 =	vmul.u32 $0xE0, v8  }
0x186: {  	[tilespmem:s0+$0x620] =	vst v10;
	v59 =	vnsel vm9, $0x0, v51;
	v61 =	vmin.u32 v60, $0xDF;
	v54 =	vsub.f32 $1.000000000e+00, v15  }
0x187: {  	[tilespmem:s0+$0x460] =	vst v9;
	v12 =	vmin.u32 v59, $0xDF;
	v55 =	vsub.f32 $1.000000000e+00, v52;
	v8 =	vadd.s32 v1, v8  }
0x188: {  	[tilespmem:s0+$0x380] =	vst v13;
	v10 =	vnsel vm14, $0x0, v52;
	v56 =	vnsel vm13, $0x0, v54;
	v62 =	vadd.s32 v12, v8  }
0x189: {  	v9 =	vnsel vm11, $0x0, v55;
	v57 =	vmul.f32 v56, v10;
	v8 =	vadd.s32 v61, v8;
	[tilespmem:s1+$0x460] =	vst v62  }
0x18a: {  	v11 =	vmin.u32 v53, $0xDF;
	v58 =	vnsel vm8, $0x0, v15;
	v13 =	vmul.f32 v9, v56;
	[tilespmem:s1+$0x380] =	vst v8  }
0x18b: {  	v11 =	vmul.u32 $0xE0, v11;
	v9 =	vmul.f32 v9, v58;
	[tilespmem:s1+$0x700] =	vst v57  }
0x18c: {  	v10 =	vmul.f32 v10, v58;
	[tilespmem:s1+$0x540] =	vst v13  }
0x18d: {  	v63 =	vadd.s32 v1, v11;
	[tilespmem:s1+$0x620] =	vst v9  }
0x18e: {  	v8 =	vadd.s32 v12, v63;
	[tilespmem:s1+$0x7E0] =	vst v10  }
0x18f: {  	v9 =	vadd.s32 v61, v63;
	[tilespmem:s1+$0x2A0] =	vst v8  }
0x190: {  	s18 =	simm.s32 $0x1C0;
	[tilespmem:s1+$0x1C0] =	vst v9  }
0x191: {  	[tilespmem:s6], [sflag:$0x1] =	stream.indirect.gather [hbm4b:s8+s29], $0x60, s18, s29, $0xb8;
	[tilespmem:$0x1B2C0] =	vst v63  }
0x192: {  	s22 =	simm.s32 $0x2A0;
	s24 =	simm.s32 $0x5CC0  }
0x193: {  	[tilespmem:s24], [sflag:$0x1] =	stream.indirect.gather [hbm4b:s8+s29], $0x60, s22, s29, $0xb8;
	[tilespmem:$0x1B2C0] =	vst v63  }
0x194: {  	s25 =	simm.s32 $0x380;
	s28 =	simm.s32 $0xB0C0  }
0x195: {  	[tilespmem:s28], [sflag:$0x1] =	stream.indirect.gather [hbm4b:s8+s29], $0x60, s25, s29, $0xb8;
	[tilespmem:$0x1B2C0] =	vst v63  }
0x196: {  	s30 =	simm.s32 $0x460;
	s31 =	simm.s32 $0x104C0;
	s18 =	simm.s32 $0x0  }
0x197: {  	[tilespmem:s31], [sflag:$0x1] =	stream.indirect.gather [hbm4b:s8+s29], $0x60, s30, s29, $0xb8;
	[tilespmem:$0x1B2C0] =	vst v63  }
.LBB2_19:
0x198: {  	s17 =	smul.u32 $0xE0, s18;
	_ =	sdelay $0x1  }
0x199: {  	s0 =	rddreg [dreg:$0x4];
	s11 =	sadd.s32 $0x70, s17  }
0x19a: {  	s0 =	sadd.s32 s0, s11  }
0x19b: {  	s1 =	rddreg [dreg:$0x3];
	s0 =	sshrl.u32 s0, $0x3  }
0x19c: {  	s2 =	simm.s32 $0x0;
	s1 =	sadd.s32 s1, s0  }
0x19d: {  	[tilespmem:s29], [sflag:$0x5] =	stream.linear.gather [hbm4b:s1+s2], $0x70, $0x38;
	[tilespmem:$0x1B2C0] =	vst v63  }
0x19e: {  	_ =	swait.ge [sflag:s26], $0x70  }
0x19f: {  	[sflag:s26] =	ssyncset.done $0x0  }
0x1a0: {  	[sflag:s26] =	ssyncadd.s32 $0xFFFFFF90  }
0x1a1: {  	s30 =	rddreg [dreg:$0x1]  }
0x1a2: {  	s31 =	simm.s32 $0x150;
	s0 =	sadd.s32 s30, s0  }
0x1a3: {  	[tilespmem:s31], [sflag:$0x5] =	stream.linear.gather [hbm4b:s0+s2], $0x70, $0x38;
	[tilespmem:$0x1B2C0] =	vst v63  }
0x1a4: {  	_ =	swait.ge [sflag:s26], $0x70  }
0x1a5: {  	[sflag:s26] =	ssyncset.done $0x0  }
0x1a6: {  	s0 =	simm.s32 $0x0;
	[sflag:s26] =	ssyncadd.s32 $0xFFFFFF90  }
0x1a7: {  	v8 =	vld [tilespmem:s0+$0x70];
	_ =	sdelay $0x1  }
0x1a8: {  	v9 =	vld [tilespmem:s0+$0x150];
	_ =	sdelay $0x2  }
0x1a9: {  	v8 =	vadd.f32 $1.000000000e+00, v8;
	_ =	sdelay $0x1  }
0x1aa: {  	v9 =	vadd.f32 $1.000000000e+00, v9;
	v8 =	vmul.f32 $1.120000000e+02, v8;
	_ =	sdelay $0x1  }
0x1ab: {  	v11 =	vadd.f32 $-5.000000000e-01, v8;
	v8 =	vmul.f32 $1.120000000e+02, v9;
	_ =	sdelay $0x1  }
0x1ac: {  	v10 =	vadd.f32 $-5.000000000e-01, v8;
	v8 =	vtrunc.f32 v11  }
0x1ad: {  	v9 =	vcvt.f32.s32 v8;
	vm0 =	vlt.f32 v11, v8  }
0x1ae: {  	v8 =	vsel vm0, $0xFFFFFFFF, v7;
	v12 =	vtrunc.f32 v10  }
0x1af: {  	v8 =	vadd.s32 v9, v8;
	v13 =	vcvt.f32.s32 v12;
	vm0 =	vlt.f32 v10, v12  }
0x1b0: {  	v12 =	vsel vm0, $0xFFFFFFFF, v7;
	v14 =	vcvt.s32.f32 v8;
	v9 =	vadd.s32 $0x1, v8  }
0x1b1: {  	vm2 =	vgt.s32 v8, $0x0;
	v13 =	vadd.s32 v13, v12;
	vm1 =	vlt.u32 v9, $0xE0  }
0x1b2: {  	v11 =	vsub.f32 v11, v14;
	v14 =	vcvt.s32.f32 v13;
	vm4 =	vgt.s32 v13, $0x0  }
0x1b3: {  	s1 =	simm.s32 $0x10;
	s2 =	simm.s32 $0x80;
	vm0 =	vgt.s32 v9, $0x0;
	vm3 =	vlt.u32 v13, $0xE0;
	v12 =	vnsel vm4, $0x0, v13  }
.LBB2_20:
0x1b4: {  	p0 =	sne.s32 s2, $0x180;
	v15 =	vld [tilespmem:s1+$0x70];
	v10 =	vsub.f32 v10, v14;
	v13 =	vadd.s32 $0x1, v13;
	v14 =	vsub.f32 $1.000000000e+00, v11  }
0x1b5: {  	vm4 =	vlt.u32 v8, $0xE0;
	vm5 =	vlt.u32 v13, $0xE0;
	vm6 =	vgt.s32 v13, $0x0  }
0x1b6: {  	v16 =	vld [tilespmem:s1+$0x150];
	v14 =	vnsel vm4, $0x0, v14;
	v17 =	vnsel vm5, $0x0, v10;
	v13 =	vnsel vm6, $0x0, v13  }
0x1b7: {  	v10 =	vsub.f32 $1.000000000e+00, v10;
	v13 =	vmin.u32 v13, $0xDF;
	v18 =	vmul.f32 v14, v17  }
0x1b8: {  	v11 =	vnsel vm1, $0x0, v11;
	v12 =	vmin.u32 v12, $0xDF;
	v13 =	vmul.u32 $0xE0, v13  }
0x1b9: {  	v12 =	vmul.u32 $0xE0, v12;
	v10 =	vnsel vm3, $0x0, v10;
	v15 =	vadd.f32 $1.000000000e+00, v15;
	[tilespmem:s0+$0x770] =	vst v18  }
0x1ba: {  	v8 =	vnsel vm2, $0x0, v8;
	v9 =	vnsel vm0, $0x0, v9;
	v14 =	vmul.f32 v10, v14  }
0x1bb: {  	v10 =	vmul.f32 v10, v11;
	v15 =	vmul.f32 $1.120000000e+02, v15;
	v16 =	vadd.f32 $1.000000000e+00, v16  }
0x1bc: {  	v12 =	vadd.s32 v1, v12;
	v11 =	vmul.f32 v17, v11;
	v13 =	vadd.s32 v1, v13;
	[tilespmem:s0+$0x5B0] =	vst v14  }
0x1bd: {  	v9 =	vmin.u32 v9, $0xDF;
	v14 =	vadd.f32 $-5.000000000e-01, v15;
	v15 =	vmul.f32 $1.120000000e+02, v16;
	[tilespmem:s0+$0x690] =	vst v10  }
0x1be: {  	v8 =	vmin.u32 v8, $0xDF;
	v16 =	vadd.s32 v9, v12;
	v9 =	vadd.s32 v9, v13;
	[tilespmem:s0+$0x850] =	vst v11  }
0x1bf: {  	v13 =	vadd.s32 v8, v13;
	v10 =	vadd.f32 $-5.000000000e-01, v15;
	v11 =	vtrunc.f32 v14;
	[tilespmem:s0+$0x4D0] =	vst v9  }
0x1c0: {  	v8 =	vadd.s32 v8, v12;
	v9 =	vcvt.f32.s32 v11;
	vm0 =	vlt.f32 v14, v11;
	[tilespmem:s0+$0x3F0] =	vst v13  }
0x1c1: {  	v11 =	vsel vm0, $0xFFFFFFFF, v7;
	v12 =	vtrunc.f32 v10;
	[tilespmem:s0+$0x230] =	vst v8  }
.Ltmp10:
0x1c2: {  	v8 =	vadd.s32 v9, v11;
	v11 =	vcvt.f32.s32 v12;
	vm0 =	vlt.f32 v10, v12;
	[tilespmem:s0+$0x310] =	vst v16;
	s0 =	smov.u32 s1;
	(pc) =	sbr.rel @p0 .LBB2_20-.Ltmp10, $4  }
0x1c3: {  	v12 =	vsel vm0, $0xFFFFFFFF, v7;
	v15 =	vcvt.s32.f32 v8;
	v9 =	vadd.s32 $0x1, v8  }
0x1c4: {  	v13 =	vadd.s32 v11, v12;
	vm1 =	vlt.u32 v9, $0xE0;
	vm0 =	vgt.s32 v9, $0x0  }
0x1c5: {  	v11 =	vsub.f32 v14, v15;
	v14 =	vcvt.s32.f32 v13;
	vm4 =	vgt.s32 v13, $0x0  }
0x1c6: {  	s1 =	sshra.s32 s2, $0x2;
	s2 =	sadd.s32 $0x40, s2;
	vm2 =	vgt.s32 v8, $0x0;
	vm3 =	vlt.u32 v13, $0xE0;
	v12 =	vnsel vm4, $0x0, v13  }
0x1c7: {  	v15 =	vld [tilespmem:s1+$0x70];
	v13 =	vadd.s32 $0x1, v13;
	v16 =	vsub.f32 $1.000000000e+00, v11  }
0x1c8: {  	v10 =	vsub.f32 v10, v14;
	vm4 =	vlt.u32 v8, $0xE0;
	v45 =	vld [tilespmem:s1+$0x150];
	v46 =	vnsel vm1, $0x0, v11  }
0x1c9: {  	v12 =	vmin.u32 v12, $0xDF;
	v8 =	vnsel vm2, $0x0, v8;
	v9 =	vnsel vm0, $0x0, v9  }
0x1ca: {  	vm5 =	vgt.s32 v13, $0x0;
	vm6 =	vlt.u32 v13, $0xE0;
	v12 =	vmul.u32 $0xE0, v12  }
0x1cb: {  	v9 =	vmin.u32 v9, $0xDF;
	v8 =	vmin.u32 v8, $0xDF;
	v16 =	vnsel vm4, $0x0, v16  }
0x1cc: {  	v13 =	vnsel vm5, $0x0, v13;
	v17 =	vnsel vm6, $0x0, v10;
	v15 =	vadd.f32 $1.000000000e+00, v15  }
0x1cd: {  	v10 =	vsub.f32 $1.000000000e+00, v10;
	v13 =	vmin.u32 v13, $0xDF;
	v14 =	vadd.f32 $1.000000000e+00, v45  }
0x1ce: {  	v18 =	vmul.f32 v16, v17;
	v12 =	vadd.s32 v1, v12;
	v15 =	vmul.f32 $1.120000000e+02, v15  }
0x1cf: {  	v11 =	vmul.f32 v17, v46;
	v13 =	vmul.u32 $0xE0, v13;
	v14 =	vmul.f32 $1.120000000e+02, v14  }
0x1d0: {  	v10 =	vnsel vm3, $0x0, v10;
	v48 =	vadd.s32 v9, v12;
	v15 =	vadd.f32 $-5.000000000e-01, v15  }
0x1d1: {  	v16 =	vmul.f32 v10, v16;
	v13 =	vadd.s32 v1, v13;
	v14 =	vadd.f32 $-5.000000000e-01, v14  }
0x1d2: {  	v10 =	vmul.f32 v10, v46;
	v9 =	vadd.s32 v9, v13;
	v47 =	vtrunc.f32 v15  }
0x1d3: {  	v21 =	vtrunc.f32 v14;
	v19 =	vcvt.f32.s32 v47;
	vm6 =	vlt.f32 v15, v47  }
0x1d4: {  	v49 =	vcvt.f32.s32 v21;
	vm7 =	vlt.f32 v14, v21;
	v20 =	vsel vm6, $0xFFFFFFFF, v7  }
0x1d5: {  	v13 =	vadd.s32 v8, v13;
	v21 =	vsel vm7, $0xFFFFFFFF, v7;
	v19 =	vadd.s32 v19, v20  }
0x1d6: {  	v8 =	vadd.s32 v8, v12;
	v50 =	vadd.s32 v49, v21;
	v22 =	vcvt.s32.f32 v19  }
0x1d7: {  	v51 =	vadd.s32 $0x1, v19;
	v20 =	vcvt.s32.f32 v50;
	vm10 =	vgt.s32 v50, $0x0  }
0x1d8: {  	[tilespmem:s0+$0x770] =	vst v18;
	vm11 =	vlt.u32 v50, $0xE0;
	vm12 =	vgt.s32 v19, $0x0;
	v12 =	vadd.s32 $0x1, v50  }
0x1d9: {  	[tilespmem:s0+$0x850] =	vst v11;
	vm13 =	vlt.u32 v19, $0xE0;
	vm8 =	vlt.u32 v51, $0xE0;
	vm15 =	vgt.s32 v12, $0x0  }
0x1da: {  	[tilespmem:s0+$0x230] =	vst v8;
	vm9 =	vgt.s32 v51, $0x0;
	v53 =	vnsel vm10, $0x0, v50;
	v8 =	vnsel vm15, $0x0, v12  }
0x1db: {  	[tilespmem:s0+$0x310] =	vst v48;
	vm14 =	vlt.u32 v12, $0xE0;
	v15 =	vsub.f32 v15, v22;
	v8 =	vmin.u32 v8, $0xDF  }
0x1dc: {  	[tilespmem:s0+$0x5B0] =	vst v16;
	v60 =	vnsel vm12, $0x0, v19;
	v52 =	vsub.f32 v14, v20;
	v8 =	vmul.u32 $0xE0, v8  }
0x1dd: {  	[tilespmem:s0+$0x690] =	vst v10;
	v59 =	vnsel vm9, $0x0, v51;
	v61 =	vmin.u32 v60, $0xDF;
	v54 =	vsub.f32 $1.000000000e+00, v15  }
0x1de: {  	[tilespmem:s0+$0x4D0] =	vst v9;
	v12 =	vmin.u32 v59, $0xDF;
	v55 =	vsub.f32 $1.000000000e+00, v52;
	v8 =	vadd.s32 v1, v8  }
0x1df: {  	[tilespmem:s0+$0x3F0] =	vst v13;
	v10 =	vnsel vm14, $0x0, v52;
	v56 =	vnsel vm13, $0x0, v54;
	v62 =	vadd.s32 v12, v8  }
0x1e0: {  	v9 =	vnsel vm11, $0x0, v55;
	v57 =	vmul.f32 v56, v10;
	v8 =	vadd.s32 v61, v8;
	[tilespmem:s1+$0x4D0] =	vst v62  }
0x1e1: {  	v11 =	vmin.u32 v53, $0xDF;
	v58 =	vnsel vm8, $0x0, v15;
	v13 =	vmul.f32 v9, v56;
	[tilespmem:s1+$0x3F0] =	vst v8  }
0x1e2: {  	v11 =	vmul.u32 $0xE0, v11;
	v9 =	vmul.f32 v9, v58;
	[tilespmem:s1+$0x770] =	vst v57  }
0x1e3: {  	v10 =	vmul.f32 v10, v58;
	[tilespmem:s1+$0x5B0] =	vst v13  }
0x1e4: {  	v63 =	vadd.s32 v1, v11;
	[tilespmem:s1+$0x690] =	vst v9  }
0x1e5: {  	v8 =	vadd.s32 v12, v63;
	[tilespmem:s1+$0x850] =	vst v10  }
0x1e6: {  	v9 =	vadd.s32 v61, v63;
	[tilespmem:s1+$0x310] =	vst v8  }
0x1e7: {  	s15 =	simm.s32 $0x230;
	[tilespmem:s1+$0x230] =	vst v9  }
0x1e8: {  	[tilespmem:s20], [sflag:$0x2] =	stream.indirect.gather [hbm4b:s8+s29], $0x60, s15, s29, $0xb8;
	[tilespmem:$0x1B2C0] =	vst v63  }
0x1e9: {  	s22 =	simm.s32 $0x310;
	s24 =	simm.s32 $0x86C0  }
0x1ea: {  	[tilespmem:s24], [sflag:$0x2] =	stream.indirect.gather [hbm4b:s8+s29], $0x60, s22, s29, $0xb8;
	[tilespmem:$0x1B2C0] =	vst v63  }
0x1eb: {  	s25 =	simm.s32 $0x3F0;
	s28 =	simm.s32 $0xDAC0  }
0x1ec: {  	[tilespmem:s28], [sflag:$0x2] =	stream.indirect.gather [hbm4b:s8+s29], $0x60, s25, s29, $0xb8;
	[tilespmem:$0x1B2C0] =	vst v63  }
0x1ed: {  	s30 =	simm.s32 $0x4D0;
	s31 =	simm.s32 $0x12EC0  }
0x1ee: {  	[tilespmem:s31], [sflag:$0x2] =	stream.indirect.gather [hbm4b:s8+s29], $0x60, s30, s29, $0xb8;
	[tilespmem:$0x1B2C0] =	vst v63  }
0x1ef: {  	_ =	swait.ge [sflag:s12], $0x2A00  }
0x1f0: {  	[sflag:s12] =	ssyncset.done $0x0  }
0x1f1: {  	[sflag:s12] =	ssyncadd.s32 $0xFFFFD600  }
0x1f2: {  	_ =	swait.ge [sflag:s12], $0x2A00  }
0x1f3: {  	[sflag:s12] =	ssyncset.done $0x0  }
0x1f4: {  	[sflag:s12] =	ssyncadd.s32 $0xFFFFD600  }
0x1f5: {  	_ =	swait.ge [sflag:s12], $0x2A00  }
0x1f6: {  	[sflag:s12] =	ssyncset.done $0x0  }
0x1f7: {  	[sflag:s12] =	ssyncadd.s32 $0xFFFFD600  }
0x1f8: {  	s9 =	simm.s32 $0xB180;
	s1 =	simm.s32 $0x0;
	_ =	swait.ge [sflag:s12], $0x2A00  }
0x1f9: {  	s20 =	simm.s32 $0x10580;
	s22 =	simm.s32 $0x980;
	[sflag:s12] =	ssyncset.done $0x0  }
0x1fa: {  	s24 =	simm.s32 $0x5D80;
	s25 =	simm.s32 $0x0;
	[sflag:s12] =	ssyncadd.s32 $0xFFFFD600  }
.LBB2_22:
0x1fb: {  	v8 =	vld [tilespmem:s22+$0x60]  }
0x1fc: {  	s0 =	sshll.u32 s1, $0x4;
	v9 =	vld [tilespmem:s24+$0x60]  }
0x1fd: {  	v19 =	vld [tilespmem:s0+$0x540]  }
0x1fe: {  	v20 =	vld [tilespmem:s0+$0x620]  }
0x1ff: {  	v21 =	vld [tilespmem:s0+$0x700]  }
0x200: {  	v17 =	vld [tilespmem:s0+$0x7E0]  }
0x201: {  	v10 =	vld [tilespmem:s9+$0x60]  }
0x202: {  	v11 =	vmov s25;
	s2 =	simm.s32 $0x3;
	v12 =	vld [tilespmem:s20+$0x60];
	s3 =	simm.s32 $0x1  }
0x203: {  	v18 =	vmov s0;
	v13 =	vmov s2;
	v23 =	vmov s3  }
0x204: {  	v14 =	vand.u32 $0x7, v13;
	v28 =	vperm.xlane v19, v13;
	v34 =	vperm.xlane v20, v13  }
0x205: {  	v15 =	vld [tilespmem:s22+$0xFFFFFF40];
	v35 =	vperm.xlane v21, v13;
	v36 =	vperm.xlane v17, v13;
	v13 =	vand.u32 $0x8, v13  }
0x206: {  	v16 =	vld [tilespmem:s24+$0xFFFFFF40];
	v13 =	vor.u32 v18, v13;
	v8 =	vmul.f32 v8, v28;
	v9 =	vmul.f32 v9, v34  }
0x207: {  	v22 =	vld [tilespmem:s9+$0xFFFFFF40];
	v10 =	vmul.f32 v10, v35;
	v12 =	vmul.f32 v12, v36;
	v26 =	vadd.s32 v14, v13  }
0x208: {  	v24 =	vld [tilespmem:s22+$0xFFFFFFA0];
	v27 =	vperm.xlane v19, v11;
	v30 =	vperm.xlane v20, v11;
	v14 =	vadd.s32 v0, v26  }
0x209: {  	v29 =	vperm.xlane v21, v11;
	v13 =	vld [tilespmem:s20+$0xFFFFFF40];
	v8 =	vadd.f32 v9, v8;
	v9 =	vadd.f32 v12, v10  }
0x20a: {  	v37 =	vld [tilespmem:s9+$0xFFFFFFA0];
	v25 =	vand.u32 $0x4, v11;
	v32 =	vperm.xlane v17, v11;
	v31 =	vperm.xlane v19, v23  }
0x20b: {  	v38 =	vld [tilespmem:s22+$0x0];
	v15 =	vmul.f32 v15, v27;
	v10 =	vand.u32 $0x8, v11;
	v9 =	vadd.f32 v9, v8  }
0x20c: {  	v16 =	vmul.f32 v16, v30;
	v22 =	vmul.f32 v22, v29;
	v12 =	vld [tilespmem:s24+$0xFFFFFFA0];
	v10 =	vor.u32 v18, v10  }
0x20d: {  	v24 =	vmul.f32 v24, v31;
	v33 =	vadd.s32 v25, v10;
	v10 =	vld [tilespmem:s20+$0xFFFFFFA0];
	[tilespmem:v14+s19+$0x0] =	vst.idx.msk $0xffff, v9  }
0x20e: {  	v11 =	vperm.xlane v20, v23;
	v15 =	vadd.f32 v16, v15;
	v13 =	vmul.f32 v13, v32;
	v39 =	vld [tilespmem:s22+$0x70]  }
0x20f: {  	v16 =	vand.u32 $0x5, v23;
	v8 =	vperm.xlane v21, v23;
	v40 =	vadd.s32 v0, v33;
	v41 =	vld [tilespmem:s24+$0x70]  }
0x210: {  	v9 =	vand.u32 $0x8, v23;
	v14 =	vperm.xlane v17, v23;
	v13 =	vadd.f32 v13, v22;
	v22 =	vld [tilespmem:s9+$0x70]  }
0x211: {  	v23 =	vmul.f32 v37, v8;
	v9 =	vor.u32 v18, v9;
	v12 =	vmul.f32 v12, v11;
	v62 =	vld [tilespmem:s20+$0x70]  }
0x212: {  	v42 =	vld [tilespmem:s24+$0x0];
	v16 =	vadd.s32 v16, v9;
	v13 =	vadd.f32 v13, v15;
	v10 =	vmul.f32 v10, v14  }
0x213: {  	v43 =	vld [tilespmem:s9+$0x0];
	v15 =	vadd.s32 v0, v16  }
0x214: {  	s6 =	simm.s32 $0x2;
	v12 =	vadd.f32 v12, v24;
	[tilespmem:v40+s19+$0x0] =	vst.idx.msk $0xffff, v13;
	v10 =	vadd.f32 v10, v23;
	v23 =	vld [tilespmem:s20+$0x0]  }
0x215: {  	v25 =	vmov s6;
	v24 =	vld [tilespmem:s22+$0xFFFFFF50];
	v13 =	vmul.f32 v39, v28;
	v63 =	vmul.f32 v41, v34  }
0x216: {  	v49 =	vld [tilespmem:s24+$0xFFFFFF50];
	v22 =	vmul.f32 v22, v35;
	v37 =	vmul.f32 v62, v36;
	v48 =	vadd.f32 v10, v12  }
0x217: {  	v45 =	vadd.s32 v2, v26;
	v9 =	vperm.xlane v19, v25;
	v44 =	vld [tilespmem:s9+$0xFFFFFF50];
	v12 =	vperm.xlane v20, v25  }
0x218: {  	v50 =	vld [tilespmem:s20+$0xFFFFFF50];
	v13 =	vadd.f32 v63, v13;
	v22 =	vadd.f32 v37, v22;
	[tilespmem:v15+s19+$0x0] =	vst.idx.msk $0xffff, v48  }
0x219: {  	v54 =	vand.u32 $0x8, v25;
	v51 =	vmul.f32 v38, v9;
	v10 =	vperm.xlane v21, v25;
	v53 =	vld [tilespmem:s22+$0xFFFFFFB0]  }
0x21a: {  	v52 =	vmul.f32 v42, v12;
	v15 =	vperm.xlane v17, v25;
	v46 =	vld [tilespmem:s24+$0xFFFFFFB0];
	v22 =	vadd.f32 v22, v13  }
0x21b: {  	v43 =	vmul.f32 v43, v10;
	v25 =	vand.u32 $0x6, v25;
	v13 =	vor.u32 v18, v54;
	v55 =	vld [tilespmem:s9+$0xFFFFFFB0]  }
0x21c: {  	v13 =	vadd.s32 v25, v13;
	v23 =	vmul.f32 v23, v15;
	v25 =	vld [tilespmem:s20+$0xFFFFFFB0];
	[tilespmem:v45+s19+$0x0] =	vst.idx.msk $0xffff, v22  }
0x21d: {  	v24 =	vmul.f32 v24, v27;
	v56 =	vadd.s32 v0, v13;
	v57 =	vld [tilespmem:s22+$0x80]  }
0x21e: {  	v41 =	vmul.f32 v49, v30;
	v22 =	vadd.f32 v52, v51;
	v23 =	vadd.f32 v23, v43;
	v58 =	vld [tilespmem:s24+$0x80]  }
0x21f: {  	v44 =	vmul.f32 v44, v29;
	v40 =	vmul.f32 v50, v32;
	v45 =	vld [tilespmem:s9+$0x80]  }
0x220: {  	v22 =	vadd.f32 v23, v22;
	v23 =	vld [tilespmem:s20+$0x80]  }
0x221: {  	v59 =	vadd.s32 v2, v33;
	v24 =	vadd.f32 v41, v24;
	v40 =	vadd.f32 v40, v44  }
0x222: {  	v39 =	vmul.f32 v53, v31;
	v60 =	vmul.f32 v46, v11;
	[tilespmem:v56+s19+$0x0] =	vst.idx.msk $0xffff, v22  }
0x223: {  	v63 =	vadd.s32 v2, v16;
	v25 =	vmul.f32 v25, v14;
	v22 =	vmul.f32 v55, v8;
	v37 =	vld [tilespmem:s22+$0x10]  }
0x224: {  	v24 =	vadd.f32 v40, v24;
	v61 =	vld [tilespmem:s24+$0x10];
	v38 =	vmul.f32 v57, v28;
	v62 =	vmul.f32 v58, v34  }
0x225: {  	v39 =	vadd.f32 v60, v39;
	v48 =	vld [tilespmem:s9+$0x10];
	v45 =	vmul.f32 v45, v35;
	v23 =	vmul.f32 v23, v36  }
0x226: {  	[tilespmem:v59+s19+$0x0] =	vst.idx.msk $0xffff, v24;
	v24 =	vld [tilespmem:s20+$0x10];
	v22 =	vadd.f32 v25, v22;
	v25 =	vadd.s32 v3, v26  }
0x227: {  	v41 =	vld [tilespmem:s22+$0xFFFFFF60];
	v38 =	vadd.f32 v62, v38;
	v23 =	vadd.f32 v23, v45  }
0x228: {  	v49 =	vld [tilespmem:s24+$0xFFFFFF60];
	v22 =	vadd.f32 v22, v39  }
0x229: {  	v50 =	vld [tilespmem:s9+$0xFFFFFF60];
	v23 =	vadd.f32 v23, v38  }
0x22a: {  	[tilespmem:v63+s19+$0x0] =	vst.idx.msk $0xffff, v22;
	v22 =	vld [tilespmem:s20+$0xFFFFFF60]  }
0x22b: {  	v37 =	vmul.f32 v37, v9;
	v51 =	vmul.f32 v61, v12;
	v52 =	vld [tilespmem:s22+$0xFFFFFFC0];
	[tilespmem:v25+s19+$0x0] =	vst.idx.msk $0xffff, v23  }
0x22c: {  	v24 =	vmul.f32 v24, v15;
	v23 =	vmul.f32 v48, v10;
	v25 =	vld [tilespmem:s22+$0x90]  }
0x22d: {  	v53 =	vadd.s32 v2, v13;
	v54 =	vld [tilespmem:s24+$0x90]  }
0x22e: {  	v37 =	vadd.f32 v51, v37;
	v56 =	vld [tilespmem:s20+$0x90];
	v23 =	vadd.f32 v24, v23  }
0x22f: {  	v55 =	vmul.f32 v41, v27;
	v39 =	vmul.f32 v49, v30;
	v24 =	vld [tilespmem:s9+$0x90]  }
0x230: {  	v42 =	vmul.f32 v50, v29;
	v57 =	vld [tilespmem:s24+$0xFFFFFFC0];
	v22 =	vmul.f32 v22, v32;
	v23 =	vadd.f32 v23, v37  }
0x231: {  	v59 =	vadd.s32 v3, v33;
	v58 =	vld [tilespmem:s9+$0xFFFFFFC0]  }
0x232: {  	v38 =	vadd.f32 v39, v55;
	v22 =	vadd.f32 v22, v42;
	[tilespmem:v53+s19+$0x0] =	vst.idx.msk $0xffff, v23;
	v23 =	vld [tilespmem:s20+$0xFFFFFFC0]  }
0x233: {  	v25 =	vmul.f32 v25, v28;
	v61 =	vmul.f32 v54, v34;
	v60 =	vld [tilespmem:s22+$0x20]  }
0x234: {  	v22 =	vadd.f32 v22, v38;
	v41 =	vmul.f32 v56, v36;
	v62 =	vld [tilespmem:s24+$0x20];
	v24 =	vmul.f32 v24, v35  }
0x235: {  	v63 =	vadd.s32 v4, v26;
	v43 =	vld [tilespmem:s9+$0x20]  }
0x236: {  	[tilespmem:v59+s19+$0x0] =	vst.idx.msk $0xffff, v22;
	v22 =	vld [tilespmem:s20+$0x20];
	v25 =	vadd.f32 v61, v25;
	v24 =	vadd.f32 v41, v24  }
0x237: {  	v40 =	vmul.f32 v52, v31;
	v48 =	vmul.f32 v57, v11;
	v49 =	vld [tilespmem:s22+$0xFFFFFF70]  }
0x238: {  	v37 =	vmul.f32 v58, v8;
	v50 =	vld [tilespmem:s24+$0xFFFFFF70];
	v23 =	vmul.f32 v23, v14;
	v24 =	vadd.f32 v24, v25  }
0x239: {  	v46 =	vld [tilespmem:s9+$0xFFFFFF70];
	v25 =	vadd.s32 v3, v16  }
0x23a: {  	v40 =	vadd.f32 v48, v40;
	v51 =	vld [tilespmem:s20+$0xFFFFFF70];
	v23 =	vadd.f32 v23, v37;
	[tilespmem:v63+s19+$0x0] =	vst.idx.msk $0xffff, v24  }
0x23b: {  	v38 =	vmul.f32 v62, v12;
	v53 =	vmul.f32 v43, v10;
	v52 =	vld [tilespmem:s22+$0xA0]  }
0x23c: {  	v24 =	vmul.f32 v60, v9;
	v22 =	vmul.f32 v22, v15;
	v54 =	vld [tilespmem:s24+$0xA0];
	v23 =	vadd.f32 v23, v40  }
0x23d: {  	v56 =	vadd.s32 v3, v13;
	v57 =	vld [tilespmem:s9+$0xA0]  }
0x23e: {  	v24 =	vadd.f32 v38, v24;
	v22 =	vadd.f32 v22, v53;
	[tilespmem:v25+s19+$0x0] =	vst.idx.msk $0xffff, v23;
	v23 =	vld [tilespmem:s20+$0xA0]  }
0x23f: {  	v55 =	vmul.f32 v49, v27;
	v58 =	vmul.f32 v50, v30;
	v59 =	vld [tilespmem:s22+$0xFFFFFFD0]  }
0x240: {  	v37 =	vmul.f32 v51, v32;
	v25 =	vmul.f32 v46, v29;
	v22 =	vadd.f32 v22, v24;
	v24 =	vld [tilespmem:s24+$0xFFFFFFD0]  }
0x241: {  	v60 =	vadd.s32 v4, v33;
	v61 =	vld [tilespmem:s9+$0xFFFFFFD0]  }
0x242: {  	v38 =	vadd.f32 v58, v55;
	v25 =	vadd.f32 v37, v25;
	[tilespmem:v56+s19+$0x0] =	vst.idx.msk $0xffff, v22;
	v22 =	vld [tilespmem:s20+$0xFFFFFFD0]  }
0x243: {  	v42 =	vld [tilespmem:s22+$0x30]  }
0x244: {  	v39 =	vmul.f32 v52, v28;
	v40 =	vmul.f32 v54, v34;
	v62 =	vld [tilespmem:s24+$0x30];
	v25 =	vadd.f32 v25, v38  }
0x245: {  	v43 =	vmul.f32 v57, v35;
	v48 =	vld [tilespmem:s9+$0x30];
	v23 =	vmul.f32 v23, v36  }
0x246: {  	v63 =	vadd.s32 v5, v26;
	[tilespmem:v60+s19+$0x0] =	vst.idx.msk $0xffff, v25;
	v25 =	vld [tilespmem:s20+$0x30]  }
0x247: {  	v39 =	vadd.f32 v40, v39;
	v23 =	vadd.f32 v23, v43;
	v50 =	vld [tilespmem:s22+$0xFFFFFF80]  }
0x248: {  	v49 =	vmul.f32 v59, v31;
	v24 =	vmul.f32 v24, v11;
	v51 =	vld [tilespmem:s24+$0xFFFFFF80]  }
0x249: {  	v37 =	vmul.f32 v61, v8;
	v22 =	vmul.f32 v22, v14;
	v44 =	vld [tilespmem:s9+$0xFFFFFF80];
	v23 =	vadd.f32 v23, v39  }
0x24a: {  	v52 =	vadd.s32 v4, v16;
	v57 =	vld [tilespmem:s20+$0xFFFFFF80]  }
0x24b: {  	v22 =	vadd.f32 v22, v37;
	[tilespmem:v63+s19+$0x0] =	vst.idx.msk $0xffff, v23;
	v23 =	vadd.f32 v24, v49  }
0x24c: {  	v38 =	vmul.f32 v62, v12;
	v24 =	vmul.f32 v42, v9;
	v53 =	vld [tilespmem:s22+$0xB0]  }
0x24d: {  	v25 =	vmul.f32 v25, v15;
	v54 =	vld [tilespmem:s24+$0xB0];
	v41 =	vmul.f32 v50, v27;
	v22 =	vadd.f32 v22, v23  }
0x24e: {  	v56 =	vadd.s32 v4, v13;
	v55 =	vld [tilespmem:s9+$0xB0];
	v39 =	vmul.f32 v51, v30;
	v23 =	vmul.f32 v48, v10  }
0x24f: {  	s10 =	simm.s32 $0x4;
	v45 =	vld [tilespmem:s20+$0xB0];
	v44 =	vmul.f32 v44, v29;
	v43 =	vmul.f32 v57, v32;
	[tilespmem:v52+s19+$0x0] =	vst.idx.msk $0xffff, v22  }
0x250: {  	v47 =	vmov s10;
	v24 =	vadd.f32 v38, v24;
	v23 =	vadd.f32 v25, v23;
	v58 =	vld [tilespmem:s22+$0xFFFFFFE0]  }
0x251: {  	v60 =	vadd.s32 v5, v33;
	v39 =	vadd.f32 v39, v41;
	v43 =	vadd.f32 v43, v44;
	v48 =	vld [tilespmem:s24+$0xFFFFFFE0]  }
0x252: {  	v22 =	vperm.xlane v19, v47;
	v50 =	vld [tilespmem:s9+$0xFFFFFFE0];
	v49 =	vadd.f32 v23, v24  }
0x253: {  	s3 =	sadd.s32 $0x180, s20;
	v25 =	vperm.xlane v20, v47;
	v59 =	vld [tilespmem:s20+$0xFFFFFFE0];
	v39 =	vadd.f32 v43, v39;
	v24 =	vperm.xlane v21, v47  }
0x254: {  	v51 =	vld [tilespmem:s3+$0x60];
	v23 =	vperm.xlane v17, v47;
	v28 =	vmul.f32 v53, v28;
	[tilespmem:v56+s19+$0x0] =	vst.idx.msk $0xffff, v49  }
0x255: {  	v34 =	vmul.f32 v54, v34;
	v35 =	vmul.f32 v55, v35;
	v61 =	vld [tilespmem:s22+$0x40]  }
0x256: {  	v36 =	vmul.f32 v45, v36;
	[tilespmem:v60+s19+$0x0] =	vst.idx.msk $0xffff, v39;
	v39 =	vadd.s32 v6, v26;
	v60 =	vand.u32 $0x8, v47;
	v62 =	vld [tilespmem:s24+$0x40]  }
0x257: {  	s14 =	simm.s32 $0x5;
	v28 =	vadd.f32 v34, v28;
	v52 =	vld [tilespmem:s9+$0x40];
	v38 =	vmul.f32 v58, v31;
	v63 =	vmul.f32 v48, v11  }
0x258: {  	v49 =	vmov s14;
	v54 =	vld [tilespmem:s20+$0x40];
	v53 =	vmul.f32 v50, v8;
	v41 =	vmul.f32 v59, v14  }
0x259: {  	v55 =	vadd.f32 v36, v35;
	v56 =	vadd.s32 v5, v16;
	v40 =	vld [tilespmem:s24+$0xFFFFFF90];
	v26 =	vperm.xlane v19, v49  }
0x25a: {  	v37 =	vperm.xlane v20, v49;
	v57 =	vadd.f32 v63, v38;
	v58 =	vadd.f32 v41, v53;
	v41 =	vld [tilespmem:s22+$0xFFFFFF90]  }
0x25b: {  	s14 =	sadd.s32 $0x180, s24;
	v45 =	vand.u32 $0x8, v49;
	v34 =	vadd.f32 v55, v28;
	v63 =	vld [tilespmem:s9+$0xFFFFFF90];
	v53 =	vor.u32 v18, v60  }
0x25c: {  	v60 =	vld [tilespmem:s14+$0x60];
	v28 =	vmul.f32 v61, v9;
	v59 =	vmul.f32 v62, v12;
	v36 =	vadd.f32 v58, v57  }
0x25d: {  	s0 =	sadd.s32 $0x180, s22;
	v45 =	vor.u32 v18, v45;
	v61 =	vmul.f32 v52, v10;
	v62 =	vmul.f32 v54, v15;
	v54 =	vld [tilespmem:s20+$0xFFFFFF90]  }
0x25e: {  	v40 =	vmul.f32 v40, v30;
	v52 =	vand.u32 $0x4, v47;
	[tilespmem:v56+s19+$0x0] =	vst.idx.msk $0xffff, v36;
	v55 =	vadd.f32 v59, v28;
	v59 =	vld [tilespmem:s0+$0x60]  }
0x25f: {  	s2 =	sadd.s32 $0x180, s9;
	s10 =	simm.s32 $0x7;
	v58 =	vadd.s32 v5, v13;
	v56 =	vadd.f32 v62, v61;
	v57 =	vld [tilespmem:s22+$0xFFFFFFF0];
	v41 =	vmul.f32 v41, v27  }
0x260: {  	v61 =	vld [tilespmem:s2+$0x60];
	v27 =	vadd.s32 v52, v53;
	v44 =	vmul.f32 v63, v29;
	v53 =	vmov s10  }
0x261: {  	v52 =	vld [tilespmem:s0+$0xFFFFFF40];
	v35 =	vadd.f32 v56, v55;
	v29 =	vperm.xlane v20, v53;
	v62 =	vand.u32 $0x7, v53  }
0x262: {  	[tilespmem:v39+s19+$0x0] =	vst.idx.msk $0xffff, v34;
	v63 =	vld [tilespmem:s2+$0xFFFFFF40];
	v34 =	vperm.xlane v21, v53;
	v56 =	vand.u32 $0x8, v53;
	v47 =	vmul.f32 v54, v32  }
0x263: {  	v54 =	vadd.s32 v6, v33;
	v32 =	vperm.xlane v19, v53;
	v33 =	vperm.xlane v17, v53;
	v53 =	vld [tilespmem:s0+$0x0]  }
0x264: {  	s15 =	simm.s32 $0x6;
	v38 =	vperm.xlane v21, v49;
	v41 =	vadd.f32 v40, v41;
	v40 =	vmul.f32 v57, v31;
	v31 =	vld [tilespmem:s14+$0xFFFFFF40]  }
0x265: {  	v43 =	vmov s15;
	[tilespmem:v58+s19+$0x0] =	vst.idx.msk $0xffff, v35;
	v58 =	vmul.f32 v60, v29;
	v60 =	vld [tilespmem:s0+$0xFFFFFFA0];
	v50 =	vmul.f32 v59, v32  }
0x266: {  	v59 =	vor.u32 v18, v56;
	v46 =	vmul.f32 v61, v34;
	v51 =	vmul.f32 v51, v33;
	v57 =	vld [tilespmem:s3+$0xFFFFFF40]  }
0x267: {  	v30 =	vperm.xlane v19, v43;
	v44 =	vadd.f32 v47, v44;
	v47 =	vld [tilespmem:s2+$0xFFFFFFA0];
	v36 =	vadd.s32 v62, v59  }
0x268: {  	v28 =	vperm.xlane v17, v49;
	v55 =	vadd.s32 v0, v36;
	v46 =	vadd.f32 v51, v46;
	v51 =	vld [tilespmem:s3+$0xFFFFFFA0]  }
0x269: {  	v61 =	vmul.f32 v52, v22;
	v62 =	vld [tilespmem:s14+$0xFFFFFFA0];
	v50 =	vadd.f32 v58, v50;
	v31 =	vmul.f32 v31, v25  }
0x26a: {  	v56 =	vadd.s32 v0, v27;
	v35 =	vmul.f32 v63, v24;
	v41 =	vadd.f32 v44, v41  }
0x26b: {  	v63 =	vmul.f32 v57, v23;
	v48 =	vadd.f32 v31, v61;
	v31 =	vadd.f32 v46, v50  }
0x26c: {  	v44 =	vmul.f32 v53, v30;
	v60 =	vmul.f32 v60, v26;
	[tilespmem:v54+s19+$0x0] =	vst.idx.msk $0xffff, v41;
	v57 =	vld [tilespmem:s14+$0x0]  }
0x26d: {  	v41 =	vld [tilespmem:s2+$0x0];
	v51 =	vmul.f32 v51, v28;
	v35 =	vadd.f32 v63, v35;
	[tilespmem:v55+s19+$0x0] =	vst.idx.msk $0xffff, v31  }
0x26e: {  	v61 =	vmul.f32 v62, v37;
	v62 =	vand.u32 $0x5, v49;
	v63 =	vmul.f32 v47, v38;
	v42 =	vld [tilespmem:s0+$0x70]  }
0x26f: {  	v39 =	vadd.s32 v62, v45;
	v31 =	vperm.xlane v20, v43;
	v48 =	vadd.f32 v35, v48;
	v45 =	vld [tilespmem:s14+$0x70]  }
0x270: {  	s28 =	smov.u32 s24;
	s30 =	smov.u32 s9;
	v50 =	vadd.f32 v61, v60;
	v47 =	vadd.s32 v0, v39;
	v35 =	vperm.xlane v21, v43;
	v46 =	vld [tilespmem:s2+$0x70]  }
0x271: {  	s31 =	smov.u32 s20;
	s15 =	simm.s32 $0x8;
	s10 =	smov.u32 s22;
	v51 =	vadd.f32 v51, v63;
	v49 =	vld [tilespmem:s3+$0x70];
	[tilespmem:v56+s19+$0x0] =	vst.idx.msk $0xffff, v48;
	v48 =	vmul.f32 v57, v31  }
.LBB2_23:
0x272: {  	p0 =	slt.u32 s15, $0xC;
	v52 =	vmul.f32 v41, v35;
	v53 =	vld [tilespmem:s3+$0x0]  }
0x273: {  	v54 =	vld [tilespmem:s0+$0xFFFFFF50];
	v50 =	vadd.f32 v51, v50;
	v44 =	vadd.f32 v48, v44;
	v48 =	vand.u32 $0x8, v43  }
0x274: {  	v41 =	vperm.xlane v17, v43;
	v51 =	vld [tilespmem:s14+$0xFFFFFF50];
	v48 =	vor.u32 v18, v48  }
0x275: {  	v43 =	vand.u32 $0x6, v43;
	v45 =	vmul.f32 v45, v29;
	v55 =	vld [tilespmem:s2+$0xFFFFFF50];
	[tilespmem:v47+s19+$0x0] =	vst.idx.msk $0xffff, v50;
	v47 =	vmul.f32 v42, v32  }
0x276: {  	v42 =	vadd.s32 v43, v48;
	v43 =	vmul.f32 v46, v34;
	v50 =	vld [tilespmem:s3+$0xFFFFFF50];
	v46 =	vmul.f32 v49, v33  }
0x277: {  	v56 =	vadd.s32 v2, v36;
	v48 =	vld [tilespmem:s0+$0xFFFFFFB0];
	v49 =	vmul.f32 v53, v41;
	v53 =	vadd.s32 v0, v42  }
0x278: {  	v45 =	vadd.f32 v45, v47;
	v54 =	vmul.f32 v54, v22;
	v57 =	vld [tilespmem:s14+$0xFFFFFFB0];
	v43 =	vadd.f32 v46, v43  }
0x279: {  	v46 =	vmul.f32 v51, v25;
	v47 =	vld [tilespmem:s2+$0xFFFFFFB0];
	v49 =	vadd.f32 v49, v52  }
0x27a: {  	v51 =	vmul.f32 v55, v24;
	v52 =	vld [tilespmem:s3+$0xFFFFFFB0];
	v43 =	vadd.f32 v43, v45  }
0x27b: {  	v45 =	vmul.f32 v50, v23;
	v46 =	vadd.f32 v46, v54;
	v44 =	vadd.f32 v49, v44;
	v49 =	vld [tilespmem:s28+$0xFFFFFFF0]  }
0x27c: {  	v50 =	vadd.s32 v2, v27;
	v48 =	vmul.f32 v48, v26;
	[tilespmem:v56+s19+$0x0] =	vst.idx.msk $0xffff, v43;
	v43 =	vld [tilespmem:s30+$0xFFFFFFF0]  }
0x27d: {  	v45 =	vadd.f32 v45, v51;
	v51 =	vmul.f32 v57, v37;
	[tilespmem:v53+s19+$0x0] =	vst.idx.msk $0xffff, v44;
	v44 =	vld [tilespmem:s0+$0x80]  }
0x27e: {  	v47 =	vmul.f32 v47, v38;
	v53 =	vld [tilespmem:s14+$0x80]  }
0x27f: {  	v45 =	vadd.f32 v45, v46;
	v46 =	vmul.f32 v52, v28;
	v48 =	vadd.f32 v51, v48;
	v51 =	vld [tilespmem:s2+$0x80]  }
0x280: {  	v52 =	vadd.s32 v2, v39;
	v54 =	vld [tilespmem:s3+$0x80];
	v49 =	vmul.f32 v49, v11;
	v11 =	vmov v37  }
0x281: {  	[tilespmem:v50+s19+$0x0] =	vst.idx.msk $0xffff, v45;
	v45 =	vadd.f32 v46, v47;
	v46 =	vld [tilespmem:s0+$0x10];
	v43 =	vmul.f32 v43, v8;
	v8 =	vmov v38  }
0x282: {  	v38 =	vld [tilespmem:s14+$0x10];
	v37 =	vadd.f32 v49, v40  }
0x283: {  	v40 =	vadd.f32 v45, v48;
	v45 =	vld [tilespmem:s2+$0x10]  }
0x284: {  	v44 =	vmul.f32 v44, v32;
	v48 =	vmul.f32 v53, v29;
	v47 =	vld [tilespmem:s3+$0x10]  }
0x285: {  	v49 =	vld [tilespmem:s0+$0xFFFFFF60];
	[tilespmem:v52+s19+$0x0] =	vst.idx.msk $0xffff, v40;
	v40 =	vmul.f32 v51, v34;
	v50 =	vmul.f32 v54, v33  }
0x286: {  	v52 =	vadd.s32 v3, v36;
	v51 =	vld [tilespmem:s14+$0xFFFFFF60];
	v46 =	vmul.f32 v46, v30  }
0x287: {  	v44 =	vadd.f32 v48, v44;
	v53 =	vld [tilespmem:s2+$0xFFFFFF60];
	v38 =	vmul.f32 v38, v31;
	v40 =	vadd.f32 v50, v40  }
0x288: {  	v48 =	vld [tilespmem:s3+$0xFFFFFF60];
	v45 =	vmul.f32 v45, v35  }
0x289: {  	v50 =	vld [tilespmem:s0+$0xFFFFFFC0];
	v47 =	vmul.f32 v47, v41;
	v38 =	vadd.f32 v38, v46;
	v40 =	vadd.f32 v40, v44  }
0x28a: {  	v44 =	vmul.f32 v49, v22;
	v46 =	vld [tilespmem:s14+$0xFFFFFFC0];
	v49 =	vadd.s32 v2, v42  }
0x28b: {  	v51 =	vmul.f32 v51, v25;
	v54 =	vld [tilespmem:s2+$0xFFFFFFC0];
	v45 =	vadd.f32 v47, v45;
	[tilespmem:v52+s19+$0x0] =	vst.idx.msk $0xffff, v40  }
0x28c: {  	v40 =	vmul.f32 v53, v24;
	v47 =	vld [tilespmem:s0+$0x90]  }
0x28d: {  	v48 =	vmul.f32 v48, v23;
	v44 =	vadd.f32 v51, v44;
	v38 =	vadd.f32 v45, v38;
	v45 =	vld [tilespmem:s14+$0x90]  }
0x28e: {  	v51 =	vadd.s32 v3, v27;
	v50 =	vmul.f32 v50, v26;
	v52 =	vld [tilespmem:s2+$0x90]  }
0x28f: {  	v40 =	vadd.f32 v48, v40;
	v46 =	vmul.f32 v46, v11;
	[tilespmem:v49+s19+$0x0] =	vst.idx.msk $0xffff, v38;
	v38 =	vld [tilespmem:s3+$0x90]  }
0x290: {  	v48 =	vmul.f32 v54, v8;
	v49 =	vld [tilespmem:s3+$0xFFFFFFC0]  }
0x291: {  	v40 =	vadd.f32 v40, v44;
	v44 =	vadd.f32 v46, v50;
	v46 =	vld [tilespmem:s0+$0x20]  }
0x292: {  	v50 =	vld [tilespmem:s14+$0x20]  }
0x293: {  	v47 =	vmul.f32 v47, v32;
	v45 =	vmul.f32 v45, v29;
	[tilespmem:v51+s19+$0x0] =	vst.idx.msk $0xffff, v40;
	v40 =	vld [tilespmem:s2+$0x20]  }
0x294: {  	v52 =	vmul.f32 v52, v34;
	v51 =	vld [tilespmem:s3+$0x20];
	v38 =	vmul.f32 v38, v33  }
0x295: {  	v55 =	vadd.s32 v4, v36;
	v54 =	vadd.s32 v3, v39;
	v53 =	vld [tilespmem:s0+$0xFFFFFF70];
	v49 =	vmul.f32 v49, v28  }
0x296: {  	v45 =	vadd.f32 v45, v47;
	v56 =	vld [tilespmem:s14+$0xFFFFFF70];
	v46 =	vmul.f32 v46, v30;
	v38 =	vadd.f32 v38, v52  }
0x297: {  	v47 =	vld [tilespmem:s2+$0xFFFFFF70];
	v48 =	vadd.f32 v49, v48;
	v49 =	vmul.f32 v50, v31  }
0x298: {  	v50 =	vld [tilespmem:s3+$0xFFFFFF70];
	v40 =	vmul.f32 v40, v35;
	v38 =	vadd.f32 v38, v45  }
0x299: {  	v44 =	vadd.f32 v48, v44;
	v45 =	vmul.f32 v51, v41;
	v46 =	vadd.f32 v49, v46;
	v48 =	vld [tilespmem:s31+$0xFFFFFFF0]  }
0x29a: {  	v51 =	vadd.s32 v3, v42;
	v49 =	vmul.f32 v53, v22;
	[tilespmem:v55+s19+$0x0] =	vst.idx.msk $0xffff, v38;
	v38 =	vld [tilespmem:s10+$0x50];
	s10 =	smov.u32 s0  }
0x29b: {  	v52 =	vmul.f32 v56, v25;
	[tilespmem:v54+s19+$0x0] =	vst.idx.msk $0xffff, v44;
	v40 =	vadd.f32 v45, v40;
	v44 =	vld [tilespmem:s0+$0xA0]  }
0x29c: {  	v45 =	vmul.f32 v47, v24;
	v47 =	vld [tilespmem:s14+$0xA0]  }
0x29d: {  	v50 =	vmul.f32 v50, v23;
	v49 =	vadd.f32 v52, v49;
	v40 =	vadd.f32 v40, v46;
	v46 =	vld [tilespmem:s2+$0xA0]  }
0x29e: {  	v54 =	vadd.s32 v6, v16;
	v52 =	vadd.s32 v4, v27;
	v53 =	vld [tilespmem:s3+$0xA0];
	v48 =	vmul.f32 v48, v14;
	v14 =	vmovc v28  }
0x29f: {  	v28 =	vadd.f32 v50, v45;
	v45 =	vld [tilespmem:s0+$0xFFFFFFD0];
	[tilespmem:v51+s19+$0x0] =	vst.idx.msk $0xffff, v40;
	v40 =	vmul.f32 v38, v9;
	v9 =	vmov v30  }
0x2a0: {  	v16 =	vmov v39;
	v30 =	vld [tilespmem:s14+$0xFFFFFFD0];
	v38 =	vadd.f32 v48, v43  }
0x2a1: {  	v28 =	vadd.f32 v28, v49;
	v39 =	vld [tilespmem:s2+$0xFFFFFFD0]  }
0x2a2: {  	v44 =	vmul.f32 v44, v32;
	v47 =	vmul.f32 v47, v29;
	v43 =	vld [tilespmem:s3+$0xFFFFFFD0];
	v37 =	vadd.f32 v38, v37  }
0x2a3: {  	v38 =	vmul.f32 v46, v34;
	[tilespmem:v52+s19+$0x0] =	vst.idx.msk $0xffff, v28;
	v28 =	vld [tilespmem:s0+$0x30];
	v46 =	vmul.f32 v53, v33  }
0x2a4: {  	v49 =	vadd.s32 v5, v36;
	v45 =	vmul.f32 v45, v26;
	v48 =	vld [tilespmem:s14+$0x30];
	[tilespmem:v54+s19+$0x0] =	vst.idx.msk $0xffff, v37  }
0x2a5: {  	v44 =	vadd.f32 v47, v44;
	v30 =	vmul.f32 v30, v11;
	v37 =	vld [tilespmem:s2+$0x30];
	v38 =	vadd.f32 v46, v38  }
0x2a6: {  	v39 =	vmul.f32 v39, v8;
	v46 =	vld [tilespmem:s3+$0x30]  }
0x2a7: {  	v47 =	vld [tilespmem:s0+$0xFFFFFF80];
	v43 =	vmul.f32 v43, v14;
	v30 =	vadd.f32 v30, v45;
	v38 =	vadd.f32 v38, v44  }
0x2a8: {  	v45 =	vadd.s32 v4, v16;
	v44 =	vld [tilespmem:s14+$0xFFFFFF80];
	v28 =	vmul.f32 v28, v9  }
0x2a9: {  	v50 =	vld [tilespmem:s2+$0xFFFFFF80];
	v39 =	vadd.f32 v43, v39;
	v43 =	vmul.f32 v48, v31;
	[tilespmem:v49+s19+$0x0] =	vst.idx.msk $0xffff, v38  }
0x2aa: {  	v37 =	vmul.f32 v37, v35;
	v38 =	vld [tilespmem:s0+$0xB0]  }
0x2ab: {  	v30 =	vadd.f32 v39, v30;
	v39 =	vmul.f32 v46, v41;
	v28 =	vadd.f32 v43, v28;
	v43 =	vld [tilespmem:s14+$0xB0]  }
0x2ac: {  	v46 =	vmul.f32 v47, v22;
	v47 =	vadd.s32 v4, v42;
	v48 =	vld [tilespmem:s2+$0xB0]  }
0x2ad: {  	v49 =	vmov s15;
	v44 =	vmul.f32 v44, v25;
	[tilespmem:v45+s19+$0x0] =	vst.idx.msk $0xffff, v30;
	v30 =	vadd.f32 v39, v37;
	v37 =	vld [tilespmem:s3+$0xB0]  }
0x2ae: {  	v45 =	vperm.xlane v19, v49;
	v50 =	vmul.f32 v50, v24;
	v39 =	vld [tilespmem:s3+$0xFFFFFF80]  }
0x2af: {  	v51 =	vperm.xlane v20, v49;
	v44 =	vadd.f32 v44, v46;
	v46 =	vld [tilespmem:s0+$0xFFFFFFE0];
	v28 =	vadd.f32 v30, v28  }
0x2b0: {  	v52 =	vperm.xlane v21, v49;
	v53 =	vperm.xlane v17, v49;
	v30 =	vld [tilespmem:s14+$0xFFFFFFE0]  }
0x2b1: {  	v29 =	vmul.f32 v43, v29;
	v54 =	vld [tilespmem:s2+$0xFFFFFFE0];
	[tilespmem:v47+s19+$0x0] =	vst.idx.msk $0xffff, v28;
	v28 =	vmul.f32 v38, v32  }
0x2b2: {  	v34 =	vmul.f32 v48, v34;
	v32 =	vld [tilespmem:s3+$0xFFFFFFE0];
	v33 =	vmul.f32 v37, v33  }
0x2b3: {  	v36 =	vadd.s32 v6, v36;
	v38 =	vadd.s32 v5, v27;
	v37 =	vmul.f32 v39, v23;
	v43 =	vld [tilespmem:s0+$0x40]  }
0x2b4: {  	s6 =	sadd.s32 $0x1, s15;
	v28 =	vadd.f32 v29, v28;
	v46 =	vmul.f32 v46, v26;
	v47 =	vld [tilespmem:s14+$0x40];
	v29 =	vadd.f32 v33, v34  }
0x2b5: {  	v39 =	vmov s6;
	v33 =	vadd.f32 v37, v50;
	v30 =	vmul.f32 v30, v11;
	v34 =	vld [tilespmem:s2+$0x40]  }
0x2b6: {  	v48 =	vperm.xlane v19, v39;
	v37 =	vmul.f32 v54, v8;
	v50 =	vld [tilespmem:s3+$0x40];
	v28 =	vadd.f32 v29, v28  }
0x2b7: {  	v29 =	vadd.f32 v33, v44;
	v32 =	vmul.f32 v32, v14;
	v30 =	vadd.f32 v30, v46;
	v33 =	vld [tilespmem:s28+$0x50];
	s28 =	smov.u32 s14  }
0x2b8: {  	v44 =	vand.u32 $0x4, v49;
	v46 =	vadd.s32 v5, v16;
	v43 =	vmul.f32 v43, v9;
	[tilespmem:v36+s19+$0x0] =	vst.idx.msk $0xffff, v28;
	v28 =	vld [tilespmem:s30+$0x50];
	s30 =	smov.u32 s2  }
0x2b9: {  	v36 =	vand.u32 $0x8, v49;
	[tilespmem:v38+s19+$0x0] =	vst.idx.msk $0xffff, v29;
	v29 =	vadd.f32 v32, v37;
	v32 =	vmul.f32 v47, v31;
	v47 =	vld [tilespmem:s31+$0x50];
	s31 =	smov.u32 s3  }
0x2ba: {  	v36 =	vor.u32 v18, v36;
	v37 =	vperm.xlane v20, v39;
	v49 =	vld [tilespmem:s0+$0xFFFFFF90];
	v34 =	vmul.f32 v34, v35  }
0x2bb: {  	v54 =	vld [tilespmem:s14+$0xFFFFFF90];
	v29 =	vadd.f32 v29, v30;
	v30 =	vmul.f32 v50, v41;
	v32 =	vadd.f32 v32, v43  }
0x2bc: {  	v55 =	vadd.s32 v5, v42;
	s6 =	sadd.s32 $0x2, s15;
	v38 =	vperm.xlane v21, v39;
	v50 =	vld [tilespmem:s2+$0xFFFFFF90];
	v33 =	vmul.f32 v33, v12;
	v12 =	vmovc v31  }
0x2bd: {  	v43 =	vmov s6;
	v31 =	vld [tilespmem:s3+$0xFFFFFF90];
	[tilespmem:v46+s19+$0x0] =	vst.idx.msk $0xffff, v29;
	v29 =	vadd.f32 v30, v34;
	v34 =	vmul.f32 v28, v10;
	v10 =	vmovc v35  }
0x2be: {  	s0 =	sadd.s32 $0x180, s0;
	v28 =	vperm.xlane v17, v39;
	v35 =	vld [tilespmem:s10+$0xFFFFFFF0];
	v46 =	vmul.f32 v47, v15;
	v33 =	vadd.f32 v33, v40;
	v15 =	vmovc v41  }
0x2bf: {  	s14 =	sadd.s32 $0x180, s14;
	v47 =	vadd.s32 v6, v13;
	v13 =	vmovc v42;
	v41 =	vld [tilespmem:s0+$0x60];
	v40 =	vmul.f32 v49, v22;
	v29 =	vadd.f32 v29, v32  }
0x2c0: {  	s2 =	sadd.s32 $0x180, s2;
	v30 =	vperm.xlane v19, v43;
	v22 =	vmovc v45;
	v42 =	vld [tilespmem:s14+$0x60];
	v54 =	vmul.f32 v54, v25;
	v32 =	vadd.f32 v46, v34  }
0x2c1: {  	v36 =	vadd.s32 v44, v36;
	v44 =	vand.u32 $0x8, v39;
	s3 =	sadd.s32 $0x180, s3;
	v45 =	vld [tilespmem:s2+$0x60];
	v46 =	vmul.f32 v50, v24;
	[tilespmem:v55+s19+$0x0] =	vst.idx.msk $0xffff, v29  }
0x2c2: {  	s6 =	sadd.s32 $0x3, s15;
	v25 =	vmovc v51;
	v49 =	vld [tilespmem:s3+$0x60];
	v31 =	vmul.f32 v31, v23;
	v50 =	vadd.f32 v54, v40;
	v33 =	vadd.f32 v32, v33  }
0x2c3: {  	v55 =	vadd.s32 v6, v27;
	v24 =	vmovc v52;
	v54 =	vmov s6;
	v23 =	vmovc v53;
	v51 =	vld [tilespmem:s0+$0xFFFFFF40];
	v40 =	vmul.f32 v35, v26  }
0x2c4: {  	v32 =	vperm.xlane v19, v54;
	v29 =	vperm.xlane v20, v54;
	v52 =	vand.u32 $0x7, v54;
	v35 =	vld [tilespmem:s14+$0xFFFFFF40];
	[tilespmem:v47+s19+$0x0] =	vst.idx.msk $0xffff, v33  }
0x2c5: {  	v27 =	vmovc v36;
	v34 =	vperm.xlane v21, v54;
	v53 =	vand.u32 $0x8, v54;
	v26 =	vmovc v48;
	v33 =	vperm.xlane v17, v54;
	v47 =	vld [tilespmem:s2+$0xFFFFFF40]  }
0x2c6: {  	v36 =	vor.u32 v18, v53;
	v41 =	vmul.f32 v41, v32;
	v42 =	vmul.f32 v42, v29;
	v48 =	vld [tilespmem:s3+$0xFFFFFF40]  }
0x2c7: {  	v36 =	vadd.s32 v52, v36;
	v45 =	vmul.f32 v45, v34;
	v53 =	vld [tilespmem:s0+$0xFFFFFFA0];
	v49 =	vmul.f32 v49, v33  }
0x2c8: {  	v31 =	vadd.f32 v31, v46;
	v54 =	vadd.s32 v0, v36;
	v51 =	vmul.f32 v51, v22;
	v52 =	vld [tilespmem:s14+$0xFFFFFFA0]  }
0x2c9: {  	v41 =	vadd.f32 v42, v41;
	v35 =	vmul.f32 v35, v25;
	v46 =	vld [tilespmem:s2+$0xFFFFFFA0];
	v42 =	vadd.f32 v49, v45  }
0x2ca: {  	v44 =	vor.u32 v18, v44;
	v31 =	vadd.f32 v31, v50;
	v45 =	vmul.f32 v47, v24;
	v47 =	vld [tilespmem:s3+$0xFFFFFFA0]  }
0x2cb: {  	v48 =	vmul.f32 v48, v23;
	v35 =	vadd.f32 v35, v51;
	v49 =	vld [tilespmem:s0+$0x0];
	v42 =	vadd.f32 v42, v41  }
0x2cc: {  	v51 =	vadd.s32 v0, v27;
	v50 =	vmul.f32 v53, v26;
	v53 =	vld [tilespmem:s14+$0x0];
	[tilespmem:v55+s19+$0x0] =	vst.idx.msk $0xffff, v31  }
.Ltmp11:
0x2cd: {  	v31 =	vand.u32 $0x5, v39;
	v45 =	vadd.f32 v48, v45;
	v48 =	vmul.f32 v52, v37;
	v41 =	vld [tilespmem:s2+$0x0];
	[tilespmem:v54+s19+$0x0] =	vst.idx.msk $0xffff, v42;
	(pc) =	sbr.rel @p0 .LBB2_23-.Ltmp11, $4  }
0x2ce: {  	v39 =	vadd.s32 v31, v44;
	v31 =	vperm.xlane v20, v43;
	v52 =	vmul.f32 v46, v38;
	v42 =	vld [tilespmem:s0+$0x70]  }
0x2cf: {  	v54 =	vadd.f32 v45, v35;
	v55 =	vmul.f32 v47, v28;
	v50 =	vadd.f32 v48, v50;
	v45 =	vld [tilespmem:s14+$0x70]  }
0x2d0: {  	v47 =	vadd.s32 v0, v39;
	v35 =	vperm.xlane v21, v43;
	v44 =	vmul.f32 v49, v30;
	v46 =	vld [tilespmem:s2+$0x70]  }
0x2d1: {  	s15 =	sadd.s32 $0x4, s15;
	[tilespmem:v51+s19+$0x0] =	vst.idx.msk $0xffff, v54;
	v51 =	vadd.f32 v55, v52;
	v48 =	vmul.f32 v53, v31;
	v49 =	vld [tilespmem:s3+$0x70]  }
0x2d2: {  	_ =	sdelay $0x1  }
0x2d3: {  	v19 =	vld [tilespmem:s3+$0x0]  }
0x2d4: {  	v20 =	vld [tilespmem:s0+$0xFFFFFF50];
	v42 =	vmul.f32 v42, v32;
	v45 =	vmul.f32 v45, v29  }
0x2d5: {  	v58 =	vld [tilespmem:s14+$0xFFFFFF50];
	v21 =	vadd.f32 v51, v50;
	v46 =	vmul.f32 v46, v34;
	v61 =	vmul.f32 v49, v33  }
0x2d6: {  	v59 =	vld [tilespmem:s2+$0xFFFFFF50];
	v53 =	vadd.s32 v2, v36;
	v17 =	vperm.xlane v17, v43  }
0x2d7: {  	v60 =	vld [tilespmem:s3+$0xFFFFFF50];
	v62 =	vand.u32 $0x8, v43;
	[tilespmem:v47+s19+$0x0] =	vst.idx.msk $0xffff, v21;
	v42 =	vadd.f32 v45, v42;
	v63 =	vadd.f32 v61, v46  }
0x2d8: {  	v41 =	vmul.f32 v41, v35;
	v18 =	vor.u32 v18, v62;
	v52 =	vld [tilespmem:s0+$0xFFFFFFB0];
	v49 =	vand.u32 $0x6, v43  }
0x2d9: {  	v54 =	vld [tilespmem:s14+$0xFFFFFFB0];
	v18 =	vadd.s32 v49, v18;
	v19 =	vmul.f32 v19, v17;
	v42 =	vadd.f32 v63, v42  }
0x2da: {  	v44 =	vadd.f32 v48, v44;
	v43 =	vld [tilespmem:s3+$0xFFFFFFB0];
	v56 =	vmul.f32 v20, v22;
	v55 =	vadd.s32 v0, v18  }
0x2db: {  	v57 =	vmul.f32 v58, v25;
	v46 =	vld [tilespmem:s2+$0xFFFFFFB0];
	v41 =	vadd.f32 v19, v41;
	[tilespmem:v53+s19+$0x0] =	vst.idx.msk $0xffff, v42  }
0x2dc: {  	v58 =	vmul.f32 v59, v24;
	v21 =	vmul.f32 v60, v23;
	v59 =	vld [tilespmem:s0+$0x80]  }
0x2dd: {  	v60 =	vadd.s32 v2, v27;
	v41 =	vadd.f32 v41, v44;
	v61 =	vld [tilespmem:s14+$0x80]  }
0x2de: {  	v47 =	vadd.f32 v57, v56;
	v21 =	vadd.f32 v21, v58;
	v62 =	vld [tilespmem:s2+$0x80]  }
0x2df: {  	[tilespmem:v55+s19+$0x0] =	vst.idx.msk $0xffff, v41;
	v63 =	vld [tilespmem:s3+$0x80]  }
0x2e0: {  	v56 =	vmul.f32 v54, v37;
	v21 =	vadd.f32 v21, v47;
	v43 =	vmul.f32 v43, v28;
	v57 =	vld [tilespmem:s0+$0x10]  }
0x2e1: {  	v55 =	vmul.f32 v52, v26;
	v46 =	vmul.f32 v46, v38;
	v51 =	vld [tilespmem:s14+$0x10]  }
0x2e2: {  	v58 =	vadd.s32 v2, v39;
	[tilespmem:v60+s19+$0x0] =	vst.idx.msk $0xffff, v21;
	v21 =	vld [tilespmem:s2+$0x10]  }
0x2e3: {  	v44 =	vld [tilespmem:s3+$0x10];
	v45 =	vadd.f32 v56, v55;
	v43 =	vadd.f32 v43, v46  }
0x2e4: {  	v20 =	vld [tilespmem:s28+$0xFFFFFFF0];
	v59 =	vmul.f32 v59, v32  }
0x2e5: {  	v56 =	vld [tilespmem:s3+$0xFFFFFF60];
	v43 =	vadd.f32 v43, v45;
	v60 =	vmul.f32 v61, v29;
	v42 =	vmul.f32 v62, v34  }
0x2e6: {  	v45 =	vld [tilespmem:s14+$0xFFFFFF60];
	v41 =	vmul.f32 v63, v33;
	v62 =	vadd.s32 v3, v36;
	v57 =	vmul.f32 v57, v30  }
0x2e7: {  	v61 =	vld [tilespmem:s0+$0xFFFFFF60];
	[tilespmem:v58+s19+$0x0] =	vst.idx.msk $0xffff, v43;
	v58 =	vmul.f32 v51, v31;
	v21 =	vmul.f32 v21, v35  }
0x2e8: {  	v63 =	vld [tilespmem:s2+$0xFFFFFF60];
	v44 =	vmul.f32 v44, v17;
	v46 =	vadd.f32 v60, v59;
	v41 =	vadd.f32 v41, v42  }
0x2e9: {  	v48 =	vld [tilespmem:s0+$0xFFFFFFC0];
	v59 =	vadd.f32 v58, v57  }
0x2ea: {  	v51 =	vld [tilespmem:s2+$0xFFFFFFC0];
	v21 =	vadd.f32 v44, v21;
	v41 =	vadd.f32 v41, v46  }
0x2eb: {  	v42 =	vmul.f32 v56, v23;
	v46 =	vld [tilespmem:s14+$0xFFFFFFC0]  }
0x2ec: {  	v45 =	vmul.f32 v45, v25;
	v21 =	vadd.f32 v21, v59;
	v59 =	vld [tilespmem:s3+$0xFFFFFFC0];
	[tilespmem:v62+s19+$0x0] =	vst.idx.msk $0xffff, v41  }
0x2ed: {  	v49 =	vadd.s32 v2, v18;
	v61 =	vmul.f32 v61, v22;
	v63 =	vmul.f32 v63, v24;
	v60 =	vld [tilespmem:s0+$0x90]  }
0x2ee: {  	v57 =	vadd.s32 v3, v27;
	v62 =	vld [tilespmem:s14+$0x90]  }
0x2ef: {  	v56 =	vld [tilespmem:s2+$0x90];
	v44 =	vadd.f32 v45, v61;
	v42 =	vadd.f32 v42, v63  }
0x2f0: {  	v58 =	vld [tilespmem:s3+$0x90]  }
0x2f1: {  	v19 =	vld [tilespmem:s30+$0xFFFFFFF0];
	v42 =	vadd.f32 v42, v44  }
0x2f2: {  	v55 =	vld [tilespmem:s31+$0xFFFFFFF0];
	[tilespmem:v49+s19+$0x0] =	vst.idx.msk $0xffff, v21;
	v63 =	vmul.f32 v48, v26;
	v46 =	vmul.f32 v46, v37  }
0x2f3: {  	v45 =	vld [tilespmem:s0+$0x20];
	v21 =	vmul.f32 v59, v28;
	[tilespmem:v57+s19+$0x0] =	vst.idx.msk $0xffff, v42;
	v57 =	vmul.f32 v51, v38  }
0x2f4: {  	v49 =	vld [tilespmem:s2+$0x20];
	v43 =	vmul.f32 v60, v32;
	v47 =	vmul.f32 v62, v29  }
0x2f5: {  	v44 =	vld [tilespmem:s14+$0x20];
	v59 =	vadd.s32 v3, v39;
	v41 =	vmul.f32 v56, v34;
	v60 =	vmul.f32 v58, v33  }
0x2f6: {  	v61 =	vadd.s32 v4, v36;
	v42 =	vld [tilespmem:s3+$0x20];
	v46 =	vadd.f32 v46, v63;
	v21 =	vadd.f32 v21, v57  }
0x2f7: {  	v58 =	vld [tilespmem:s3+$0xFFFFFF70];
	v43 =	vadd.f32 v47, v43;
	v41 =	vadd.f32 v60, v41  }
0x2f8: {  	v52 =	vld [tilespmem:s0+$0xFFFFFF70];
	v21 =	vadd.f32 v21, v46  }
0x2f9: {  	v62 =	vld [tilespmem:s14+$0xFFFFFF70];
	v41 =	vadd.f32 v41, v43  }
0x2fa: {  	v48 =	vld [tilespmem:s2+$0xFFFFFF70];
	[tilespmem:v59+s19+$0x0] =	vst.idx.msk $0xffff, v21  }
0x2fb: {  	v45 =	vmul.f32 v45, v30;
	[tilespmem:v61+s19+$0x0] =	vst.idx.msk $0xffff, v41;
	v41 =	vld [tilespmem:s10+$0x50]  }
0x2fc: {  	v44 =	vmul.f32 v44, v31;
	v57 =	vmul.f32 v58, v23;
	v58 =	vld [tilespmem:s0+$0xFFFFFFD0]  }
0x2fd: {  	v49 =	vmul.f32 v49, v35;
	v42 =	vmul.f32 v42, v17;
	v47 =	vld [tilespmem:s0+$0xA0]  }
0x2fe: {  	v50 =	vadd.s32 v3, v18;
	v44 =	vadd.f32 v44, v45;
	v46 =	vld [tilespmem:s14+$0xA0]  }
0x2ff: {  	v60 =	vmul.f32 v52, v22;
	v61 =	vmul.f32 v62, v25;
	v62 =	vadd.f32 v42, v49;
	v52 =	vld [tilespmem:s2+$0xA0]  }
0x300: {  	v63 =	vld [tilespmem:s3+$0xA0]  }
0x301: {  	v56 =	vmul.f32 v48, v24;
	v21 =	vadd.f32 v62, v44;
	v44 =	vld [tilespmem:s14+$0xFFFFFFD0]  }
0x302: {  	v59 =	vadd.s32 v4, v27;
	v45 =	vadd.f32 v61, v60;
	v60 =	vld [tilespmem:s2+$0xFFFFFFD0]  }
0x303: {  	v43 =	vadd.f32 v57, v56;
	v61 =	vld [tilespmem:s3+$0xFFFFFFD0];
	[tilespmem:v50+s19+$0x0] =	vst.idx.msk $0xffff, v21  }
0x304: {  	v50 =	vld [tilespmem:s0+$0x30];
	v47 =	vmul.f32 v47, v32;
	v46 =	vmul.f32 v46, v29  }
0x305: {  	v43 =	vadd.f32 v43, v45;
	v45 =	vld [tilespmem:s14+$0x30];
	v52 =	vmul.f32 v52, v34;
	v42 =	vmul.f32 v63, v33  }
0x306: {  	v62 =	vadd.s32 v5, v36;
	v57 =	vld [tilespmem:s3+$0x30]  }
0x307: {  	v63 =	vld [tilespmem:s2+$0x30];
	[tilespmem:v59+s19+$0x0] =	vst.idx.msk $0xffff, v43;
	v46 =	vadd.f32 v46, v47;
	v42 =	vadd.f32 v42, v52  }
0x308: {  	v58 =	vmul.f32 v58, v26;
	v44 =	vmul.f32 v44, v37;
	v49 =	vld [tilespmem:s0+$0xFFFFFF80]  }
0x309: {  	v59 =	vmul.f32 v60, v38;
	v21 =	vmul.f32 v61, v28;
	v48 =	vld [tilespmem:s14+$0xFFFFFF80];
	v42 =	vadd.f32 v42, v46  }
0x30a: {  	v60 =	vadd.s32 v4, v39;
	v52 =	vld [tilespmem:s2+$0xFFFFFF80]  }
0x30b: {  	v61 =	vadd.f32 v44, v58;
	v21 =	vadd.f32 v21, v59;
	v59 =	vld [tilespmem:s3+$0xFFFFFF80];
	[tilespmem:v62+s19+$0x0] =	vst.idx.msk $0xffff, v42  }
0x30c: {  	v45 =	vmul.f32 v45, v31;
	v57 =	vmul.f32 v57, v17;
	v44 =	vld [tilespmem:s0+$0xB0]  }
0x30d: {  	v63 =	vmul.f32 v63, v35;
	v21 =	vadd.f32 v21, v61;
	v62 =	vmul.f32 v50, v30;
	v47 =	vld [tilespmem:s14+$0xB0]  }
0x30e: {  	v58 =	vadd.s32 v4, v18;
	v43 =	vld [tilespmem:s2+$0xB0]  }
0x30f: {  	[tilespmem:v60+s19+$0x0] =	vst.idx.msk $0xffff, v21;
	v60 =	vadd.f32 v57, v63;
	v42 =	vld [tilespmem:s3+$0xB0];
	v45 =	vadd.f32 v45, v62  }
0x310: {  	v46 =	vld [tilespmem:s0+$0xFFFFFFE0]  }
0x311: {  	v50 =	vld [tilespmem:s2+$0xFFFFFFE0];
	v21 =	vadd.f32 v60, v45  }
0x312: {  	v49 =	vmul.f32 v49, v22;
	v48 =	vmul.f32 v48, v25;
	v62 =	vld [tilespmem:s3+$0xFFFFFFE0]  }
0x313: {  	v61 =	vmul.f32 v52, v24;
	v63 =	vmul.f32 v59, v23;
	v45 =	vld [tilespmem:s14+$0xFFFFFFE0];
	[tilespmem:v58+s19+$0x0] =	vst.idx.msk $0xffff, v21  }
0x314: {  	v57 =	vadd.s32 v5, v27;
	v58 =	vld [tilespmem:s0+$0x40]  }
0x315: {  	v48 =	vadd.f32 v48, v49;
	v51 =	vadd.f32 v63, v61;
	v59 =	vld [tilespmem:s14+$0x40]  }
0x316: {  	v11 =	vmul.f32 v20, v11;
	v60 =	vld [tilespmem:s2+$0x40]  }
0x317: {  	v48 =	vadd.f32 v51, v48;
	v46 =	vmul.f32 v46, v26;
	v61 =	vld [tilespmem:s3+$0x40];
	v50 =	vmul.f32 v50, v38  }
0x318: {  	v51 =	vld [tilespmem:s28+$0x50];
	v21 =	vmul.f32 v62, v28;
	v45 =	vmul.f32 v45, v37  }
0x319: {  	v8 =	vmul.f32 v19, v8;
	v62 =	vadd.s32 v5, v39;
	[tilespmem:v57+s19+$0x0] =	vst.idx.msk $0xffff, v48;
	v48 =	vld [tilespmem:s30+$0x50]  }
0x31a: {  	v14 =	vmul.f32 v55, v14;
	v21 =	vadd.f32 v21, v50;
	v53 =	vld [tilespmem:s0+$0xFFFFFF90];
	v45 =	vadd.f32 v45, v46  }
0x31b: {  	v16 =	vadd.s32 v6, v16;
	v56 =	vld [tilespmem:s14+$0xFFFFFF90];
	v63 =	vmul.f32 v58, v30;
	v49 =	vmul.f32 v59, v31  }
0x31c: {  	v57 =	vld [tilespmem:s2+$0xFFFFFF90];
	v20 =	vmul.f32 v60, v35;
	v52 =	vmul.f32 v61, v17;
	v21 =	vadd.f32 v21, v45  }
0x31d: {  	v11 =	vadd.f32 v11, v40;
	v8 =	vadd.f32 v14, v8;
	v46 =	vld [tilespmem:s31+$0x50];
	v58 =	vadd.s32 v5, v18  }
0x31e: {  	v59 =	vld [tilespmem:s3+$0xFFFFFF90];
	v49 =	vadd.f32 v49, v63;
	v20 =	vadd.f32 v52, v20;
	[tilespmem:v62+s19+$0x0] =	vst.idx.msk $0xffff, v21  }
0x31f: {  	v8 =	vadd.f32 v8, v11;
	v60 =	vld [tilespmem:s0+$0xFFFFFFF0]  }
0x320: {  	v13 =	vadd.s32 v6, v13;
	v9 =	vmul.f32 v41, v9;
	v20 =	vadd.f32 v20, v49;
	v62 =	vld [tilespmem:s14+$0xFFFFFFF0]  }
0x321: {  	[tilespmem:v16+s19+$0x0] =	vst.idx.msk $0xffff, v8;
	v8 =	vmul.f32 v47, v29;
	v12 =	vmul.f32 v51, v12;
	v41 =	vld [tilespmem:s2+$0xFFFFFFF0]  }
0x322: {  	v61 =	vmul.f32 v44, v32;
	v10 =	vmul.f32 v48, v10;
	v44 =	vld [tilespmem:s3+$0xFFFFFFF0];
	[tilespmem:v58+s19+$0x0] =	vst.idx.msk $0xffff, v20  }
0x323: {  	v48 =	vadd.s32 v6, v36;
	v63 =	vmul.f32 v43, v34;
	v43 =	vmul.f32 v42, v33;
	v47 =	vld [tilespmem:s0+$0x50]  }
0x324: {  	v9 =	vadd.f32 v12, v9;
	v50 =	vmul.f32 v53, v22;
	v51 =	vmul.f32 v56, v25;
	v49 =	vld [tilespmem:s14+$0x50]  }
0x325: {  	v8 =	vadd.f32 v8, v61;
	v15 =	vmul.f32 v46, v15;
	v16 =	vadd.f32 v43, v63;
	v52 =	vld [tilespmem:s2+$0x50]  }
0x326: {  	v14 =	vmul.f32 v57, v24;
	v22 =	vadd.f32 v51, v50;
	v53 =	vmul.f32 v59, v23;
	v54 =	vld [tilespmem:s3+$0x50]  }
0x327: {  	v10 =	vadd.f32 v15, v10;
	v8 =	vadd.f32 v16, v8;
	v58 =	vadd.s32 v6, v27  }
0x328: {  	v56 =	vadd.f32 v53, v14;
	v55 =	vmul.f32 v60, v26;
	v57 =	vmul.f32 v62, v37  }
0x329: {  	v9 =	vadd.f32 v10, v9;
	v59 =	vmul.f32 v41, v38;
	v20 =	vmul.f32 v44, v28  }
0x32a: {  	v11 =	vadd.f32 v56, v22;
	v21 =	vmul.f32 v47, v30;
	v12 =	vmul.f32 v49, v31  }
0x32b: {  	s1 =	sadd.s32 $0x1, s1;
	v60 =	vadd.s32 v6, v39;
	v15 =	vmul.f32 v52, v35;
	v17 =	vmul.f32 v54, v17  }
0x32c: {  	p0 =	sne.s32 s1, $0x7;
	v18 =	vadd.s32 v6, v18;
	v10 =	vadd.f32 v57, v55;
	v61 =	vadd.f32 v20, v59  }
.Ltmp12:
0x32d: {  	[tilespmem:v48+s19+$0x0] =	vst.idx.msk $0xffff, v8;
	v8 =	vadd.f32 v12, v21;
	v62 =	vadd.f32 v17, v15;
	(pc) =	sbr.rel @p0 .LBB2_22-.Ltmp12, $4  }
0x32e: {  	[tilespmem:v13+s19+$0x0] =	vst.idx.msk $0xffff, v9;
	v63 =	vadd.f32 v61, v10  }
0x32f: {  	[tilespmem:v58+s19+$0x0] =	vst.idx.msk $0xffff, v11;
	v8 =	vadd.f32 v62, v8  }
0x330: {  	s22 =	sadd.s32 $0x600, s22;
	[tilespmem:v60+s19+$0x0] =	vst.idx.msk $0xffff, v63  }
0x331: {  	s24 =	sadd.s32 $0x600, s24;
	s9 =	sadd.s32 $0x600, s9;
	s20 =	sadd.s32 $0x600, s20;
	[tilespmem:v18+s19+$0x0] =	vst.idx.msk $0xffff, v8  }
0x332: {  	s0 =	sadd.s32 s13, s17  }
0x333: {  	s0 =	sadd.s32 s16, s0  }
0x334: {  	s0 =	sshrl.u32 s0, $0x3  }
0x335: {  	s1 =	simm.s32 $0x158C0;
	s0 =	sadd.s32 s7, s0  }
0x336: {  	[hbm4b:s0+s5] =	stream.linear.scatter [tilespmem:s1], [sflag:$0x5], $0x70, $0x38;
	[tilespmem:$0x1B2C0] =	vst v63  }
0x337: {  	s1 =	simm.s32 $0x1E0  }
.LBB2_26:
0x338: {  	p0 =	sne.s32 s1, $0xB220  }
.Ltmp13:
0x339: {  	_ = 	snop;
	(pc) =	sbr.rel @p0 .LBB2_26-.Ltmp13, $4  }
0x33a: {  	_ = 	snop  }
0x33b: {  	s2 =	sshra.s32 s1, $0x2;
	s1 =	sadd.s32 $0x1E0, s1  }
0x33c: {  	s0 =	sadd.s32 $0x1880, s0;
	s2 =	sadd.s32 $0x158C0, s2  }
0x33d: {  	[hbm4b:s0+s5] =	stream.linear.scatter [tilespmem:s2], [sflag:$0x5], $0x70, $0x38;
	[tilespmem:$0x1B2C0] =	vst v63  }
0x33e: {  	p0 =	seq.s32 s18, $0x1B  }
.Ltmp14:
0x33f: {  	_ = 	snop;
	(pc) =	sbr.rel @p0 .LBB2_31-.Ltmp14, $4  }
0x340: {  	_ = 	snop  }
0x341: {  	_ =	swait.ge [sflag:s26], $0x2A00  }
0x342: {  	[sflag:s26] =	ssyncset.done $0x0  }
0x343: {  	[sflag:s26] =	ssyncadd.s32 $0xFFFFD600  }
0x344: {  	s0 =	rddreg [dreg:$0x9]  }
0x345: {  	s0 =	sadd.s32 s17, s0  }
0x346: {  	s1 =	rddreg [dreg:$0x3];
	s0 =	sshrl.u32 s0, $0x3  }
0x347: {  	s2 =	simm.s32 $0x0;
	s1 =	sadd.s32 s1, s0  }
0x348: {  	[tilespmem:s2], [sflag:$0x5] =	stream.linear.gather [hbm4b:s1+s2], $0x70, $0x38;
	[tilespmem:$0x1B2C0] =	vst v63  }
0x349: {  	_ =	swait.ge [sflag:s26], $0x70  }
0x34a: {  	[sflag:s26] =	ssyncset.done $0x0  }
0x34b: {  	[sflag:s26] =	ssyncadd.s32 $0xFFFFFF90  }
0x34c: {  	s30 =	rddreg [dreg:$0x1]  }
0x34d: {  	s31 =	simm.s32 $0xE0;
	s0 =	sadd.s32 s30, s0  }
0x34e: {  	[tilespmem:s31], [sflag:$0x5] =	stream.linear.gather [hbm4b:s0+s2], $0x70, $0x38;
	[tilespmem:$0x1B2C0] =	vst v63  }
0x34f: {  	_ =	swait.ge [sflag:s26], $0x70  }
0x350: {  	[sflag:s26] =	ssyncset.done $0x0  }
0x351: {  	s0 =	simm.s32 $0x0;
	[sflag:s26] =	ssyncadd.s32 $0xFFFFFF90  }
0x352: {  	v8 =	vld [tilespmem:s0+$0x0];
	_ =	sdelay $0x1  }
0x353: {  	v9 =	vld [tilespmem:s0+$0xE0];
	_ =	sdelay $0x2  }
0x354: {  	v8 =	vadd.f32 $1.000000000e+00, v8;
	_ =	sdelay $0x1  }
0x355: {  	v9 =	vadd.f32 $1.000000000e+00, v9;
	v8 =	vmul.f32 $1.120000000e+02, v8;
	_ =	sdelay $0x1  }
0x356: {  	v11 =	vadd.f32 $-5.000000000e-01, v8;
	v8 =	vmul.f32 $1.120000000e+02, v9;
	_ =	sdelay $0x1  }
0x357: {  	v10 =	vadd.f32 $-5.000000000e-01, v8;
	v8 =	vtrunc.f32 v11  }
0x358: {  	v9 =	vcvt.f32.s32 v8;
	vm0 =	vlt.f32 v11, v8  }
0x359: {  	v8 =	vsel vm0, $0xFFFFFFFF, v7;
	v12 =	vtrunc.f32 v10  }
0x35a: {  	v8 =	vadd.s32 v9, v8;
	v13 =	vcvt.f32.s32 v12;
	vm0 =	vlt.f32 v10, v12  }
0x35b: {  	v12 =	vsel vm0, $0xFFFFFFFF, v7;
	v14 =	vcvt.s32.f32 v8;
	v9 =	vadd.s32 $0x1, v8  }
0x35c: {  	vm2 =	vgt.s32 v8, $0x0;
	v13 =	vadd.s32 v13, v12;
	vm1 =	vlt.u32 v9, $0xE0  }
0x35d: {  	v11 =	vsub.f32 v11, v14;
	v14 =	vcvt.s32.f32 v13;
	vm4 =	vgt.s32 v13, $0x0  }
0x35e: {  	s1 =	simm.s32 $0x10;
	s2 =	simm.s32 $0x80;
	vm0 =	vgt.s32 v9, $0x0;
	vm3 =	vlt.u32 v13, $0xE0;
	v12 =	vnsel vm4, $0x0, v13  }
.LBB2_29:
0x35f: {  	p0 =	sne.s32 s2, $0x180;
	v15 =	vld [tilespmem:s1+$0x0];
	v10 =	vsub.f32 v10, v14;
	v13 =	vadd.s32 $0x1, v13;
	v14 =	vsub.f32 $1.000000000e+00, v11  }
0x360: {  	vm4 =	vlt.u32 v8, $0xE0;
	vm5 =	vlt.u32 v13, $0xE0;
	vm6 =	vgt.s32 v13, $0x0  }
0x361: {  	v16 =	vld [tilespmem:s1+$0xE0];
	v14 =	vnsel vm4, $0x0, v14;
	v17 =	vnsel vm5, $0x0, v10;
	v13 =	vnsel vm6, $0x0, v13  }
0x362: {  	v10 =	vsub.f32 $1.000000000e+00, v10;
	v13 =	vmin.u32 v13, $0xDF;
	v18 =	vmul.f32 v14, v17  }
0x363: {  	v11 =	vnsel vm1, $0x0, v11;
	v12 =	vmin.u32 v12, $0xDF;
	v13 =	vmul.u32 $0xE0, v13  }
0x364: {  	v12 =	vmul.u32 $0xE0, v12;
	v10 =	vnsel vm3, $0x0, v10;
	v15 =	vadd.f32 $1.000000000e+00, v15;
	[tilespmem:s0+$0x700] =	vst v18  }
0x365: {  	v8 =	vnsel vm2, $0x0, v8;
	v9 =	vnsel vm0, $0x0, v9;
	v14 =	vmul.f32 v10, v14  }
0x366: {  	v10 =	vmul.f32 v10, v11;
	v15 =	vmul.f32 $1.120000000e+02, v15;
	v16 =	vadd.f32 $1.000000000e+00, v16  }
0x367: {  	v12 =	vadd.s32 v1, v12;
	v11 =	vmul.f32 v17, v11;
	v13 =	vadd.s32 v1, v13;
	[tilespmem:s0+$0x540] =	vst v14  }
0x368: {  	v9 =	vmin.u32 v9, $0xDF;
	v14 =	vadd.f32 $-5.000000000e-01, v15;
	v15 =	vmul.f32 $1.120000000e+02, v16;
	[tilespmem:s0+$0x620] =	vst v10  }
0x369: {  	v8 =	vmin.u32 v8, $0xDF;
	v16 =	vadd.s32 v9, v12;
	v9 =	vadd.s32 v9, v13;
	[tilespmem:s0+$0x7E0] =	vst v11  }
0x36a: {  	v13 =	vadd.s32 v8, v13;
	v10 =	vadd.f32 $-5.000000000e-01, v15;
	v11 =	vtrunc.f32 v14;
	[tilespmem:s0+$0x460] =	vst v9  }
0x36b: {  	v8 =	vadd.s32 v8, v12;
	v9 =	vcvt.f32.s32 v11;
	vm0 =	vlt.f32 v14, v11;
	[tilespmem:s0+$0x380] =	vst v13  }
0x36c: {  	v11 =	vsel vm0, $0xFFFFFFFF, v7;
	v12 =	vtrunc.f32 v10;
	[tilespmem:s0+$0x1C0] =	vst v8  }
.Ltmp15:
0x36d: {  	v8 =	vadd.s32 v9, v11;
	v11 =	vcvt.f32.s32 v12;
	vm0 =	vlt.f32 v10, v12;
	[tilespmem:s0+$0x2A0] =	vst v16;
	s0 =	smov.u32 s1;
	(pc) =	sbr.rel @p0 .LBB2_29-.Ltmp15, $4  }
0x36e: {  	v12 =	vsel vm0, $0xFFFFFFFF, v7;
	v15 =	vcvt.s32.f32 v8;
	v9 =	vadd.s32 $0x1, v8  }
0x36f: {  	v13 =	vadd.s32 v11, v12;
	vm1 =	vlt.u32 v9, $0xE0;
	vm0 =	vgt.s32 v9, $0x0  }
0x370: {  	v11 =	vsub.f32 v14, v15;
	v14 =	vcvt.s32.f32 v13;
	vm4 =	vgt.s32 v13, $0x0  }
0x371: {  	s1 =	sshra.s32 s2, $0x2;
	s2 =	sadd.s32 $0x40, s2;
	vm2 =	vgt.s32 v8, $0x0;
	vm3 =	vlt.u32 v13, $0xE0;
	v12 =	vnsel vm4, $0x0, v13  }
0x372: {  	v15 =	vld [tilespmem:s1+$0x0];
	v13 =	vadd.s32 $0x1, v13;
	v16 =	vsub.f32 $1.000000000e+00, v11  }
0x373: {  	v10 =	vsub.f32 v10, v14;
	vm4 =	vlt.u32 v8, $0xE0;
	v45 =	vld [tilespmem:s1+$0xE0];
	v46 =	vnsel vm1, $0x0, v11  }
0x374: {  	v12 =	vmin.u32 v12, $0xDF;
	v8 =	vnsel vm2, $0x0, v8;
	v9 =	vnsel vm0, $0x0, v9  }
0x375: {  	vm5 =	vgt.s32 v13, $0x0;
	vm6 =	vlt.u32 v13, $0xE0;
	v12 =	vmul.u32 $0xE0, v12  }
0x376: {  	v9 =	vmin.u32 v9, $0xDF;
	v8 =	vmin.u32 v8, $0xDF;
	v16 =	vnsel vm4, $0x0, v16  }
0x377: {  	v13 =	vnsel vm5, $0x0, v13;
	v17 =	vnsel vm6, $0x0, v10;
	v15 =	vadd.f32 $1.000000000e+00, v15  }
0x378: {  	v10 =	vsub.f32 $1.000000000e+00, v10;
	v13 =	vmin.u32 v13, $0xDF;
	v14 =	vadd.f32 $1.000000000e+00, v45  }
0x379: {  	v18 =	vmul.f32 v16, v17;
	v12 =	vadd.s32 v1, v12;
	v15 =	vmul.f32 $1.120000000e+02, v15  }
0x37a: {  	v11 =	vmul.f32 v17, v46;
	v13 =	vmul.u32 $0xE0, v13;
	v14 =	vmul.f32 $1.120000000e+02, v14  }
0x37b: {  	v10 =	vnsel vm3, $0x0, v10;
	v48 =	vadd.s32 v9, v12;
	v15 =	vadd.f32 $-5.000000000e-01, v15  }
0x37c: {  	v16 =	vmul.f32 v10, v16;
	v13 =	vadd.s32 v1, v13;
	v14 =	vadd.f32 $-5.000000000e-01, v14  }
0x37d: {  	v10 =	vmul.f32 v10, v46;
	v9 =	vadd.s32 v9, v13;
	v47 =	vtrunc.f32 v15  }
0x37e: {  	v21 =	vtrunc.f32 v14;
	v19 =	vcvt.f32.s32 v47;
	vm6 =	vlt.f32 v15, v47  }
0x37f: {  	v49 =	vcvt.f32.s32 v21;
	vm7 =	vlt.f32 v14, v21;
	v20 =	vsel vm6, $0xFFFFFFFF, v7  }
0x380: {  	v13 =	vadd.s32 v8, v13;
	v21 =	vsel vm7, $0xFFFFFFFF, v7;
	v19 =	vadd.s32 v19, v20  }
0x381: {  	v8 =	vadd.s32 v8, v12;
	v50 =	vadd.s32 v49, v21;
	v22 =	vcvt.s32.f32 v19  }
0x382: {  	v51 =	vadd.s32 $0x1, v19;
	v20 =	vcvt.s32.f32 v50;
	vm10 =	vgt.s32 v50, $0x0  }
0x383: {  	[tilespmem:s0+$0x700] =	vst v18;
	vm11 =	vlt.u32 v50, $0xE0;
	vm12 =	vgt.s32 v19, $0x0;
	v12 =	vadd.s32 $0x1, v50  }
0x384: {  	[tilespmem:s0+$0x7E0] =	vst v11;
	vm13 =	vlt.u32 v19, $0xE0;
	vm8 =	vlt.u32 v51, $0xE0;
	vm15 =	vgt.s32 v12, $0x0  }
0x385: {  	[tilespmem:s0+$0x1C0] =	vst v8;
	vm9 =	vgt.s32 v51, $0x0;
	v53 =	vnsel vm10, $0x0, v50;
	v8 =	vnsel vm15, $0x0, v12  }
0x386: {  	[tilespmem:s0+$0x2A0] =	vst v48;
	vm14 =	vlt.u32 v12, $0xE0;
	v15 =	vsub.f32 v15, v22;
	v8 =	vmin.u32 v8, $0xDF  }
0x387: {  	[tilespmem:s0+$0x540] =	vst v16;
	v60 =	vnsel vm12, $0x0, v19;
	v52 =	vsub.f32 v14, v20;
	v8 =	vmul.u32 $0xE0, v8  }
0x388: {  	[tilespmem:s0+$0x620] =	vst v10;
	v59 =	vnsel vm9, $0x0, v51;
	v61 =	vmin.u32 v60, $0xDF;
	v54 =	vsub.f32 $1.000000000e+00, v15  }
0x389: {  	[tilespmem:s0+$0x460] =	vst v9;
	v12 =	vmin.u32 v59, $0xDF;
	v55 =	vsub.f32 $1.000000000e+00, v52;
	v8 =	vadd.s32 v1, v8  }
0x38a: {  	[tilespmem:s0+$0x380] =	vst v13;
	v10 =	vnsel vm14, $0x0, v52;
	v56 =	vnsel vm13, $0x0, v54;
	v62 =	vadd.s32 v12, v8  }
0x38b: {  	v9 =	vnsel vm11, $0x0, v55;
	v57 =	vmul.f32 v56, v10;
	v8 =	vadd.s32 v61, v8;
	[tilespmem:s1+$0x460] =	vst v62  }
0x38c: {  	v11 =	vmin.u32 v53, $0xDF;
	v58 =	vnsel vm8, $0x0, v15;
	v13 =	vmul.f32 v9, v56;
	[tilespmem:s1+$0x380] =	vst v8  }
0x38d: {  	v11 =	vmul.u32 $0xE0, v11;
	v9 =	vmul.f32 v9, v58;
	[tilespmem:s1+$0x700] =	vst v57  }
0x38e: {  	v10 =	vmul.f32 v10, v58;
	[tilespmem:s1+$0x540] =	vst v13  }
0x38f: {  	v63 =	vadd.s32 v1, v11;
	[tilespmem:s1+$0x620] =	vst v9  }
0x390: {  	v8 =	vadd.s32 v12, v63;
	[tilespmem:s1+$0x7E0] =	vst v10  }
0x391: {  	v9 =	vadd.s32 v61, v63;
	[tilespmem:s1+$0x2A0] =	vst v8  }
0x392: {  	s17 =	simm.s32 $0x8C0;
	s20 =	simm.s32 $0x1C0;
	[tilespmem:s1+$0x1C0] =	vst v9  }
0x393: {  	[tilespmem:s17], [sflag:$0x1] =	stream.indirect.gather [hbm4b:s8+s29], $0x60, s20, s29, $0xb8;
	[tilespmem:$0x1B2C0] =	vst v63  }
0x394: {  	s22 =	simm.s32 $0x2A0;
	s24 =	simm.s32 $0x5CC0  }
0x395: {  	[tilespmem:s24], [sflag:$0x1] =	stream.indirect.gather [hbm4b:s8+s29], $0x60, s22, s29, $0xb8;
	[tilespmem:$0x1B2C0] =	vst v63  }
0x396: {  	s25 =	simm.s32 $0x380;
	s28 =	simm.s32 $0xB0C0  }
0x397: {  	[tilespmem:s28], [sflag:$0x1] =	stream.indirect.gather [hbm4b:s8+s29], $0x60, s25, s29, $0xb8;
	[tilespmem:$0x1B2C0] =	vst v63  }
0x398: {  	s30 =	simm.s32 $0x460;
	s31 =	simm.s32 $0x104C0  }
0x399: {  	[tilespmem:s31], [sflag:$0x1] =	stream.indirect.gather [hbm4b:s8+s29], $0x60, s30, s29, $0xb8;
	[tilespmem:$0x1B2C0] =	vst v63  }
.LBB2_31:
0x39a: {  	_ =	swait.ge [sflag:s21], $0x2A00  }
0x39b: {  	[sflag:s21] =	ssyncset.done $0x0  }
0x39c: {  	[sflag:s21] =	ssyncadd.s32 $0xFFFFD600  }
0x39d: {  	_ =	swait.ge [sflag:s21], $0x2A00  }
0x39e: {  	[sflag:s21] =	ssyncset.done $0x0  }
0x39f: {  	[sflag:s21] =	ssyncadd.s32 $0xFFFFD600  }
0x3a0: {  	_ =	swait.ge [sflag:s21], $0x2A00  }
0x3a1: {  	[sflag:s21] =	ssyncset.done $0x0  }
0x3a2: {  	[sflag:s21] =	ssyncadd.s32 $0xFFFFD600  }
0x3a3: {  	s17 =	simm.s32 $0x0;
	s10 =	simm.s32 $0x3380;
	_ =	swait.ge [sflag:s21], $0x2A00  }
0x3a4: {  	s25 =	simm.s32 $0x8780;
	s28 =	simm.s32 $0xDB80;
	[sflag:s21] =	ssyncset.done $0x0  }
0x3a5: {  	s30 =	simm.s32 $0x12F80;
	s1 =	simm.s32 $0x0;
	[sflag:s21] =	ssyncadd.s32 $0xFFFFD600  }
.LBB2_32:
0x3a6: {  	v8 =	vld [tilespmem:s10+$0x60]  }
0x3a7: {  	s0 =	sshll.u32 s1, $0x4;
	v9 =	vld [tilespmem:s25+$0x60]  }
0x3a8: {  	v19 =	vld [tilespmem:s0+$0x5B0]  }
0x3a9: {  	v20 =	vld [tilespmem:s0+$0x690]  }
0x3aa: {  	v21 =	vld [tilespmem:s0+$0x770]  }
0x3ab: {  	v17 =	vld [tilespmem:s0+$0x850]  }
0x3ac: {  	v10 =	vld [tilespmem:s28+$0x60]  }
0x3ad: {  	v11 =	vmov s17;
	s2 =	simm.s32 $0x3;
	v12 =	vld [tilespmem:s30+$0x60];
	s15 =	simm.s32 $0x1  }
0x3ae: {  	v18 =	vmov s0;
	v13 =	vmov s2;
	v23 =	vmov s15  }
0x3af: {  	v14 =	vand.u32 $0x7, v13;
	v28 =	vperm.xlane v19, v13;
	v34 =	vperm.xlane v20, v13  }
0x3b0: {  	v15 =	vld [tilespmem:s10+$0xFFFFFF40];
	v35 =	vperm.xlane v21, v13;
	v36 =	vperm.xlane v17, v13;
	v13 =	vand.u32 $0x8, v13  }
0x3b1: {  	v16 =	vld [tilespmem:s25+$0xFFFFFF40];
	v13 =	vor.u32 v18, v13;
	v8 =	vmul.f32 v8, v28;
	v9 =	vmul.f32 v9, v34  }
0x3b2: {  	v22 =	vld [tilespmem:s28+$0xFFFFFF40];
	v10 =	vmul.f32 v10, v35;
	v12 =	vmul.f32 v12, v36;
	v26 =	vadd.s32 v14, v13  }
0x3b3: {  	v24 =	vld [tilespmem:s10+$0xFFFFFFA0];
	v27 =	vperm.xlane v19, v11;
	v30 =	vperm.xlane v20, v11;
	v14 =	vadd.s32 v0, v26  }
0x3b4: {  	v29 =	vperm.xlane v21, v11;
	v13 =	vld [tilespmem:s30+$0xFFFFFF40];
	v8 =	vadd.f32 v9, v8;
	v9 =	vadd.f32 v12, v10  }
0x3b5: {  	v37 =	vld [tilespmem:s28+$0xFFFFFFA0];
	v25 =	vand.u32 $0x4, v11;
	v32 =	vperm.xlane v17, v11;
	v31 =	vperm.xlane v19, v23  }
0x3b6: {  	v38 =	vld [tilespmem:s10+$0x0];
	v15 =	vmul.f32 v15, v27;
	v10 =	vand.u32 $0x8, v11;
	v9 =	vadd.f32 v9, v8  }
0x3b7: {  	v16 =	vmul.f32 v16, v30;
	v22 =	vmul.f32 v22, v29;
	v12 =	vld [tilespmem:s25+$0xFFFFFFA0];
	v10 =	vor.u32 v18, v10  }
0x3b8: {  	v24 =	vmul.f32 v24, v31;
	v33 =	vadd.s32 v25, v10;
	v10 =	vld [tilespmem:s30+$0xFFFFFFA0];
	[tilespmem:v14+s23+$0x0] =	vst.idx.msk $0xffff, v9  }
0x3b9: {  	v11 =	vperm.xlane v20, v23;
	v15 =	vadd.f32 v16, v15;
	v13 =	vmul.f32 v13, v32;
	v39 =	vld [tilespmem:s10+$0x70]  }
0x3ba: {  	v16 =	vand.u32 $0x5, v23;
	v8 =	vperm.xlane v21, v23;
	v40 =	vadd.s32 v0, v33;
	v41 =	vld [tilespmem:s25+$0x70]  }
0x3bb: {  	v9 =	vand.u32 $0x8, v23;
	v14 =	vperm.xlane v17, v23;
	v13 =	vadd.f32 v13, v22;
	v22 =	vld [tilespmem:s28+$0x70]  }
0x3bc: {  	v23 =	vmul.f32 v37, v8;
	v9 =	vor.u32 v18, v9;
	v12 =	vmul.f32 v12, v11;
	v62 =	vld [tilespmem:s30+$0x70]  }
0x3bd: {  	v42 =	vld [tilespmem:s25+$0x0];
	v16 =	vadd.s32 v16, v9;
	v13 =	vadd.f32 v13, v15;
	v10 =	vmul.f32 v10, v14  }
0x3be: {  	v43 =	vld [tilespmem:s28+$0x0];
	v15 =	vadd.s32 v0, v16  }
0x3bf: {  	s20 =	simm.s32 $0x2;
	v12 =	vadd.f32 v12, v24;
	[tilespmem:v40+s23+$0x0] =	vst.idx.msk $0xffff, v13;
	v10 =	vadd.f32 v10, v23;
	v23 =	vld [tilespmem:s30+$0x0]  }
0x3c0: {  	v25 =	vmov s20;
	v24 =	vld [tilespmem:s10+$0xFFFFFF50];
	v13 =	vmul.f32 v39, v28;
	v63 =	vmul.f32 v41, v34  }
0x3c1: {  	v49 =	vld [tilespmem:s25+$0xFFFFFF50];
	v22 =	vmul.f32 v22, v35;
	v37 =	vmul.f32 v62, v36;
	v48 =	vadd.f32 v10, v12  }
0x3c2: {  	v45 =	vadd.s32 v2, v26;
	v9 =	vperm.xlane v19, v25;
	v44 =	vld [tilespmem:s28+$0xFFFFFF50];
	v12 =	vperm.xlane v20, v25  }
0x3c3: {  	v50 =	vld [tilespmem:s30+$0xFFFFFF50];
	v13 =	vadd.f32 v63, v13;
	v22 =	vadd.f32 v37, v22;
	[tilespmem:v15+s23+$0x0] =	vst.idx.msk $0xffff, v48  }
0x3c4: {  	v54 =	vand.u32 $0x8, v25;
	v51 =	vmul.f32 v38, v9;
	v10 =	vperm.xlane v21, v25;
	v53 =	vld [tilespmem:s10+$0xFFFFFFB0]  }
0x3c5: {  	v52 =	vmul.f32 v42, v12;
	v15 =	vperm.xlane v17, v25;
	v46 =	vld [tilespmem:s25+$0xFFFFFFB0];
	v22 =	vadd.f32 v22, v13  }
0x3c6: {  	v43 =	vmul.f32 v43, v10;
	v25 =	vand.u32 $0x6, v25;
	v13 =	vor.u32 v18, v54;
	v55 =	vld [tilespmem:s28+$0xFFFFFFB0]  }
0x3c7: {  	v13 =	vadd.s32 v25, v13;
	v23 =	vmul.f32 v23, v15;
	v25 =	vld [tilespmem:s30+$0xFFFFFFB0];
	[tilespmem:v45+s23+$0x0] =	vst.idx.msk $0xffff, v22  }
0x3c8: {  	v24 =	vmul.f32 v24, v27;
	v56 =	vadd.s32 v0, v13;
	v57 =	vld [tilespmem:s10+$0x80]  }
0x3c9: {  	v41 =	vmul.f32 v49, v30;
	v22 =	vadd.f32 v52, v51;
	v23 =	vadd.f32 v23, v43;
	v58 =	vld [tilespmem:s25+$0x80]  }
0x3ca: {  	v44 =	vmul.f32 v44, v29;
	v40 =	vmul.f32 v50, v32;
	v45 =	vld [tilespmem:s28+$0x80]  }
0x3cb: {  	v22 =	vadd.f32 v23, v22;
	v23 =	vld [tilespmem:s30+$0x80]  }
0x3cc: {  	v59 =	vadd.s32 v2, v33;
	v24 =	vadd.f32 v41, v24;
	v40 =	vadd.f32 v40, v44  }
0x3cd: {  	v39 =	vmul.f32 v53, v31;
	v60 =	vmul.f32 v46, v11;
	[tilespmem:v56+s23+$0x0] =	vst.idx.msk $0xffff, v22  }
0x3ce: {  	v63 =	vadd.s32 v2, v16;
	v25 =	vmul.f32 v25, v14;
	v22 =	vmul.f32 v55, v8;
	v37 =	vld [tilespmem:s10+$0x10]  }
0x3cf: {  	v24 =	vadd.f32 v40, v24;
	v61 =	vld [tilespmem:s25+$0x10];
	v38 =	vmul.f32 v57, v28;
	v62 =	vmul.f32 v58, v34  }
0x3d0: {  	v39 =	vadd.f32 v60, v39;
	v48 =	vld [tilespmem:s28+$0x10];
	v45 =	vmul.f32 v45, v35;
	v23 =	vmul.f32 v23, v36  }
0x3d1: {  	[tilespmem:v59+s23+$0x0] =	vst.idx.msk $0xffff, v24;
	v24 =	vld [tilespmem:s30+$0x10];
	v22 =	vadd.f32 v25, v22;
	v25 =	vadd.s32 v3, v26  }
0x3d2: {  	v41 =	vld [tilespmem:s10+$0xFFFFFF60];
	v38 =	vadd.f32 v62, v38;
	v23 =	vadd.f32 v23, v45  }
0x3d3: {  	v49 =	vld [tilespmem:s25+$0xFFFFFF60];
	v22 =	vadd.f32 v22, v39  }
0x3d4: {  	v50 =	vld [tilespmem:s28+$0xFFFFFF60];
	v23 =	vadd.f32 v23, v38  }
0x3d5: {  	[tilespmem:v63+s23+$0x0] =	vst.idx.msk $0xffff, v22;
	v22 =	vld [tilespmem:s30+$0xFFFFFF60]  }
0x3d6: {  	v37 =	vmul.f32 v37, v9;
	v51 =	vmul.f32 v61, v12;
	v52 =	vld [tilespmem:s10+$0xFFFFFFC0];
	[tilespmem:v25+s23+$0x0] =	vst.idx.msk $0xffff, v23  }
0x3d7: {  	v24 =	vmul.f32 v24, v15;
	v23 =	vmul.f32 v48, v10;
	v25 =	vld [tilespmem:s10+$0x90]  }
0x3d8: {  	v53 =	vadd.s32 v2, v13;
	v54 =	vld [tilespmem:s25+$0x90]  }
0x3d9: {  	v37 =	vadd.f32 v51, v37;
	v56 =	vld [tilespmem:s30+$0x90];
	v23 =	vadd.f32 v24, v23  }
0x3da: {  	v55 =	vmul.f32 v41, v27;
	v39 =	vmul.f32 v49, v30;
	v24 =	vld [tilespmem:s28+$0x90]  }
0x3db: {  	v42 =	vmul.f32 v50, v29;
	v57 =	vld [tilespmem:s25+$0xFFFFFFC0];
	v22 =	vmul.f32 v22, v32;
	v23 =	vadd.f32 v23, v37  }
0x3dc: {  	v59 =	vadd.s32 v3, v33;
	v58 =	vld [tilespmem:s28+$0xFFFFFFC0]  }
0x3dd: {  	v38 =	vadd.f32 v39, v55;
	v22 =	vadd.f32 v22, v42;
	[tilespmem:v53+s23+$0x0] =	vst.idx.msk $0xffff, v23;
	v23 =	vld [tilespmem:s30+$0xFFFFFFC0]  }
0x3de: {  	v25 =	vmul.f32 v25, v28;
	v61 =	vmul.f32 v54, v34;
	v60 =	vld [tilespmem:s10+$0x20]  }
0x3df: {  	v22 =	vadd.f32 v22, v38;
	v41 =	vmul.f32 v56, v36;
	v62 =	vld [tilespmem:s25+$0x20];
	v24 =	vmul.f32 v24, v35  }
0x3e0: {  	v63 =	vadd.s32 v4, v26;
	v43 =	vld [tilespmem:s28+$0x20]  }
0x3e1: {  	[tilespmem:v59+s23+$0x0] =	vst.idx.msk $0xffff, v22;
	v22 =	vld [tilespmem:s30+$0x20];
	v25 =	vadd.f32 v61, v25;
	v24 =	vadd.f32 v41, v24  }
0x3e2: {  	v40 =	vmul.f32 v52, v31;
	v48 =	vmul.f32 v57, v11;
	v49 =	vld [tilespmem:s10+$0xFFFFFF70]  }
0x3e3: {  	v37 =	vmul.f32 v58, v8;
	v50 =	vld [tilespmem:s25+$0xFFFFFF70];
	v23 =	vmul.f32 v23, v14;
	v24 =	vadd.f32 v24, v25  }
0x3e4: {  	v46 =	vld [tilespmem:s28+$0xFFFFFF70];
	v25 =	vadd.s32 v3, v16  }
0x3e5: {  	v40 =	vadd.f32 v48, v40;
	v51 =	vld [tilespmem:s30+$0xFFFFFF70];
	v23 =	vadd.f32 v23, v37;
	[tilespmem:v63+s23+$0x0] =	vst.idx.msk $0xffff, v24  }
0x3e6: {  	v38 =	vmul.f32 v62, v12;
	v53 =	vmul.f32 v43, v10;
	v52 =	vld [tilespmem:s10+$0xA0]  }
0x3e7: {  	v24 =	vmul.f32 v60, v9;
	v22 =	vmul.f32 v22, v15;
	v54 =	vld [tilespmem:s25+$0xA0];
	v23 =	vadd.f32 v23, v40  }
0x3e8: {  	v56 =	vadd.s32 v3, v13;
	v57 =	vld [tilespmem:s28+$0xA0]  }
0x3e9: {  	v24 =	vadd.f32 v38, v24;
	v22 =	vadd.f32 v22, v53;
	[tilespmem:v25+s23+$0x0] =	vst.idx.msk $0xffff, v23;
	v23 =	vld [tilespmem:s30+$0xA0]  }
0x3ea: {  	v55 =	vmul.f32 v49, v27;
	v58 =	vmul.f32 v50, v30;
	v59 =	vld [tilespmem:s10+$0xFFFFFFD0]  }
0x3eb: {  	v37 =	vmul.f32 v51, v32;
	v25 =	vmul.f32 v46, v29;
	v22 =	vadd.f32 v22, v24;
	v24 =	vld [tilespmem:s25+$0xFFFFFFD0]  }
0x3ec: {  	v60 =	vadd.s32 v4, v33;
	v61 =	vld [tilespmem:s28+$0xFFFFFFD0]  }
0x3ed: {  	v38 =	vadd.f32 v58, v55;
	v25 =	vadd.f32 v37, v25;
	[tilespmem:v56+s23+$0x0] =	vst.idx.msk $0xffff, v22;
	v22 =	vld [tilespmem:s30+$0xFFFFFFD0]  }
0x3ee: {  	v42 =	vld [tilespmem:s10+$0x30]  }
0x3ef: {  	v39 =	vmul.f32 v52, v28;
	v40 =	vmul.f32 v54, v34;
	v62 =	vld [tilespmem:s25+$0x30];
	v25 =	vadd.f32 v25, v38  }
0x3f0: {  	v43 =	vmul.f32 v57, v35;
	v48 =	vld [tilespmem:s28+$0x30];
	v23 =	vmul.f32 v23, v36  }
0x3f1: {  	v63 =	vadd.s32 v5, v26;
	[tilespmem:v60+s23+$0x0] =	vst.idx.msk $0xffff, v25;
	v25 =	vld [tilespmem:s30+$0x30]  }
0x3f2: {  	v39 =	vadd.f32 v40, v39;
	v23 =	vadd.f32 v23, v43;
	v50 =	vld [tilespmem:s10+$0xFFFFFF80]  }
0x3f3: {  	v49 =	vmul.f32 v59, v31;
	v24 =	vmul.f32 v24, v11;
	v51 =	vld [tilespmem:s25+$0xFFFFFF80]  }
0x3f4: {  	v37 =	vmul.f32 v61, v8;
	v22 =	vmul.f32 v22, v14;
	v44 =	vld [tilespmem:s28+$0xFFFFFF80];
	v23 =	vadd.f32 v23, v39  }
0x3f5: {  	v52 =	vadd.s32 v4, v16;
	v57 =	vld [tilespmem:s30+$0xFFFFFF80]  }
0x3f6: {  	v22 =	vadd.f32 v22, v37;
	[tilespmem:v63+s23+$0x0] =	vst.idx.msk $0xffff, v23;
	v23 =	vadd.f32 v24, v49  }
0x3f7: {  	v38 =	vmul.f32 v62, v12;
	v24 =	vmul.f32 v42, v9;
	v53 =	vld [tilespmem:s10+$0xB0]  }
0x3f8: {  	v25 =	vmul.f32 v25, v15;
	v54 =	vld [tilespmem:s25+$0xB0];
	v41 =	vmul.f32 v50, v27;
	v22 =	vadd.f32 v22, v23  }
0x3f9: {  	v56 =	vadd.s32 v4, v13;
	v55 =	vld [tilespmem:s28+$0xB0];
	v39 =	vmul.f32 v51, v30;
	v23 =	vmul.f32 v48, v10  }
0x3fa: {  	s22 =	simm.s32 $0x4;
	v45 =	vld [tilespmem:s30+$0xB0];
	v44 =	vmul.f32 v44, v29;
	v43 =	vmul.f32 v57, v32;
	[tilespmem:v52+s23+$0x0] =	vst.idx.msk $0xffff, v22  }
0x3fb: {  	v47 =	vmov s22;
	v24 =	vadd.f32 v38, v24;
	v23 =	vadd.f32 v25, v23;
	v58 =	vld [tilespmem:s10+$0xFFFFFFE0]  }
0x3fc: {  	v60 =	vadd.s32 v5, v33;
	v39 =	vadd.f32 v39, v41;
	v43 =	vadd.f32 v43, v44;
	v48 =	vld [tilespmem:s25+$0xFFFFFFE0]  }
0x3fd: {  	v22 =	vperm.xlane v19, v47;
	v50 =	vld [tilespmem:s28+$0xFFFFFFE0];
	v49 =	vadd.f32 v23, v24  }
0x3fe: {  	s3 =	sadd.s32 $0x180, s30;
	v25 =	vperm.xlane v20, v47;
	v59 =	vld [tilespmem:s30+$0xFFFFFFE0];
	v39 =	vadd.f32 v43, v39;
	v24 =	vperm.xlane v21, v47  }
0x3ff: {  	v51 =	vld [tilespmem:s3+$0x60];
	v23 =	vperm.xlane v17, v47;
	v28 =	vmul.f32 v53, v28;
	[tilespmem:v56+s23+$0x0] =	vst.idx.msk $0xffff, v49  }
0x400: {  	v34 =	vmul.f32 v54, v34;
	v35 =	vmul.f32 v55, v35;
	v61 =	vld [tilespmem:s10+$0x40]  }
0x401: {  	v36 =	vmul.f32 v45, v36;
	[tilespmem:v60+s23+$0x0] =	vst.idx.msk $0xffff, v39;
	v39 =	vadd.s32 v6, v26;
	v60 =	vand.u32 $0x8, v47;
	v62 =	vld [tilespmem:s25+$0x40]  }
0x402: {  	s24 =	simm.s32 $0x5;
	v28 =	vadd.f32 v34, v28;
	v52 =	vld [tilespmem:s28+$0x40];
	v38 =	vmul.f32 v58, v31;
	v63 =	vmul.f32 v48, v11  }
0x403: {  	v49 =	vmov s24;
	v54 =	vld [tilespmem:s30+$0x40];
	v53 =	vmul.f32 v50, v8;
	v41 =	vmul.f32 v59, v14  }
0x404: {  	v55 =	vadd.f32 v36, v35;
	v56 =	vadd.s32 v5, v16;
	v40 =	vld [tilespmem:s25+$0xFFFFFF90];
	v26 =	vperm.xlane v19, v49  }
0x405: {  	v37 =	vperm.xlane v20, v49;
	v57 =	vadd.f32 v63, v38;
	v58 =	vadd.f32 v41, v53;
	v41 =	vld [tilespmem:s10+$0xFFFFFF90]  }
0x406: {  	s14 =	sadd.s32 $0x180, s25;
	v45 =	vand.u32 $0x8, v49;
	v34 =	vadd.f32 v55, v28;
	v63 =	vld [tilespmem:s28+$0xFFFFFF90];
	v53 =	vor.u32 v18, v60  }
0x407: {  	v60 =	vld [tilespmem:s14+$0x60];
	v28 =	vmul.f32 v61, v9;
	v59 =	vmul.f32 v62, v12;
	v36 =	vadd.f32 v58, v57  }
0x408: {  	s0 =	sadd.s32 $0x180, s10;
	v45 =	vor.u32 v18, v45;
	v61 =	vmul.f32 v52, v10;
	v62 =	vmul.f32 v54, v15;
	v54 =	vld [tilespmem:s30+$0xFFFFFF90]  }
0x409: {  	v40 =	vmul.f32 v40, v30;
	v52 =	vand.u32 $0x4, v47;
	[tilespmem:v56+s23+$0x0] =	vst.idx.msk $0xffff, v36;
	v55 =	vadd.f32 v59, v28;
	v59 =	vld [tilespmem:s0+$0x60]  }
0x40a: {  	s6 =	simm.s32 $0x7;
	s2 =	sadd.s32 $0x180, s28;
	v58 =	vadd.s32 v5, v13;
	v56 =	vadd.f32 v62, v61;
	v57 =	vld [tilespmem:s10+$0xFFFFFFF0];
	v41 =	vmul.f32 v41, v27  }
0x40b: {  	v61 =	vld [tilespmem:s2+$0x60];
	v27 =	vadd.s32 v52, v53;
	v44 =	vmul.f32 v63, v29;
	v53 =	vmov s6  }
0x40c: {  	v52 =	vld [tilespmem:s0+$0xFFFFFF40];
	v35 =	vadd.f32 v56, v55;
	v29 =	vperm.xlane v20, v53;
	v62 =	vand.u32 $0x7, v53  }
0x40d: {  	[tilespmem:v39+s23+$0x0] =	vst.idx.msk $0xffff, v34;
	v63 =	vld [tilespmem:s2+$0xFFFFFF40];
	v34 =	vperm.xlane v21, v53;
	v56 =	vand.u32 $0x8, v53;
	v47 =	vmul.f32 v54, v32  }
0x40e: {  	v54 =	vadd.s32 v6, v33;
	v32 =	vperm.xlane v19, v53;
	v33 =	vperm.xlane v17, v53;
	v53 =	vld [tilespmem:s0+$0x0]  }
0x40f: {  	s31 =	simm.s32 $0x6;
	v38 =	vperm.xlane v21, v49;
	v41 =	vadd.f32 v40, v41;
	v40 =	vmul.f32 v57, v31;
	v31 =	vld [tilespmem:s14+$0xFFFFFF40]  }
0x410: {  	v43 =	vmov s31;
	[tilespmem:v58+s23+$0x0] =	vst.idx.msk $0xffff, v35;
	v58 =	vmul.f32 v60, v29;
	v60 =	vld [tilespmem:s0+$0xFFFFFFA0];
	v50 =	vmul.f32 v59, v32  }
0x411: {  	v59 =	vor.u32 v18, v56;
	v46 =	vmul.f32 v61, v34;
	v51 =	vmul.f32 v51, v33;
	v57 =	vld [tilespmem:s3+$0xFFFFFF40]  }
0x412: {  	v30 =	vperm.xlane v19, v43;
	v44 =	vadd.f32 v47, v44;
	v47 =	vld [tilespmem:s2+$0xFFFFFFA0];
	v36 =	vadd.s32 v62, v59  }
0x413: {  	v28 =	vperm.xlane v17, v49;
	v55 =	vadd.s32 v0, v36;
	v46 =	vadd.f32 v51, v46;
	v51 =	vld [tilespmem:s3+$0xFFFFFFA0]  }
0x414: {  	v61 =	vmul.f32 v52, v22;
	v62 =	vld [tilespmem:s14+$0xFFFFFFA0];
	v50 =	vadd.f32 v58, v50;
	v31 =	vmul.f32 v31, v25  }
0x415: {  	v56 =	vadd.s32 v0, v27;
	v35 =	vmul.f32 v63, v24;
	v41 =	vadd.f32 v44, v41  }
0x416: {  	v63 =	vmul.f32 v57, v23;
	v48 =	vadd.f32 v31, v61;
	v31 =	vadd.f32 v46, v50  }
0x417: {  	v44 =	vmul.f32 v53, v30;
	v60 =	vmul.f32 v60, v26;
	[tilespmem:v54+s23+$0x0] =	vst.idx.msk $0xffff, v41;
	v57 =	vld [tilespmem:s14+$0x0]  }
0x418: {  	v41 =	vld [tilespmem:s2+$0x0];
	v51 =	vmul.f32 v51, v28;
	v35 =	vadd.f32 v63, v35;
	[tilespmem:v55+s23+$0x0] =	vst.idx.msk $0xffff, v31  }
0x419: {  	v61 =	vmul.f32 v62, v37;
	v62 =	vand.u32 $0x5, v49;
	v63 =	vmul.f32 v47, v38;
	v42 =	vld [tilespmem:s0+$0x70]  }
0x41a: {  	v39 =	vadd.s32 v62, v45;
	v31 =	vperm.xlane v20, v43;
	v48 =	vadd.f32 v35, v48;
	v45 =	vld [tilespmem:s14+$0x70]  }
0x41b: {  	s9 =	smov.u32 s28;
	s15 =	simm.s32 $0x8;
	v50 =	vadd.f32 v61, v60;
	v47 =	vadd.s32 v0, v39;
	v35 =	vperm.xlane v21, v43;
	v46 =	vld [tilespmem:s2+$0x70]  }
0x41c: {  	s22 =	smov.u32 s10;
	s20 =	smov.u32 s30;
	s24 =	smov.u32 s25;
	v51 =	vadd.f32 v51, v63;
	v49 =	vld [tilespmem:s3+$0x70];
	[tilespmem:v56+s23+$0x0] =	vst.idx.msk $0xffff, v48;
	v48 =	vmul.f32 v57, v31  }
.LBB2_33:
0x41d: {  	p0 =	slt.u32 s15, $0xC;
	v52 =	vmul.f32 v41, v35;
	v53 =	vld [tilespmem:s3+$0x0]  }
0x41e: {  	v54 =	vld [tilespmem:s0+$0xFFFFFF50];
	v50 =	vadd.f32 v51, v50;
	v44 =	vadd.f32 v48, v44;
	v48 =	vand.u32 $0x8, v43  }
0x41f: {  	v41 =	vperm.xlane v17, v43;
	v51 =	vld [tilespmem:s14+$0xFFFFFF50];
	v48 =	vor.u32 v18, v48  }
0x420: {  	v43 =	vand.u32 $0x6, v43;
	v45 =	vmul.f32 v45, v29;
	v55 =	vld [tilespmem:s2+$0xFFFFFF50];
	[tilespmem:v47+s23+$0x0] =	vst.idx.msk $0xffff, v50;
	v47 =	vmul.f32 v42, v32  }
0x421: {  	v42 =	vadd.s32 v43, v48;
	v43 =	vmul.f32 v46, v34;
	v50 =	vld [tilespmem:s3+$0xFFFFFF50];
	v46 =	vmul.f32 v49, v33  }
0x422: {  	v56 =	vadd.s32 v2, v36;
	v48 =	vld [tilespmem:s0+$0xFFFFFFB0];
	v49 =	vmul.f32 v53, v41;
	v53 =	vadd.s32 v0, v42  }
0x423: {  	v45 =	vadd.f32 v45, v47;
	v54 =	vmul.f32 v54, v22;
	v57 =	vld [tilespmem:s14+$0xFFFFFFB0];
	v43 =	vadd.f32 v46, v43  }
0x424: {  	v46 =	vmul.f32 v51, v25;
	v47 =	vld [tilespmem:s2+$0xFFFFFFB0];
	v49 =	vadd.f32 v49, v52  }
0x425: {  	v51 =	vmul.f32 v55, v24;
	v52 =	vld [tilespmem:s3+$0xFFFFFFB0];
	v43 =	vadd.f32 v43, v45  }
0x426: {  	v45 =	vmul.f32 v50, v23;
	v46 =	vadd.f32 v46, v54;
	v44 =	vadd.f32 v49, v44;
	v49 =	vld [tilespmem:s24+$0xFFFFFFF0]  }
0x427: {  	v50 =	vadd.s32 v2, v27;
	v48 =	vmul.f32 v48, v26;
	[tilespmem:v56+s23+$0x0] =	vst.idx.msk $0xffff, v43;
	v43 =	vld [tilespmem:s9+$0xFFFFFFF0]  }
0x428: {  	v45 =	vadd.f32 v45, v51;
	v51 =	vmul.f32 v57, v37;
	[tilespmem:v53+s23+$0x0] =	vst.idx.msk $0xffff, v44;
	v44 =	vld [tilespmem:s0+$0x80]  }
0x429: {  	v47 =	vmul.f32 v47, v38;
	v53 =	vld [tilespmem:s14+$0x80]  }
0x42a: {  	v45 =	vadd.f32 v45, v46;
	v46 =	vmul.f32 v52, v28;
	v48 =	vadd.f32 v51, v48;
	v51 =	vld [tilespmem:s2+$0x80]  }
0x42b: {  	v52 =	vadd.s32 v2, v39;
	v54 =	vld [tilespmem:s3+$0x80];
	v49 =	vmul.f32 v49, v11;
	v11 =	vmov v37  }
0x42c: {  	[tilespmem:v50+s23+$0x0] =	vst.idx.msk $0xffff, v45;
	v45 =	vadd.f32 v46, v47;
	v46 =	vld [tilespmem:s0+$0x10];
	v43 =	vmul.f32 v43, v8;
	v8 =	vmov v38  }
0x42d: {  	v38 =	vld [tilespmem:s14+$0x10];
	v37 =	vadd.f32 v49, v40  }
0x42e: {  	v40 =	vadd.f32 v45, v48;
	v45 =	vld [tilespmem:s2+$0x10]  }
0x42f: {  	v44 =	vmul.f32 v44, v32;
	v48 =	vmul.f32 v53, v29;
	v47 =	vld [tilespmem:s3+$0x10]  }
0x430: {  	v49 =	vld [tilespmem:s0+$0xFFFFFF60];
	[tilespmem:v52+s23+$0x0] =	vst.idx.msk $0xffff, v40;
	v40 =	vmul.f32 v51, v34;
	v50 =	vmul.f32 v54, v33  }
0x431: {  	v52 =	vadd.s32 v3, v36;
	v51 =	vld [tilespmem:s14+$0xFFFFFF60];
	v46 =	vmul.f32 v46, v30  }
0x432: {  	v44 =	vadd.f32 v48, v44;
	v53 =	vld [tilespmem:s2+$0xFFFFFF60];
	v38 =	vmul.f32 v38, v31;
	v40 =	vadd.f32 v50, v40  }
0x433: {  	v48 =	vld [tilespmem:s3+$0xFFFFFF60];
	v45 =	vmul.f32 v45, v35  }
0x434: {  	v50 =	vld [tilespmem:s0+$0xFFFFFFC0];
	v47 =	vmul.f32 v47, v41;
	v38 =	vadd.f32 v38, v46;
	v40 =	vadd.f32 v40, v44  }
0x435: {  	v44 =	vmul.f32 v49, v22;
	v46 =	vld [tilespmem:s14+$0xFFFFFFC0];
	v49 =	vadd.s32 v2, v42  }
0x436: {  	v51 =	vmul.f32 v51, v25;
	v54 =	vld [tilespmem:s2+$0xFFFFFFC0];
	v45 =	vadd.f32 v47, v45;
	[tilespmem:v52+s23+$0x0] =	vst.idx.msk $0xffff, v40  }
0x437: {  	v40 =	vmul.f32 v53, v24;
	v47 =	vld [tilespmem:s0+$0x90]  }
0x438: {  	v48 =	vmul.f32 v48, v23;
	v44 =	vadd.f32 v51, v44;
	v38 =	vadd.f32 v45, v38;
	v45 =	vld [tilespmem:s14+$0x90]  }
0x439: {  	v51 =	vadd.s32 v3, v27;
	v50 =	vmul.f32 v50, v26;
	v52 =	vld [tilespmem:s2+$0x90]  }
0x43a: {  	v40 =	vadd.f32 v48, v40;
	v46 =	vmul.f32 v46, v11;
	[tilespmem:v49+s23+$0x0] =	vst.idx.msk $0xffff, v38;
	v38 =	vld [tilespmem:s3+$0x90]  }
0x43b: {  	v48 =	vmul.f32 v54, v8;
	v49 =	vld [tilespmem:s3+$0xFFFFFFC0]  }
0x43c: {  	v40 =	vadd.f32 v40, v44;
	v44 =	vadd.f32 v46, v50;
	v46 =	vld [tilespmem:s0+$0x20]  }
0x43d: {  	v50 =	vld [tilespmem:s14+$0x20]  }
0x43e: {  	v47 =	vmul.f32 v47, v32;
	v45 =	vmul.f32 v45, v29;
	[tilespmem:v51+s23+$0x0] =	vst.idx.msk $0xffff, v40;
	v40 =	vld [tilespmem:s2+$0x20]  }
0x43f: {  	v52 =	vmul.f32 v52, v34;
	v51 =	vld [tilespmem:s3+$0x20];
	v38 =	vmul.f32 v38, v33  }
0x440: {  	v55 =	vadd.s32 v4, v36;
	v54 =	vadd.s32 v3, v39;
	v53 =	vld [tilespmem:s0+$0xFFFFFF70];
	v49 =	vmul.f32 v49, v28  }
0x441: {  	v45 =	vadd.f32 v45, v47;
	v56 =	vld [tilespmem:s14+$0xFFFFFF70];
	v46 =	vmul.f32 v46, v30;
	v38 =	vadd.f32 v38, v52  }
0x442: {  	v47 =	vld [tilespmem:s2+$0xFFFFFF70];
	v48 =	vadd.f32 v49, v48;
	v49 =	vmul.f32 v50, v31  }
0x443: {  	v50 =	vld [tilespmem:s3+$0xFFFFFF70];
	v40 =	vmul.f32 v40, v35;
	v38 =	vadd.f32 v38, v45  }
0x444: {  	v44 =	vadd.f32 v48, v44;
	v45 =	vmul.f32 v51, v41;
	v46 =	vadd.f32 v49, v46;
	v48 =	vld [tilespmem:s20+$0xFFFFFFF0]  }
0x445: {  	v51 =	vadd.s32 v3, v42;
	v49 =	vmul.f32 v53, v22;
	[tilespmem:v55+s23+$0x0] =	vst.idx.msk $0xffff, v38;
	v38 =	vld [tilespmem:s22+$0x50];
	s22 =	smov.u32 s0  }
0x446: {  	v52 =	vmul.f32 v56, v25;
	[tilespmem:v54+s23+$0x0] =	vst.idx.msk $0xffff, v44;
	v40 =	vadd.f32 v45, v40;
	v44 =	vld [tilespmem:s0+$0xA0]  }
0x447: {  	v45 =	vmul.f32 v47, v24;
	v47 =	vld [tilespmem:s14+$0xA0]  }
0x448: {  	v50 =	vmul.f32 v50, v23;
	v49 =	vadd.f32 v52, v49;
	v40 =	vadd.f32 v40, v46;
	v46 =	vld [tilespmem:s2+$0xA0]  }
0x449: {  	v54 =	vadd.s32 v6, v16;
	v52 =	vadd.s32 v4, v27;
	v53 =	vld [tilespmem:s3+$0xA0];
	v48 =	vmul.f32 v48, v14;
	v14 =	vmovc v28  }
0x44a: {  	v28 =	vadd.f32 v50, v45;
	v45 =	vld [tilespmem:s0+$0xFFFFFFD0];
	[tilespmem:v51+s23+$0x0] =	vst.idx.msk $0xffff, v40;
	v40 =	vmul.f32 v38, v9;
	v9 =	vmov v30  }
0x44b: {  	v16 =	vmov v39;
	v30 =	vld [tilespmem:s14+$0xFFFFFFD0];
	v38 =	vadd.f32 v48, v43  }
0x44c: {  	v28 =	vadd.f32 v28, v49;
	v39 =	vld [tilespmem:s2+$0xFFFFFFD0]  }
0x44d: {  	v44 =	vmul.f32 v44, v32;
	v47 =	vmul.f32 v47, v29;
	v43 =	vld [tilespmem:s3+$0xFFFFFFD0];
	v37 =	vadd.f32 v38, v37  }
0x44e: {  	v38 =	vmul.f32 v46, v34;
	[tilespmem:v52+s23+$0x0] =	vst.idx.msk $0xffff, v28;
	v28 =	vld [tilespmem:s0+$0x30];
	v46 =	vmul.f32 v53, v33  }
0x44f: {  	v49 =	vadd.s32 v5, v36;
	v45 =	vmul.f32 v45, v26;
	v48 =	vld [tilespmem:s14+$0x30];
	[tilespmem:v54+s23+$0x0] =	vst.idx.msk $0xffff, v37  }
0x450: {  	v44 =	vadd.f32 v47, v44;
	v30 =	vmul.f32 v30, v11;
	v37 =	vld [tilespmem:s2+$0x30];
	v38 =	vadd.f32 v46, v38  }
0x451: {  	v39 =	vmul.f32 v39, v8;
	v46 =	vld [tilespmem:s3+$0x30]  }
0x452: {  	v47 =	vld [tilespmem:s0+$0xFFFFFF80];
	v43 =	vmul.f32 v43, v14;
	v30 =	vadd.f32 v30, v45;
	v38 =	vadd.f32 v38, v44  }
0x453: {  	v45 =	vadd.s32 v4, v16;
	v44 =	vld [tilespmem:s14+$0xFFFFFF80];
	v28 =	vmul.f32 v28, v9  }
0x454: {  	v50 =	vld [tilespmem:s2+$0xFFFFFF80];
	v39 =	vadd.f32 v43, v39;
	v43 =	vmul.f32 v48, v31;
	[tilespmem:v49+s23+$0x0] =	vst.idx.msk $0xffff, v38  }
0x455: {  	v37 =	vmul.f32 v37, v35;
	v38 =	vld [tilespmem:s0+$0xB0]  }
0x456: {  	v30 =	vadd.f32 v39, v30;
	v39 =	vmul.f32 v46, v41;
	v28 =	vadd.f32 v43, v28;
	v43 =	vld [tilespmem:s14+$0xB0]  }
0x457: {  	v46 =	vmul.f32 v47, v22;
	v47 =	vadd.s32 v4, v42;
	v48 =	vld [tilespmem:s2+$0xB0]  }
0x458: {  	v49 =	vmov s15;
	v44 =	vmul.f32 v44, v25;
	[tilespmem:v45+s23+$0x0] =	vst.idx.msk $0xffff, v30;
	v30 =	vadd.f32 v39, v37;
	v37 =	vld [tilespmem:s3+$0xB0]  }
0x459: {  	v45 =	vperm.xlane v19, v49;
	v50 =	vmul.f32 v50, v24;
	v39 =	vld [tilespmem:s3+$0xFFFFFF80]  }
0x45a: {  	v51 =	vperm.xlane v20, v49;
	v44 =	vadd.f32 v44, v46;
	v46 =	vld [tilespmem:s0+$0xFFFFFFE0];
	v28 =	vadd.f32 v30, v28  }
0x45b: {  	v52 =	vperm.xlane v21, v49;
	v53 =	vperm.xlane v17, v49;
	v30 =	vld [tilespmem:s14+$0xFFFFFFE0]  }
0x45c: {  	v29 =	vmul.f32 v43, v29;
	v54 =	vld [tilespmem:s2+$0xFFFFFFE0];
	[tilespmem:v47+s23+$0x0] =	vst.idx.msk $0xffff, v28;
	v28 =	vmul.f32 v38, v32  }
0x45d: {  	v34 =	vmul.f32 v48, v34;
	v32 =	vld [tilespmem:s3+$0xFFFFFFE0];
	v33 =	vmul.f32 v37, v33  }
0x45e: {  	v36 =	vadd.s32 v6, v36;
	v38 =	vadd.s32 v5, v27;
	v37 =	vmul.f32 v39, v23;
	v43 =	vld [tilespmem:s0+$0x40]  }
0x45f: {  	s6 =	sadd.s32 $0x1, s15;
	v28 =	vadd.f32 v29, v28;
	v46 =	vmul.f32 v46, v26;
	v47 =	vld [tilespmem:s14+$0x40];
	v29 =	vadd.f32 v33, v34  }
0x460: {  	v39 =	vmov s6;
	v33 =	vadd.f32 v37, v50;
	v30 =	vmul.f32 v30, v11;
	v34 =	vld [tilespmem:s2+$0x40]  }
0x461: {  	v48 =	vperm.xlane v19, v39;
	v37 =	vmul.f32 v54, v8;
	v50 =	vld [tilespmem:s3+$0x40];
	v28 =	vadd.f32 v29, v28  }
0x462: {  	v29 =	vadd.f32 v33, v44;
	v32 =	vmul.f32 v32, v14;
	v30 =	vadd.f32 v30, v46;
	v33 =	vld [tilespmem:s24+$0x50];
	s24 =	smov.u32 s14  }
0x463: {  	v44 =	vand.u32 $0x4, v49;
	v46 =	vadd.s32 v5, v16;
	v43 =	vmul.f32 v43, v9;
	[tilespmem:v36+s23+$0x0] =	vst.idx.msk $0xffff, v28;
	v28 =	vld [tilespmem:s9+$0x50];
	s9 =	smov.u32 s2  }
0x464: {  	v36 =	vand.u32 $0x8, v49;
	[tilespmem:v38+s23+$0x0] =	vst.idx.msk $0xffff, v29;
	v29 =	vadd.f32 v32, v37;
	v32 =	vmul.f32 v47, v31;
	v47 =	vld [tilespmem:s20+$0x50];
	s20 =	smov.u32 s3  }
0x465: {  	v36 =	vor.u32 v18, v36;
	v37 =	vperm.xlane v20, v39;
	v49 =	vld [tilespmem:s0+$0xFFFFFF90];
	v34 =	vmul.f32 v34, v35  }
0x466: {  	v54 =	vld [tilespmem:s14+$0xFFFFFF90];
	v29 =	vadd.f32 v29, v30;
	v30 =	vmul.f32 v50, v41;
	v32 =	vadd.f32 v32, v43  }
0x467: {  	v55 =	vadd.s32 v5, v42;
	s6 =	sadd.s32 $0x2, s15;
	v38 =	vperm.xlane v21, v39;
	v50 =	vld [tilespmem:s2+$0xFFFFFF90];
	v33 =	vmul.f32 v33, v12;
	v12 =	vmovc v31  }
0x468: {  	v43 =	vmov s6;
	v31 =	vld [tilespmem:s3+$0xFFFFFF90];
	[tilespmem:v46+s23+$0x0] =	vst.idx.msk $0xffff, v29;
	v29 =	vadd.f32 v30, v34;
	v34 =	vmul.f32 v28, v10;
	v10 =	vmovc v35  }
0x469: {  	s0 =	sadd.s32 $0x180, s0;
	v28 =	vperm.xlane v17, v39;
	v35 =	vld [tilespmem:s22+$0xFFFFFFF0];
	v46 =	vmul.f32 v47, v15;
	v33 =	vadd.f32 v33, v40;
	v15 =	vmovc v41  }
0x46a: {  	s14 =	sadd.s32 $0x180, s14;
	v47 =	vadd.s32 v6, v13;
	v13 =	vmovc v42;
	v41 =	vld [tilespmem:s0+$0x60];
	v40 =	vmul.f32 v49, v22;
	v29 =	vadd.f32 v29, v32  }
0x46b: {  	s2 =	sadd.s32 $0x180, s2;
	v30 =	vperm.xlane v19, v43;
	v22 =	vmovc v45;
	v42 =	vld [tilespmem:s14+$0x60];
	v54 =	vmul.f32 v54, v25;
	v32 =	vadd.f32 v46, v34  }
0x46c: {  	v36 =	vadd.s32 v44, v36;
	v44 =	vand.u32 $0x8, v39;
	s3 =	sadd.s32 $0x180, s3;
	v45 =	vld [tilespmem:s2+$0x60];
	v46 =	vmul.f32 v50, v24;
	[tilespmem:v55+s23+$0x0] =	vst.idx.msk $0xffff, v29  }
0x46d: {  	s6 =	sadd.s32 $0x3, s15;
	v25 =	vmovc v51;
	v49 =	vld [tilespmem:s3+$0x60];
	v31 =	vmul.f32 v31, v23;
	v50 =	vadd.f32 v54, v40;
	v33 =	vadd.f32 v32, v33  }
0x46e: {  	v55 =	vadd.s32 v6, v27;
	v24 =	vmovc v52;
	v54 =	vmov s6;
	v23 =	vmovc v53;
	v51 =	vld [tilespmem:s0+$0xFFFFFF40];
	v40 =	vmul.f32 v35, v26  }
0x46f: {  	v32 =	vperm.xlane v19, v54;
	v29 =	vperm.xlane v20, v54;
	v52 =	vand.u32 $0x7, v54;
	v35 =	vld [tilespmem:s14+$0xFFFFFF40];
	[tilespmem:v47+s23+$0x0] =	vst.idx.msk $0xffff, v33  }
0x470: {  	v27 =	vmovc v36;
	v34 =	vperm.xlane v21, v54;
	v53 =	vand.u32 $0x8, v54;
	v26 =	vmovc v48;
	v33 =	vperm.xlane v17, v54;
	v47 =	vld [tilespmem:s2+$0xFFFFFF40]  }
0x471: {  	v36 =	vor.u32 v18, v53;
	v41 =	vmul.f32 v41, v32;
	v42 =	vmul.f32 v42, v29;
	v48 =	vld [tilespmem:s3+$0xFFFFFF40]  }
0x472: {  	v36 =	vadd.s32 v52, v36;
	v45 =	vmul.f32 v45, v34;
	v53 =	vld [tilespmem:s0+$0xFFFFFFA0];
	v49 =	vmul.f32 v49, v33  }
0x473: {  	v31 =	vadd.f32 v31, v46;
	v54 =	vadd.s32 v0, v36;
	v51 =	vmul.f32 v51, v22;
	v52 =	vld [tilespmem:s14+$0xFFFFFFA0]  }
0x474: {  	v41 =	vadd.f32 v42, v41;
	v35 =	vmul.f32 v35, v25;
	v46 =	vld [tilespmem:s2+$0xFFFFFFA0];
	v42 =	vadd.f32 v49, v45  }
0x475: {  	v44 =	vor.u32 v18, v44;
	v31 =	vadd.f32 v31, v50;
	v45 =	vmul.f32 v47, v24;
	v47 =	vld [tilespmem:s3+$0xFFFFFFA0]  }
0x476: {  	v48 =	vmul.f32 v48, v23;
	v35 =	vadd.f32 v35, v51;
	v49 =	vld [tilespmem:s0+$0x0];
	v42 =	vadd.f32 v42, v41  }
0x477: {  	v51 =	vadd.s32 v0, v27;
	v50 =	vmul.f32 v53, v26;
	v53 =	vld [tilespmem:s14+$0x0];
	[tilespmem:v55+s23+$0x0] =	vst.idx.msk $0xffff, v31  }
.Ltmp16:
0x478: {  	v31 =	vand.u32 $0x5, v39;
	v45 =	vadd.f32 v48, v45;
	v48 =	vmul.f32 v52, v37;
	v41 =	vld [tilespmem:s2+$0x0];
	[tilespmem:v54+s23+$0x0] =	vst.idx.msk $0xffff, v42;
	(pc) =	sbr.rel @p0 .LBB2_33-.Ltmp16, $4  }
0x479: {  	v39 =	vadd.s32 v31, v44;
	v31 =	vperm.xlane v20, v43;
	v52 =	vmul.f32 v46, v38;
	v42 =	vld [tilespmem:s0+$0x70]  }
0x47a: {  	v54 =	vadd.f32 v45, v35;
	v55 =	vmul.f32 v47, v28;
	v50 =	vadd.f32 v48, v50;
	v45 =	vld [tilespmem:s14+$0x70]  }
0x47b: {  	v47 =	vadd.s32 v0, v39;
	v35 =	vperm.xlane v21, v43;
	v44 =	vmul.f32 v49, v30;
	v46 =	vld [tilespmem:s2+$0x70]  }
0x47c: {  	s15 =	sadd.s32 $0x4, s15;
	[tilespmem:v51+s23+$0x0] =	vst.idx.msk $0xffff, v54;
	v51 =	vadd.f32 v55, v52;
	v48 =	vmul.f32 v53, v31;
	v49 =	vld [tilespmem:s3+$0x70]  }
0x47d: {  	_ =	sdelay $0x1  }
0x47e: {  	v19 =	vld [tilespmem:s3+$0x0]  }
0x47f: {  	v20 =	vld [tilespmem:s0+$0xFFFFFF50];
	v42 =	vmul.f32 v42, v32;
	v45 =	vmul.f32 v45, v29  }
0x480: {  	v58 =	vld [tilespmem:s14+$0xFFFFFF50];
	v21 =	vadd.f32 v51, v50;
	v46 =	vmul.f32 v46, v34;
	v61 =	vmul.f32 v49, v33  }
0x481: {  	v59 =	vld [tilespmem:s2+$0xFFFFFF50];
	v53 =	vadd.s32 v2, v36;
	v17 =	vperm.xlane v17, v43  }
0x482: {  	v60 =	vld [tilespmem:s3+$0xFFFFFF50];
	v62 =	vand.u32 $0x8, v43;
	[tilespmem:v47+s23+$0x0] =	vst.idx.msk $0xffff, v21;
	v42 =	vadd.f32 v45, v42;
	v63 =	vadd.f32 v61, v46  }
0x483: {  	v41 =	vmul.f32 v41, v35;
	v18 =	vor.u32 v18, v62;
	v52 =	vld [tilespmem:s0+$0xFFFFFFB0];
	v49 =	vand.u32 $0x6, v43  }
0x484: {  	v54 =	vld [tilespmem:s14+$0xFFFFFFB0];
	v18 =	vadd.s32 v49, v18;
	v19 =	vmul.f32 v19, v17;
	v42 =	vadd.f32 v63, v42  }
0x485: {  	v44 =	vadd.f32 v48, v44;
	v43 =	vld [tilespmem:s3+$0xFFFFFFB0];
	v56 =	vmul.f32 v20, v22;
	v55 =	vadd.s32 v0, v18  }
0x486: {  	v57 =	vmul.f32 v58, v25;
	v46 =	vld [tilespmem:s2+$0xFFFFFFB0];
	v41 =	vadd.f32 v19, v41;
	[tilespmem:v53+s23+$0x0] =	vst.idx.msk $0xffff, v42  }
0x487: {  	v58 =	vmul.f32 v59, v24;
	v21 =	vmul.f32 v60, v23;
	v59 =	vld [tilespmem:s0+$0x80]  }
0x488: {  	v60 =	vadd.s32 v2, v27;
	v41 =	vadd.f32 v41, v44;
	v61 =	vld [tilespmem:s14+$0x80]  }
0x489: {  	v47 =	vadd.f32 v57, v56;
	v21 =	vadd.f32 v21, v58;
	v62 =	vld [tilespmem:s2+$0x80]  }
0x48a: {  	[tilespmem:v55+s23+$0x0] =	vst.idx.msk $0xffff, v41;
	v63 =	vld [tilespmem:s3+$0x80]  }
0x48b: {  	v56 =	vmul.f32 v54, v37;
	v21 =	vadd.f32 v21, v47;
	v43 =	vmul.f32 v43, v28;
	v57 =	vld [tilespmem:s0+$0x10]  }
0x48c: {  	v55 =	vmul.f32 v52, v26;
	v46 =	vmul.f32 v46, v38;
	v51 =	vld [tilespmem:s14+$0x10]  }
0x48d: {  	v58 =	vadd.s32 v2, v39;
	[tilespmem:v60+s23+$0x0] =	vst.idx.msk $0xffff, v21;
	v21 =	vld [tilespmem:s2+$0x10]  }
0x48e: {  	v44 =	vld [tilespmem:s3+$0x10];
	v45 =	vadd.f32 v56, v55;
	v43 =	vadd.f32 v43, v46  }
0x48f: {  	v20 =	vld [tilespmem:s24+$0xFFFFFFF0];
	v59 =	vmul.f32 v59, v32  }
0x490: {  	v56 =	vld [tilespmem:s3+$0xFFFFFF60];
	v43 =	vadd.f32 v43, v45;
	v60 =	vmul.f32 v61, v29;
	v42 =	vmul.f32 v62, v34  }
0x491: {  	v45 =	vld [tilespmem:s14+$0xFFFFFF60];
	v41 =	vmul.f32 v63, v33;
	v62 =	vadd.s32 v3, v36;
	v57 =	vmul.f32 v57, v30  }
0x492: {  	v61 =	vld [tilespmem:s0+$0xFFFFFF60];
	[tilespmem:v58+s23+$0x0] =	vst.idx.msk $0xffff, v43;
	v58 =	vmul.f32 v51, v31;
	v21 =	vmul.f32 v21, v35  }
0x493: {  	v63 =	vld [tilespmem:s2+$0xFFFFFF60];
	v44 =	vmul.f32 v44, v17;
	v46 =	vadd.f32 v60, v59;
	v41 =	vadd.f32 v41, v42  }
0x494: {  	v48 =	vld [tilespmem:s0+$0xFFFFFFC0];
	v59 =	vadd.f32 v58, v57  }
0x495: {  	v51 =	vld [tilespmem:s2+$0xFFFFFFC0];
	v21 =	vadd.f32 v44, v21;
	v41 =	vadd.f32 v41, v46  }
0x496: {  	v42 =	vmul.f32 v56, v23;
	v46 =	vld [tilespmem:s14+$0xFFFFFFC0]  }
0x497: {  	v45 =	vmul.f32 v45, v25;
	v21 =	vadd.f32 v21, v59;
	v59 =	vld [tilespmem:s3+$0xFFFFFFC0];
	[tilespmem:v62+s23+$0x0] =	vst.idx.msk $0xffff, v41  }
0x498: {  	v49 =	vadd.s32 v2, v18;
	v61 =	vmul.f32 v61, v22;
	v63 =	vmul.f32 v63, v24;
	v60 =	vld [tilespmem:s0+$0x90]  }
0x499: {  	v57 =	vadd.s32 v3, v27;
	v62 =	vld [tilespmem:s14+$0x90]  }
0x49a: {  	v56 =	vld [tilespmem:s2+$0x90];
	v44 =	vadd.f32 v45, v61;
	v42 =	vadd.f32 v42, v63  }
0x49b: {  	v58 =	vld [tilespmem:s3+$0x90]  }
0x49c: {  	v19 =	vld [tilespmem:s9+$0xFFFFFFF0];
	v42 =	vadd.f32 v42, v44  }
0x49d: {  	v55 =	vld [tilespmem:s20+$0xFFFFFFF0];
	[tilespmem:v49+s23+$0x0] =	vst.idx.msk $0xffff, v21;
	v63 =	vmul.f32 v48, v26;
	v46 =	vmul.f32 v46, v37  }
0x49e: {  	v45 =	vld [tilespmem:s0+$0x20];
	v21 =	vmul.f32 v59, v28;
	[tilespmem:v57+s23+$0x0] =	vst.idx.msk $0xffff, v42;
	v57 =	vmul.f32 v51, v38  }
0x49f: {  	v49 =	vld [tilespmem:s2+$0x20];
	v43 =	vmul.f32 v60, v32;
	v47 =	vmul.f32 v62, v29  }
0x4a0: {  	v44 =	vld [tilespmem:s14+$0x20];
	v59 =	vadd.s32 v3, v39;
	v41 =	vmul.f32 v56, v34;
	v60 =	vmul.f32 v58, v33  }
0x4a1: {  	v61 =	vadd.s32 v4, v36;
	v42 =	vld [tilespmem:s3+$0x20];
	v46 =	vadd.f32 v46, v63;
	v21 =	vadd.f32 v21, v57  }
0x4a2: {  	v58 =	vld [tilespmem:s3+$0xFFFFFF70];
	v43 =	vadd.f32 v47, v43;
	v41 =	vadd.f32 v60, v41  }
0x4a3: {  	v52 =	vld [tilespmem:s0+$0xFFFFFF70];
	v21 =	vadd.f32 v21, v46  }
0x4a4: {  	v62 =	vld [tilespmem:s14+$0xFFFFFF70];
	v41 =	vadd.f32 v41, v43  }
0x4a5: {  	v48 =	vld [tilespmem:s2+$0xFFFFFF70];
	[tilespmem:v59+s23+$0x0] =	vst.idx.msk $0xffff, v21  }
0x4a6: {  	v45 =	vmul.f32 v45, v30;
	[tilespmem:v61+s23+$0x0] =	vst.idx.msk $0xffff, v41;
	v41 =	vld [tilespmem:s22+$0x50]  }
0x4a7: {  	v44 =	vmul.f32 v44, v31;
	v57 =	vmul.f32 v58, v23;
	v58 =	vld [tilespmem:s0+$0xFFFFFFD0]  }
0x4a8: {  	v49 =	vmul.f32 v49, v35;
	v42 =	vmul.f32 v42, v17;
	v47 =	vld [tilespmem:s0+$0xA0]  }
0x4a9: {  	v50 =	vadd.s32 v3, v18;
	v44 =	vadd.f32 v44, v45;
	v46 =	vld [tilespmem:s14+$0xA0]  }
0x4aa: {  	v60 =	vmul.f32 v52, v22;
	v61 =	vmul.f32 v62, v25;
	v62 =	vadd.f32 v42, v49;
	v52 =	vld [tilespmem:s2+$0xA0]  }
0x4ab: {  	v63 =	vld [tilespmem:s3+$0xA0]  }
0x4ac: {  	v56 =	vmul.f32 v48, v24;
	v21 =	vadd.f32 v62, v44;
	v44 =	vld [tilespmem:s14+$0xFFFFFFD0]  }
0x4ad: {  	v59 =	vadd.s32 v4, v27;
	v45 =	vadd.f32 v61, v60;
	v60 =	vld [tilespmem:s2+$0xFFFFFFD0]  }
0x4ae: {  	v43 =	vadd.f32 v57, v56;
	v61 =	vld [tilespmem:s3+$0xFFFFFFD0];
	[tilespmem:v50+s23+$0x0] =	vst.idx.msk $0xffff, v21  }
0x4af: {  	v50 =	vld [tilespmem:s0+$0x30];
	v47 =	vmul.f32 v47, v32;
	v46 =	vmul.f32 v46, v29  }
0x4b0: {  	v43 =	vadd.f32 v43, v45;
	v45 =	vld [tilespmem:s14+$0x30];
	v52 =	vmul.f32 v52, v34;
	v42 =	vmul.f32 v63, v33  }
0x4b1: {  	v62 =	vadd.s32 v5, v36;
	v57 =	vld [tilespmem:s3+$0x30]  }
0x4b2: {  	v63 =	vld [tilespmem:s2+$0x30];
	[tilespmem:v59+s23+$0x0] =	vst.idx.msk $0xffff, v43;
	v46 =	vadd.f32 v46, v47;
	v42 =	vadd.f32 v42, v52  }
0x4b3: {  	v58 =	vmul.f32 v58, v26;
	v44 =	vmul.f32 v44, v37;
	v49 =	vld [tilespmem:s0+$0xFFFFFF80]  }
0x4b4: {  	v59 =	vmul.f32 v60, v38;
	v21 =	vmul.f32 v61, v28;
	v48 =	vld [tilespmem:s14+$0xFFFFFF80];
	v42 =	vadd.f32 v42, v46  }
0x4b5: {  	v60 =	vadd.s32 v4, v39;
	v52 =	vld [tilespmem:s2+$0xFFFFFF80]  }
0x4b6: {  	v61 =	vadd.f32 v44, v58;
	v21 =	vadd.f32 v21, v59;
	v59 =	vld [tilespmem:s3+$0xFFFFFF80];
	[tilespmem:v62+s23+$0x0] =	vst.idx.msk $0xffff, v42  }
0x4b7: {  	v45 =	vmul.f32 v45, v31;
	v57 =	vmul.f32 v57, v17;
	v44 =	vld [tilespmem:s0+$0xB0]  }
0x4b8: {  	v63 =	vmul.f32 v63, v35;
	v21 =	vadd.f32 v21, v61;
	v62 =	vmul.f32 v50, v30;
	v47 =	vld [tilespmem:s14+$0xB0]  }
0x4b9: {  	v58 =	vadd.s32 v4, v18;
	v43 =	vld [tilespmem:s2+$0xB0]  }
0x4ba: {  	[tilespmem:v60+s23+$0x0] =	vst.idx.msk $0xffff, v21;
	v60 =	vadd.f32 v57, v63;
	v42 =	vld [tilespmem:s3+$0xB0];
	v45 =	vadd.f32 v45, v62  }
0x4bb: {  	v46 =	vld [tilespmem:s0+$0xFFFFFFE0]  }
0x4bc: {  	v50 =	vld [tilespmem:s2+$0xFFFFFFE0];
	v21 =	vadd.f32 v60, v45  }
0x4bd: {  	v49 =	vmul.f32 v49, v22;
	v48 =	vmul.f32 v48, v25;
	v62 =	vld [tilespmem:s3+$0xFFFFFFE0]  }
0x4be: {  	v61 =	vmul.f32 v52, v24;
	v63 =	vmul.f32 v59, v23;
	v45 =	vld [tilespmem:s14+$0xFFFFFFE0];
	[tilespmem:v58+s23+$0x0] =	vst.idx.msk $0xffff, v21  }
0x4bf: {  	v57 =	vadd.s32 v5, v27;
	v58 =	vld [tilespmem:s0+$0x40]  }
0x4c0: {  	v48 =	vadd.f32 v48, v49;
	v51 =	vadd.f32 v63, v61;
	v59 =	vld [tilespmem:s14+$0x40]  }
0x4c1: {  	v11 =	vmul.f32 v20, v11;
	v60 =	vld [tilespmem:s2+$0x40]  }
0x4c2: {  	v48 =	vadd.f32 v51, v48;
	v46 =	vmul.f32 v46, v26;
	v61 =	vld [tilespmem:s3+$0x40];
	v50 =	vmul.f32 v50, v38  }
0x4c3: {  	v51 =	vld [tilespmem:s24+$0x50];
	v21 =	vmul.f32 v62, v28;
	v45 =	vmul.f32 v45, v37  }
0x4c4: {  	v8 =	vmul.f32 v19, v8;
	v62 =	vadd.s32 v5, v39;
	[tilespmem:v57+s23+$0x0] =	vst.idx.msk $0xffff, v48;
	v48 =	vld [tilespmem:s9+$0x50]  }
0x4c5: {  	v14 =	vmul.f32 v55, v14;
	v21 =	vadd.f32 v21, v50;
	v53 =	vld [tilespmem:s0+$0xFFFFFF90];
	v45 =	vadd.f32 v45, v46  }
0x4c6: {  	v16 =	vadd.s32 v6, v16;
	v56 =	vld [tilespmem:s14+$0xFFFFFF90];
	v63 =	vmul.f32 v58, v30;
	v49 =	vmul.f32 v59, v31  }
0x4c7: {  	v57 =	vld [tilespmem:s2+$0xFFFFFF90];
	v20 =	vmul.f32 v60, v35;
	v52 =	vmul.f32 v61, v17;
	v21 =	vadd.f32 v21, v45  }
0x4c8: {  	v11 =	vadd.f32 v11, v40;
	v8 =	vadd.f32 v14, v8;
	v46 =	vld [tilespmem:s20+$0x50];
	v58 =	vadd.s32 v5, v18  }
0x4c9: {  	v59 =	vld [tilespmem:s3+$0xFFFFFF90];
	v49 =	vadd.f32 v49, v63;
	v20 =	vadd.f32 v52, v20;
	[tilespmem:v62+s23+$0x0] =	vst.idx.msk $0xffff, v21  }
0x4ca: {  	v8 =	vadd.f32 v8, v11;
	v60 =	vld [tilespmem:s0+$0xFFFFFFF0]  }
0x4cb: {  	v13 =	vadd.s32 v6, v13;
	v9 =	vmul.f32 v41, v9;
	v20 =	vadd.f32 v20, v49;
	v62 =	vld [tilespmem:s14+$0xFFFFFFF0]  }
0x4cc: {  	[tilespmem:v16+s23+$0x0] =	vst.idx.msk $0xffff, v8;
	v8 =	vmul.f32 v47, v29;
	v12 =	vmul.f32 v51, v12;
	v41 =	vld [tilespmem:s2+$0xFFFFFFF0]  }
0x4cd: {  	v61 =	vmul.f32 v44, v32;
	v10 =	vmul.f32 v48, v10;
	v44 =	vld [tilespmem:s3+$0xFFFFFFF0];
	[tilespmem:v58+s23+$0x0] =	vst.idx.msk $0xffff, v20  }
0x4ce: {  	v48 =	vadd.s32 v6, v36;
	v63 =	vmul.f32 v43, v34;
	v43 =	vmul.f32 v42, v33;
	v47 =	vld [tilespmem:s0+$0x50]  }
0x4cf: {  	v9 =	vadd.f32 v12, v9;
	v50 =	vmul.f32 v53, v22;
	v51 =	vmul.f32 v56, v25;
	v49 =	vld [tilespmem:s14+$0x50]  }
0x4d0: {  	v8 =	vadd.f32 v8, v61;
	v15 =	vmul.f32 v46, v15;
	v16 =	vadd.f32 v43, v63;
	v52 =	vld [tilespmem:s2+$0x50]  }
0x4d1: {  	v14 =	vmul.f32 v57, v24;
	v22 =	vadd.f32 v51, v50;
	v53 =	vmul.f32 v59, v23;
	v54 =	vld [tilespmem:s3+$0x50]  }
0x4d2: {  	v10 =	vadd.f32 v15, v10;
	v8 =	vadd.f32 v16, v8;
	v58 =	vadd.s32 v6, v27  }
0x4d3: {  	v56 =	vadd.f32 v53, v14;
	v55 =	vmul.f32 v60, v26;
	v57 =	vmul.f32 v62, v37  }
0x4d4: {  	v9 =	vadd.f32 v10, v9;
	v59 =	vmul.f32 v41, v38;
	v20 =	vmul.f32 v44, v28  }
0x4d5: {  	v11 =	vadd.f32 v56, v22;
	v21 =	vmul.f32 v47, v30;
	v12 =	vmul.f32 v49, v31  }
0x4d6: {  	s1 =	sadd.s32 $0x1, s1;
	v60 =	vadd.s32 v6, v39;
	v15 =	vmul.f32 v52, v35;
	v17 =	vmul.f32 v54, v17  }
0x4d7: {  	p0 =	sne.s32 s1, $0x7;
	v18 =	vadd.s32 v6, v18;
	v10 =	vadd.f32 v57, v55;
	v61 =	vadd.f32 v20, v59  }
.Ltmp17:
0x4d8: {  	[tilespmem:v48+s23+$0x0] =	vst.idx.msk $0xffff, v8;
	v8 =	vadd.f32 v12, v21;
	v62 =	vadd.f32 v17, v15;
	(pc) =	sbr.rel @p0 .LBB2_32-.Ltmp17, $4  }
0x4d9: {  	[tilespmem:v13+s23+$0x0] =	vst.idx.msk $0xffff, v9;
	v63 =	vadd.f32 v61, v10  }
0x4da: {  	[tilespmem:v58+s23+$0x0] =	vst.idx.msk $0xffff, v11;
	v8 =	vadd.f32 v62, v8  }
0x4db: {  	s10 =	sadd.s32 $0x600, s10;
	[tilespmem:v60+s23+$0x0] =	vst.idx.msk $0xffff, v63  }
0x4dc: {  	s25 =	sadd.s32 $0x600, s25;
	s28 =	sadd.s32 $0x600, s28;
	s30 =	sadd.s32 $0x600, s30;
	[tilespmem:v18+s23+$0x0] =	vst.idx.msk $0xffff, v8  }
0x4dd: {  	s0 =	sadd.s32 s13, s11  }
0x4de: {  	s0 =	sadd.s32 s16, s0  }
0x4df: {  	s0 =	sshrl.u32 s0, $0x3  }
0x4e0: {  	s1 =	simm.s32 $0x185C0;
	s0 =	sadd.s32 s7, s0  }
0x4e1: {  	[hbm4b:s0+s5] =	stream.linear.scatter [tilespmem:s1], [sflag:$0x5], $0x70, $0x38;
	[tilespmem:$0x1B2C0] =	vst v63  }
0x4e2: {  	s1 =	simm.s32 $0x1E0  }
.LBB2_36:
0x4e3: {  	p0 =	sne.s32 s1, $0xB220  }
.Ltmp18:
0x4e4: {  	_ = 	snop;
	(pc) =	sbr.rel @p0 .LBB2_36-.Ltmp18, $4  }
0x4e5: {  	_ = 	snop  }
0x4e6: {  	s2 =	sshra.s32 s1, $0x2;
	s1 =	sadd.s32 $0x1E0, s1  }
0x4e7: {  	s0 =	sadd.s32 $0x1880, s0;
	s2 =	sadd.s32 $0x185C0, s2  }
0x4e8: {  	[hbm4b:s0+s5] =	stream.linear.scatter [tilespmem:s2], [sflag:$0x5], $0x70, $0x38;
	[tilespmem:$0x1B2C0] =	vst v63  }
0x4e9: {  	s18 =	sadd.s32 $0x1, s18  }
0x4ea: {  	p0 =	sne.s32 s18, $0x1C  }
.Ltmp19:
0x4eb: {  	_ = 	snop;
	(pc) =	sbr.rel @p0 .LBB2_19-.Ltmp19, $4  }
0x4ec: {  	_ = 	snop  }
0x4ed: {  	_ =	swait.ge [sflag:s26], $0x2A00  }
0x4ee: {  	[sflag:s26] =	ssyncset.done $0x0  }
0x4ef: {  	s20 =	simm.s32 $0x32C0;
	[sflag:s26] =	ssyncadd.s32 $0xFFFFD600  }
0x4f0: {  	s1 =	rddreg [dreg:$0xb]  }
0x4f1: {  	s0 =	rddreg [dreg:$0xa];
	s1 =	sadd.s32 $0x1, s1  }
0x4f2: {  	p0 =	sne.s32 s1, s0  }
.Ltmp20:
0x4f3: {  	_ = 	snop;
	(pc) =	sbr.rel @p0 .LBB2_1-.Ltmp20, $3  }
0x4f4: {  	_ =	sdelay $0x1  }
0x4f5: {  	s15 =	rddreg [dreg:$0x0]  }
0x4f6: {  	s17 =	rddreg [dreg:$0x6];
	s6 =	simm.s32 $0x8C0;
	s18 =	simm.s32 $0x4  }
0x4f7: {  	_ =	sfence.sel $0x180000  }
0x4f8: {  	[bflag:$0x0] =	sbarrier.arrive $0xFFFF  }
0x4f9: {  	_ =	strace $0x90000047  }
0x4fa: {  	s0 =	stileid.u32;
	[bflag:$0x2] =	sbarrier.arrive $0xFFFF  }
0x4fb: {  	p0 =	sne.s32 s0, $0x0;
	s0 =	rddreg [dreg:$0x2]  }
0x4fc: {  	s0 =	sadd.s32 @!p0 $0x100000, s0  }
0x4fd: {  	[sflag:s0] =	ssyncadd.tile.s32 @!p0 $0x1;
	_ =	shalt  }
.Lfunc_end2:
_tile_overlayer_lowered:
.L_overlay_start_2:
0x4fe: {  	(tag) =	ssettag $0x2  }
0x4ff: {  	s0 =	rddreg [dreg:$0x0];
	s2 =	stileid.u32  }
0x500: {  	s1 =	rddreg [dreg:$0x1];
	p0 =	sne.s32 s2, $0x0  }
0x501: {  	s3 =	rddreg [dreg:$0x2];
	[bflag:$0x3] =	sbarrier.arrive $0xFFFF;
	s2 =	simm.s32 @!p0 $0x1C05  }
0x502: {  	[timem:s3], [sflag:s2] =	dma.local @!p0 [hbm:s0], s1  }
0x503: {  	s0 =	simm.s32 @!p0 $0x5  }
0x504: {  	_ =	swait.ge @!p0 [sflag:s0], s1  }
0x505: {  	s1 =	ssub.s32 @!p0 $0x0, s1;
	[sflag:s0] =	ssyncset.done @!p0 $0x0  }
0x506: {  	[sflag:s0] =	ssyncadd.s32 @!p0 s1  }
0x507: {  	[bflag:$0x3] =	sbarrier.arrive $0xFFFF  }
0x508: {  	_ =	shalt  }

</sc_bundles>
